<compile_context>
chip_gen: v7x
topology: tpu7x:2x2x1
jax: 0.10.2.dev20260603
libtpu: 0.0.44.dev20260713+nightly
codegen_flags: <defaults>
</compile_context>

<pallas_src>
import functools

import jax
import jax.numpy as jnp
from jax import lax
from jax.experimental import pallas as pl
from jax.experimental.pallas import tpu as pltpu
from jax.experimental.pallas import tpu_sc as plsc

N_NODES = 10000
N_PAD = 10240
N_EDGES = 320000
D_IN = 128
D_HID = 64
D_OUT = 32

NC = 2
NS = 16
NW = NC * NS
EPW = N_EDGES // NW
CHUNK = 128
FULL_CHUNKS = EPW // CHUNK
REM = EPW - FULL_CHUNKS * CHUNK
ROWS_PER_TILE = N_PAD // NS
OUT_ROWS_PER_TILE = N_NODES // NS
NBUF = 6


def _mesh():
    return plsc.VectorSubcoreMesh(core_axis_name="c", subcore_axis_name="s")


@functools.lru_cache(maxsize=None)
def _deg_kernel():
    @functools.partial(
        pl.kernel,
        mesh=_mesh(),
        out_type=jax.ShapeDtypeStruct((NC, N_PAD), jnp.float32),
        scratch_types=[
            pltpu.VMEM((N_PAD,), jnp.float32),
            pltpu.VMEM((EPW,), jnp.int32),
            pltpu.VMEM((ROWS_PER_TILE,), jnp.float32),
            pltpu.VMEM((ROWS_PER_TILE,), jnp.float32),
            pltpu.VMEM_SHARED((NS, N_PAD), jnp.float32),
        ],
        compiler_params=pltpu.CompilerParams(use_tc_tiling_on_sc=False,
                                             needs_layout_passes=False),
    )
    def deg(edge_hbm, out_hbm, hist_t, didx_all, tmp_v, acc_v, stage):
        cid = lax.axis_index("c")
        sid = lax.axis_index("s")
        wid = sid * NC + cid
        ebase = wid * EPW
        pltpu.sync_copy(edge_hbm.at[1, pl.ds(ebase, EPW)], didx_all)
        zero16 = jnp.zeros((16,), jnp.float32)

        def zb(i, c):
            hist_t[pl.ds(pl.multiple_of(i * 16, 16), 16)] = zero16
            return c

        lax.fori_loop(0, N_PAD // 16, zb, 0)
        ones16 = jnp.full((16,), 1.0, jnp.float32)

        def body(i, c):
            for u in range(8):
                idx16 = didx_all[pl.ds(pl.multiple_of(i * 128 + u * 16, 16),
                                       16)]
                plsc.addupdate_scatter(hist_t, [idx16], ones16)
            return c

        lax.fori_loop(0, EPW // 128, body, 0)
        for r in range((EPW // 128) * 128, EPW, 16):
            idx16 = didx_all[pl.ds(r, 16)]
            plsc.addupdate_scatter(hist_t, [idx16], ones16)
        pltpu.sync_copy(hist_t, stage.at[sid])
        row0 = sid * ROWS_PER_TILE

        def za(j, c):
            acc_v[pl.ds(pl.multiple_of(j * 16, 16), 16)] = zero16
            return c

        lax.fori_loop(0, ROWS_PER_TILE // 16, za, 0)
        plsc.subcore_barrier()

        def mb(k, c):
            pltpu.sync_copy(stage.at[k, pl.ds(row0, ROWS_PER_TILE)], tmp_v)

            def ab(j, c2):
                for u in range(8):
                    off = pl.ds(pl.multiple_of(j * 128 + u * 16, 16), 16)
                    acc_v[off] = acc_v[off] + tmp_v[off]
                return c2

            lax.fori_loop(0, ROWS_PER_TILE // 128, ab, 0)
            return c

        lax.fori_loop(0, NS, mb, 0)
        pltpu.sync_copy(acc_v, out_hbm.at[cid, pl.ds(row0, ROWS_PER_TILE)])

    return deg


@functools.lru_cache(maxsize=None)
def _prop_kernel(d: int, nbuf: int):
    @functools.partial(
        pl.kernel,
        mesh=_mesh(),
        out_type=jax.ShapeDtypeStruct((NC, N_NODES, d), jnp.float32),
        scratch_types=(
            [pltpu.VMEM((EPW,), jnp.int32)]
            + [pltpu.VMEM((CHUNK,), jnp.int32) for _ in range(nbuf)]
            + [pltpu.VMEM((CHUNK, d), jnp.float32) for _ in range(nbuf)]
            + [pltpu.VMEM((REM,), jnp.int32),
               pltpu.VMEM((REM,), jnp.int32),
               pltpu.VMEM((REM, d), jnp.float32),
               pltpu.VMEM((25, d), jnp.float32),
               pltpu.VMEM_SHARED((N_NODES, d), jnp.float32)]
            + [pltpu.SemaphoreType.DMA for _ in range(2 * nbuf + 2)]
        ),
        compiler_params=pltpu.CompilerParams(use_tc_tiling_on_sc=False),
    )
    def prop(hs_hbm, edge_hbm, out_hbm, sidx_all, *rest):
        dbufs = rest[0:nbuf]
        rbufs = rest[nbuf:2 * nbuf]
        sidx_r, didx_r, rows_r, zrows, acc = rest[2 * nbuf:2 * nbuf + 5]
        dsems = rest[2 * nbuf + 5:3 * nbuf + 5]
        gsems = rest[3 * nbuf + 5:4 * nbuf + 5]
        sem, zsem = rest[4 * nbuf + 5:]
        cid = lax.axis_index("c")
        sid = lax.axis_index("s")
        wid = sid * NC + cid
        row0 = sid * OUT_ROWS_PER_TILE
        zero16 = jnp.zeros((16,), jnp.float32)
        for r in range(25):
            for u in range(d // 16):
                zrows[r, pl.ds(u * 16, 16)] = zero16
        for k in range(25):
            pltpu.async_copy(zrows, acc.at[pl.ds(row0 + k * 25, 25)], zsem)
        ebase = wid * EPW
        pltpu.sync_copy(edge_hbm.at[0, pl.ds(ebase, EPW)], sidx_all)
        for k in range(25):
            pltpu.make_async_copy(zrows, acc.at[pl.ds(row0, 25)],
                                  zsem).wait()
        for b in range(nbuf):
            base = pl.multiple_of(ebase + b * CHUNK, 8)
            pltpu.async_copy(edge_hbm.at[1, pl.ds(base, CHUNK)], dbufs[b],
                             dsems[b])
            pltpu.async_copy(hs_hbm.at[sidx_all.at[pl.ds(b * CHUNK, CHUNK)]],
                             rbufs[b], gsems[b])
        plsc.subcore_barrier()

        def body(j, carry):
            for b in range(nbuf):
                i = j * nbuf + b
                pltpu.make_async_copy(edge_hbm.at[1, pl.ds(0, CHUNK)],
                                      dbufs[b], dsems[b]).wait()
                pltpu.make_async_copy(
                    hs_hbm.at[sidx_all.at[pl.ds(0, CHUNK)]], rbufs[b],
                    gsems[b]).wait()
                pltpu.sync_copy(rbufs[b], acc.at[dbufs[b]], add=True)
                nxt = i + nbuf

                @pl.when(nxt < FULL_CHUNKS)
                def _():
                    base = pl.multiple_of(ebase + nxt * CHUNK, 8)
                    pltpu.async_copy(edge_hbm.at[1, pl.ds(base, CHUNK)],
                                     dbufs[b], dsems[b])
                    pltpu.async_copy(
                        hs_hbm.at[sidx_all.at[pl.ds(nxt * CHUNK, CHUNK)]],
                        rbufs[b], gsems[b])

            return carry

        lax.fori_loop(0, FULL_CHUNKS // nbuf, body, 0)
        rbase = pl.multiple_of(ebase + FULL_CHUNKS * CHUNK, 8)
        pltpu.sync_copy(edge_hbm.at[0, pl.ds(rbase, REM)], sidx_r)
        pltpu.sync_copy(edge_hbm.at[1, pl.ds(rbase, REM)], didx_r)
        pltpu.async_copy(hs_hbm.at[sidx_r], rows_r, sem).wait()
        pltpu.sync_copy(rows_r, acc.at[didx_r], add=True)
        plsc.subcore_barrier()
        pltpu.sync_copy(acc.at[pl.ds(row0, OUT_ROWS_PER_TILE)],
                        out_hbm.at[cid, pl.ds(row0, OUT_ROWS_PER_TILE)])

    return prop


BLK = 2048
GRID = (N_NODES + BLK - 1) // BLK


def _mm_scale(hist_ref, x_ref, w_ref, hs_ref):
    deg = hist_ref[0, :] + hist_ref[1, :] + 1.0
    dis = lax.rsqrt(deg).reshape(BLK, 1)
    hs_ref[...] = jnp.dot(x_ref[...], w_ref[...],
                          preferred_element_type=jnp.float32) * dis


def _layer2(hist_ref, p_ref, hs_ref, b1_ref, w2_ref, out_ref):
    deg = hist_ref[0, :] + hist_ref[1, :] + 1.0
    dis = lax.rsqrt(deg).reshape(BLK, 1)
    agg = (p_ref[0] + p_ref[1] + hs_ref[...]) * dis + b1_ref[...]
    h = jnp.maximum(agg, 0.0)
    out_ref[...] = jnp.dot(h, w2_ref[...],
                           preferred_element_type=jnp.float32) * dis


def _final(hist_ref, q_ref, hs_ref, b2_ref, out_ref):
    deg = hist_ref[0, :] + hist_ref[1, :] + 1.0
    dis = lax.rsqrt(deg).reshape(BLK, 1)
    v = (q_ref[0] + q_ref[1] + hs_ref[...]) * dis + b2_ref[...]
    out_ref[...] = v.T


def kernel(x, edge_index, W1, b1, W2, b2):
    ei = edge_index.astype(jnp.int32)

    hist = _deg_kernel()(ei)

    _hspec = pl.BlockSpec((NC, BLK), lambda i: (0, i))
    hs1 = pl.pallas_call(
        _mm_scale,
        grid=(GRID,),
        in_specs=[_hspec,
                  pl.BlockSpec((BLK, D_IN), lambda i: (i, 0)),
                  pl.BlockSpec((D_IN, D_HID), lambda i: (0, 0))],
        out_specs=pl.BlockSpec((BLK, D_HID), lambda i: (i, 0)),
        out_shape=jax.ShapeDtypeStruct((N_NODES, D_HID), jnp.float32),
    )(hist, x, W1)

    p = _prop_kernel(D_HID, 6)(hs1, ei)

    hs2 = pl.pallas_call(
        _layer2,
        grid=(GRID,),
        in_specs=[_hspec,
                  pl.BlockSpec((NC, BLK, D_HID), lambda i: (0, i, 0)),
                  pl.BlockSpec((BLK, D_HID), lambda i: (i, 0)),
                  pl.BlockSpec((1, D_HID), lambda i: (0, 0)),
                  pl.BlockSpec((D_HID, D_OUT), lambda i: (0, 0))],
        out_specs=pl.BlockSpec((BLK, D_OUT), lambda i: (i, 0)),
        out_shape=jax.ShapeDtypeStruct((N_NODES, D_OUT), jnp.float32),
    )(hist, p, hs1, b1.reshape(1, D_HID), W2)

    q = _prop_kernel(D_OUT, 13)(hs2, ei)

    out = pl.pallas_call(
        _final,
        grid=(GRID,),
        in_specs=[_hspec,
                  pl.BlockSpec((NC, BLK, D_OUT), lambda i: (0, i, 0)),
                  pl.BlockSpec((BLK, D_OUT), lambda i: (i, 0)),
                  pl.BlockSpec((1, D_OUT), lambda i: (0, 0))],
        out_specs=pl.BlockSpec((D_OUT, BLK), lambda i: (0, i)),
        out_shape=jax.ShapeDtypeStruct((D_OUT, N_NODES), jnp.float32),
    )(hist, q, hs2, b2.reshape(1, D_OUT))
    return out.T

# --- scband reference (transcript-rebuilt; emitter-appended) ---
"""Pipeline reference for scband-gnnencoder-25615184953959 (READ-ONLY COPY).

The authoritative reference and input builder live on the scoring server;
editing this copy changes nothing except your own understanding.
"""

import jax, jax.numpy as jnp
import numpy as np

N_NODES = 10000
N_EDGES = 320000
D_IN = 128
D_HID = 64
D_OUT = 32


def setup_inputs(seed: int = 0) -> dict:
    key = jax.random.key(seed)
    k1, k2, k3, k4, k5, k6 = jax.random.split(key, 6)
    x = jax.random.normal(k1, (N_NODES, D_IN), dtype=jnp.float32)
    edge_index = jax.random.randint(k2, (2, N_EDGES), 0, N_NODES, dtype=jnp.int64)
    # Glorot-style init for GCN weights, zero bias (PyG GCNConv default)
    s1 = float(np.sqrt(6.0 / (D_IN + D_HID)))
    s2 = float(np.sqrt(6.0 / (D_HID + D_OUT)))
    W1 = jax.random.uniform(k3, (D_IN, D_HID), minval=-s1, maxval=s1, dtype=jnp.float32)
    b1 = jnp.zeros((D_HID,), dtype=jnp.float32)
    W2 = jax.random.uniform(k4, (D_HID, D_OUT), minval=-s2, maxval=s2, dtype=jnp.float32)
    b2 = jnp.zeros((D_OUT,), dtype=jnp.float32)
    return {"x": x, "edge_index": edge_index, "W1": W1, "b1": b1, "W2": W2, "b2": b2}


def _gcn_conv(x, edge_index, W, b):
    # GCNConv: out = D^{-1/2} (A + I) D^{-1/2} X W + b
    N = x.shape[0]
    loop = jnp.arange(N, dtype=edge_index.dtype)
    src = jnp.concatenate([edge_index[0], loop])
    dst = jnp.concatenate([edge_index[1], loop])
    deg = jnp.zeros((N,), dtype=x.dtype).at[dst].add(1.0)
    deg_inv_sqrt = jnp.where(deg > 0, jax.lax.rsqrt(deg), 0.0)
    norm = deg_inv_sqrt[src] * deg_inv_sqrt[dst]
    h = x @ W
    msgs = h[src] * norm[:, None]
    out = jnp.zeros((N, W.shape[1]), dtype=x.dtype).at[dst].add(msgs)
    return out + b


def reference(x, edge_index, W1, b1, W2, b2):
    h = _gcn_conv(x, edge_index, W1, b1)
    h = jax.nn.relu(h)
    out = _gcn_conv(h, edge_index, W2, b2)
    return out

if __name__ == "__main__":
    import jax
    _d = setup_inputs()
    print(jax.jit(kernel)(*tuple(_d.values())))

</pallas_src>

<mosaic_0001>
#map = affine_map<(d0, d1) -> (0, 0)>
module attributes {stable_mosaic.version = 14 : i64} {
  func.func @deg(%arg0: i32, %arg1: i32, %arg2: memref<2x320000xi32, #tpu.memory_space<hbm>>, %arg3: memref<2x10240xf32, #tpu.memory_space<hbm>>, %arg4: memref<10240xf32, #tpu.memory_space<vmem>>, %arg5: memref<10000xi32, #tpu.memory_space<vmem>>, %arg6: memref<640xf32, #tpu.memory_space<vmem>>, %arg7: memref<640xf32, #tpu.memory_space<vmem>>, %arg8: memref<16x10240xf32, #tpu.memory_space<vmem_shared>>) attributes {dimension_semantics = [#tpu.dimension_semantics<core_parallel>, #tpu.dimension_semantics<subcore_parallel>], iteration_bounds = array<i64: 2, 16>, scalar_prefetch = 0 : i64, scratch_operands = 5 : i64, tpu.core_type = #tpu.core_type<sc_vector_subcore>, window_params = [{transform_indices = #map}, {transform_indices = #map}]} {
    %mul3A = arith.constant 2 : i32
    %mul3A_0 = arith.muli %arg1, %mul3A : i32
    %add3A = arith.addi %mul3A_0, %arg0 : i32
    %mul3A_1 = arith.constant 10000 : i32
    %mul3A_2 = arith.muli %add3A, %mul3A_1 : i32
    %run_scoped3A = arith.constant 1 : i32
    "tpu.region"() ({
      %run_scoped3A_32 = tpu.sem_alloc : memref<!tpu.dma_semaphore, #tpu.memory_space<semaphore_mem>>
      %dma_start3A = tpu.memref_slice %arg2[%run_scoped3A, %mul3A_2] : memref<2x320000xi32, #tpu.memory_space<hbm>> -> memref<1x10000xi32, #tpu.memory_space<hbm>>
      %dma_start3A_33 = tpu.memref_squeeze %dma_start3A : memref<1x10000xi32, #tpu.memory_space<hbm>> -> memref<10000xi32, #tpu.memory_space<hbm>>
      %dma_start3A_34 = tpu.memref_slice %arg2[%run_scoped3A, %mul3A_2] : memref<2x320000xi32, #tpu.memory_space<hbm>> -> memref<1x10000xi32, #tpu.memory_space<hbm>>
      %dma_start3A_35 = tpu.memref_squeeze %dma_start3A_34 : memref<1x10000xi32, #tpu.memory_space<hbm>> -> memref<10000xi32, #tpu.memory_space<hbm>>
      tpu.enqueue_dma source(%dma_start3A_35 : memref<10000xi32, #tpu.memory_space<hbm>>) target(%arg5 : memref<10000xi32, #tpu.memory_space<vmem>>) target_semaphore(%run_scoped3A_32 : memref<!tpu.dma_semaphore, #tpu.memory_space<semaphore_mem>>)
      %dma_wait3A = tpu.memref_slice %arg2[%run_scoped3A, %mul3A_2] : memref<2x320000xi32, #tpu.memory_space<hbm>> -> memref<1x10000xi32, #tpu.memory_space<hbm>>
      %dma_wait3A_36 = tpu.memref_squeeze %dma_wait3A : memref<1x10000xi32, #tpu.memory_space<hbm>> -> memref<10000xi32, #tpu.memory_space<hbm>>
      %dma_wait3A_37 = tpu.memref_slice %arg2[%run_scoped3A, %mul3A_2] : memref<2x320000xi32, #tpu.memory_space<hbm>> -> memref<1x10000xi32, #tpu.memory_space<hbm>>
      %dma_wait3A_38 = tpu.memref_squeeze %dma_wait3A_37 : memref<1x10000xi32, #tpu.memory_space<hbm>> -> memref<10000xi32, #tpu.memory_space<hbm>>
      tpu.wait_dma2 semaphore(%run_scoped3A_32 : memref<!tpu.dma_semaphore, #tpu.memory_space<semaphore_mem>>) src(%dma_wait3A_38 : memref<10000xi32, #tpu.memory_space<hbm>>) dst(%arg5 : memref<10000xi32, #tpu.memory_space<vmem>>)
      tpu.yield
    }) : () -> ()
    %broadcast_in_dim3A = arith.constant 0.000000e+00 : f32
    %broadcast_in_dim3A_3 = vector.broadcast %broadcast_in_dim3A : f32 to vector<16xf32>
    %scan3A = arith.constant 0 : i32
    %scan3A_4 = arith.constant 0 : i32
    %scan3A_5 = arith.constant 640 : i32
    %scan3A_6 = arith.addi %scan3A_4, %scan3A_5 : i32
    %scan3A_7 = arith.constant 1 : i32
    scf.for %scan3A_32 = %scan3A_4 to %scan3A_6 step %scan3A_7  : i32 {
      %mul3A_33 = arith.constant 16 : i32
      %mul3A_34 = arith.muli %scan3A_32, %mul3A_33 : i32
      %multiple_of3A = tpu.assume_multiple %mul3A_34, 16 : i32
      %swap3A = arith.index_cast %multiple_of3A : i32 to index
      %swap3A_35 = tpu.vector_load %arg4[%swap3A] {strides = array<i32>} : memref<10240xf32, #tpu.memory_space<vmem>>, vector<16xf32>,
      tpu.vector_store %arg4[%swap3A], %broadcast_in_dim3A_3 {strides = array<i32>} : memref<10240xf32, #tpu.memory_space<vmem>>, vector<16xf32>,
    }
    %scan3A_8 = arith.constant 640 : i32
    %broadcast_in_dim3A_9 = arith.constant 1.000000e+00 : f32
    %broadcast_in_dim3A_10 = vector.broadcast %broadcast_in_dim3A_9 : f32 to vector<16xf32>
    %scan3A_11 = arith.constant 0 : i32
    %scan3A_12 = arith.constant 0 : i32
    %scan3A_13 = arith.constant 78 : i32
    %scan3A_14 = arith.addi %scan3A_12, %scan3A_13 : i32
    %scan3A_15 = arith.constant 1 : i32
    scf.for %scan3A_32 = %scan3A_12 to %scan3A_14 step %scan3A_15  : i32 {
      %mul3A_33 = arith.constant 128 : i32
      %mul3A_34 = arith.muli %scan3A_32, %mul3A_33 : i32
      %add3A_35 = arith.constant 0 : i32
      %add3A_36 = arith.addi %mul3A_34, %add3A_35 : i32
      %multiple_of3A = tpu.assume_multiple %add3A_36, 16 : i32
      %get3A_37 = arith.index_cast %multiple_of3A : i32 to index
      %get3A_38 = tpu.vector_load %arg5[%get3A_37] {strides = array<i32>} : memref<10000xi32, #tpu.memory_space<vmem>>, vector<16xi32>,
      tpu.vector_store_idx %arg4[%get3A_38], %broadcast_in_dim3A_10 {add = true} : memref<10240xf32, #tpu.memory_space<vmem>>[vector<16xi32>], vector<16xf32>,
      %mul3A_39 = arith.constant 128 : i32
      %mul3A_40 = arith.muli %scan3A_32, %mul3A_39 : i32
      %add3A_41 = arith.constant 16 : i32
      %add3A_42 = arith.addi %mul3A_40, %add3A_41 : i32
      %multiple_of3A_43 = tpu.assume_multiple %add3A_42, 16 : i32
      %get3A_44 = arith.index_cast %multiple_of3A_43 : i32 to index
      %get3A_45 = tpu.vector_load %arg5[%get3A_44] {strides = array<i32>} : memref<10000xi32, #tpu.memory_space<vmem>>, vector<16xi32>,
      tpu.vector_store_idx %arg4[%get3A_45], %broadcast_in_dim3A_10 {add = true} : memref<10240xf32, #tpu.memory_space<vmem>>[vector<16xi32>], vector<16xf32>,
      %mul3A_46 = arith.constant 128 : i32
      %mul3A_47 = arith.muli %scan3A_32, %mul3A_46 : i32
      %add3A_48 = arith.constant 32 : i32
      %add3A_49 = arith.addi %mul3A_47, %add3A_48 : i32
      %multiple_of3A_50 = tpu.assume_multiple %add3A_49, 16 : i32
      %get3A_51 = arith.index_cast %multiple_of3A_50 : i32 to index
      %get3A_52 = tpu.vector_load %arg5[%get3A_51] {strides = array<i32>} : memref<10000xi32, #tpu.memory_space<vmem>>, vector<16xi32>,
      tpu.vector_store_idx %arg4[%get3A_52], %broadcast_in_dim3A_10 {add = true} : memref<10240xf32, #tpu.memory_space<vmem>>[vector<16xi32>], vector<16xf32>,
      %mul3A_53 = arith.constant 128 : i32
      %mul3A_54 = arith.muli %scan3A_32, %mul3A_53 : i32
      %add3A_55 = arith.constant 48 : i32
      %add3A_56 = arith.addi %mul3A_54, %add3A_55 : i32
      %multiple_of3A_57 = tpu.assume_multiple %add3A_56, 16 : i32
      %get3A_58 = arith.index_cast %multiple_of3A_57 : i32 to index
      %get3A_59 = tpu.vector_load %arg5[%get3A_58] {strides = array<i32>} : memref<10000xi32, #tpu.memory_space<vmem>>, vector<16xi32>,
      tpu.vector_store_idx %arg4[%get3A_59], %broadcast_in_dim3A_10 {add = true} : memref<10240xf32, #tpu.memory_space<vmem>>[vector<16xi32>], vector<16xf32>,
      %mul3A_60 = arith.constant 128 : i32
      %mul3A_61 = arith.muli %scan3A_32, %mul3A_60 : i32
      %add3A_62 = arith.constant 64 : i32
      %add3A_63 = arith.addi %mul3A_61, %add3A_62 : i32
      %multiple_of3A_64 = tpu.assume_multiple %add3A_63, 16 : i32
      %get3A_65 = arith.index_cast %multiple_of3A_64 : i32 to index
      %get3A_66 = tpu.vector_load %arg5[%get3A_65] {strides = array<i32>} : memref<10000xi32, #tpu.memory_space<vmem>>, vector<16xi32>,
      tpu.vector_store_idx %arg4[%get3A_66], %broadcast_in_dim3A_10 {add = true} : memref<10240xf32, #tpu.memory_space<vmem>>[vector<16xi32>], vector<16xf32>,
      %mul3A_67 = arith.constant 128 : i32
      %mul3A_68 = arith.muli %scan3A_32, %mul3A_67 : i32
      %add3A_69 = arith.constant 80 : i32
      %add3A_70 = arith.addi %mul3A_68, %add3A_69 : i32
      %multiple_of3A_71 = tpu.assume_multiple %add3A_70, 16 : i32
      %get3A_72 = arith.index_cast %multiple_of3A_71 : i32 to index
      %get3A_73 = tpu.vector_load %arg5[%get3A_72] {strides = array<i32>} : memref<10000xi32, #tpu.memory_space<vmem>>, vector<16xi32>,
      tpu.vector_store_idx %arg4[%get3A_73], %broadcast_in_dim3A_10 {add = true} : memref<10240xf32, #tpu.memory_space<vmem>>[vector<16xi32>], vector<16xf32>,
      %mul3A_74 = arith.constant 128 : i32
      %mul3A_75 = arith.muli %scan3A_32, %mul3A_74 : i32
      %add3A_76 = arith.constant 96 : i32
      %add3A_77 = arith.addi %mul3A_75, %add3A_76 : i32
      %multiple_of3A_78 = tpu.assume_multiple %add3A_77, 16 : i32
      %get3A_79 = arith.index_cast %multiple_of3A_78 : i32 to index
      %get3A_80 = tpu.vector_load %arg5[%get3A_79] {strides = array<i32>} : memref<10000xi32, #tpu.memory_space<vmem>>, vector<16xi32>,
      tpu.vector_store_idx %arg4[%get3A_80], %broadcast_in_dim3A_10 {add = true} : memref<10240xf32, #tpu.memory_space<vmem>>[vector<16xi32>], vector<16xf32>,
      %mul3A_81 = arith.constant 128 : i32
      %mul3A_82 = arith.muli %scan3A_32, %mul3A_81 : i32
      %add3A_83 = arith.constant 112 : i32
      %add3A_84 = arith.addi %mul3A_82, %add3A_83 : i32
      %multiple_of3A_85 = tpu.assume_multiple %add3A_84, 16 : i32
      %get3A_86 = arith.index_cast %multiple_of3A_85 : i32 to index
      %get3A_87 = tpu.vector_load %arg5[%get3A_86] {strides = array<i32>} : memref<10000xi32, #tpu.memory_space<vmem>>, vector<16xi32>,
      tpu.vector_store_idx %arg4[%get3A_87], %broadcast_in_dim3A_10 {add = true} : memref<10240xf32, #tpu.memory_space<vmem>>[vector<16xi32>], vector<16xf32>,
    }
    %scan3A_16 = arith.constant 78 : i32
    %get3A = arith.constant 9984 : index
    %get3A_17 = tpu.vector_load %arg5[%get3A] {strides = array<i32>} : memref<10000xi32, #tpu.memory_space<vmem>>, vector<16xi32>,
    tpu.vector_store_idx %arg4[%get3A_17], %broadcast_in_dim3A_10 {add = true} : memref<10240xf32, #tpu.memory_space<vmem>>[vector<16xi32>], vector<16xf32>,
    "tpu.region"() ({
      %run_scoped3A_32 = tpu.sem_alloc : memref<!tpu.dma_semaphore, #tpu.memory_space<semaphore_mem>>
      %dma_start3A = arith.constant 0 : i32
      %dma_start3A_33 = tpu.memref_slice %arg8[%arg1, %dma_start3A] : memref<16x10240xf32, #tpu.memory_space<vmem_shared>> -> memref<1x10240xf32, #tpu.memory_space<vmem_shared>>
      %dma_start3A_34 = tpu.memref_squeeze %dma_start3A_33 : memref<1x10240xf32, #tpu.memory_space<vmem_shared>> -> memref<10240xf32, #tpu.memory_space<vmem_shared>>
      %dma_start3A_35 = arith.constant 0 : i32
      %dma_start3A_36 = tpu.memref_slice %arg8[%arg1, %dma_start3A_35] : memref<16x10240xf32, #tpu.memory_space<vmem_shared>> -> memref<1x10240xf32, #tpu.memory_space<vmem_shared>>
      %dma_start3A_37 = tpu.memref_squeeze %dma_start3A_36 : memref<1x10240xf32, #tpu.memory_space<vmem_shared>> -> memref<10240xf32, #tpu.memory_space<vmem_shared>>
      tpu.enqueue_dma source(%arg4 : memref<10240xf32, #tpu.memory_space<vmem>>) target(%dma_start3A_37 : memref<10240xf32, #tpu.memory_space<vmem_shared>>) target_semaphore(%run_scoped3A_32 : memref<!tpu.dma_semaphore, #tpu.memory_space<semaphore_mem>>)
      %dma_wait3A = arith.constant 0 : i32
      %dma_wait3A_38 = tpu.memref_slice %arg8[%arg1, %dma_wait3A] : memref<16x10240xf32, #tpu.memory_space<vmem_shared>> -> memref<1x10240xf32, #tpu.memory_space<vmem_shared>>
      %dma_wait3A_39 = tpu.memref_squeeze %dma_wait3A_38 : memref<1x10240xf32, #tpu.memory_space<vmem_shared>> -> memref<10240xf32, #tpu.memory_space<vmem_shared>>
      %dma_wait3A_40 = arith.constant 0 : i32
      %dma_wait3A_41 = tpu.memref_slice %arg8[%arg1, %dma_wait3A_40] : memref<16x10240xf32, #tpu.memory_space<vmem_shared>> -> memref<1x10240xf32, #tpu.memory_space<vmem_shared>>
      %dma_wait3A_42 = tpu.memref_squeeze %dma_wait3A_41 : memref<1x10240xf32, #tpu.memory_space<vmem_shared>> -> memref<10240xf32, #tpu.memory_space<vmem_shared>>
      tpu.wait_dma2 semaphore(%run_scoped3A_32 : memref<!tpu.dma_semaphore, #tpu.memory_space<semaphore_mem>>) src(%arg4 : memref<10240xf32, #tpu.memory_space<vmem>>) dst(%dma_wait3A_42 : memref<10240xf32, #tpu.memory_space<vmem_shared>>)
      tpu.yield
    }) : () -> ()
    %mul3A_18 = arith.constant 640 : i32
    %mul3A_19 = arith.muli %arg1, %mul3A_18 : i32
    %scan3A_20 = arith.constant 0 : i32
    %scan3A_21 = arith.constant 0 : i32
    %scan3A_22 = arith.constant 40 : i32
    %scan3A_23 = arith.addi %scan3A_21, %scan3A_22 : i32
    %scan3A_24 = arith.constant 1 : i32
    scf.for %scan3A_32 = %scan3A_21 to %scan3A_23 step %scan3A_24  : i32 {
      %mul3A_33 = arith.constant 16 : i32
      %mul3A_34 = arith.muli %scan3A_32, %mul3A_33 : i32
      %multiple_of3A = tpu.assume_multiple %mul3A_34, 16 : i32
      %swap3A = arith.index_cast %multiple_of3A : i32 to index
      %swap3A_35 = tpu.vector_load %arg7[%swap3A] {strides = array<i32>} : memref<640xf32, #tpu.memory_space<vmem>>, vector<16xf32>,
      tpu.vector_store %arg7[%swap3A], %broadcast_in_dim3A_3 {strides = array<i32>} : memref<640xf32, #tpu.memory_space<vmem>>, vector<16xf32>,
    }
    %scan3A_25 = arith.constant 40 : i32
    %barrier3A = arith.constant 0 : index
    tpu.barrier barrier_id(%barrier3A)
    %scan3A_26 = arith.constant 0 : i32
    %scan3A_27 = arith.constant 0 : i32
    %scan3A_28 = arith.constant 16 : i32
    %scan3A_29 = arith.addi %scan3A_27, %scan3A_28 : i32
    %scan3A_30 = arith.constant 1 : i32
    scf.for %scan3A_32 = %scan3A_27 to %scan3A_29 step %scan3A_30  : i32 {
      "tpu.region"() ({
        %run_scoped3A_39 = tpu.sem_alloc : memref<!tpu.dma_semaphore, #tpu.memory_space<semaphore_mem>>
        %dma_start3A = tpu.memref_slice %arg8[%scan3A_32, %mul3A_19] : memref<16x10240xf32, #tpu.memory_space<vmem_shared>> -> memref<1x640xf32, #tpu.memory_space<vmem_shared>>
        %dma_start3A_40 = tpu.memref_squeeze %dma_start3A : memref<1x640xf32, #tpu.memory_space<vmem_shared>> -> memref<640xf32, #tpu.memory_space<vmem_shared>>
        %dma_start3A_41 = tpu.memref_slice %arg8[%scan3A_32, %mul3A_19] : memref<16x10240xf32, #tpu.memory_space<vmem_shared>> -> memref<1x640xf32, #tpu.memory_space<vmem_shared>>
        %dma_start3A_42 = tpu.memref_squeeze %dma_start3A_41 : memref<1x640xf32, #tpu.memory_space<vmem_shared>> -> memref<640xf32, #tpu.memory_space<vmem_shared>>
        tpu.enqueue_dma source(%dma_start3A_42 : memref<640xf32, #tpu.memory_space<vmem_shared>>) target(%arg6 : memref<640xf32, #tpu.memory_space<vmem>>) target_semaphore(%run_scoped3A_39 : memref<!tpu.dma_semaphore, #tpu.memory_space<semaphore_mem>>)
        %dma_wait3A = tpu.memref_slice %arg8[%scan3A_32, %mul3A_19] : memref<16x10240xf32, #tpu.memory_space<vmem_shared>> -> memref<1x640xf32, #tpu.memory_space<vmem_shared>>
        %dma_wait3A_43 = tpu.memref_squeeze %dma_wait3A : memref<1x640xf32, #tpu.memory_space<vmem_shared>> -> memref<640xf32, #tpu.memory_space<vmem_shared>>
        %dma_wait3A_44 = tpu.memref_slice %arg8[%scan3A_32, %mul3A_19] : memref<16x10240xf32, #tpu.memory_space<vmem_shared>> -> memref<1x640xf32, #tpu.memory_space<vmem_shared>>
        %dma_wait3A_45 = tpu.memref_squeeze %dma_wait3A_44 : memref<1x640xf32, #tpu.memory_space<vmem_shared>> -> memref<640xf32, #tpu.memory_space<vmem_shared>>
        tpu.wait_dma2 semaphore(%run_scoped3A_39 : memref<!tpu.dma_semaphore, #tpu.memory_space<semaphore_mem>>) src(%dma_wait3A_45 : memref<640xf32, #tpu.memory_space<vmem_shared>>) dst(%arg6 : memref<640xf32, #tpu.memory_space<vmem>>)
        tpu.yield
      }) : () -> ()
      %scan3A_33 = arith.constant 0 : i32
      %scan3A_34 = arith.constant 0 : i32
      %scan3A_35 = arith.constant 5 : i32
      %scan3A_36 = arith.addi %scan3A_34, %scan3A_35 : i32
      %scan3A_37 = arith.constant 1 : i32
      scf.for %scan3A_39 = %scan3A_34 to %scan3A_36 step %scan3A_37  : i32 {
        %mul3A_40 = arith.constant 128 : i32
        %mul3A_41 = arith.muli %scan3A_39, %mul3A_40 : i32
        %add3A_42 = arith.constant 0 : i32
        %add3A_43 = arith.addi %mul3A_41, %add3A_42 : i32
        %multiple_of3A = tpu.assume_multiple %add3A_43, 16 : i32
        %get3A_44 = arith.index_cast %multiple_of3A : i32 to index
        %get3A_45 = tpu.vector_load %arg7[%get3A_44] {strides = array<i32>} : memref<640xf32, #tpu.memory_space<vmem>>, vector<16xf32>,
        %get3A_46 = arith.index_cast %multiple_of3A : i32 to index
        %get3A_47 = tpu.vector_load %arg6[%get3A_46] {strides = array<i32>} : memref<640xf32, #tpu.memory_space<vmem>>, vector<16xf32>,
        %add3A_48 = arith.addf %get3A_45, %get3A_47 : vector<16xf32>
        %swap3A = arith.index_cast %multiple_of3A : i32 to index
        %swap3A_49 = tpu.vector_load %arg7[%swap3A] {strides = array<i32>} : memref<640xf32, #tpu.memory_space<vmem>>, vector<16xf32>,
        tpu.vector_store %arg7[%swap3A], %add3A_48 {strides = array<i32>} : memref<640xf32, #tpu.memory_space<vmem>>, vector<16xf32>,
        %mul3A_50 = arith.constant 128 : i32
        %mul3A_51 = arith.muli %scan3A_39, %mul3A_50 : i32
        %add3A_52 = arith.constant 16 : i32
        %add3A_53 = arith.addi %mul3A_51, %add3A_52 : i32
        %multiple_of3A_54 = tpu.assume_multiple %add3A_53, 16 : i32
        %get3A_55 = arith.index_cast %multiple_of3A_54 : i32 to index
        %get3A_56 = tpu.vector_load %arg7[%get3A_55] {strides = array<i32>} : memref<640xf32, #tpu.memory_space<vmem>>, vector<16xf32>,
        %get3A_57 = arith.index_cast %multiple_of3A_54 : i32 to index
        %get3A_58 = tpu.vector_load %arg6[%get3A_57] {strides = array<i32>} : memref<640xf32, #tpu.memory_space<vmem>>, vector<16xf32>,
        %add3A_59 = arith.addf %get3A_56, %get3A_58 : vector<16xf32>
        %swap3A_60 = arith.index_cast %multiple_of3A_54 : i32 to index
        %swap3A_61 = tpu.vector_load %arg7[%swap3A_60] {strides = array<i32>} : memref<640xf32, #tpu.memory_space<vmem>>, vector<16xf32>,
        tpu.vector_store %arg7[%swap3A_60], %add3A_59 {strides = array<i32>} : memref<640xf32, #tpu.memory_space<vmem>>, vector<16xf32>,
        %mul3A_62 = arith.constant 128 : i32
        %mul3A_63 = arith.muli %scan3A_39, %mul3A_62 : i32
        %add3A_64 = arith.constant 32 : i32
        %add3A_65 = arith.addi %mul3A_63, %add3A_64 : i32
        %multiple_of3A_66 = tpu.assume_multiple %add3A_65, 16 : i32
        %get3A_67 = arith.index_cast %multiple_of3A_66 : i32 to index
        %get3A_68 = tpu.vector_load %arg7[%get3A_67] {strides = array<i32>} : memref<640xf32, #tpu.memory_space<vmem>>, vector<16xf32>,
        %get3A_69 = arith.index_cast %multiple_of3A_66 : i32 to index
        %get3A_70 = tpu.vector_load %arg6[%get3A_69] {strides = array<i32>} : memref<640xf32, #tpu.memory_space<vmem>>, vector<16xf32>,
        %add3A_71 = arith.addf %get3A_68, %get3A_70 : vector<16xf32>
        %swap3A_72 = arith.index_cast %multiple_of3A_66 : i32 to index
        %swap3A_73 = tpu.vector_load %arg7[%swap3A_72] {strides = array<i32>} : memref<640xf32, #tpu.memory_space<vmem>>, vector<16xf32>,
        tpu.vector_store %arg7[%swap3A_72], %add3A_71 {strides = array<i32>} : memref<640xf32, #tpu.memory_space<vmem>>, vector<16xf32>,
        %mul3A_74 = arith.constant 128 : i32
        %mul3A_75 = arith.muli %scan3A_39, %mul3A_74 : i32
        %add3A_76 = arith.constant 48 : i32
        %add3A_77 = arith.addi %mul3A_75, %add3A_76 : i32
        %multiple_of3A_78 = tpu.assume_multiple %add3A_77, 16 : i32
        %get3A_79 = arith.index_cast %multiple_of3A_78 : i32 to index
        %get3A_80 = tpu.vector_load %arg7[%get3A_79] {strides = array<i32>} : memref<640xf32, #tpu.memory_space<vmem>>, vector<16xf32>,
        %get3A_81 = arith.index_cast %multiple_of3A_78 : i32 to index
        %get3A_82 = tpu.vector_load %arg6[%get3A_81] {strides = array<i32>} : memref<640xf32, #tpu.memory_space<vmem>>, vector<16xf32>,
        %add3A_83 = arith.addf %get3A_80, %get3A_82 : vector<16xf32>
        %swap3A_84 = arith.index_cast %multiple_of3A_78 : i32 to index
        %swap3A_85 = tpu.vector_load %arg7[%swap3A_84] {strides = array<i32>} : memref<640xf32, #tpu.memory_space<vmem>>, vector<16xf32>,
        tpu.vector_store %arg7[%swap3A_84], %add3A_83 {strides = array<i32>} : memref<640xf32, #tpu.memory_space<vmem>>, vector<16xf32>,
        %mul3A_86 = arith.constant 128 : i32
        %mul3A_87 = arith.muli %scan3A_39, %mul3A_86 : i32
        %add3A_88 = arith.constant 64 : i32
        %add3A_89 = arith.addi %mul3A_87, %add3A_88 : i32
        %multiple_of3A_90 = tpu.assume_multiple %add3A_89, 16 : i32
        %get3A_91 = arith.index_cast %multiple_of3A_90 : i32 to index
        %get3A_92 = tpu.vector_load %arg7[%get3A_91] {strides = array<i32>} : memref<640xf32, #tpu.memory_space<vmem>>, vector<16xf32>,
        %get3A_93 = arith.index_cast %multiple_of3A_90 : i32 to index
        %get3A_94 = tpu.vector_load %arg6[%get3A_93] {strides = array<i32>} : memref<640xf32, #tpu.memory_space<vmem>>, vector<16xf32>,
        %add3A_95 = arith.addf %get3A_92, %get3A_94 : vector<16xf32>
        %swap3A_96 = arith.index_cast %multiple_of3A_90 : i32 to index
        %swap3A_97 = tpu.vector_load %arg7[%swap3A_96] {strides = array<i32>} : memref<640xf32, #tpu.memory_space<vmem>>, vector<16xf32>,
        tpu.vector_store %arg7[%swap3A_96], %add3A_95 {strides = array<i32>} : memref<640xf32, #tpu.memory_space<vmem>>, vector<16xf32>,
        %mul3A_98 = arith.constant 128 : i32
        %mul3A_99 = arith.muli %scan3A_39, %mul3A_98 : i32
        %add3A_100 = arith.constant 80 : i32
        %add3A_101 = arith.addi %mul3A_99, %add3A_100 : i32
        %multiple_of3A_102 = tpu.assume_multiple %add3A_101, 16 : i32
        %get3A_103 = arith.index_cast %multiple_of3A_102 : i32 to index
        %get3A_104 = tpu.vector_load %arg7[%get3A_103] {strides = array<i32>} : memref<640xf32, #tpu.memory_space<vmem>>, vector<16xf32>,
        %get3A_105 = arith.index_cast %multiple_of3A_102 : i32 to index
        %get3A_106 = tpu.vector_load %arg6[%get3A_105] {strides = array<i32>} : memref<640xf32, #tpu.memory_space<vmem>>, vector<16xf32>,
        %add3A_107 = arith.addf %get3A_104, %get3A_106 : vector<16xf32>
        %swap3A_108 = arith.index_cast %multiple_of3A_102 : i32 to index
        %swap3A_109 = tpu.vector_load %arg7[%swap3A_108] {strides = array<i32>} : memref<640xf32, #tpu.memory_space<vmem>>, vector<16xf32>,
        tpu.vector_store %arg7[%swap3A_108], %add3A_107 {strides = array<i32>} : memref<640xf32, #tpu.memory_space<vmem>>, vector<16xf32>,
        %mul3A_110 = arith.constant 128 : i32
        %mul3A_111 = arith.muli %scan3A_39, %mul3A_110 : i32
        %add3A_112 = arith.constant 96 : i32
        %add3A_113 = arith.addi %mul3A_111, %add3A_112 : i32
        %multiple_of3A_114 = tpu.assume_multiple %add3A_113, 16 : i32
        %get3A_115 = arith.index_cast %multiple_of3A_114 : i32 to index
        %get3A_116 = tpu.vector_load %arg7[%get3A_115] {strides = array<i32>} : memref<640xf32, #tpu.memory_space<vmem>>, vector<16xf32>,
        %get3A_117 = arith.index_cast %multiple_of3A_114 : i32 to index
        %get3A_118 = tpu.vector_load %arg6[%get3A_117] {strides = array<i32>} : memref<640xf32, #tpu.memory_space<vmem>>, vector<16xf32>,
        %add3A_119 = arith.addf %get3A_116, %get3A_118 : vector<16xf32>
        %swap3A_120 = arith.index_cast %multiple_of3A_114 : i32 to index
        %swap3A_121 = tpu.vector_load %arg7[%swap3A_120] {strides = array<i32>} : memref<640xf32, #tpu.memory_space<vmem>>, vector<16xf32>,
        tpu.vector_store %arg7[%swap3A_120], %add3A_119 {strides = array<i32>} : memref<640xf32, #tpu.memory_space<vmem>>, vector<16xf32>,
        %mul3A_122 = arith.constant 128 : i32
        %mul3A_123 = arith.muli %scan3A_39, %mul3A_122 : i32
        %add3A_124 = arith.constant 112 : i32
        %add3A_125 = arith.addi %mul3A_123, %add3A_124 : i32
        %multiple_of3A_126 = tpu.assume_multiple %add3A_125, 16 : i32
        %get3A_127 = arith.index_cast %multiple_of3A_126 : i32 to index
        %get3A_128 = tpu.vector_load %arg7[%get3A_127] {strides = array<i32>} : memref<640xf32, #tpu.memory_space<vmem>>, vector<16xf32>,
        %get3A_129 = arith.index_cast %multiple_of3A_126 : i32 to index
        %get3A_130 = tpu.vector_load %arg6[%get3A_129] {strides = array<i32>} : memref<640xf32, #tpu.memory_space<vmem>>, vector<16xf32>,
        %add3A_131 = arith.addf %get3A_128, %get3A_130 : vector<16xf32>
        %swap3A_132 = arith.index_cast %multiple_of3A_126 : i32 to index
        %swap3A_133 = tpu.vector_load %arg7[%swap3A_132] {strides = array<i32>} : memref<640xf32, #tpu.memory_space<vmem>>, vector<16xf32>,
        tpu.vector_store %arg7[%swap3A_132], %add3A_131 {strides = array<i32>} : memref<640xf32, #tpu.memory_space<vmem>>, vector<16xf32>,
      }
      %scan3A_38 = arith.constant 5 : i32
    }
    %scan3A_31 = arith.constant 16 : i32
    "tpu.region"() ({
      %run_scoped3A_32 = tpu.sem_alloc : memref<!tpu.dma_semaphore, #tpu.memory_space<semaphore_mem>>
      %dma_start3A = tpu.memref_slice %arg3[%arg0, %mul3A_19] : memref<2x10240xf32, #tpu.memory_space<hbm>> -> memref<1x640xf32, #tpu.memory_space<hbm>>
      %dma_start3A_33 = tpu.memref_squeeze %dma_start3A : memref<1x640xf32, #tpu.memory_space<hbm>> -> memref<640xf32, #tpu.memory_space<hbm>>
      %dma_start3A_34 = tpu.memref_slice %arg3[%arg0, %mul3A_19] : memref<2x10240xf32, #tpu.memory_space<hbm>> -> memref<1x640xf32, #tpu.memory_space<hbm>>
      %dma_start3A_35 = tpu.memref_squeeze %dma_start3A_34 : memref<1x640xf32, #tpu.memory_space<hbm>> -> memref<640xf32, #tpu.memory_space<hbm>>
      tpu.enqueue_dma source(%arg7 : memref<640xf32, #tpu.memory_space<vmem>>) target(%dma_start3A_35 : memref<640xf32, #tpu.memory_space<hbm>>) target_semaphore(%run_scoped3A_32 : memref<!tpu.dma_semaphore, #tpu.memory_space<semaphore_mem>>)
      %dma_wait3A = tpu.memref_slice %arg3[%arg0, %mul3A_19] : memref<2x10240xf32, #tpu.memory_space<hbm>> -> memref<1x640xf32, #tpu.memory_space<hbm>>
      %dma_wait3A_36 = tpu.memref_squeeze %dma_wait3A : memref<1x640xf32, #tpu.memory_space<hbm>> -> memref<640xf32, #tpu.memory_space<hbm>>
      %dma_wait3A_37 = tpu.memref_slice %arg3[%arg0, %mul3A_19] : memref<2x10240xf32, #tpu.memory_space<hbm>> -> memref<1x640xf32, #tpu.memory_space<hbm>>
      %dma_wait3A_38 = tpu.memref_squeeze %dma_wait3A_37 : memref<1x640xf32, #tpu.memory_space<hbm>> -> memref<640xf32, #tpu.memory_space<hbm>>
      tpu.wait_dma2 semaphore(%run_scoped3A_32 : memref<!tpu.dma_semaphore, #tpu.memory_space<semaphore_mem>>) src(%arg7 : memref<640xf32, #tpu.memory_space<vmem>>) dst(%dma_wait3A_38 : memref<640xf32, #tpu.memory_space<hbm>>)
      tpu.yield
    }) : () -> ()
    return
  }
}

#map = affine_map<(d0, d1) -> (0, 0)>
#map1 = affine_map<(d0, d1) -> (0, 0, 0)>
module attributes {stable_mosaic.version = 14 : i64} {
  func.func @prop(%arg0: i32, %arg1: i32, %arg2: memref<10000x64xf32, #tpu.memory_space<hbm>>, %arg3: memref<2x320000xi32, #tpu.memory_space<hbm>>, %arg4: memref<2x10000x64xf32, #tpu.memory_space<hbm>>, %arg5: memref<10000xi32, #tpu.memory_space<vmem>>, %arg6: memref<128xi32, #tpu.memory_space<vmem>>, %arg7: memref<128xi32, #tpu.memory_space<vmem>>, %arg8: memref<128xi32, #tpu.memory_space<vmem>>, %arg9: memref<128xi32, #tpu.memory_space<vmem>>, %arg10: memref<128xi32, #tpu.memory_space<vmem>>, %arg11: memref<128xi32, #tpu.memory_space<vmem>>, %arg12: memref<128x64xf32, #tpu.memory_space<vmem>>, %arg13: memref<128x64xf32, #tpu.memory_space<vmem>>, %arg14: memref<128x64xf32, #tpu.memory_space<vmem>>, %arg15: memref<128x64xf32, #tpu.memory_space<vmem>>, %arg16: memref<128x64xf32, #tpu.memory_space<vmem>>, %arg17: memref<128x64xf32, #tpu.memory_space<vmem>>, %arg18: memref<16xi32, #tpu.memory_space<vmem>>, %arg19: memref<16xi32, #tpu.memory_space<vmem>>, %arg20: memref<16x64xf32, #tpu.memory_space<vmem>>, %arg21: memref<25x64xf32, #tpu.memory_space<vmem>>, %arg22: memref<10000x64xf32, #tpu.memory_space<vmem_shared>>, %arg23: memref<!tpu.dma_semaphore, #tpu.memory_space<semaphore_mem>>, %arg24: memref<!tpu.dma_semaphore, #tpu.memory_space<semaphore_mem>>, %arg25: memref<!tpu.dma_semaphore, #tpu.memory_space<semaphore_mem>>, %arg26: memref<!tpu.dma_semaphore, #tpu.memory_space<semaphore_mem>>, %arg27: memref<!tpu.dma_semaphore, #tpu.memory_space<semaphore_mem>>, %arg28: memref<!tpu.dma_semaphore, #tpu.memory_space<semaphore_mem>>, %arg29: memref<!tpu.dma_semaphore, #tpu.memory_space<semaphore_mem>>, %arg30: memref<!tpu.dma_semaphore, #tpu.memory_space<semaphore_mem>>, %arg31: memref<!tpu.dma_semaphore, #tpu.memory_space<semaphore_mem>>, %arg32: memref<!tpu.dma_semaphore, #tpu.memory_space<semaphore_mem>>, %arg33: memref<!tpu.dma_semaphore, #tpu.memory_space<semaphore_mem>>, %arg34: memref<!tpu.dma_semaphore, #tpu.memory_space<semaphore_mem>>, %arg35: memref<!tpu.dma_semaphore, #tpu.memory_space<semaphore_mem>>, %arg36: memref<!tpu.dma_semaphore, #tpu.memory_space<semaphore_mem>>) attributes {dimension_semantics = [#tpu.dimension_semantics<core_parallel>, #tpu.dimension_semantics<subcore_parallel>], iteration_bounds = array<i64: 2, 16>, scalar_prefetch = 0 : i64, scratch_operands = 32 : i64, tpu.core_type = #tpu.core_type<sc_vector_subcore>, window_params = [{transform_indices = #map}, {transform_indices = #map}, {transform_indices = #map1}]} {
    %mul3A = arith.constant 2 : i32
    %mul3A_0 = arith.muli %arg1, %mul3A : i32
    %add3A = arith.addi %mul3A_0, %arg0 : i32
    %mul3A_1 = arith.constant 625 : i32
    %mul3A_2 = arith.muli %arg1, %mul3A_1 : i32
    %broadcast_in_dim3A = arith.constant 0.000000e+00 : f32
    %broadcast_in_dim3A_3 = vector.broadcast %broadcast_in_dim3A : f32 to vector<16xf32>
    %swap3A = arith.constant 0 : i32
    %swap3A_4 = arith.index_cast %swap3A : i32 to index
    %swap3A_5 = arith.constant 0 : index
    %swap3A_6 = tpu.vector_load %arg21[%swap3A_4, %swap3A_5] {strides = array<i32>} : memref<25x64xf32, #tpu.memory_space<vmem>>, vector<1x16xf32>,
    %swap3A_7 = vector.shape_cast %swap3A_6 : vector<1x16xf32> to vector<16xf32>
    %swap3A_8 = vector.shape_cast %broadcast_in_dim3A_3 : vector<16xf32> to vector<1x16xf32>
    tpu.vector_store %arg21[%swap3A_4, %swap3A_5], %swap3A_8 {strides = array<i32>} : memref<25x64xf32, #tpu.memory_space<vmem>>, vector<1x16xf32>,
    %swap3A_9 = arith.constant 0 : i32
    %swap3A_10 = arith.index_cast %swap3A_9 : i32 to index
    %swap3A_11 = arith.constant 16 : index
    %swap3A_12 = tpu.vector_load %arg21[%swap3A_10, %swap3A_11] {strides = array<i32>} : memref<25x64xf32, #tpu.memory_space<vmem>>, vector<1x16xf32>,
    %swap3A_13 = vector.shape_cast %swap3A_12 : vector<1x16xf32> to vector<16xf32>
    %swap3A_14 = vector.shape_cast %broadcast_in_dim3A_3 : vector<16xf32> to vector<1x16xf32>
    tpu.vector_store %arg21[%swap3A_10, %swap3A_11], %swap3A_14 {strides = array<i32>} : memref<25x64xf32, #tpu.memory_space<vmem>>, vector<1x16xf32>,
    %swap3A_15 = arith.constant 0 : i32
    %swap3A_16 = arith.index_cast %swap3A_15 : i32 to index
    %swap3A_17 = arith.constant 32 : index
    %swap3A_18 = tpu.vector_load %arg21[%swap3A_16, %swap3A_17] {strides = array<i32>} : memref<25x64xf32, #tpu.memory_space<vmem>>, vector<1x16xf32>,
    %swap3A_19 = vector.shape_cast %swap3A_18 : vector<1x16xf32> to vector<16xf32>
    %swap3A_20 = vector.shape_cast %broadcast_in_dim3A_3 : vector<16xf32> to vector<1x16xf32>
    tpu.vector_store %arg21[%swap3A_16, %swap3A_17], %swap3A_20 {strides = array<i32>} : memref<25x64xf32, #tpu.memory_space<vmem>>, vector<1x16xf32>,
    %swap3A_21 = arith.constant 0 : i32
    %swap3A_22 = arith.index_cast %swap3A_21 : i32 to index
    %swap3A_23 = arith.constant 48 : index
    %swap3A_24 = tpu.vector_load %arg21[%swap3A_22, %swap3A_23] {strides = array<i32>} : memref<25x64xf32, #tpu.memory_space<vmem>>, vector<1x16xf32>,
    %swap3A_25 = vector.shape_cast %swap3A_24 : vector<1x16xf32> to vector<16xf32>
    %swap3A_26 = vector.shape_cast %broadcast_in_dim3A_3 : vector<16xf32> to vector<1x16xf32>
    tpu.vector_store %arg21[%swap3A_22, %swap3A_23], %swap3A_26 {strides = array<i32>} : memref<25x64xf32, #tpu.memory_space<vmem>>, vector<1x16xf32>,
    %swap3A_27 = arith.constant 1 : i32
    %swap3A_28 = arith.index_cast %swap3A_27 : i32 to index
    %swap3A_29 = arith.constant 0 : index
    %swap3A_30 = tpu.vector_load %arg21[%swap3A_28, %swap3A_29] {strides = array<i32>} : memref<25x64xf32, #tpu.memory_space<vmem>>, vector<1x16xf32>,
    %swap3A_31 = vector.shape_cast %swap3A_30 : vector<1x16xf32> to vector<16xf32>
    %swap3A_32 = vector.shape_cast %broadcast_in_dim3A_3 : vector<16xf32> to vector<1x16xf32>
    tpu.vector_store %arg21[%swap3A_28, %swap3A_29], %swap3A_32 {strides = array<i32>} : memref<25x64xf32, #tpu.memory_space<vmem>>, vector<1x16xf32>,
    %swap3A_33 = arith.constant 1 : i32
    %swap3A_34 = arith.index_cast %swap3A_33 : i32 to index
    %swap3A_35 = arith.constant 16 : index
    %swap3A_36 = tpu.vector_load %arg21[%swap3A_34, %swap3A_35] {strides = array<i32>} : memref<25x64xf32, #tpu.memory_space<vmem>>, vector<1x16xf32>,
    %swap3A_37 = vector.shape_cast %swap3A_36 : vector<1x16xf32> to vector<16xf32>
    %swap3A_38 = vector.shape_cast %broadcast_in_dim3A_3 : vector<16xf32> to vector<1x16xf32>
    tpu.vector_store %arg21[%swap3A_34, %swap3A_35], %swap3A_38 {strides = array<i32>} : memref<25x64xf32, #tpu.memory_space<vmem>>, vector<1x16xf32>,
    %swap3A_39 = arith.constant 1 : i32
    %swap3A_40 = arith.index_cast %swap3A_39 : i32 to index
    %swap3A_41 = arith.constant 32 : index
    %swap3A_42 = tpu.vector_load %arg21[%swap3A_40, %swap3A_41] {strides = array<i32>} : memref<25x64xf32, #tpu.memory_space<vmem>>, vector<1x16xf32>,
    %swap3A_43 = vector.shape_cast %swap3A_42 : vector<1x16xf32> to vector<16xf32>
    %swap3A_44 = vector.shape_cast %broadcast_in_dim3A_3 : vector<16xf32> to vector<1x16xf32>
    tpu.vector_store %arg21[%swap3A_40, %swap3A_41], %swap3A_44 {strides = array<i32>} : memref<25x64xf32, #tpu.memory_space<vmem>>, vector<1x16xf32>,
    %swap3A_45 = arith.constant 1 : i32
    %swap3A_46 = arith.index_cast %swap3A_45 : i32 to index
    %swap3A_47 = arith.constant 48 : index
    %swap3A_48 = tpu.vector_load %arg21[%swap3A_46, %swap3A_47] {strides = array<i32>} : memref<25x64xf32, #tpu.memory_space<vmem>>, vector<1x16xf32>,
    %swap3A_49 = vector.shape_cast %swap3A_48 : vector<1x16xf32> to vector<16xf32>
    %swap3A_50 = vector.shape_cast %broadcast_in_dim3A_3 : vector<16xf32> to vector<1x16xf32>
    tpu.vector_store %arg21[%swap3A_46, %swap3A_47], %swap3A_50 {strides = array<i32>} : memref<25x64xf32, #tpu.memory_space<vmem>>, vector<1x16xf32>,
    %swap3A_51 = arith.constant 2 : i32
    %swap3A_52 = arith.index_cast %swap3A_51 : i32 to index
    %swap3A_53 = arith.constant 0 : index
    %swap3A_54 = tpu.vector_load %arg21[%swap3A_52, %swap3A_53] {strides = array<i32>} : memref<25x64xf32, #tpu.memory_space<vmem>>, vector<1x16xf32>,
    %swap3A_55 = vector.shape_cast %swap3A_54 : vector<1x16xf32> to vector<16xf32>
    %swap3A_56 = vector.shape_cast %broadcast_in_dim3A_3 : vector<16xf32> to vector<1x16xf32>
    tpu.vector_store %arg21[%swap3A_52, %swap3A_53], %swap3A_56 {strides = array<i32>} : memref<25x64xf32, #tpu.memory_space<vmem>>, vector<1x16xf32>,
    %swap3A_57 = arith.constant 2 : i32
    %swap3A_58 = arith.index_cast %swap3A_57 : i32 to index
    %swap3A_59 = arith.constant 16 : index
    %swap3A_60 = tpu.vector_load %arg21[%swap3A_58, %swap3A_59] {strides = array<i32>} : memref<25x64xf32, #tpu.memory_space<vmem>>, vector<1x16xf32>,
    %swap3A_61 = vector.shape_cast %swap3A_60 : vector<1x16xf32> to vector<16xf32>
    %swap3A_62 = vector.shape_cast %broadcast_in_dim3A_3 : vector<16xf32> to vector<1x16xf32>
    tpu.vector_store %arg21[%swap3A_58, %swap3A_59], %swap3A_62 {strides = array<i32>} : memref<25x64xf32, #tpu.memory_space<vmem>>, vector<1x16xf32>,
    %swap3A_63 = arith.constant 2 : i32
    %swap3A_64 = arith.index_cast %swap3A_63 : i32 to index
    %swap3A_65 = arith.constant 32 : index
    %swap3A_66 = tpu.vector_load %arg21[%swap3A_64, %swap3A_65] {strides = array<i32>} : memref<25x64xf32, #tpu.memory_space<vmem>>, vector<1x16xf32>,
    %swap3A_67 = vector.shape_cast %swap3A_66 : vector<1x16xf32> to vector<16xf32>
    %swap3A_68 = vector.shape_cast %broadcast_in_dim3A_3 : vector<16xf32> to vector<1x16xf32>
    tpu.vector_store %arg21[%swap3A_64, %swap3A_65], %swap3A_68 {strides = array<i32>} : memref<25x64xf32, #tpu.memory_space<vmem>>, vector<1x16xf32>,
    %swap3A_69 = arith.constant 2 : i32
    %swap3A_70 = arith.index_cast %swap3A_69 : i32 to index
    %swap3A_71 = arith.constant 48 : index
    %swap3A_72 = tpu.vector_load %arg21[%swap3A_70, %swap3A_71] {strides = array<i32>} : memref<25x64xf32, #tpu.memory_space<vmem>>, vector<1x16xf32>,
    %swap3A_73 = vector.shape_cast %swap3A_72 : vector<1x16xf32> to vector<16xf32>
    %swap3A_74 = vector.shape_cast %broadcast_in_dim3A_3 : vector<16xf32> to vector<1x16xf32>
    tpu.vector_store %arg21[%swap3A_70, %swap3A_71], %swap3A_74 {strides = array<i32>} : memref<25x64xf32, #tpu.memory_space<vmem>>, vector<1x16xf32>,
    %swap3A_75 = arith.constant 3 : i32
    %swap3A_76 = arith.index_cast %swap3A_75 : i32 to index
    %swap3A_77 = arith.constant 0 : index
    %swap3A_78 = tpu.vector_load %arg21[%swap3A_76, %swap3A_77] {strides = array<i32>} : memref<25x64xf32, #tpu.memory_space<vmem>>, vector<1x16xf32>,
    %swap3A_79 = vector.shape_cast %swap3A_78 : vector<1x16xf32> to vector<16xf32>
    %swap3A_80 = vector.shape_cast %broadcast_in_dim3A_3 : vector<16xf32> to vector<1x16xf32>
    tpu.vector_store %arg21[%swap3A_76, %swap3A_77], %swap3A_80 {strides = array<i32>} : memref<25x64xf32, #tpu.memory_space<vmem>>, vector<1x16xf32>,
    %swap3A_81 = arith.constant 3 : i32
    %swap3A_82 = arith.index_cast %swap3A_81 : i32 to index
    %swap3A_83 = arith.constant 16 : index
    %swap3A_84 = tpu.vector_load %arg21[%swap3A_82, %swap3A_83] {strides = array<i32>} : memref<25x64xf32, #tpu.memory_space<vmem>>, vector<1x16xf32>,
    %swap3A_85 = vector.shape_cast %swap3A_84 : vector<1x16xf32> to vector<16xf32>
    %swap3A_86 = vector.shape_cast %broadcast_in_dim3A_3 : vector<16xf32> to vector<1x16xf32>
    tpu.vector_store %arg21[%swap3A_82, %swap3A_83], %swap3A_86 {strides = array<i32>} : memref<25x64xf32, #tpu.memory_space<vmem>>, vector<1x16xf32>,
    %swap3A_87 = arith.constant 3 : i32
    %swap3A_88 = arith.index_cast %swap3A_87 : i32 to index
    %swap3A_89 = arith.constant 32 : index
    %swap3A_90 = tpu.vector_load %arg21[%swap3A_88, %swap3A_89] {strides = array<i32>} : memref<25x64xf32, #tpu.memory_space<vmem>>, vector<1x16xf32>,
    %swap3A_91 = vector.shape_cast %swap3A_90 : vector<1x16xf32> to vector<16xf32>
    %swap3A_92 = vector.shape_cast %broadcast_in_dim3A_3 : vector<16xf32> to vector<1x16xf32>
    tpu.vector_store %arg21[%swap3A_88, %swap3A_89], %swap3A_92 {strides = array<i32>} : memref<25x64xf32, #tpu.memory_space<vmem>>, vector<1x16xf32>,
    %swap3A_93 = arith.constant 3 : i32
    %swap3A_94 = arith.index_cast %swap3A_93 : i32 to index
    %swap3A_95 = arith.constant 48 : index
    %swap3A_96 = tpu.vector_load %arg21[%swap3A_94, %swap3A_95] {strides = array<i32>} : memref<25x64xf32, #tpu.memory_space<vmem>>, vector<1x16xf32>,
    %swap3A_97 = vector.shape_cast %swap3A_96 : vector<1x16xf32> to vector<16xf32>
    %swap3A_98 = vector.shape_cast %broadcast_in_dim3A_3 : vector<16xf32> to vector<1x16xf32>
    tpu.vector_store %arg21[%swap3A_94, %swap3A_95], %swap3A_98 {strides = array<i32>} : memref<25x64xf32, #tpu.memory_space<vmem>>, vector<1x16xf32>,
    %swap3A_99 = arith.constant 4 : i32
    %swap3A_100 = arith.index_cast %swap3A_99 : i32 to index
    %swap3A_101 = arith.constant 0 : index
    %swap3A_102 = tpu.vector_load %arg21[%swap3A_100, %swap3A_101] {strides = array<i32>} : memref<25x64xf32, #tpu.memory_space<vmem>>, vector<1x16xf32>,
    %swap3A_103 = vector.shape_cast %swap3A_102 : vector<1x16xf32> to vector<16xf32>
    %swap3A_104 = vector.shape_cast %broadcast_in_dim3A_3 : vector<16xf32> to vector<1x16xf32>
    tpu.vector_store %arg21[%swap3A_100, %swap3A_101], %swap3A_104 {strides = array<i32>} : memref<25x64xf32, #tpu.memory_space<vmem>>, vector<1x16xf32>,
    %swap3A_105 = arith.constant 4 : i32
    %swap3A_106 = arith.index_cast %swap3A_105 : i32 to index
    %swap3A_107 = arith.constant 16 : index
    %swap3A_108 = tpu.vector_load %arg21[%swap3A_106, %swap3A_107] {strides = array<i32>} : memref<25x64xf32, #tpu.memory_space<vmem>>, vector<1x16xf32>,
    %swap3A_109 = vector.shape_cast %swap3A_108 : vector<1x16xf32> to vector<16xf32>
    %swap3A_110 = vector.shape_cast %broadcast_in_dim3A_3 : vector<16xf32> to vector<1x16xf32>
    tpu.vector_store %arg21[%swap3A_106, %swap3A_107], %swap3A_110 {strides = array<i32>} : memref<25x64xf32, #tpu.memory_space<vmem>>, vector<1x16xf32>,
    %swap3A_111 = arith.constant 4 : i32
    %swap3A_112 = arith.index_cast %swap3A_111 : i32 to index
    %swap3A_113 = arith.constant 32 : index
    %swap3A_114 = tpu.vector_load %arg21[%swap3A_112, %swap3A_113] {strides = array<i32>} : memref<25x64xf32, #tpu.memory_space<vmem>>, vector<1x16xf32>,
    %swap3A_115 = vector.shape_cast %swap3A_114 : vector<1x16xf32> to vector<16xf32>
    %swap3A_116 = vector.shape_cast %broadcast_in_dim3A_3 : vector<16xf32> to vector<1x16xf32>
    tpu.vector_store %arg21[%swap3A_112, %swap3A_113], %swap3A_116 {strides = array<i32>} : memref<25x64xf32, #tpu.memory_space<vmem>>, vector<1x16xf32>,
    %swap3A_117 = arith.constant 4 : i32
    %swap3A_118 = arith.index_cast %swap3A_117 : i32 to index
    %swap3A_119 = arith.constant 48 : index
    %swap3A_120 = tpu.vector_load %arg21[%swap3A_118, %swap3A_119] {strides = array<i32>} : memref<25x64xf32, #tpu.memory_space<vmem>>, vector<1x16xf32>,
    %swap3A_121 = vector.shape_cast %swap3A_120 : vector<1x16xf32> to vector<16xf32>
    %swap3A_122 = vector.shape_cast %broadcast_in_dim3A_3 : vector<16xf32> to vector<1x16xf32>
    tpu.vector_store %arg21[%swap3A_118, %swap3A_119], %swap3A_122 {strides = array<i32>} : memref<25x64xf32, #tpu.memory_space<vmem>>, vector<1x16xf32>,
    %swap3A_123 = arith.constant 5 : i32
    %swap3A_124 = arith.index_cast %swap3A_123 : i32 to index
    %swap3A_125 = arith.constant 0 : index
    %swap3A_126 = tpu.vector_load %arg21[%swap3A_124, %swap3A_125] {strides = array<i32>} : memref<25x64xf32, #tpu.memory_space<vmem>>, vector<1x16xf32>,
    %swap3A_127 = vector.shape_cast %swap3A_126 : vector<1x16xf32> to vector<16xf32>
    %swap3A_128 = vector.shape_cast %broadcast_in_dim3A_3 : vector<16xf32> to vector<1x16xf32>
    tpu.vector_store %arg21[%swap3A_124, %swap3A_125], %swap3A_128 {strides = array<i32>} : memref<25x64xf32, #tpu.memory_space<vmem>>, vector<1x16xf32>,
    %swap3A_129 = arith.constant 5 : i32
    %swap3A_130 = arith.index_cast %swap3A_129 : i32 to index
    %swap3A_131 = arith.constant 16 : index
    %swap3A_132 = tpu.vector_load %arg21[%swap3A_130, %swap3A_131] {strides = array<i32>} : memref<25x64xf32, #tpu.memory_space<vmem>>, vector<1x16xf32>,
    %swap3A_133 = vector.shape_cast %swap3A_132 : vector<1x16xf32> to vector<16xf32>
    %swap3A_134 = vector.shape_cast %broadcast_in_dim3A_3 : vector<16xf32> to vector<1x16xf32>
    tpu.vector_store %arg21[%swap3A_130, %swap3A_131], %swap3A_134 {strides = array<i32>} : memref<25x64xf32, #tpu.memory_space<vmem>>, vector<1x16xf32>,
    %swap3A_135 = arith.constant 5 : i32
    %swap3A_136 = arith.index_cast %swap3A_135 : i32 to index
    %swap3A_137 = arith.constant 32 : index
    %swap3A_138 = tpu.vector_load %arg21[%swap3A_136, %swap3A_137] {strides = array<i32>} : memref<25x64xf32, #tpu.memory_space<vmem>>, vector<1x16xf32>,
    %swap3A_139 = vector.shape_cast %swap3A_138 : vector<1x16xf32> to vector<16xf32>
    %swap3A_140 = vector.shape_cast %broadcast_in_dim3A_3 : vector<16xf32> to vector<1x16xf32>
    tpu.vector_store %arg21[%swap3A_136, %swap3A_137], %swap3A_140 {strides = array<i32>} : memref<25x64xf32, #tpu.memory_space<vmem>>, vector<1x16xf32>,
    %swap3A_141 = arith.constant 5 : i32
    %swap3A_142 = arith.index_cast %swap3A_141 : i32 to index
    %swap3A_143 = arith.constant 48 : index
    %swap3A_144 = tpu.vector_load %arg21[%swap3A_142, %swap3A_143] {strides = array<i32>} : memref<25x64xf32, #tpu.memory_space<vmem>>, vector<1x16xf32>,
    %swap3A_145 = vector.shape_cast %swap3A_144 : vector<1x16xf32> to vector<16xf32>
    %swap3A_146 = vector.shape_cast %broadcast_in_dim3A_3 : vector<16xf32> to vector<1x16xf32>
    tpu.vector_store %arg21[%swap3A_142, %swap3A_143], %swap3A_146 {strides = array<i32>} : memref<25x64xf32, #tpu.memory_space<vmem>>, vector<1x16xf32>,
    %swap3A_147 = arith.constant 6 : i32
    %swap3A_148 = arith.index_cast %swap3A_147 : i32 to index
    %swap3A_149 = arith.constant 0 : index
    %swap3A_150 = tpu.vector_load %arg21[%swap3A_148, %swap3A_149] {strides = array<i32>} : memref<25x64xf32, #tpu.memory_space<vmem>>, vector<1x16xf32>,
    %swap3A_151 = vector.shape_cast %swap3A_150 : vector<1x16xf32> to vector<16xf32>
    %swap3A_152 = vector.shape_cast %broadcast_in_dim3A_3 : vector<16xf32> to vector<1x16xf32>
    tpu.vector_store %arg21[%swap3A_148, %swap3A_149], %swap3A_152 {strides = array<i32>} : memref<25x64xf32, #tpu.memory_space<vmem>>, vector<1x16xf32>,
    %swap3A_153 = arith.constant 6 : i32
    %swap3A_154 = arith.index_cast %swap3A_153 : i32 to index
    %swap3A_155 = arith.constant 16 : index
    %swap3A_156 = tpu.vector_load %arg21[%swap3A_154, %swap3A_155] {strides = array<i32>} : memref<25x64xf32, #tpu.memory_space<vmem>>, vector<1x16xf32>,
    %swap3A_157 = vector.shape_cast %swap3A_156 : vector<1x16xf32> to vector<16xf32>
    %swap3A_158 = vector.shape_cast %broadcast_in_dim3A_3 : vector<16xf32> to vector<1x16xf32>
    tpu.vector_store %arg21[%swap3A_154, %swap3A_155], %swap3A_158 {strides = array<i32>} : memref<25x64xf32, #tpu.memory_space<vmem>>, vector<1x16xf32>,
    %swap3A_159 = arith.constant 6 : i32
    %swap3A_160 = arith.index_cast %swap3A_159 : i32 to index
    %swap3A_161 = arith.constant 32 : index
    %swap3A_162 = tpu.vector_load %arg21[%swap3A_160, %swap3A_161] {strides = array<i32>} : memref<25x64xf32, #tpu.memory_space<vmem>>, vector<1x16xf32>,
    %swap3A_163 = vector.shape_cast %swap3A_162 : vector<1x16xf32> to vector<16xf32>
    %swap3A_164 = vector.shape_cast %broadcast_in_dim3A_3 : vector<16xf32> to vector<1x16xf32>
    tpu.vector_store %arg21[%swap3A_160, %swap3A_161], %swap3A_164 {strides = array<i32>} : memref<25x64xf32, #tpu.memory_space<vmem>>, vector<1x16xf32>,
    %swap3A_165 = arith.constant 6 : i32
    %swap3A_166 = arith.index_cast %swap3A_165 : i32 to index
    %swap3A_167 = arith.constant 48 : index
    %swap3A_168 = tpu.vector_load %arg21[%swap3A_166, %swap3A_167] {strides = array<i32>} : memref<25x64xf32, #tpu.memory_space<vmem>>, vector<1x16xf32>,
    %swap3A_169 = vector.shape_cast %swap3A_168 : vector<1x16xf32> to vector<16xf32>
    %swap3A_170 = vector.shape_cast %broadcast_in_dim3A_3 : vector<16xf32> to vector<1x16xf32>
    tpu.vector_store %arg21[%swap3A_166, %swap3A_167], %swap3A_170 {strides = array<i32>} : memref<25x64xf32, #tpu.memory_space<vmem>>, vector<1x16xf32>,
    %swap3A_171 = arith.constant 7 : i32
    %swap3A_172 = arith.index_cast %swap3A_171 : i32 to index
    %swap3A_173 = arith.constant 0 : index
    %swap3A_174 = tpu.vector_load %arg21[%swap3A_172, %swap3A_173] {strides = array<i32>} : memref<25x64xf32, #tpu.memory_space<vmem>>, vector<1x16xf32>,
    %swap3A_175 = vector.shape_cast %swap3A_174 : vector<1x16xf32> to vector<16xf32>
    %swap3A_176 = vector.shape_cast %broadcast_in_dim3A_3 : vector<16xf32> to vector<1x16xf32>
    tpu.vector_store %arg21[%swap3A_172, %swap3A_173], %swap3A_176 {strides = array<i32>} : memref<25x64xf32, #tpu.memory_space<vmem>>, vector<1x16xf32>,
    %swap3A_177 = arith.constant 7 : i32
    %swap3A_178 = arith.index_cast %swap3A_177 : i32 to index
    %swap3A_179 = arith.constant 16 : index
    %swap3A_180 = tpu.vector_load %arg21[%swap3A_178, %swap3A_179] {strides = array<i32>} : memref<25x64xf32, #tpu.memory_space<vmem>>, vector<1x16xf32>,
    %swap3A_181 = vector.shape_cast %swap3A_180 : vector<1x16xf32> to vector<16xf32>
    %swap3A_182 = vector.shape_cast %broadcast_in_dim3A_3 : vector<16xf32> to vector<1x16xf32>
    tpu.vector_store %arg21[%swap3A_178, %swap3A_179], %swap3A_182 {strides = array<i32>} : memref<25x64xf32, #tpu.memory_space<vmem>>, vector<1x16xf32>,
    %swap3A_183 = arith.constant 7 : i32
    %swap3A_184 = arith.index_cast %swap3A_183 : i32 to index
    %swap3A_185 = arith.constant 32 : index
    %swap3A_186 = tpu.vector_load %arg21[%swap3A_184, %swap3A_185] {strides = array<i32>} : memref<25x64xf32, #tpu.memory_space<vmem>>, vector<1x16xf32>,
    %swap3A_187 = vector.shape_cast %swap3A_186 : vector<1x16xf32> to vector<16xf32>
    %swap3A_188 = vector.shape_cast %broadcast_in_dim3A_3 : vector<16xf32> to vector<1x16xf32>
    tpu.vector_store %arg21[%swap3A_184, %swap3A_185], %swap3A_188 {strides = array<i32>} : memref<25x64xf32, #tpu.memory_space<vmem>>, vector<1x16xf32>,
    %swap3A_189 = arith.constant 7 : i32
    %swap3A_190 = arith.index_cast %swap3A_189 : i32 to index
    %swap3A_191 = arith.constant 48 : index
    %swap3A_192 = tpu.vector_load %arg21[%swap3A_190, %swap3A_191] {strides = array<i32>} : memref<25x64xf32, #tpu.memory_space<vmem>>, vector<1x16xf32>,
    %swap3A_193 = vector.shape_cast %swap3A_192 : vector<1x16xf32> to vector<16xf32>
    %swap3A_194 = vector.shape_cast %broadcast_in_dim3A_3 : vector<16xf32> to vector<1x16xf32>
    tpu.vector_store %arg21[%swap3A_190, %swap3A_191], %swap3A_194 {strides = array<i32>} : memref<25x64xf32, #tpu.memory_space<vmem>>, vector<1x16xf32>,
    %swap3A_195 = arith.constant 8 : i32
    %swap3A_196 = arith.index_cast %swap3A_195 : i32 to index
    %swap3A_197 = arith.constant 0 : index
    %swap3A_198 = tpu.vector_load %arg21[%swap3A_196, %swap3A_197] {strides = array<i32>} : memref<25x64xf32, #tpu.memory_space<vmem>>, vector<1x16xf32>,
    %swap3A_199 = vector.shape_cast %swap3A_198 : vector<1x16xf32> to vector<16xf32>
    %swap3A_200 = vector.shape_cast %broadcast_in_dim3A_3 : vector<16xf32> to vector<1x16xf32>
    tpu.vector_store %arg21[%swap3A_196, %swap3A_197], %swap3A_200 {strides = array<i32>} : memref<25x64xf32, #tpu.memory_space<vmem>>, vector<1x16xf32>,
    %swap3A_201 = arith.constant 8 : i32
    %swap3A_202 = arith.index_cast %swap3A_201 : i32 to index
    %swap3A_203 = arith.constant 16 : index
    %swap3A_204 = tpu.vector_load %arg21[%swap3A_202, %swap3A_203] {strides = array<i32>} : memref<25x64xf32, #tpu.memory_space<vmem>>, vector<1x16xf32>,
    %swap3A_205 = vector.shape_cast %swap3A_204 : vector<1x16xf32> to vector<16xf32>
    %swap3A_206 = vector.shape_cast %broadcast_in_dim3A_3 : vector<16xf32> to vector<1x16xf32>
    tpu.vector_store %arg21[%swap3A_202, %swap3A_203], %swap3A_206 {strides = array<i32>} : memref<25x64xf32, #tpu.memory_space<vmem>>, vector<1x16xf32>,
    %swap3A_207 = arith.constant 8 : i32
    %swap3A_208 = arith.index_cast %swap3A_207 : i32 to index
    %swap3A_209 = arith.constant 32 : index
    %swap3A_210 = tpu.vector_load %arg21[%swap3A_208, %swap3A_209] {strides = array<i32>} : memref<25x64xf32, #tpu.memory_space<vmem>>, vector<1x16xf32>,
    %swap3A_211 = vector.shape_cast %swap3A_210 : vector<1x16xf32> to vector<16xf32>
    %swap3A_212 = vector.shape_cast %broadcast_in_dim3A_3 : vector<16xf32> to vector<1x16xf32>
    tpu.vector_store %arg21[%swap3A_208, %swap3A_209], %swap3A_212 {strides = array<i32>} : memref<25x64xf32, #tpu.memory_space<vmem>>, vector<1x16xf32>,
    %swap3A_213 = arith.constant 8 : i32
    %swap3A_214 = arith.index_cast %swap3A_213 : i32 to index
    %swap3A_215 = arith.constant 48 : index
    %swap3A_216 = tpu.vector_load %arg21[%swap3A_214, %swap3A_215] {strides = array<i32>} : memref<25x64xf32, #tpu.memory_space<vmem>>, vector<1x16xf32>,
    %swap3A_217 = vector.shape_cast %swap3A_216 : vector<1x16xf32> to vector<16xf32>
    %swap3A_218 = vector.shape_cast %broadcast_in_dim3A_3 : vector<16xf32> to vector<1x16xf32>
    tpu.vector_store %arg21[%swap3A_214, %swap3A_215], %swap3A_218 {strides = array<i32>} : memref<25x64xf32, #tpu.memory_space<vmem>>, vector<1x16xf32>,
    %swap3A_219 = arith.constant 9 : i32
    %swap3A_220 = arith.index_cast %swap3A_219 : i32 to index
    %swap3A_221 = arith.constant 0 : index
    %swap3A_222 = tpu.vector_load %arg21[%swap3A_220, %swap3A_221] {strides = array<i32>} : memref<25x64xf32, #tpu.memory_space<vmem>>, vector<1x16xf32>,
    %swap3A_223 = vector.shape_cast %swap3A_222 : vector<1x16xf32> to vector<16xf32>
    %swap3A_224 = vector.shape_cast %broadcast_in_dim3A_3 : vector<16xf32> to vector<1x16xf32>
    tpu.vector_store %arg21[%swap3A_220, %swap3A_221], %swap3A_224 {strides = array<i32>} : memref<25x64xf32, #tpu.memory_space<vmem>>, vector<1x16xf32>,
    %swap3A_225 = arith.constant 9 : i32
    %swap3A_226 = arith.index_cast %swap3A_225 : i32 to index
    %swap3A_227 = arith.constant 16 : index
    %swap3A_228 = tpu.vector_load %arg21[%swap3A_226, %swap3A_227] {strides = array<i32>} : memref<25x64xf32, #tpu.memory_space<vmem>>, vector<1x16xf32>,
    %swap3A_229 = vector.shape_cast %swap3A_228 : vector<1x16xf32> to vector<16xf32>
    %swap3A_230 = vector.shape_cast %broadcast_in_dim3A_3 : vector<16xf32> to vector<1x16xf32>
    tpu.vector_store %arg21[%swap3A_226, %swap3A_227], %swap3A_230 {strides = array<i32>} : memref<25x64xf32, #tpu.memory_space<vmem>>, vector<1x16xf32>,
    %swap3A_231 = arith.constant 9 : i32
    %swap3A_232 = arith.index_cast %swap3A_231 : i32 to index
    %swap3A_233 = arith.constant 32 : index
    %swap3A_234 = tpu.vector_load %arg21[%swap3A_232, %swap3A_233] {strides = array<i32>} : memref<25x64xf32, #tpu.memory_space<vmem>>, vector<1x16xf32>,
    %swap3A_235 = vector.shape_cast %swap3A_234 : vector<1x16xf32> to vector<16xf32>
    %swap3A_236 = vector.shape_cast %broadcast_in_dim3A_3 : vector<16xf32> to vector<1x16xf32>
    tpu.vector_store %arg21[%swap3A_232, %swap3A_233], %swap3A_236 {strides = array<i32>} : memref<25x64xf32, #tpu.memory_space<vmem>>, vector<1x16xf32>,
    %swap3A_237 = arith.constant 9 : i32
    %swap3A_238 = arith.index_cast %swap3A_237 : i32 to index
    %swap3A_239 = arith.constant 48 : index
    %swap3A_240 = tpu.vector_load %arg21[%swap3A_238, %swap3A_239] {strides = array<i32>} : memref<25x64xf32, #tpu.memory_space<vmem>>, vector<1x16xf32>,
    %swap3A_241 = vector.shape_cast %swap3A_240 : vector<1x16xf32> to vector<16xf32>
    %swap3A_242 = vector.shape_cast %broadcast_in_dim3A_3 : vector<16xf32> to vector<1x16xf32>
    tpu.vector_store %arg21[%swap3A_238, %swap3A_239], %swap3A_242 {strides = array<i32>} : memref<25x64xf32, #tpu.memory_space<vmem>>, vector<1x16xf32>,
    %swap3A_243 = arith.constant 10 : i32
    %swap3A_244 = arith.index_cast %swap3A_243 : i32 to index
    %swap3A_245 = arith.constant 0 : index
    %swap3A_246 = tpu.vector_load %arg21[%swap3A_244, %swap3A_245] {strides = array<i32>} : memref<25x64xf32, #tpu.memory_space<vmem>>, vector<1x16xf32>,
    %swap3A_247 = vector.shape_cast %swap3A_246 : vector<1x16xf32> to vector<16xf32>
    %swap3A_248 = vector.shape_cast %broadcast_in_dim3A_3 : vector<16xf32> to vector<1x16xf32>
    tpu.vector_store %arg21[%swap3A_244, %swap3A_245], %swap3A_248 {strides = array<i32>} : memref<25x64xf32, #tpu.memory_space<vmem>>, vector<1x16xf32>,
    %swap3A_249 = arith.constant 10 : i32
    %swap3A_250 = arith.index_cast %swap3A_249 : i32 to index
    %swap3A_251 = arith.constant 16 : index
    %swap3A_252 = tpu.vector_load %arg21[%swap3A_250, %swap3A_251] {strides = array<i32>} : memref<25x64xf32, #tpu.memory_space<vmem>>, vector<1x16xf32>,
    %swap3A_253 = vector.shape_cast %swap3A_252 : vector<1x16xf32> to vector<16xf32>
    %swap3A_254 = vector.shape_cast %broadcast_in_dim3A_3 : vector<16xf32> to vector<1x16xf32>
    tpu.vector_store %arg21[%swap3A_250, %swap3A_251], %swap3A_254 {strides = array<i32>} : memref<25x64xf32, #tpu.memory_space<vmem>>, vector<1x16xf32>,
    %swap3A_255 = arith.constant 10 : i32
    %swap3A_256 = arith.index_cast %swap3A_255 : i32 to index
    %swap3A_257 = arith.constant 32 : index
    %swap3A_258 = tpu.vector_load %arg21[%swap3A_256, %swap3A_257] {strides = array<i32>} : memref<25x64xf32, #tpu.memory_space<vmem>>, vector<1x16xf32>,
    %swap3A_259 = vector.shape_cast %swap3A_258 : vector<1x16xf32> to vector<16xf32>
    %swap3A_260 = vector.shape_cast %broadcast_in_dim3A_3 : vector<16xf32> to vector<1x16xf32>
    tpu.vector_store %arg21[%swap3A_256, %swap3A_257], %swap3A_260 {strides = array<i32>} : memref<25x64xf32, #tpu.memory_space<vmem>>, vector<1x16xf32>,
    %swap3A_261 = arith.constant 10 : i32
    %swap3A_262 = arith.index_cast %swap3A_261 : i32 to index
    %swap3A_263 = arith.constant 48 : index
    %swap3A_264 = tpu.vector_load %arg21[%swap3A_262, %swap3A_263] {strides = array<i32>} : memref<25x64xf32, #tpu.memory_space<vmem>>, vector<1x16xf32>,
    %swap3A_265 = vector.shape_cast %swap3A_264 : vector<1x16xf32> to vector<16xf32>
    %swap3A_266 = vector.shape_cast %broadcast_in_dim3A_3 : vector<16xf32> to vector<1x16xf32>
    tpu.vector_store %arg21[%swap3A_262, %swap3A_263], %swap3A_266 {strides = array<i32>} : memref<25x64xf32, #tpu.memory_space<vmem>>, vector<1x16xf32>,
    %swap3A_267 = arith.constant 11 : i32
    %swap3A_268 = arith.index_cast %swap3A_267 : i32 to index
    %swap3A_269 = arith.constant 0 : index
    %swap3A_270 = tpu.vector_load %arg21[%swap3A_268, %swap3A_269] {strides = array<i32>} : memref<25x64xf32, #tpu.memory_space<vmem>>, vector<1x16xf32>,
    %swap3A_271 = vector.shape_cast %swap3A_270 : vector<1x16xf32> to vector<16xf32>
    %swap3A_272 = vector.shape_cast %broadcast_in_dim3A_3 : vector<16xf32> to vector<1x16xf32>
    tpu.vector_store %arg21[%swap3A_268, %swap3A_269], %swap3A_272 {strides = array<i32>} : memref<25x64xf32, #tpu.memory_space<vmem>>, vector<1x16xf32>,
    %swap3A_273 = arith.constant 11 : i32
    %swap3A_274 = arith.index_cast %swap3A_273 : i32 to index
    %swap3A_275 = arith.constant 16 : index
    %swap3A_276 = tpu.vector_load %arg21[%swap3A_274, %swap3A_275] {strides = array<i32>} : memref<25x64xf32, #tpu.memory_space<vmem>>, vector<1x16xf32>,
    %swap3A_277 = vector.shape_cast %swap3A_276 : vector<1x16xf32> to vector<16xf32>
    %swap3A_278 = vector.shape_cast %broadcast_in_dim3A_3 : vector<16xf32> to vector<1x16xf32>
    tpu.vector_store %arg21[%swap3A_274, %swap3A_275], %swap3A_278 {strides = array<i32>} : memref<25x64xf32, #tpu.memory_space<vmem>>, vector<1x16xf32>,
    %swap3A_279 = arith.constant 11 : i32
    %swap3A_280 = arith.index_cast %swap3A_279 : i32 to index
    %swap3A_281 = arith.constant 32 : index
    %swap3A_282 = tpu.vector_load %arg21[%swap3A_280, %swap3A_281] {strides = array<i32>} : memref<25x64xf32, #tpu.memory_space<vmem>>, vector<1x16xf32>,
    %swap3A_283 = vector.shape_cast %swap3A_282 : vector<1x16xf32> to vector<16xf32>
    %swap3A_284 = vector.shape_cast %broadcast_in_dim3A_3 : vector<16xf32> to vector<1x16xf32>
    tpu.vector_store %arg21[%swap3A_280, %swap3A_281], %swap3A_284 {strides = array<i32>} : memref<25x64xf32, #tpu.memory_space<vmem>>, vector<1x16xf32>,
    %swap3A_285 = arith.constant 11 : i32
    %swap3A_286 = arith.index_cast %swap3A_285 : i32 to index
    %swap3A_287 = arith.constant 48 : index
    %swap3A_288 = tpu.vector_load %arg21[%swap3A_286, %swap3A_287] {strides = array<i32>} : memref<25x64xf32, #tpu.memory_space<vmem>>, vector<1x16xf32>,
    %swap3A_289 = vector.shape_cast %swap3A_288 : vector<1x16xf32> to vector<16xf32>
    %swap3A_290 = vector.shape_cast %broadcast_in_dim3A_3 : vector<16xf32> to vector<1x16xf32>
    tpu.vector_store %arg21[%swap3A_286, %swap3A_287], %swap3A_290 {strides = array<i32>} : memref<25x64xf32, #tpu.memory_space<vmem>>, vector<1x16xf32>,
    %swap3A_291 = arith.constant 12 : i32
    %swap3A_292 = arith.index_cast %swap3A_291 : i32 to index
    %swap3A_293 = arith.constant 0 : index
    %swap3A_294 = tpu.vector_load %arg21[%swap3A_292, %swap3A_293] {strides = array<i32>} : memref<25x64xf32, #tpu.memory_space<vmem>>, vector<1x16xf32>,
    %swap3A_295 = vector.shape_cast %swap3A_294 : vector<1x16xf32> to vector<16xf32>
    %swap3A_296 = vector.shape_cast %broadcast_in_dim3A_3 : vector<16xf32> to vector<1x16xf32>
    tpu.vector_store %arg21[%swap3A_292, %swap3A_293], %swap3A_296 {strides = array<i32>} : memref<25x64xf32, #tpu.memory_space<vmem>>, vector<1x16xf32>,
    %swap3A_297 = arith.constant 12 : i32
    %swap3A_298 = arith.index_cast %swap3A_297 : i32 to index
    %swap3A_299 = arith.constant 16 : index
    %swap3A_300 = tpu.vector_load %arg21[%swap3A_298, %swap3A_299] {strides = array<i32>} : memref<25x64xf32, #tpu.memory_space<vmem>>, vector<1x16xf32>,
    %swap3A_301 = vector.shape_cast %swap3A_300 : vector<1x16xf32> to vector<16xf32>
    %swap3A_302 = vector.shape_cast %broadcast_in_dim3A_3 : vector<16xf32> to vector<1x16xf32>
    tpu.vector_store %arg21[%swap3A_298, %swap3A_299], %swap3A_302 {strides = array<i32>} : memref<25x64xf32, #tpu.memory_space<vmem>>, vector<1x16xf32>,
    %swap3A_303 = arith.constant 12 : i32
    %swap3A_304 = arith.index_cast %swap3A_303 : i32 to index
    %swap3A_305 = arith.constant 32 : index
    %swap3A_306 = tpu.vector_load %arg21[%swap3A_304, %swap3A_305] {strides = array<i32>} : memref<25x64xf32, #tpu.memory_space<vmem>>, vector<1x16xf32>,
    %swap3A_307 = vector.shape_cast %swap3A_306 : vector<1x16xf32> to vector<16xf32>
    %swap3A_308 = vector.shape_cast %broadcast_in_dim3A_3 : vector<16xf32> to vector<1x16xf32>
    tpu.vector_store %arg21[%swap3A_304, %swap3A_305], %swap3A_308 {strides = array<i32>} : memref<25x64xf32, #tpu.memory_space<vmem>>, vector<1x16xf32>,
    %swap3A_309 = arith.constant 12 : i32
    %swap3A_310 = arith.index_cast %swap3A_309 : i32 to index
    %swap3A_311 = arith.constant 48 : index
    %swap3A_312 = tpu.vector_load %arg21[%swap3A_310, %swap3A_311] {strides = array<i32>} : memref<25x64xf32, #tpu.memory_space<vmem>>, vector<1x16xf32>,
    %swap3A_313 = vector.shape_cast %swap3A_312 : vector<1x16xf32> to vector<16xf32>
    %swap3A_314 = vector.shape_cast %broadcast_in_dim3A_3 : vector<16xf32> to vector<1x16xf32>
    tpu.vector_store %arg21[%swap3A_310, %swap3A_311], %swap3A_314 {strides = array<i32>} : memref<25x64xf32, #tpu.memory_space<vmem>>, vector<1x16xf32>,
    %swap3A_315 = arith.constant 13 : i32
    %swap3A_316 = arith.index_cast %swap3A_315 : i32 to index
    %swap3A_317 = arith.constant 0 : index
    %swap3A_318 = tpu.vector_load %arg21[%swap3A_316, %swap3A_317] {strides = array<i32>} : memref<25x64xf32, #tpu.memory_space<vmem>>, vector<1x16xf32>,
    %swap3A_319 = vector.shape_cast %swap3A_318 : vector<1x16xf32> to vector<16xf32>
    %swap3A_320 = vector.shape_cast %broadcast_in_dim3A_3 : vector<16xf32> to vector<1x16xf32>
    tpu.vector_store %arg21[%swap3A_316, %swap3A_317], %swap3A_320 {strides = array<i32>} : memref<25x64xf32, #tpu.memory_space<vmem>>, vector<1x16xf32>,
    %swap3A_321 = arith.constant 13 : i32
    %swap3A_322 = arith.index_cast %swap3A_321 : i32 to index
    %swap3A_323 = arith.constant 16 : index
    %swap3A_324 = tpu.vector_load %arg21[%swap3A_322, %swap3A_323] {strides = array<i32>} : memref<25x64xf32, #tpu.memory_space<vmem>>, vector<1x16xf32>,
    %swap3A_325 = vector.shape_cast %swap3A_324 : vector<1x16xf32> to vector<16xf32>
    %swap3A_326 = vector.shape_cast %broadcast_in_dim3A_3 : vector<16xf32> to vector<1x16xf32>
    tpu.vector_store %arg21[%swap3A_322, %swap3A_323], %swap3A_326 {strides = array<i32>} : memref<25x64xf32, #tpu.memory_space<vmem>>, vector<1x16xf32>,
    %swap3A_327 = arith.constant 13 : i32
    %swap3A_328 = arith.index_cast %swap3A_327 : i32 to index
    %swap3A_329 = arith.constant 32 : index
    %swap3A_330 = tpu.vector_load %arg21[%swap3A_328, %swap3A_329] {strides = array<i32>} : memref<25x64xf32, #tpu.memory_space<vmem>>, vector<1x16xf32>,
    %swap3A_331 = vector.shape_cast %swap3A_330 : vector<1x16xf32> to vector<16xf32>
    %swap3A_332 = vector.shape_cast %broadcast_in_dim3A_3 : vector<16xf32> to vector<1x16xf32>
    tpu.vector_store %arg21[%swap3A_328, %swap3A_329], %swap3A_332 {strides = array<i32>} : memref<25x64xf32, #tpu.memory_space<vmem>>, vector<1x16xf32>,
    %swap3A_333 = arith.constant 13 : i32
    %swap3A_334 = arith.index_cast %swap3A_333 : i32 to index
    %swap3A_335 = arith.constant 48 : index
    %swap3A_336 = tpu.vector_load %arg21[%swap3A_334, %swap3A_335] {strides = array<i32>} : memref<25x64xf32, #tpu.memory_space<vmem>>, vector<1x16xf32>,
    %swap3A_337 = vector.shape_cast %swap3A_336 : vector<1x16xf32> to vector<16xf32>
    %swap3A_338 = vector.shape_cast %broadcast_in_dim3A_3 : vector<16xf32> to vector<1x16xf32>
    tpu.vector_store %arg21[%swap3A_334, %swap3A_335], %swap3A_338 {strides = array<i32>} : memref<25x64xf32, #tpu.memory_space<vmem>>, vector<1x16xf32>,
    %swap3A_339 = arith.constant 14 : i32
    %swap3A_340 = arith.index_cast %swap3A_339 : i32 to index
    %swap3A_341 = arith.constant 0 : index
    %swap3A_342 = tpu.vector_load %arg21[%swap3A_340, %swap3A_341] {strides = array<i32>} : memref<25x64xf32, #tpu.memory_space<vmem>>, vector<1x16xf32>,
    %swap3A_343 = vector.shape_cast %swap3A_342 : vector<1x16xf32> to vector<16xf32>
    %swap3A_344 = vector.shape_cast %broadcast_in_dim3A_3 : vector<16xf32> to vector<1x16xf32>
    tpu.vector_store %arg21[%swap3A_340, %swap3A_341], %swap3A_344 {strides = array<i32>} : memref<25x64xf32, #tpu.memory_space<vmem>>, vector<1x16xf32>,
    %swap3A_345 = arith.constant 14 : i32
    %swap3A_346 = arith.index_cast %swap3A_345 : i32 to index
    %swap3A_347 = arith.constant 16 : index
    %swap3A_348 = tpu.vector_load %arg21[%swap3A_346, %swap3A_347] {strides = array<i32>} : memref<25x64xf32, #tpu.memory_space<vmem>>, vector<1x16xf32>,
    %swap3A_349 = vector.shape_cast %swap3A_348 : vector<1x16xf32> to vector<16xf32>
    %swap3A_350 = vector.shape_cast %broadcast_in_dim3A_3 : vector<16xf32> to vector<1x16xf32>
    tpu.vector_store %arg21[%swap3A_346, %swap3A_347], %swap3A_350 {strides = array<i32>} : memref<25x64xf32, #tpu.memory_space<vmem>>, vector<1x16xf32>,
    %swap3A_351 = arith.constant 14 : i32
    %swap3A_352 = arith.index_cast %swap3A_351 : i32 to index
    %swap3A_353 = arith.constant 32 : index
    %swap3A_354 = tpu.vector_load %arg21[%swap3A_352, %swap3A_353] {strides = array<i32>} : memref<25x64xf32, #tpu.memory_space<vmem>>, vector<1x16xf32>,
    %swap3A_355 = vector.shape_cast %swap3A_354 : vector<1x16xf32> to vector<16xf32>
    %swap3A_356 = vector.shape_cast %broadcast_in_dim3A_3 : vector<16xf32> to vector<1x16xf32>
    tpu.vector_store %arg21[%swap3A_352, %swap3A_353], %swap3A_356 {strides = array<i32>} : memref<25x64xf32, #tpu.memory_space<vmem>>, vector<1x16xf32>,
    %swap3A_357 = arith.constant 14 : i32
    %swap3A_358 = arith.index_cast %swap3A_357 : i32 to index
    %swap3A_359 = arith.constant 48 : index
    %swap3A_360 = tpu.vector_load %arg21[%swap3A_358, %swap3A_359] {strides = array<i32>} : memref<25x64xf32, #tpu.memory_space<vmem>>, vector<1x16xf32>,
    %swap3A_361 = vector.shape_cast %swap3A_360 : vector<1x16xf32> to vector<16xf32>
    %swap3A_362 = vector.shape_cast %broadcast_in_dim3A_3 : vector<16xf32> to vector<1x16xf32>
    tpu.vector_store %arg21[%swap3A_358, %swap3A_359], %swap3A_362 {strides = array<i32>} : memref<25x64xf32, #tpu.memory_space<vmem>>, vector<1x16xf32>,
    %swap3A_363 = arith.constant 15 : i32
    %swap3A_364 = arith.index_cast %swap3A_363 : i32 to index
    %swap3A_365 = arith.constant 0 : index
    %swap3A_366 = tpu.vector_load %arg21[%swap3A_364, %swap3A_365] {strides = array<i32>} : memref<25x64xf32, #tpu.memory_space<vmem>>, vector<1x16xf32>,
    %swap3A_367 = vector.shape_cast %swap3A_366 : vector<1x16xf32> to vector<16xf32>
    %swap3A_368 = vector.shape_cast %broadcast_in_dim3A_3 : vector<16xf32> to vector<1x16xf32>
    tpu.vector_store %arg21[%swap3A_364, %swap3A_365], %swap3A_368 {strides = array<i32>} : memref<25x64xf32, #tpu.memory_space<vmem>>, vector<1x16xf32>,
    %swap3A_369 = arith.constant 15 : i32
    %swap3A_370 = arith.index_cast %swap3A_369 : i32 to index
    %swap3A_371 = arith.constant 16 : index
    %swap3A_372 = tpu.vector_load %arg21[%swap3A_370, %swap3A_371] {strides = array<i32>} : memref<25x64xf32, #tpu.memory_space<vmem>>, vector<1x16xf32>,
    %swap3A_373 = vector.shape_cast %swap3A_372 : vector<1x16xf32> to vector<16xf32>
    %swap3A_374 = vector.shape_cast %broadcast_in_dim3A_3 : vector<16xf32> to vector<1x16xf32>
    tpu.vector_store %arg21[%swap3A_370, %swap3A_371], %swap3A_374 {strides = array<i32>} : memref<25x64xf32, #tpu.memory_space<vmem>>, vector<1x16xf32>,
    %swap3A_375 = arith.constant 15 : i32
    %swap3A_376 = arith.index_cast %swap3A_375 : i32 to index
    %swap3A_377 = arith.constant 32 : index
    %swap3A_378 = tpu.vector_load %arg21[%swap3A_376, %swap3A_377] {strides = array<i32>} : memref<25x64xf32, #tpu.memory_space<vmem>>, vector<1x16xf32>,
    %swap3A_379 = vector.shape_cast %swap3A_378 : vector<1x16xf32> to vector<16xf32>
    %swap3A_380 = vector.shape_cast %broadcast_in_dim3A_3 : vector<16xf32> to vector<1x16xf32>
    tpu.vector_store %arg21[%swap3A_376, %swap3A_377], %swap3A_380 {strides = array<i32>} : memref<25x64xf32, #tpu.memory_space<vmem>>, vector<1x16xf32>,
    %swap3A_381 = arith.constant 15 : i32
    %swap3A_382 = arith.index_cast %swap3A_381 : i32 to index
    %swap3A_383 = arith.constant 48 : index
    %swap3A_384 = tpu.vector_load %arg21[%swap3A_382, %swap3A_383] {strides = array<i32>} : memref<25x64xf32, #tpu.memory_space<vmem>>, vector<1x16xf32>,
    %swap3A_385 = vector.shape_cast %swap3A_384 : vector<1x16xf32> to vector<16xf32>
    %swap3A_386 = vector.shape_cast %broadcast_in_dim3A_3 : vector<16xf32> to vector<1x16xf32>
    tpu.vector_store %arg21[%swap3A_382, %swap3A_383], %swap3A_386 {strides = array<i32>} : memref<25x64xf32, #tpu.memory_space<vmem>>, vector<1x16xf32>,
    %swap3A_387 = arith.constant 16 : i32
    %swap3A_388 = arith.index_cast %swap3A_387 : i32 to index
    %swap3A_389 = arith.constant 0 : index
    %swap3A_390 = tpu.vector_load %arg21[%swap3A_388, %swap3A_389] {strides = array<i32>} : memref<25x64xf32, #tpu.memory_space<vmem>>, vector<1x16xf32>,
    %swap3A_391 = vector.shape_cast %swap3A_390 : vector<1x16xf32> to vector<16xf32>
    %swap3A_392 = vector.shape_cast %broadcast_in_dim3A_3 : vector<16xf32> to vector<1x16xf32>
    tpu.vector_store %arg21[%swap3A_388, %swap3A_389], %swap3A_392 {strides = array<i32>} : memref<25x64xf32, #tpu.memory_space<vmem>>, vector<1x16xf32>,
    %swap3A_393 = arith.constant 16 : i32
    %swap3A_394 = arith.index_cast %swap3A_393 : i32 to index
    %swap3A_395 = arith.constant 16 : index
    %swap3A_396 = tpu.vector_load %arg21[%swap3A_394, %swap3A_395] {strides = array<i32>} : memref<25x64xf32, #tpu.memory_space<vmem>>, vector<1x16xf32>,
    %swap3A_397 = vector.shape_cast %swap3A_396 : vector<1x16xf32> to vector<16xf32>
    %swap3A_398 = vector.shape_cast %broadcast_in_dim3A_3 : vector<16xf32> to vector<1x16xf32>
    tpu.vector_store %arg21[%swap3A_394, %swap3A_395], %swap3A_398 {strides = array<i32>} : memref<25x64xf32, #tpu.memory_space<vmem>>, vector<1x16xf32>,
    %swap3A_399 = arith.constant 16 : i32
    %swap3A_400 = arith.index_cast %swap3A_399 : i32 to index
    %swap3A_401 = arith.constant 32 : index
    %swap3A_402 = tpu.vector_load %arg21[%swap3A_400, %swap3A_401] {strides = array<i32>} : memref<25x64xf32, #tpu.memory_space<vmem>>, vector<1x16xf32>,
    %swap3A_403 = vector.shape_cast %swap3A_402 : vector<1x16xf32> to vector<16xf32>
    %swap3A_404 = vector.shape_cast %broadcast_in_dim3A_3 : vector<16xf32> to vector<1x16xf32>
    tpu.vector_store %arg21[%swap3A_400, %swap3A_401], %swap3A_404 {strides = array<i32>} : memref<25x64xf32, #tpu.memory_space<vmem>>, vector<1x16xf32>,
    %swap3A_405 = arith.constant 16 : i32
    %swap3A_406 = arith.index_cast %swap3A_405 : i32 to index
    %swap3A_407 = arith.constant 48 : index
    %swap3A_408 = tpu.vector_load %arg21[%swap3A_406, %swap3A_407] {strides = array<i32>} : memref<25x64xf32, #tpu.memory_space<vmem>>, vector<1x16xf32>,
    %swap3A_409 = vector.shape_cast %swap3A_408 : vector<1x16xf32> to vector<16xf32>
    %swap3A_410 = vector.shape_cast %broadcast_in_dim3A_3 : vector<16xf32> to vector<1x16xf32>
    tpu.vector_store %arg21[%swap3A_406, %swap3A_407], %swap3A_410 {strides = array<i32>} : memref<25x64xf32, #tpu.memory_space<vmem>>, vector<1x16xf32>,
    %swap3A_411 = arith.constant 17 : i32
    %swap3A_412 = arith.index_cast %swap3A_411 : i32 to index
    %swap3A_413 = arith.constant 0 : index
    %swap3A_414 = tpu.vector_load %arg21[%swap3A_412, %swap3A_413] {strides = array<i32>} : memref<25x64xf32, #tpu.memory_space<vmem>>, vector<1x16xf32>,
    %swap3A_415 = vector.shape_cast %swap3A_414 : vector<1x16xf32> to vector<16xf32>
    %swap3A_416 = vector.shape_cast %broadcast_in_dim3A_3 : vector<16xf32> to vector<1x16xf32>
    tpu.vector_store %arg21[%swap3A_412, %swap3A_413], %swap3A_416 {strides = array<i32>} : memref<25x64xf32, #tpu.memory_space<vmem>>, vector<1x16xf32>,
    %swap3A_417 = arith.constant 17 : i32
    %swap3A_418 = arith.index_cast %swap3A_417 : i32 to index
    %swap3A_419 = arith.constant 16 : index
    %swap3A_420 = tpu.vector_load %arg21[%swap3A_418, %swap3A_419] {strides = array<i32>} : memref<25x64xf32, #tpu.memory_space<vmem>>, vector<1x16xf32>,
    %swap3A_421 = vector.shape_cast %swap3A_420 : vector<1x16xf32> to vector<16xf32>
    %swap3A_422 = vector.shape_cast %broadcast_in_dim3A_3 : vector<16xf32> to vector<1x16xf32>
    tpu.vector_store %arg21[%swap3A_418, %swap3A_419], %swap3A_422 {strides = array<i32>} : memref<25x64xf32, #tpu.memory_space<vmem>>, vector<1x16xf32>,
    %swap3A_423 = arith.constant 17 : i32
    %swap3A_424 = arith.index_cast %swap3A_423 : i32 to index
    %swap3A_425 = arith.constant 32 : index
    %swap3A_426 = tpu.vector_load %arg21[%swap3A_424, %swap3A_425] {strides = array<i32>} : memref<25x64xf32, #tpu.memory_space<vmem>>, vector<1x16xf32>,
    %swap3A_427 = vector.shape_cast %swap3A_426 : vector<1x16xf32> to vector<16xf32>
    %swap3A_428 = vector.shape_cast %broadcast_in_dim3A_3 : vector<16xf32> to vector<1x16xf32>
    tpu.vector_store %arg21[%swap3A_424, %swap3A_425], %swap3A_428 {strides = array<i32>} : memref<25x64xf32, #tpu.memory_space<vmem>>, vector<1x16xf32>,
    %swap3A_429 = arith.constant 17 : i32
    %swap3A_430 = arith.index_cast %swap3A_429 : i32 to index
    %swap3A_431 = arith.constant 48 : index
    %swap3A_432 = tpu.vector_load %arg21[%swap3A_430, %swap3A_431] {strides = array<i32>} : memref<25x64xf32, #tpu.memory_space<vmem>>, vector<1x16xf32>,
    %swap3A_433 = vector.shape_cast %swap3A_432 : vector<1x16xf32> to vector<16xf32>
    %swap3A_434 = vector.shape_cast %broadcast_in_dim3A_3 : vector<16xf32> to vector<1x16xf32>
    tpu.vector_store %arg21[%swap3A_430, %swap3A_431], %swap3A_434 {strides = array<i32>} : memref<25x64xf32, #tpu.memory_space<vmem>>, vector<1x16xf32>,
    %swap3A_435 = arith.constant 18 : i32
    %swap3A_436 = arith.index_cast %swap3A_435 : i32 to index
    %swap3A_437 = arith.constant 0 : index
    %swap3A_438 = tpu.vector_load %arg21[%swap3A_436, %swap3A_437] {strides = array<i32>} : memref<25x64xf32, #tpu.memory_space<vmem>>, vector<1x16xf32>,
    %swap3A_439 = vector.shape_cast %swap3A_438 : vector<1x16xf32> to vector<16xf32>
    %swap3A_440 = vector.shape_cast %broadcast_in_dim3A_3 : vector<16xf32> to vector<1x16xf32>
    tpu.vector_store %arg21[%swap3A_436, %swap3A_437], %swap3A_440 {strides = array<i32>} : memref<25x64xf32, #tpu.memory_space<vmem>>, vector<1x16xf32>,
    %swap3A_441 = arith.constant 18 : i32
    %swap3A_442 = arith.index_cast %swap3A_441 : i32 to index
    %swap3A_443 = arith.constant 16 : index
    %swap3A_444 = tpu.vector_load %arg21[%swap3A_442, %swap3A_443] {strides = array<i32>} : memref<25x64xf32, #tpu.memory_space<vmem>>, vector<1x16xf32>,
    %swap3A_445 = vector.shape_cast %swap3A_444 : vector<1x16xf32> to vector<16xf32>
    %swap3A_446 = vector.shape_cast %broadcast_in_dim3A_3 : vector<16xf32> to vector<1x16xf32>
    tpu.vector_store %arg21[%swap3A_442, %swap3A_443], %swap3A_446 {strides = array<i32>} : memref<25x64xf32, #tpu.memory_space<vmem>>, vector<1x16xf32>,
    %swap3A_447 = arith.constant 18 : i32
    %swap3A_448 = arith.index_cast %swap3A_447 : i32 to index
    %swap3A_449 = arith.constant 32 : index
    %swap3A_450 = tpu.vector_load %arg21[%swap3A_448, %swap3A_449] {strides = array<i32>} : memref<25x64xf32, #tpu.memory_space<vmem>>, vector<1x16xf32>,
    %swap3A_451 = vector.shape_cast %swap3A_450 : vector<1x16xf32> to vector<16xf32>
    %swap3A_452 = vector.shape_cast %broadcast_in_dim3A_3 : vector<16xf32> to vector<1x16xf32>
    tpu.vector_store %arg21[%swap3A_448, %swap3A_449], %swap3A_452 {strides = array<i32>} : memref<25x64xf32, #tpu.memory_space<vmem>>, vector<1x16xf32>,
    %swap3A_453 = arith.constant 18 : i32
    %swap3A_454 = arith.index_cast %swap3A_453 : i32 to index
    %swap3A_455 = arith.constant 48 : index
    %swap3A_456 = tpu.vector_load %arg21[%swap3A_454, %swap3A_455] {strides = array<i32>} : memref<25x64xf32, #tpu.memory_space<vmem>>, vector<1x16xf32>,
    %swap3A_457 = vector.shape_cast %swap3A_456 : vector<1x16xf32> to vector<16xf32>
    %swap3A_458 = vector.shape_cast %broadcast_in_dim3A_3 : vector<16xf32> to vector<1x16xf32>
    tpu.vector_store %arg21[%swap3A_454, %swap3A_455], %swap3A_458 {strides = array<i32>} : memref<25x64xf32, #tpu.memory_space<vmem>>, vector<1x16xf32>,
    %swap3A_459 = arith.constant 19 : i32
    %swap3A_460 = arith.index_cast %swap3A_459 : i32 to index
    %swap3A_461 = arith.constant 0 : index
    %swap3A_462 = tpu.vector_load %arg21[%swap3A_460, %swap3A_461] {strides = array<i32>} : memref<25x64xf32, #tpu.memory_space<vmem>>, vector<1x16xf32>,
    %swap3A_463 = vector.shape_cast %swap3A_462 : vector<1x16xf32> to vector<16xf32>
    %swap3A_464 = vector.shape_cast %broadcast_in_dim3A_3 : vector<16xf32> to vector<1x16xf32>
    tpu.vector_store %arg21[%swap3A_460, %swap3A_461], %swap3A_464 {strides = array<i32>} : memref<25x64xf32, #tpu.memory_space<vmem>>, vector<1x16xf32>,
    %swap3A_465 = arith.constant 19 : i32
    %swap3A_466 = arith.index_cast %swap3A_465 : i32 to index
    %swap3A_467 = arith.constant 16 : index
    %swap3A_468 = tpu.vector_load %arg21[%swap3A_466, %swap3A_467] {strides = array<i32>} : memref<25x64xf32, #tpu.memory_space<vmem>>, vector<1x16xf32>,
    %swap3A_469 = vector.shape_cast %swap3A_468 : vector<1x16xf32> to vector<16xf32>
    %swap3A_470 = vector.shape_cast %broadcast_in_dim3A_3 : vector<16xf32> to vector<1x16xf32>
    tpu.vector_store %arg21[%swap3A_466, %swap3A_467], %swap3A_470 {strides = array<i32>} : memref<25x64xf32, #tpu.memory_space<vmem>>, vector<1x16xf32>,
    %swap3A_471 = arith.constant 19 : i32
    %swap3A_472 = arith.index_cast %swap3A_471 : i32 to index
    %swap3A_473 = arith.constant 32 : index
    %swap3A_474 = tpu.vector_load %arg21[%swap3A_472, %swap3A_473] {strides = array<i32>} : memref<25x64xf32, #tpu.memory_space<vmem>>, vector<1x16xf32>,
    %swap3A_475 = vector.shape_cast %swap3A_474 : vector<1x16xf32> to vector<16xf32>
    %swap3A_476 = vector.shape_cast %broadcast_in_dim3A_3 : vector<16xf32> to vector<1x16xf32>
    tpu.vector_store %arg21[%swap3A_472, %swap3A_473], %swap3A_476 {strides = array<i32>} : memref<25x64xf32, #tpu.memory_space<vmem>>, vector<1x16xf32>,
    %swap3A_477 = arith.constant 19 : i32
    %swap3A_478 = arith.index_cast %swap3A_477 : i32 to index
    %swap3A_479 = arith.constant 48 : index
    %swap3A_480 = tpu.vector_load %arg21[%swap3A_478, %swap3A_479] {strides = array<i32>} : memref<25x64xf32, #tpu.memory_space<vmem>>, vector<1x16xf32>,
    %swap3A_481 = vector.shape_cast %swap3A_480 : vector<1x16xf32> to vector<16xf32>
    %swap3A_482 = vector.shape_cast %broadcast_in_dim3A_3 : vector<16xf32> to vector<1x16xf32>
    tpu.vector_store %arg21[%swap3A_478, %swap3A_479], %swap3A_482 {strides = array<i32>} : memref<25x64xf32, #tpu.memory_space<vmem>>, vector<1x16xf32>,
    %swap3A_483 = arith.constant 20 : i32
    %swap3A_484 = arith.index_cast %swap3A_483 : i32 to index
    %swap3A_485 = arith.constant 0 : index
    %swap3A_486 = tpu.vector_load %arg21[%swap3A_484, %swap3A_485] {strides = array<i32>} : memref<25x64xf32, #tpu.memory_space<vmem>>, vector<1x16xf32>,
    %swap3A_487 = vector.shape_cast %swap3A_486 : vector<1x16xf32> to vector<16xf32>
    %swap3A_488 = vector.shape_cast %broadcast_in_dim3A_3 : vector<16xf32> to vector<1x16xf32>
    tpu.vector_store %arg21[%swap3A_484, %swap3A_485], %swap3A_488 {strides = array<i32>} : memref<25x64xf32, #tpu.memory_space<vmem>>, vector<1x16xf32>,
    %swap3A_489 = arith.constant 20 : i32
    %swap3A_490 = arith.index_cast %swap3A_489 : i32 to index
    %swap3A_491 = arith.constant 16 : index
    %swap3A_492 = tpu.vector_load %arg21[%swap3A_490, %swap3A_491] {strides = array<i32>} : memref<25x64xf32, #tpu.memory_space<vmem>>, vector<1x16xf32>,
    %swap3A_493 = vector.shape_cast %swap3A_492 : vector<1x16xf32> to vector<16xf32>
    %swap3A_494 = vector.shape_cast %broadcast_in_dim3A_3 : vector<16xf32> to vector<1x16xf32>
    tpu.vector_store %arg21[%swap3A_490, %swap3A_491], %swap3A_494 {strides = array<i32>} : memref<25x64xf32, #tpu.memory_space<vmem>>, vector<1x16xf32>,
    %swap3A_495 = arith.constant 20 : i32
    %swap3A_496 = arith.index_cast %swap3A_495 : i32 to index
    %swap3A_497 = arith.constant 32 : index
    %swap3A_498 = tpu.vector_load %arg21[%swap3A_496, %swap3A_497] {strides = array<i32>} : memref<25x64xf32, #tpu.memory_space<vmem>>, vector<1x16xf32>,
    %swap3A_499 = vector.shape_cast %swap3A_498 : vector<1x16xf32> to vector<16xf32>
    %swap3A_500 = vector.shape_cast %broadcast_in_dim3A_3 : vector<16xf32> to vector<1x16xf32>
    tpu.vector_store %arg21[%swap3A_496, %swap3A_497], %swap3A_500 {strides = array<i32>} : memref<25x64xf32, #tpu.memory_space<vmem>>, vector<1x16xf32>,
    %swap3A_501 = arith.constant 20 : i32
    %swap3A_502 = arith.index_cast %swap3A_501 : i32 to index
    %swap3A_503 = arith.constant 48 : index
    %swap3A_504 = tpu.vector_load %arg21[%swap3A_502, %swap3A_503] {strides = array<i32>} : memref<25x64xf32, #tpu.memory_space<vmem>>, vector<1x16xf32>,
    %swap3A_505 = vector.shape_cast %swap3A_504 : vector<1x16xf32> to vector<16xf32>
    %swap3A_506 = vector.shape_cast %broadcast_in_dim3A_3 : vector<16xf32> to vector<1x16xf32>
    tpu.vector_store %arg21[%swap3A_502, %swap3A_503], %swap3A_506 {strides = array<i32>} : memref<25x64xf32, #tpu.memory_space<vmem>>, vector<1x16xf32>,
    %swap3A_507 = arith.constant 21 : i32
    %swap3A_508 = arith.index_cast %swap3A_507 : i32 to index
    %swap3A_509 = arith.constant 0 : index
    %swap3A_510 = tpu.vector_load %arg21[%swap3A_508, %swap3A_509] {strides = array<i32>} : memref<25x64xf32, #tpu.memory_space<vmem>>, vector<1x16xf32>,
    %swap3A_511 = vector.shape_cast %swap3A_510 : vector<1x16xf32> to vector<16xf32>
    %swap3A_512 = vector.shape_cast %broadcast_in_dim3A_3 : vector<16xf32> to vector<1x16xf32>
    tpu.vector_store %arg21[%swap3A_508, %swap3A_509], %swap3A_512 {strides = array<i32>} : memref<25x64xf32, #tpu.memory_space<vmem>>, vector<1x16xf32>,
    %swap3A_513 = arith.constant 21 : i32
    %swap3A_514 = arith.index_cast %swap3A_513 : i32 to index
    %swap3A_515 = arith.constant 16 : index
    %swap3A_516 = tpu.vector_load %arg21[%swap3A_514, %swap3A_515] {strides = array<i32>} : memref<25x64xf32, #tpu.memory_space<vmem>>, vector<1x16xf32>,
    %swap3A_517 = vector.shape_cast %swap3A_516 : vector<1x16xf32> to vector<16xf32>
    %swap3A_518 = vector.shape_cast %broadcast_in_dim3A_3 : vector<16xf32> to vector<1x16xf32>
    tpu.vector_store %arg21[%swap3A_514, %swap3A_515], %swap3A_518 {strides = array<i32>} : memref<25x64xf32, #tpu.memory_space<vmem>>, vector<1x16xf32>,
    %swap3A_519 = arith.constant 21 : i32
    %swap3A_520 = arith.index_cast %swap3A_519 : i32 to index
    %swap3A_521 = arith.constant 32 : index
    %swap3A_522 = tpu.vector_load %arg21[%swap3A_520, %swap3A_521] {strides = array<i32>} : memref<25x64xf32, #tpu.memory_space<vmem>>, vector<1x16xf32>,
    %swap3A_523 = vector.shape_cast %swap3A_522 : vector<1x16xf32> to vector<16xf32>
    %swap3A_524 = vector.shape_cast %broadcast_in_dim3A_3 : vector<16xf32> to vector<1x16xf32>
    tpu.vector_store %arg21[%swap3A_520, %swap3A_521], %swap3A_524 {strides = array<i32>} : memref<25x64xf32, #tpu.memory_space<vmem>>, vector<1x16xf32>,
    %swap3A_525 = arith.constant 21 : i32
    %swap3A_526 = arith.index_cast %swap3A_525 : i32 to index
    %swap3A_527 = arith.constant 48 : index
    %swap3A_528 = tpu.vector_load %arg21[%swap3A_526, %swap3A_527] {strides = array<i32>} : memref<25x64xf32, #tpu.memory_space<vmem>>, vector<1x16xf32>,
    %swap3A_529 = vector.shape_cast %swap3A_528 : vector<1x16xf32> to vector<16xf32>
    %swap3A_530 = vector.shape_cast %broadcast_in_dim3A_3 : vector<16xf32> to vector<1x16xf32>
    tpu.vector_store %arg21[%swap3A_526, %swap3A_527], %swap3A_530 {strides = array<i32>} : memref<25x64xf32, #tpu.memory_space<vmem>>, vector<1x16xf32>,
    %swap3A_531 = arith.constant 22 : i32
    %swap3A_532 = arith.index_cast %swap3A_531 : i32 to index
    %swap3A_533 = arith.constant 0 : index
    %swap3A_534 = tpu.vector_load %arg21[%swap3A_532, %swap3A_533] {strides = array<i32>} : memref<25x64xf32, #tpu.memory_space<vmem>>, vector<1x16xf32>,
    %swap3A_535 = vector.shape_cast %swap3A_534 : vector<1x16xf32> to vector<16xf32>
    %swap3A_536 = vector.shape_cast %broadcast_in_dim3A_3 : vector<16xf32> to vector<1x16xf32>
    tpu.vector_store %arg21[%swap3A_532, %swap3A_533], %swap3A_536 {strides = array<i32>} : memref<25x64xf32, #tpu.memory_space<vmem>>, vector<1x16xf32>,
    %swap3A_537 = arith.constant 22 : i32
    %swap3A_538 = arith.index_cast %swap3A_537 : i32 to index
    %swap3A_539 = arith.constant 16 : index
    %swap3A_540 = tpu.vector_load %arg21[%swap3A_538, %swap3A_539] {strides = array<i32>} : memref<25x64xf32, #tpu.memory_space<vmem>>, vector<1x16xf32>,
    %swap3A_541 = vector.shape_cast %swap3A_540 : vector<1x16xf32> to vector<16xf32>
    %swap3A_542 = vector.shape_cast %broadcast_in_dim3A_3 : vector<16xf32> to vector<1x16xf32>
    tpu.vector_store %arg21[%swap3A_538, %swap3A_539], %swap3A_542 {strides = array<i32>} : memref<25x64xf32, #tpu.memory_space<vmem>>, vector<1x16xf32>,
    %swap3A_543 = arith.constant 22 : i32
    %swap3A_544 = arith.index_cast %swap3A_543 : i32 to index
    %swap3A_545 = arith.constant 32 : index
    %swap3A_546 = tpu.vector_load %arg21[%swap3A_544, %swap3A_545] {strides = array<i32>} : memref<25x64xf32, #tpu.memory_space<vmem>>, vector<1x16xf32>,
    %swap3A_547 = vector.shape_cast %swap3A_546 : vector<1x16xf32> to vector<16xf32>
    %swap3A_548 = vector.shape_cast %broadcast_in_dim3A_3 : vector<16xf32> to vector<1x16xf32>
    tpu.vector_store %arg21[%swap3A_544, %swap3A_545], %swap3A_548 {strides = array<i32>} : memref<25x64xf32, #tpu.memory_space<vmem>>, vector<1x16xf32>,
    %swap3A_549 = arith.constant 22 : i32
    %swap3A_550 = arith.index_cast %swap3A_549 : i32 to index
    %swap3A_551 = arith.constant 48 : index
    %swap3A_552 = tpu.vector_load %arg21[%swap3A_550, %swap3A_551] {strides = array<i32>} : memref<25x64xf32, #tpu.memory_space<vmem>>, vector<1x16xf32>,
    %swap3A_553 = vector.shape_cast %swap3A_552 : vector<1x16xf32> to vector<16xf32>
    %swap3A_554 = vector.shape_cast %broadcast_in_dim3A_3 : vector<16xf32> to vector<1x16xf32>
    tpu.vector_store %arg21[%swap3A_550, %swap3A_551], %swap3A_554 {strides = array<i32>} : memref<25x64xf32, #tpu.memory_space<vmem>>, vector<1x16xf32>,
    %swap3A_555 = arith.constant 23 : i32
    %swap3A_556 = arith.index_cast %swap3A_555 : i32 to index
    %swap3A_557 = arith.constant 0 : index
    %swap3A_558 = tpu.vector_load %arg21[%swap3A_556, %swap3A_557] {strides = array<i32>} : memref<25x64xf32, #tpu.memory_space<vmem>>, vector<1x16xf32>,
    %swap3A_559 = vector.shape_cast %swap3A_558 : vector<1x16xf32> to vector<16xf32>
    %swap3A_560 = vector.shape_cast %broadcast_in_dim3A_3 : vector<16xf32> to vector<1x16xf32>
    tpu.vector_store %arg21[%swap3A_556, %swap3A_557], %swap3A_560 {strides = array<i32>} : memref<25x64xf32, #tpu.memory_space<vmem>>, vector<1x16xf32>,
    %swap3A_561 = arith.constant 23 : i32
    %swap3A_562 = arith.index_cast %swap3A_561 : i32 to index
    %swap3A_563 = arith.constant 16 : index
    %swap3A_564 = tpu.vector_load %arg21[%swap3A_562, %swap3A_563] {strides = array<i32>} : memref<25x64xf32, #tpu.memory_space<vmem>>, vector<1x16xf32>,
    %swap3A_565 = vector.shape_cast %swap3A_564 : vector<1x16xf32> to vector<16xf32>
    %swap3A_566 = vector.shape_cast %broadcast_in_dim3A_3 : vector<16xf32> to vector<1x16xf32>
    tpu.vector_store %arg21[%swap3A_562, %swap3A_563], %swap3A_566 {strides = array<i32>} : memref<25x64xf32, #tpu.memory_space<vmem>>, vector<1x16xf32>,
    %swap3A_567 = arith.constant 23 : i32
    %swap3A_568 = arith.index_cast %swap3A_567 : i32 to index
    %swap3A_569 = arith.constant 32 : index
    %swap3A_570 = tpu.vector_load %arg21[%swap3A_568, %swap3A_569] {strides = array<i32>} : memref<25x64xf32, #tpu.memory_space<vmem>>, vector<1x16xf32>,
    %swap3A_571 = vector.shape_cast %swap3A_570 : vector<1x16xf32> to vector<16xf32>
    %swap3A_572 = vector.shape_cast %broadcast_in_dim3A_3 : vector<16xf32> to vector<1x16xf32>
    tpu.vector_store %arg21[%swap3A_568, %swap3A_569], %swap3A_572 {strides = array<i32>} : memref<25x64xf32, #tpu.memory_space<vmem>>, vector<1x16xf32>,
    %swap3A_573 = arith.constant 23 : i32
    %swap3A_574 = arith.index_cast %swap3A_573 : i32 to index
    %swap3A_575 = arith.constant 48 : index
    %swap3A_576 = tpu.vector_load %arg21[%swap3A_574, %swap3A_575] {strides = array<i32>} : memref<25x64xf32, #tpu.memory_space<vmem>>, vector<1x16xf32>,
    %swap3A_577 = vector.shape_cast %swap3A_576 : vector<1x16xf32> to vector<16xf32>
    %swap3A_578 = vector.shape_cast %broadcast_in_dim3A_3 : vector<16xf32> to vector<1x16xf32>
    tpu.vector_store %arg21[%swap3A_574, %swap3A_575], %swap3A_578 {strides = array<i32>} : memref<25x64xf32, #tpu.memory_space<vmem>>, vector<1x16xf32>,
    %swap3A_579 = arith.constant 24 : i32
    %swap3A_580 = arith.index_cast %swap3A_579 : i32 to index
    %swap3A_581 = arith.constant 0 : index
    %swap3A_582 = tpu.vector_load %arg21[%swap3A_580, %swap3A_581] {strides = array<i32>} : memref<25x64xf32, #tpu.memory_space<vmem>>, vector<1x16xf32>,
    %swap3A_583 = vector.shape_cast %swap3A_582 : vector<1x16xf32> to vector<16xf32>
    %swap3A_584 = vector.shape_cast %broadcast_in_dim3A_3 : vector<16xf32> to vector<1x16xf32>
    tpu.vector_store %arg21[%swap3A_580, %swap3A_581], %swap3A_584 {strides = array<i32>} : memref<25x64xf32, #tpu.memory_space<vmem>>, vector<1x16xf32>,
    %swap3A_585 = arith.constant 24 : i32
    %swap3A_586 = arith.index_cast %swap3A_585 : i32 to index
    %swap3A_587 = arith.constant 16 : index
    %swap3A_588 = tpu.vector_load %arg21[%swap3A_586, %swap3A_587] {strides = array<i32>} : memref<25x64xf32, #tpu.memory_space<vmem>>, vector<1x16xf32>,
    %swap3A_589 = vector.shape_cast %swap3A_588 : vector<1x16xf32> to vector<16xf32>
    %swap3A_590 = vector.shape_cast %broadcast_in_dim3A_3 : vector<16xf32> to vector<1x16xf32>
    tpu.vector_store %arg21[%swap3A_586, %swap3A_587], %swap3A_590 {strides = array<i32>} : memref<25x64xf32, #tpu.memory_space<vmem>>, vector<1x16xf32>,
    %swap3A_591 = arith.constant 24 : i32
    %swap3A_592 = arith.index_cast %swap3A_591 : i32 to index
    %swap3A_593 = arith.constant 32 : index
    %swap3A_594 = tpu.vector_load %arg21[%swap3A_592, %swap3A_593] {strides = array<i32>} : memref<25x64xf32, #tpu.memory_space<vmem>>, vector<1x16xf32>,
    %swap3A_595 = vector.shape_cast %swap3A_594 : vector<1x16xf32> to vector<16xf32>
    %swap3A_596 = vector.shape_cast %broadcast_in_dim3A_3 : vector<16xf32> to vector<1x16xf32>
    tpu.vector_store %arg21[%swap3A_592, %swap3A_593], %swap3A_596 {strides = array<i32>} : memref<25x64xf32, #tpu.memory_space<vmem>>, vector<1x16xf32>,
    %swap3A_597 = arith.constant 24 : i32
    %swap3A_598 = arith.index_cast %swap3A_597 : i32 to index
    %swap3A_599 = arith.constant 48 : index
    %swap3A_600 = tpu.vector_load %arg21[%swap3A_598, %swap3A_599] {strides = array<i32>} : memref<25x64xf32, #tpu.memory_space<vmem>>, vector<1x16xf32>,
    %swap3A_601 = vector.shape_cast %swap3A_600 : vector<1x16xf32> to vector<16xf32>
    %swap3A_602 = vector.shape_cast %broadcast_in_dim3A_3 : vector<16xf32> to vector<1x16xf32>
    tpu.vector_store %arg21[%swap3A_598, %swap3A_599], %swap3A_602 {strides = array<i32>} : memref<25x64xf32, #tpu.memory_space<vmem>>, vector<1x16xf32>,
    %add3A_603 = arith.constant 0 : i32
    %add3A_604 = arith.addi %mul3A_2, %add3A_603 : i32
    %dma_start3A = arith.constant 0 : i32
    %dma_start3A_605 = tpu.memref_slice %arg22[%add3A_604, %dma_start3A] : memref<10000x64xf32, #tpu.memory_space<vmem_shared>> -> memref<25x64xf32, #tpu.memory_space<vmem_shared>>
    %dma_start3A_606 = arith.constant 0 : i32
    %dma_start3A_607 = tpu.memref_slice %arg22[%add3A_604, %dma_start3A_606] : memref<10000x64xf32, #tpu.memory_space<vmem_shared>> -> memref<25x64xf32, #tpu.memory_space<vmem_shared>>
    tpu.enqueue_dma source(%arg21 : memref<25x64xf32, #tpu.memory_space<vmem>>) target(%dma_start3A_607 : memref<25x64xf32, #tpu.memory_space<vmem_shared>>) target_semaphore(%arg36 : memref<!tpu.dma_semaphore, #tpu.memory_space<semaphore_mem>>)
    %add3A_608 = arith.constant 25 : i32
    %add3A_609 = arith.addi %mul3A_2, %add3A_608 : i32
    %dma_start3A_610 = arith.constant 0 : i32
    %dma_start3A_611 = tpu.memref_slice %arg22[%add3A_609, %dma_start3A_610] : memref<10000x64xf32, #tpu.memory_space<vmem_shared>> -> memref<25x64xf32, #tpu.memory_space<vmem_shared>>
    %dma_start3A_612 = arith.constant 0 : i32
    %dma_start3A_613 = tpu.memref_slice %arg22[%add3A_609, %dma_start3A_612] : memref<10000x64xf32, #tpu.memory_space<vmem_shared>> -> memref<25x64xf32, #tpu.memory_space<vmem_shared>>
    tpu.enqueue_dma source(%arg21 : memref<25x64xf32, #tpu.memory_space<vmem>>) target(%dma_start3A_613 : memref<25x64xf32, #tpu.memory_space<vmem_shared>>) target_semaphore(%arg36 : memref<!tpu.dma_semaphore, #tpu.memory_space<semaphore_mem>>)
    %add3A_614 = arith.constant 50 : i32
    %add3A_615 = arith.addi %mul3A_2, %add3A_614 : i32
    %dma_start3A_616 = arith.constant 0 : i32
    %dma_start3A_617 = tpu.memref_slice %arg22[%add3A_615, %dma_start3A_616] : memref<10000x64xf32, #tpu.memory_space<vmem_shared>> -> memref<25x64xf32, #tpu.memory_space<vmem_shared>>
    %dma_start3A_618 = arith.constant 0 : i32
    %dma_start3A_619 = tpu.memref_slice %arg22[%add3A_615, %dma_start3A_618] : memref<10000x64xf32, #tpu.memory_space<vmem_shared>> -> memref<25x64xf32, #tpu.memory_space<vmem_shared>>
    tpu.enqueue_dma source(%arg21 : memref<25x64xf32, #tpu.memory_space<vmem>>) target(%dma_start3A_619 : memref<25x64xf32, #tpu.memory_space<vmem_shared>>) target_semaphore(%arg36 : memref<!tpu.dma_semaphore, #tpu.memory_space<semaphore_mem>>)
    %add3A_620 = arith.constant 75 : i32
    %add3A_621 = arith.addi %mul3A_2, %add3A_620 : i32
    %dma_start3A_622 = arith.constant 0 : i32
    %dma_start3A_623 = tpu.memref_slice %arg22[%add3A_621, %dma_start3A_622] : memref<10000x64xf32, #tpu.memory_space<vmem_shared>> -> memref<25x64xf32, #tpu.memory_space<vmem_shared>>
    %dma_start3A_624 = arith.constant 0 : i32
    %dma_start3A_625 = tpu.memref_slice %arg22[%add3A_621, %dma_start3A_624] : memref<10000x64xf32, #tpu.memory_space<vmem_shared>> -> memref<25x64xf32, #tpu.memory_space<vmem_shared>>
    tpu.enqueue_dma source(%arg21 : memref<25x64xf32, #tpu.memory_space<vmem>>) target(%dma_start3A_625 : memref<25x64xf32, #tpu.memory_space<vmem_shared>>) target_semaphore(%arg36 : memref<!tpu.dma_semaphore, #tpu.memory_space<semaphore_mem>>)
    %add3A_626 = arith.constant 100 : i32
    %add3A_627 = arith.addi %mul3A_2, %add3A_626 : i32
    %dma_start3A_628 = arith.constant 0 : i32
    %dma_start3A_629 = tpu.memref_slice %arg22[%add3A_627, %dma_start3A_628] : memref<10000x64xf32, #tpu.memory_space<vmem_shared>> -> memref<25x64xf32, #tpu.memory_space<vmem_shared>>
    %dma_start3A_630 = arith.constant 0 : i32
    %dma_start3A_631 = tpu.memref_slice %arg22[%add3A_627, %dma_start3A_630] : memref<10000x64xf32, #tpu.memory_space<vmem_shared>> -> memref<25x64xf32, #tpu.memory_space<vmem_shared>>
    tpu.enqueue_dma source(%arg21 : memref<25x64xf32, #tpu.memory_space<vmem>>) target(%dma_start3A_631 : memref<25x64xf32, #tpu.memory_space<vmem_shared>>) target_semaphore(%arg36 : memref<!tpu.dma_semaphore, #tpu.memory_space<semaphore_mem>>)
    %add3A_632 = arith.constant 125 : i32
    %add3A_633 = arith.addi %mul3A_2, %add3A_632 : i32
    %dma_start3A_634 = arith.constant 0 : i32
    %dma_start3A_635 = tpu.memref_slice %arg22[%add3A_633, %dma_start3A_634] : memref<10000x64xf32, #tpu.memory_space<vmem_shared>> -> memref<25x64xf32, #tpu.memory_space<vmem_shared>>
    %dma_start3A_636 = arith.constant 0 : i32
    %dma_start3A_637 = tpu.memref_slice %arg22[%add3A_633, %dma_start3A_636] : memref<10000x64xf32, #tpu.memory_space<vmem_shared>> -> memref<25x64xf32, #tpu.memory_space<vmem_shared>>
    tpu.enqueue_dma source(%arg21 : memref<25x64xf32, #tpu.memory_space<vmem>>) target(%dma_start3A_637 : memref<25x64xf32, #tpu.memory_space<vmem_shared>>) target_semaphore(%arg36 : memref<!tpu.dma_semaphore, #tpu.memory_space<semaphore_mem>>)
    %add3A_638 = arith.constant 150 : i32
    %add3A_639 = arith.addi %mul3A_2, %add3A_638 : i32
    %dma_start3A_640 = arith.constant 0 : i32
    %dma_start3A_641 = tpu.memref_slice %arg22[%add3A_639, %dma_start3A_640] : memref<10000x64xf32, #tpu.memory_space<vmem_shared>> -> memref<25x64xf32, #tpu.memory_space<vmem_shared>>
    %dma_start3A_642 = arith.constant 0 : i32
    %dma_start3A_643 = tpu.memref_slice %arg22[%add3A_639, %dma_start3A_642] : memref<10000x64xf32, #tpu.memory_space<vmem_shared>> -> memref<25x64xf32, #tpu.memory_space<vmem_shared>>
    tpu.enqueue_dma source(%arg21 : memref<25x64xf32, #tpu.memory_space<vmem>>) target(%dma_start3A_643 : memref<25x64xf32, #tpu.memory_space<vmem_shared>>) target_semaphore(%arg36 : memref<!tpu.dma_semaphore, #tpu.memory_space<semaphore_mem>>)
    %add3A_644 = arith.constant 175 : i32
    %add3A_645 = arith.addi %mul3A_2, %add3A_644 : i32
    %dma_start3A_646 = arith.constant 0 : i32
    %dma_start3A_647 = tpu.memref_slice %arg22[%add3A_645, %dma_start3A_646] : memref<10000x64xf32, #tpu.memory_space<vmem_shared>> -> memref<25x64xf32, #tpu.memory_space<vmem_shared>>
    %dma_start3A_648 = arith.constant 0 : i32
    %dma_start3A_649 = tpu.memref_slice %arg22[%add3A_645, %dma_start3A_648] : memref<10000x64xf32, #tpu.memory_space<vmem_shared>> -> memref<25x64xf32, #tpu.memory_space<vmem_shared>>
    tpu.enqueue_dma source(%arg21 : memref<25x64xf32, #tpu.memory_space<vmem>>) target(%dma_start3A_649 : memref<25x64xf32, #tpu.memory_space<vmem_shared>>) target_semaphore(%arg36 : memref<!tpu.dma_semaphore, #tpu.memory_space<semaphore_mem>>)
    %add3A_650 = arith.constant 200 : i32
    %add3A_651 = arith.addi %mul3A_2, %add3A_650 : i32
    %dma_start3A_652 = arith.constant 0 : i32
    %dma_start3A_653 = tpu.memref_slice %arg22[%add3A_651, %dma_start3A_652] : memref<10000x64xf32, #tpu.memory_space<vmem_shared>> -> memref<25x64xf32, #tpu.memory_space<vmem_shared>>
    %dma_start3A_654 = arith.constant 0 : i32
    %dma_start3A_655 = tpu.memref_slice %arg22[%add3A_651, %dma_start3A_654] : memref<10000x64xf32, #tpu.memory_space<vmem_shared>> -> memref<25x64xf32, #tpu.memory_space<vmem_shared>>
    tpu.enqueue_dma source(%arg21 : memref<25x64xf32, #tpu.memory_space<vmem>>) target(%dma_start3A_655 : memref<25x64xf32, #tpu.memory_space<vmem_shared>>) target_semaphore(%arg36 : memref<!tpu.dma_semaphore, #tpu.memory_space<semaphore_mem>>)
    %add3A_656 = arith.constant 225 : i32
    %add3A_657 = arith.addi %mul3A_2, %add3A_656 : i32
    %dma_start3A_658 = arith.constant 0 : i32
    %dma_start3A_659 = tpu.memref_slice %arg22[%add3A_657, %dma_start3A_658] : memref<10000x64xf32, #tpu.memory_space<vmem_shared>> -> memref<25x64xf32, #tpu.memory_space<vmem_shared>>
    %dma_start3A_660 = arith.constant 0 : i32
    %dma_start3A_661 = tpu.memref_slice %arg22[%add3A_657, %dma_start3A_660] : memref<10000x64xf32, #tpu.memory_space<vmem_shared>> -> memref<25x64xf32, #tpu.memory_space<vmem_shared>>
    tpu.enqueue_dma source(%arg21 : memref<25x64xf32, #tpu.memory_space<vmem>>) target(%dma_start3A_661 : memref<25x64xf32, #tpu.memory_space<vmem_shared>>) target_semaphore(%arg36 : memref<!tpu.dma_semaphore, #tpu.memory_space<semaphore_mem>>)
    %add3A_662 = arith.constant 250 : i32
    %add3A_663 = arith.addi %mul3A_2, %add3A_662 : i32
    %dma_start3A_664 = arith.constant 0 : i32
    %dma_start3A_665 = tpu.memref_slice %arg22[%add3A_663, %dma_start3A_664] : memref<10000x64xf32, #tpu.memory_space<vmem_shared>> -> memref<25x64xf32, #tpu.memory_space<vmem_shared>>
    %dma_start3A_666 = arith.constant 0 : i32
    %dma_start3A_667 = tpu.memref_slice %arg22[%add3A_663, %dma_start3A_666] : memref<10000x64xf32, #tpu.memory_space<vmem_shared>> -> memref<25x64xf32, #tpu.memory_space<vmem_shared>>
    tpu.enqueue_dma source(%arg21 : memref<25x64xf32, #tpu.memory_space<vmem>>) target(%dma_start3A_667 : memref<25x64xf32, #tpu.memory_space<vmem_shared>>) target_semaphore(%arg36 : memref<!tpu.dma_semaphore, #tpu.memory_space<semaphore_mem>>)
    %add3A_668 = arith.constant 275 : i32
    %add3A_669 = arith.addi %mul3A_2, %add3A_668 : i32
    %dma_start3A_670 = arith.constant 0 : i32
    %dma_start3A_671 = tpu.memref_slice %arg22[%add3A_669, %dma_start3A_670] : memref<10000x64xf32, #tpu.memory_space<vmem_shared>> -> memref<25x64xf32, #tpu.memory_space<vmem_shared>>
    %dma_start3A_672 = arith.constant 0 : i32
    %dma_start3A_673 = tpu.memref_slice %arg22[%add3A_669, %dma_start3A_672] : memref<10000x64xf32, #tpu.memory_space<vmem_shared>> -> memref<25x64xf32, #tpu.memory_space<vmem_shared>>
    tpu.enqueue_dma source(%arg21 : memref<25x64xf32, #tpu.memory_space<vmem>>) target(%dma_start3A_673 : memref<25x64xf32, #tpu.memory_space<vmem_shared>>) target_semaphore(%arg36 : memref<!tpu.dma_semaphore, #tpu.memory_space<semaphore_mem>>)
    %add3A_674 = arith.constant 300 : i32
    %add3A_675 = arith.addi %mul3A_2, %add3A_674 : i32
    %dma_start3A_676 = arith.constant 0 : i32
    %dma_start3A_677 = tpu.memref_slice %arg22[%add3A_675, %dma_start3A_676] : memref<10000x64xf32, #tpu.memory_space<vmem_shared>> -> memref<25x64xf32, #tpu.memory_space<vmem_shared>>
    %dma_start3A_678 = arith.constant 0 : i32
    %dma_start3A_679 = tpu.memref_slice %arg22[%add3A_675, %dma_start3A_678] : memref<10000x64xf32, #tpu.memory_space<vmem_shared>> -> memref<25x64xf32, #tpu.memory_space<vmem_shared>>
    tpu.enqueue_dma source(%arg21 : memref<25x64xf32, #tpu.memory_space<vmem>>) target(%dma_start3A_679 : memref<25x64xf32, #tpu.memory_space<vmem_shared>>) target_semaphore(%arg36 : memref<!tpu.dma_semaphore, #tpu.memory_space<semaphore_mem>>)
    %add3A_680 = arith.constant 325 : i32
    %add3A_681 = arith.addi %mul3A_2, %add3A_680 : i32
    %dma_start3A_682 = arith.constant 0 : i32
    %dma_start3A_683 = tpu.memref_slice %arg22[%add3A_681, %dma_start3A_682] : memref<10000x64xf32, #tpu.memory_space<vmem_shared>> -> memref<25x64xf32, #tpu.memory_space<vmem_shared>>
    %dma_start3A_684 = arith.constant 0 : i32
    %dma_start3A_685 = tpu.memref_slice %arg22[%add3A_681, %dma_start3A_684] : memref<10000x64xf32, #tpu.memory_space<vmem_shared>> -> memref<25x64xf32, #tpu.memory_space<vmem_shared>>
    tpu.enqueue_dma source(%arg21 : memref<25x64xf32, #tpu.memory_space<vmem>>) target(%dma_start3A_685 : memref<25x64xf32, #tpu.memory_space<vmem_shared>>) target_semaphore(%arg36 : memref<!tpu.dma_semaphore, #tpu.memory_space<semaphore_mem>>)
    %add3A_686 = arith.constant 350 : i32
    %add3A_687 = arith.addi %mul3A_2, %add3A_686 : i32
    %dma_start3A_688 = arith.constant 0 : i32
    %dma_start3A_689 = tpu.memref_slice %arg22[%add3A_687, %dma_start3A_688] : memref<10000x64xf32, #tpu.memory_space<vmem_shared>> -> memref<25x64xf32, #tpu.memory_space<vmem_shared>>
    %dma_start3A_690 = arith.constant 0 : i32
    %dma_start3A_691 = tpu.memref_slice %arg22[%add3A_687, %dma_start3A_690] : memref<10000x64xf32, #tpu.memory_space<vmem_shared>> -> memref<25x64xf32, #tpu.memory_space<vmem_shared>>
    tpu.enqueue_dma source(%arg21 : memref<25x64xf32, #tpu.memory_space<vmem>>) target(%dma_start3A_691 : memref<25x64xf32, #tpu.memory_space<vmem_shared>>) target_semaphore(%arg36 : memref<!tpu.dma_semaphore, #tpu.memory_space<semaphore_mem>>)
    %add3A_692 = arith.constant 375 : i32
    %add3A_693 = arith.addi %mul3A_2, %add3A_692 : i32
    %dma_start3A_694 = arith.constant 0 : i32
    %dma_start3A_695 = tpu.memref_slice %arg22[%add3A_693, %dma_start3A_694] : memref<10000x64xf32, #tpu.memory_space<vmem_shared>> -> memref<25x64xf32, #tpu.memory_space<vmem_shared>>
    %dma_start3A_696 = arith.constant 0 : i32
    %dma_start3A_697 = tpu.memref_slice %arg22[%add3A_693, %dma_start3A_696] : memref<10000x64xf32, #tpu.memory_space<vmem_shared>> -> memref<25x64xf32, #tpu.memory_space<vmem_shared>>
    tpu.enqueue_dma source(%arg21 : memref<25x64xf32, #tpu.memory_space<vmem>>) target(%dma_start3A_697 : memref<25x64xf32, #tpu.memory_space<vmem_shared>>) target_semaphore(%arg36 : memref<!tpu.dma_semaphore, #tpu.memory_space<semaphore_mem>>)
    %add3A_698 = arith.constant 400 : i32
    %add3A_699 = arith.addi %mul3A_2, %add3A_698 : i32
    %dma_start3A_700 = arith.constant 0 : i32
    %dma_start3A_701 = tpu.memref_slice %arg22[%add3A_699, %dma_start3A_700] : memref<10000x64xf32, #tpu.memory_space<vmem_shared>> -> memref<25x64xf32, #tpu.memory_space<vmem_shared>>
    %dma_start3A_702 = arith.constant 0 : i32
    %dma_start3A_703 = tpu.memref_slice %arg22[%add3A_699, %dma_start3A_702] : memref<10000x64xf32, #tpu.memory_space<vmem_shared>> -> memref<25x64xf32, #tpu.memory_space<vmem_shared>>
    tpu.enqueue_dma source(%arg21 : memref<25x64xf32, #tpu.memory_space<vmem>>) target(%dma_start3A_703 : memref<25x64xf32, #tpu.memory_space<vmem_shared>>) target_semaphore(%arg36 : memref<!tpu.dma_semaphore, #tpu.memory_space<semaphore_mem>>)
    %add3A_704 = arith.constant 425 : i32
    %add3A_705 = arith.addi %mul3A_2, %add3A_704 : i32
    %dma_start3A_706 = arith.constant 0 : i32
    %dma_start3A_707 = tpu.memref_slice %arg22[%add3A_705, %dma_start3A_706] : memref<10000x64xf32, #tpu.memory_space<vmem_shared>> -> memref<25x64xf32, #tpu.memory_space<vmem_shared>>
    %dma_start3A_708 = arith.constant 0 : i32
    %dma_start3A_709 = tpu.memref_slice %arg22[%add3A_705, %dma_start3A_708] : memref<10000x64xf32, #tpu.memory_space<vmem_shared>> -> memref<25x64xf32, #tpu.memory_space<vmem_shared>>
    tpu.enqueue_dma source(%arg21 : memref<25x64xf32, #tpu.memory_space<vmem>>) target(%dma_start3A_709 : memref<25x64xf32, #tpu.memory_space<vmem_shared>>) target_semaphore(%arg36 : memref<!tpu.dma_semaphore, #tpu.memory_space<semaphore_mem>>)
    %add3A_710 = arith.constant 450 : i32
    %add3A_711 = arith.addi %mul3A_2, %add3A_710 : i32
    %dma_start3A_712 = arith.constant 0 : i32
    %dma_start3A_713 = tpu.memref_slice %arg22[%add3A_711, %dma_start3A_712] : memref<10000x64xf32, #tpu.memory_space<vmem_shared>> -> memref<25x64xf32, #tpu.memory_space<vmem_shared>>
    %dma_start3A_714 = arith.constant 0 : i32
    %dma_start3A_715 = tpu.memref_slice %arg22[%add3A_711, %dma_start3A_714] : memref<10000x64xf32, #tpu.memory_space<vmem_shared>> -> memref<25x64xf32, #tpu.memory_space<vmem_shared>>
    tpu.enqueue_dma source(%arg21 : memref<25x64xf32, #tpu.memory_space<vmem>>) target(%dma_start3A_715 : memref<25x64xf32, #tpu.memory_space<vmem_shared>>) target_semaphore(%arg36 : memref<!tpu.dma_semaphore, #tpu.memory_space<semaphore_mem>>)
    %add3A_716 = arith.constant 475 : i32
    %add3A_717 = arith.addi %mul3A_2, %add3A_716 : i32
    %dma_start3A_718 = arith.constant 0 : i32
    %dma_start3A_719 = tpu.memref_slice %arg22[%add3A_717, %dma_start3A_718] : memref<10000x64xf32, #tpu.memory_space<vmem_shared>> -> memref<25x64xf32, #tpu.memory_space<vmem_shared>>
    %dma_start3A_720 = arith.constant 0 : i32
    %dma_start3A_721 = tpu.memref_slice %arg22[%add3A_717, %dma_start3A_720] : memref<10000x64xf32, #tpu.memory_space<vmem_shared>> -> memref<25x64xf32, #tpu.memory_space<vmem_shared>>
    tpu.enqueue_dma source(%arg21 : memref<25x64xf32, #tpu.memory_space<vmem>>) target(%dma_start3A_721 : memref<25x64xf32, #tpu.memory_space<vmem_shared>>) target_semaphore(%arg36 : memref<!tpu.dma_semaphore, #tpu.memory_space<semaphore_mem>>)
    %add3A_722 = arith.constant 500 : i32
    %add3A_723 = arith.addi %mul3A_2, %add3A_722 : i32
    %dma_start3A_724 = arith.constant 0 : i32
    %dma_start3A_725 = tpu.memref_slice %arg22[%add3A_723, %dma_start3A_724] : memref<10000x64xf32, #tpu.memory_space<vmem_shared>> -> memref<25x64xf32, #tpu.memory_space<vmem_shared>>
    %dma_start3A_726 = arith.constant 0 : i32
    %dma_start3A_727 = tpu.memref_slice %arg22[%add3A_723, %dma_start3A_726] : memref<10000x64xf32, #tpu.memory_space<vmem_shared>> -> memref<25x64xf32, #tpu.memory_space<vmem_shared>>
    tpu.enqueue_dma source(%arg21 : memref<25x64xf32, #tpu.memory_space<vmem>>) target(%dma_start3A_727 : memref<25x64xf32, #tpu.memory_space<vmem_shared>>) target_semaphore(%arg36 : memref<!tpu.dma_semaphore, #tpu.memory_space<semaphore_mem>>)
    %add3A_728 = arith.constant 525 : i32
    %add3A_729 = arith.addi %mul3A_2, %add3A_728 : i32
    %dma_start3A_730 = arith.constant 0 : i32
    %dma_start3A_731 = tpu.memref_slice %arg22[%add3A_729, %dma_start3A_730] : memref<10000x64xf32, #tpu.memory_space<vmem_shared>> -> memref<25x64xf32, #tpu.memory_space<vmem_shared>>
    %dma_start3A_732 = arith.constant 0 : i32
    %dma_start3A_733 = tpu.memref_slice %arg22[%add3A_729, %dma_start3A_732] : memref<10000x64xf32, #tpu.memory_space<vmem_shared>> -> memref<25x64xf32, #tpu.memory_space<vmem_shared>>
    tpu.enqueue_dma source(%arg21 : memref<25x64xf32, #tpu.memory_space<vmem>>) target(%dma_start3A_733 : memref<25x64xf32, #tpu.memory_space<vmem_shared>>) target_semaphore(%arg36 : memref<!tpu.dma_semaphore, #tpu.memory_space<semaphore_mem>>)
    %add3A_734 = arith.constant 550 : i32
    %add3A_735 = arith.addi %mul3A_2, %add3A_734 : i32
    %dma_start3A_736 = arith.constant 0 : i32
    %dma_start3A_737 = tpu.memref_slice %arg22[%add3A_735, %dma_start3A_736] : memref<10000x64xf32, #tpu.memory_space<vmem_shared>> -> memref<25x64xf32, #tpu.memory_space<vmem_shared>>
    %dma_start3A_738 = arith.constant 0 : i32
    %dma_start3A_739 = tpu.memref_slice %arg22[%add3A_735, %dma_start3A_738] : memref<10000x64xf32, #tpu.memory_space<vmem_shared>> -> memref<25x64xf32, #tpu.memory_space<vmem_shared>>
    tpu.enqueue_dma source(%arg21 : memref<25x64xf32, #tpu.memory_space<vmem>>) target(%dma_start3A_739 : memref<25x64xf32, #tpu.memory_space<vmem_shared>>) target_semaphore(%arg36 : memref<!tpu.dma_semaphore, #tpu.memory_space<semaphore_mem>>)
    %add3A_740 = arith.constant 575 : i32
    %add3A_741 = arith.addi %mul3A_2, %add3A_740 : i32
    %dma_start3A_742 = arith.constant 0 : i32
    %dma_start3A_743 = tpu.memref_slice %arg22[%add3A_741, %dma_start3A_742] : memref<10000x64xf32, #tpu.memory_space<vmem_shared>> -> memref<25x64xf32, #tpu.memory_space<vmem_shared>>
    %dma_start3A_744 = arith.constant 0 : i32
    %dma_start3A_745 = tpu.memref_slice %arg22[%add3A_741, %dma_start3A_744] : memref<10000x64xf32, #tpu.memory_space<vmem_shared>> -> memref<25x64xf32, #tpu.memory_space<vmem_shared>>
    tpu.enqueue_dma source(%arg21 : memref<25x64xf32, #tpu.memory_space<vmem>>) target(%dma_start3A_745 : memref<25x64xf32, #tpu.memory_space<vmem_shared>>) target_semaphore(%arg36 : memref<!tpu.dma_semaphore, #tpu.memory_space<semaphore_mem>>)
    %add3A_746 = arith.constant 600 : i32
    %add3A_747 = arith.addi %mul3A_2, %add3A_746 : i32
    %dma_start3A_748 = arith.constant 0 : i32
    %dma_start3A_749 = tpu.memref_slice %arg22[%add3A_747, %dma_start3A_748] : memref<10000x64xf32, #tpu.memory_space<vmem_shared>> -> memref<25x64xf32, #tpu.memory_space<vmem_shared>>
    %dma_start3A_750 = arith.constant 0 : i32
    %dma_start3A_751 = tpu.memref_slice %arg22[%add3A_747, %dma_start3A_750] : memref<10000x64xf32, #tpu.memory_space<vmem_shared>> -> memref<25x64xf32, #tpu.memory_space<vmem_shared>>
    tpu.enqueue_dma source(%arg21 : memref<25x64xf32, #tpu.memory_space<vmem>>) target(%dma_start3A_751 : memref<25x64xf32, #tpu.memory_space<vmem_shared>>) target_semaphore(%arg36 : memref<!tpu.dma_semaphore, #tpu.memory_space<semaphore_mem>>)
    %mul3A_752 = arith.constant 10000 : i32
    %mul3A_753 = arith.muli %add3A, %mul3A_752 : i32
    %run_scoped3A = arith.constant 0 : i32
    "tpu.region"() ({
      %run_scoped3A_947 = tpu.sem_alloc : memref<!tpu.dma_semaphore, #tpu.memory_space<semaphore_mem>>
      %dma_start3A_948 = tpu.memref_slice %arg3[%run_scoped3A, %mul3A_753] : memref<2x320000xi32, #tpu.memory_space<hbm>> -> memref<1x10000xi32, #tpu.memory_space<hbm>>
      %dma_start3A_949 = tpu.memref_squeeze %dma_start3A_948 : memref<1x10000xi32, #tpu.memory_space<hbm>> -> memref<10000xi32, #tpu.memory_space<hbm>>
      %dma_start3A_950 = tpu.memref_slice %arg3[%run_scoped3A, %mul3A_753] : memref<2x320000xi32, #tpu.memory_space<hbm>> -> memref<1x10000xi32, #tpu.memory_space<hbm>>
      %dma_start3A_951 = tpu.memref_squeeze %dma_start3A_950 : memref<1x10000xi32, #tpu.memory_space<hbm>> -> memref<10000xi32, #tpu.memory_space<hbm>>
      tpu.enqueue_dma source(%dma_start3A_951 : memref<10000xi32, #tpu.memory_space<hbm>>) target(%arg5 : memref<10000xi32, #tpu.memory_space<vmem>>) target_semaphore(%run_scoped3A_947 : memref<!tpu.dma_semaphore, #tpu.memory_space<semaphore_mem>>)
      %dma_wait3A_952 = tpu.memref_slice %arg3[%run_scoped3A, %mul3A_753] : memref<2x320000xi32, #tpu.memory_space<hbm>> -> memref<1x10000xi32, #tpu.memory_space<hbm>>
      %dma_wait3A_953 = tpu.memref_squeeze %dma_wait3A_952 : memref<1x10000xi32, #tpu.memory_space<hbm>> -> memref<10000xi32, #tpu.memory_space<hbm>>
      %dma_wait3A_954 = tpu.memref_slice %arg3[%run_scoped3A, %mul3A_753] : memref<2x320000xi32, #tpu.memory_space<hbm>> -> memref<1x10000xi32, #tpu.memory_space<hbm>>
      %dma_wait3A_955 = tpu.memref_squeeze %dma_wait3A_954 : memref<1x10000xi32, #tpu.memory_space<hbm>> -> memref<10000xi32, #tpu.memory_space<hbm>>
      tpu.wait_dma2 semaphore(%run_scoped3A_947 : memref<!tpu.dma_semaphore, #tpu.memory_space<semaphore_mem>>) src(%dma_wait3A_955 : memref<10000xi32, #tpu.memory_space<hbm>>) dst(%arg5 : memref<10000xi32, #tpu.memory_space<vmem>>)
      tpu.yield
    }) : () -> ()
    %dma_wait3A = arith.constant 0 : i32
    %dma_wait3A_754 = tpu.memref_slice %arg22[%mul3A_2, %dma_wait3A] : memref<10000x64xf32, #tpu.memory_space<vmem_shared>> -> memref<25x64xf32, #tpu.memory_space<vmem_shared>>
    %dma_wait3A_755 = arith.constant 0 : i32
    %dma_wait3A_756 = tpu.memref_slice %arg22[%mul3A_2, %dma_wait3A_755] : memref<10000x64xf32, #tpu.memory_space<vmem_shared>> -> memref<25x64xf32, #tpu.memory_space<vmem_shared>>
    tpu.wait_dma2 semaphore(%arg36 : memref<!tpu.dma_semaphore, #tpu.memory_space<semaphore_mem>>) src(%arg21 : memref<25x64xf32, #tpu.memory_space<vmem>>) dst(%dma_wait3A_756 : memref<25x64xf32, #tpu.memory_space<vmem_shared>>)
    %dma_wait3A_757 = arith.constant 0 : i32
    %dma_wait3A_758 = tpu.memref_slice %arg22[%mul3A_2, %dma_wait3A_757] : memref<10000x64xf32, #tpu.memory_space<vmem_shared>> -> memref<25x64xf32, #tpu.memory_space<vmem_shared>>
    %dma_wait3A_759 = arith.constant 0 : i32
    %dma_wait3A_760 = tpu.memref_slice %arg22[%mul3A_2, %dma_wait3A_759] : memref<10000x64xf32, #tpu.memory_space<vmem_shared>> -> memref<25x64xf32, #tpu.memory_space<vmem_shared>>
    tpu.wait_dma2 semaphore(%arg36 : memref<!tpu.dma_semaphore, #tpu.memory_space<semaphore_mem>>) src(%arg21 : memref<25x64xf32, #tpu.memory_space<vmem>>) dst(%dma_wait3A_760 : memref<25x64xf32, #tpu.memory_space<vmem_shared>>)
    %dma_wait3A_761 = arith.constant 0 : i32
    %dma_wait3A_762 = tpu.memref_slice %arg22[%mul3A_2, %dma_wait3A_761] : memref<10000x64xf32, #tpu.memory_space<vmem_shared>> -> memref<25x64xf32, #tpu.memory_space<vmem_shared>>
    %dma_wait3A_763 = arith.constant 0 : i32
    %dma_wait3A_764 = tpu.memref_slice %arg22[%mul3A_2, %dma_wait3A_763] : memref<10000x64xf32, #tpu.memory_space<vmem_shared>> -> memref<25x64xf32, #tpu.memory_space<vmem_shared>>
    tpu.wait_dma2 semaphore(%arg36 : memref<!tpu.dma_semaphore, #tpu.memory_space<semaphore_mem>>) src(%arg21 : memref<25x64xf32, #tpu.memory_space<vmem>>) dst(%dma_wait3A_764 : memref<25x64xf32, #tpu.memory_space<vmem_shared>>)
    %dma_wait3A_765 = arith.constant 0 : i32
    %dma_wait3A_766 = tpu.memref_slice %arg22[%mul3A_2, %dma_wait3A_765] : memref<10000x64xf32, #tpu.memory_space<vmem_shared>> -> memref<25x64xf32, #tpu.memory_space<vmem_shared>>
    %dma_wait3A_767 = arith.constant 0 : i32
    %dma_wait3A_768 = tpu.memref_slice %arg22[%mul3A_2, %dma_wait3A_767] : memref<10000x64xf32, #tpu.memory_space<vmem_shared>> -> memref<25x64xf32, #tpu.memory_space<vmem_shared>>
    tpu.wait_dma2 semaphore(%arg36 : memref<!tpu.dma_semaphore, #tpu.memory_space<semaphore_mem>>) src(%arg21 : memref<25x64xf32, #tpu.memory_space<vmem>>) dst(%dma_wait3A_768 : memref<25x64xf32, #tpu.memory_space<vmem_shared>>)
    %dma_wait3A_769 = arith.constant 0 : i32
    %dma_wait3A_770 = tpu.memref_slice %arg22[%mul3A_2, %dma_wait3A_769] : memref<10000x64xf32, #tpu.memory_space<vmem_shared>> -> memref<25x64xf32, #tpu.memory_space<vmem_shared>>
    %dma_wait3A_771 = arith.constant 0 : i32
    %dma_wait3A_772 = tpu.memref_slice %arg22[%mul3A_2, %dma_wait3A_771] : memref<10000x64xf32, #tpu.memory_space<vmem_shared>> -> memref<25x64xf32, #tpu.memory_space<vmem_shared>>
    tpu.wait_dma2 semaphore(%arg36 : memref<!tpu.dma_semaphore, #tpu.memory_space<semaphore_mem>>) src(%arg21 : memref<25x64xf32, #tpu.memory_space<vmem>>) dst(%dma_wait3A_772 : memref<25x64xf32, #tpu.memory_space<vmem_shared>>)
    %dma_wait3A_773 = arith.constant 0 : i32
    %dma_wait3A_774 = tpu.memref_slice %arg22[%mul3A_2, %dma_wait3A_773] : memref<10000x64xf32, #tpu.memory_space<vmem_shared>> -> memref<25x64xf32, #tpu.memory_space<vmem_shared>>
    %dma_wait3A_775 = arith.constant 0 : i32
    %dma_wait3A_776 = tpu.memref_slice %arg22[%mul3A_2, %dma_wait3A_775] : memref<10000x64xf32, #tpu.memory_space<vmem_shared>> -> memref<25x64xf32, #tpu.memory_space<vmem_shared>>
    tpu.wait_dma2 semaphore(%arg36 : memref<!tpu.dma_semaphore, #tpu.memory_space<semaphore_mem>>) src(%arg21 : memref<25x64xf32, #tpu.memory_space<vmem>>) dst(%dma_wait3A_776 : memref<25x64xf32, #tpu.memory_space<vmem_shared>>)
    %dma_wait3A_777 = arith.constant 0 : i32
    %dma_wait3A_778 = tpu.memref_slice %arg22[%mul3A_2, %dma_wait3A_777] : memref<10000x64xf32, #tpu.memory_space<vmem_shared>> -> memref<25x64xf32, #tpu.memory_space<vmem_shared>>
    %dma_wait3A_779 = arith.constant 0 : i32
    %dma_wait3A_780 = tpu.memref_slice %arg22[%mul3A_2, %dma_wait3A_779] : memref<10000x64xf32, #tpu.memory_space<vmem_shared>> -> memref<25x64xf32, #tpu.memory_space<vmem_shared>>
    tpu.wait_dma2 semaphore(%arg36 : memref<!tpu.dma_semaphore, #tpu.memory_space<semaphore_mem>>) src(%arg21 : memref<25x64xf32, #tpu.memory_space<vmem>>) dst(%dma_wait3A_780 : memref<25x64xf32, #tpu.memory_space<vmem_shared>>)
    %dma_wait3A_781 = arith.constant 0 : i32
    %dma_wait3A_782 = tpu.memref_slice %arg22[%mul3A_2, %dma_wait3A_781] : memref<10000x64xf32, #tpu.memory_space<vmem_shared>> -> memref<25x64xf32, #tpu.memory_space<vmem_shared>>
    %dma_wait3A_783 = arith.constant 0 : i32
    %dma_wait3A_784 = tpu.memref_slice %arg22[%mul3A_2, %dma_wait3A_783] : memref<10000x64xf32, #tpu.memory_space<vmem_shared>> -> memref<25x64xf32, #tpu.memory_space<vmem_shared>>
    tpu.wait_dma2 semaphore(%arg36 : memref<!tpu.dma_semaphore, #tpu.memory_space<semaphore_mem>>) src(%arg21 : memref<25x64xf32, #tpu.memory_space<vmem>>) dst(%dma_wait3A_784 : memref<25x64xf32, #tpu.memory_space<vmem_shared>>)
    %dma_wait3A_785 = arith.constant 0 : i32
    %dma_wait3A_786 = tpu.memref_slice %arg22[%mul3A_2, %dma_wait3A_785] : memref<10000x64xf32, #tpu.memory_space<vmem_shared>> -> memref<25x64xf32, #tpu.memory_space<vmem_shared>>
    %dma_wait3A_787 = arith.constant 0 : i32
    %dma_wait3A_788 = tpu.memref_slice %arg22[%mul3A_2, %dma_wait3A_787] : memref<10000x64xf32, #tpu.memory_space<vmem_shared>> -> memref<25x64xf32, #tpu.memory_space<vmem_shared>>
    tpu.wait_dma2 semaphore(%arg36 : memref<!tpu.dma_semaphore, #tpu.memory_space<semaphore_mem>>) src(%arg21 : memref<25x64xf32, #tpu.memory_space<vmem>>) dst(%dma_wait3A_788 : memref<25x64xf32, #tpu.memory_space<vmem_shared>>)
    %dma_wait3A_789 = arith.constant 0 : i32
    %dma_wait3A_790 = tpu.memref_slice %arg22[%mul3A_2, %dma_wait3A_789] : memref<10000x64xf32, #tpu.memory_space<vmem_shared>> -> memref<25x64xf32, #tpu.memory_space<vmem_shared>>
    %dma_wait3A_791 = arith.constant 0 : i32
    %dma_wait3A_792 = tpu.memref_slice %arg22[%mul3A_2, %dma_wait3A_791] : memref<10000x64xf32, #tpu.memory_space<vmem_shared>> -> memref<25x64xf32, #tpu.memory_space<vmem_shared>>
    tpu.wait_dma2 semaphore(%arg36 : memref<!tpu.dma_semaphore, #tpu.memory_space<semaphore_mem>>) src(%arg21 : memref<25x64xf32, #tpu.memory_space<vmem>>) dst(%dma_wait3A_792 : memref<25x64xf32, #tpu.memory_space<vmem_shared>>)
    %dma_wait3A_793 = arith.constant 0 : i32
    %dma_wait3A_794 = tpu.memref_slice %arg22[%mul3A_2, %dma_wait3A_793] : memref<10000x64xf32, #tpu.memory_space<vmem_shared>> -> memref<25x64xf32, #tpu.memory_space<vmem_shared>>
    %dma_wait3A_795 = arith.constant 0 : i32
    %dma_wait3A_796 = tpu.memref_slice %arg22[%mul3A_2, %dma_wait3A_795] : memref<10000x64xf32, #tpu.memory_space<vmem_shared>> -> memref<25x64xf32, #tpu.memory_space<vmem_shared>>
    tpu.wait_dma2 semaphore(%arg36 : memref<!tpu.dma_semaphore, #tpu.memory_space<semaphore_mem>>) src(%arg21 : memref<25x64xf32, #tpu.memory_space<vmem>>) dst(%dma_wait3A_796 : memref<25x64xf32, #tpu.memory_space<vmem_shared>>)
    %dma_wait3A_797 = arith.constant 0 : i32
    %dma_wait3A_798 = tpu.memref_slice %arg22[%mul3A_2, %dma_wait3A_797] : memref<10000x64xf32, #tpu.memory_space<vmem_shared>> -> memref<25x64xf32, #tpu.memory_space<vmem_shared>>
    %dma_wait3A_799 = arith.constant 0 : i32
    %dma_wait3A_800 = tpu.memref_slice %arg22[%mul3A_2, %dma_wait3A_799] : memref<10000x64xf32, #tpu.memory_space<vmem_shared>> -> memref<25x64xf32, #tpu.memory_space<vmem_shared>>
    tpu.wait_dma2 semaphore(%arg36 : memref<!tpu.dma_semaphore, #tpu.memory_space<semaphore_mem>>) src(%arg21 : memref<25x64xf32, #tpu.memory_space<vmem>>) dst(%dma_wait3A_800 : memref<25x64xf32, #tpu.memory_space<vmem_shared>>)
    %dma_wait3A_801 = arith.constant 0 : i32
    %dma_wait3A_802 = tpu.memref_slice %arg22[%mul3A_2, %dma_wait3A_801] : memref<10000x64xf32, #tpu.memory_space<vmem_shared>> -> memref<25x64xf32, #tpu.memory_space<vmem_shared>>
    %dma_wait3A_803 = arith.constant 0 : i32
    %dma_wait3A_804 = tpu.memref_slice %arg22[%mul3A_2, %dma_wait3A_803] : memref<10000x64xf32, #tpu.memory_space<vmem_shared>> -> memref<25x64xf32, #tpu.memory_space<vmem_shared>>
    tpu.wait_dma2 semaphore(%arg36 : memref<!tpu.dma_semaphore, #tpu.memory_space<semaphore_mem>>) src(%arg21 : memref<25x64xf32, #tpu.memory_space<vmem>>) dst(%dma_wait3A_804 : memref<25x64xf32, #tpu.memory_space<vmem_shared>>)
    %dma_wait3A_805 = arith.constant 0 : i32
    %dma_wait3A_806 = tpu.memref_slice %arg22[%mul3A_2, %dma_wait3A_805] : memref<10000x64xf32, #tpu.memory_space<vmem_shared>> -> memref<25x64xf32, #tpu.memory_space<vmem_shared>>
    %dma_wait3A_807 = arith.constant 0 : i32
    %dma_wait3A_808 = tpu.memref_slice %arg22[%mul3A_2, %dma_wait3A_807] : memref<10000x64xf32, #tpu.memory_space<vmem_shared>> -> memref<25x64xf32, #tpu.memory_space<vmem_shared>>
    tpu.wait_dma2 semaphore(%arg36 : memref<!tpu.dma_semaphore, #tpu.memory_space<semaphore_mem>>) src(%arg21 : memref<25x64xf32, #tpu.memory_space<vmem>>) dst(%dma_wait3A_808 : memref<25x64xf32, #tpu.memory_space<vmem_shared>>)
    %dma_wait3A_809 = arith.constant 0 : i32
    %dma_wait3A_810 = tpu.memref_slice %arg22[%mul3A_2, %dma_wait3A_809] : memref<10000x64xf32, #tpu.memory_space<vmem_shared>> -> memref<25x64xf32, #tpu.memory_space<vmem_shared>>
    %dma_wait3A_811 = arith.constant 0 : i32
    %dma_wait3A_812 = tpu.memref_slice %arg22[%mul3A_2, %dma_wait3A_811] : memref<10000x64xf32, #tpu.memory_space<vmem_shared>> -> memref<25x64xf32, #tpu.memory_space<vmem_shared>>
    tpu.wait_dma2 semaphore(%arg36 : memref<!tpu.dma_semaphore, #tpu.memory_space<semaphore_mem>>) src(%arg21 : memref<25x64xf32, #tpu.memory_space<vmem>>) dst(%dma_wait3A_812 : memref<25x64xf32, #tpu.memory_space<vmem_shared>>)
    %dma_wait3A_813 = arith.constant 0 : i32
    %dma_wait3A_814 = tpu.memref_slice %arg22[%mul3A_2, %dma_wait3A_813] : memref<10000x64xf32, #tpu.memory_space<vmem_shared>> -> memref<25x64xf32, #tpu.memory_space<vmem_shared>>
    %dma_wait3A_815 = arith.constant 0 : i32
    %dma_wait3A_816 = tpu.memref_slice %arg22[%mul3A_2, %dma_wait3A_815] : memref<10000x64xf32, #tpu.memory_space<vmem_shared>> -> memref<25x64xf32, #tpu.memory_space<vmem_shared>>
    tpu.wait_dma2 semaphore(%arg36 : memref<!tpu.dma_semaphore, #tpu.memory_space<semaphore_mem>>) src(%arg21 : memref<25x64xf32, #tpu.memory_space<vmem>>) dst(%dma_wait3A_816 : memref<25x64xf32, #tpu.memory_space<vmem_shared>>)
    %dma_wait3A_817 = arith.constant 0 : i32
    %dma_wait3A_818 = tpu.memref_slice %arg22[%mul3A_2, %dma_wait3A_817] : memref<10000x64xf32, #tpu.memory_space<vmem_shared>> -> memref<25x64xf32, #tpu.memory_space<vmem_shared>>
    %dma_wait3A_819 = arith.constant 0 : i32
    %dma_wait3A_820 = tpu.memref_slice %arg22[%mul3A_2, %dma_wait3A_819] : memref<10000x64xf32, #tpu.memory_space<vmem_shared>> -> memref<25x64xf32, #tpu.memory_space<vmem_shared>>
    tpu.wait_dma2 semaphore(%arg36 : memref<!tpu.dma_semaphore, #tpu.memory_space<semaphore_mem>>) src(%arg21 : memref<25x64xf32, #tpu.memory_space<vmem>>) dst(%dma_wait3A_820 : memref<25x64xf32, #tpu.memory_space<vmem_shared>>)
    %dma_wait3A_821 = arith.constant 0 : i32
    %dma_wait3A_822 = tpu.memref_slice %arg22[%mul3A_2, %dma_wait3A_821] : memref<10000x64xf32, #tpu.memory_space<vmem_shared>> -> memref<25x64xf32, #tpu.memory_space<vmem_shared>>
    %dma_wait3A_823 = arith.constant 0 : i32
    %dma_wait3A_824 = tpu.memref_slice %arg22[%mul3A_2, %dma_wait3A_823] : memref<10000x64xf32, #tpu.memory_space<vmem_shared>> -> memref<25x64xf32, #tpu.memory_space<vmem_shared>>
    tpu.wait_dma2 semaphore(%arg36 : memref<!tpu.dma_semaphore, #tpu.memory_space<semaphore_mem>>) src(%arg21 : memref<25x64xf32, #tpu.memory_space<vmem>>) dst(%dma_wait3A_824 : memref<25x64xf32, #tpu.memory_space<vmem_shared>>)
    %dma_wait3A_825 = arith.constant 0 : i32
    %dma_wait3A_826 = tpu.memref_slice %arg22[%mul3A_2, %dma_wait3A_825] : memref<10000x64xf32, #tpu.memory_space<vmem_shared>> -> memref<25x64xf32, #tpu.memory_space<vmem_shared>>
    %dma_wait3A_827 = arith.constant 0 : i32
    %dma_wait3A_828 = tpu.memref_slice %arg22[%mul3A_2, %dma_wait3A_827] : memref<10000x64xf32, #tpu.memory_space<vmem_shared>> -> memref<25x64xf32, #tpu.memory_space<vmem_shared>>
    tpu.wait_dma2 semaphore(%arg36 : memref<!tpu.dma_semaphore, #tpu.memory_space<semaphore_mem>>) src(%arg21 : memref<25x64xf32, #tpu.memory_space<vmem>>) dst(%dma_wait3A_828 : memref<25x64xf32, #tpu.memory_space<vmem_shared>>)
    %dma_wait3A_829 = arith.constant 0 : i32
    %dma_wait3A_830 = tpu.memref_slice %arg22[%mul3A_2, %dma_wait3A_829] : memref<10000x64xf32, #tpu.memory_space<vmem_shared>> -> memref<25x64xf32, #tpu.memory_space<vmem_shared>>
    %dma_wait3A_831 = arith.constant 0 : i32
    %dma_wait3A_832 = tpu.memref_slice %arg22[%mul3A_2, %dma_wait3A_831] : memref<10000x64xf32, #tpu.memory_space<vmem_shared>> -> memref<25x64xf32, #tpu.memory_space<vmem_shared>>
    tpu.wait_dma2 semaphore(%arg36 : memref<!tpu.dma_semaphore, #tpu.memory_space<semaphore_mem>>) src(%arg21 : memref<25x64xf32, #tpu.memory_space<vmem>>) dst(%dma_wait3A_832 : memref<25x64xf32, #tpu.memory_space<vmem_shared>>)
    %dma_wait3A_833 = arith.constant 0 : i32
    %dma_wait3A_834 = tpu.memref_slice %arg22[%mul3A_2, %dma_wait3A_833] : memref<10000x64xf32, #tpu.memory_space<vmem_shared>> -> memref<25x64xf32, #tpu.memory_space<vmem_shared>>
    %dma_wait3A_835 = arith.constant 0 : i32
    %dma_wait3A_836 = tpu.memref_slice %arg22[%mul3A_2, %dma_wait3A_835] : memref<10000x64xf32, #tpu.memory_space<vmem_shared>> -> memref<25x64xf32, #tpu.memory_space<vmem_shared>>
    tpu.wait_dma2 semaphore(%arg36 : memref<!tpu.dma_semaphore, #tpu.memory_space<semaphore_mem>>) src(%arg21 : memref<25x64xf32, #tpu.memory_space<vmem>>) dst(%dma_wait3A_836 : memref<25x64xf32, #tpu.memory_space<vmem_shared>>)
    %dma_wait3A_837 = arith.constant 0 : i32
    %dma_wait3A_838 = tpu.memref_slice %arg22[%mul3A_2, %dma_wait3A_837] : memref<10000x64xf32, #tpu.memory_space<vmem_shared>> -> memref<25x64xf32, #tpu.memory_space<vmem_shared>>
    %dma_wait3A_839 = arith.constant 0 : i32
    %dma_wait3A_840 = tpu.memref_slice %arg22[%mul3A_2, %dma_wait3A_839] : memref<10000x64xf32, #tpu.memory_space<vmem_shared>> -> memref<25x64xf32, #tpu.memory_space<vmem_shared>>
    tpu.wait_dma2 semaphore(%arg36 : memref<!tpu.dma_semaphore, #tpu.memory_space<semaphore_mem>>) src(%arg21 : memref<25x64xf32, #tpu.memory_space<vmem>>) dst(%dma_wait3A_840 : memref<25x64xf32, #tpu.memory_space<vmem_shared>>)
    %dma_wait3A_841 = arith.constant 0 : i32
    %dma_wait3A_842 = tpu.memref_slice %arg22[%mul3A_2, %dma_wait3A_841] : memref<10000x64xf32, #tpu.memory_space<vmem_shared>> -> memref<25x64xf32, #tpu.memory_space<vmem_shared>>
    %dma_wait3A_843 = arith.constant 0 : i32
    %dma_wait3A_844 = tpu.memref_slice %arg22[%mul3A_2, %dma_wait3A_843] : memref<10000x64xf32, #tpu.memory_space<vmem_shared>> -> memref<25x64xf32, #tpu.memory_space<vmem_shared>>
    tpu.wait_dma2 semaphore(%arg36 : memref<!tpu.dma_semaphore, #tpu.memory_space<semaphore_mem>>) src(%arg21 : memref<25x64xf32, #tpu.memory_space<vmem>>) dst(%dma_wait3A_844 : memref<25x64xf32, #tpu.memory_space<vmem_shared>>)
    %dma_wait3A_845 = arith.constant 0 : i32
    %dma_wait3A_846 = tpu.memref_slice %arg22[%mul3A_2, %dma_wait3A_845] : memref<10000x64xf32, #tpu.memory_space<vmem_shared>> -> memref<25x64xf32, #tpu.memory_space<vmem_shared>>
    %dma_wait3A_847 = arith.constant 0 : i32
    %dma_wait3A_848 = tpu.memref_slice %arg22[%mul3A_2, %dma_wait3A_847] : memref<10000x64xf32, #tpu.memory_space<vmem_shared>> -> memref<25x64xf32, #tpu.memory_space<vmem_shared>>
    tpu.wait_dma2 semaphore(%arg36 : memref<!tpu.dma_semaphore, #tpu.memory_space<semaphore_mem>>) src(%arg21 : memref<25x64xf32, #tpu.memory_space<vmem>>) dst(%dma_wait3A_848 : memref<25x64xf32, #tpu.memory_space<vmem_shared>>)
    %dma_wait3A_849 = arith.constant 0 : i32
    %dma_wait3A_850 = tpu.memref_slice %arg22[%mul3A_2, %dma_wait3A_849] : memref<10000x64xf32, #tpu.memory_space<vmem_shared>> -> memref<25x64xf32, #tpu.memory_space<vmem_shared>>
    %dma_wait3A_851 = arith.constant 0 : i32
    %dma_wait3A_852 = tpu.memref_slice %arg22[%mul3A_2, %dma_wait3A_851] : memref<10000x64xf32, #tpu.memory_space<vmem_shared>> -> memref<25x64xf32, #tpu.memory_space<vmem_shared>>
    tpu.wait_dma2 semaphore(%arg36 : memref<!tpu.dma_semaphore, #tpu.memory_space<semaphore_mem>>) src(%arg21 : memref<25x64xf32, #tpu.memory_space<vmem>>) dst(%dma_wait3A_852 : memref<25x64xf32, #tpu.memory_space<vmem_shared>>)
    %add3A_853 = arith.constant 0 : i32
    %add3A_854 = arith.addi %mul3A_753, %add3A_853 : i32
    %multiple_of3A = tpu.assume_multiple %add3A_854, 8 : i32
    %dma_start3A_855 = arith.constant 1 : i32
    %dma_start3A_856 = tpu.memref_slice %arg3[%dma_start3A_855, %multiple_of3A] : memref<2x320000xi32, #tpu.memory_space<hbm>> -> memref<1x128xi32, #tpu.memory_space<hbm>>
    %dma_start3A_857 = tpu.memref_squeeze %dma_start3A_856 : memref<1x128xi32, #tpu.memory_space<hbm>> -> memref<128xi32, #tpu.memory_space<hbm>>
    %dma_start3A_858 = tpu.memref_slice %arg3[%dma_start3A_855, %multiple_of3A] : memref<2x320000xi32, #tpu.memory_space<hbm>> -> memref<1x128xi32, #tpu.memory_space<hbm>>
    %dma_start3A_859 = tpu.memref_squeeze %dma_start3A_858 : memref<1x128xi32, #tpu.memory_space<hbm>> -> memref<128xi32, #tpu.memory_space<hbm>>
    tpu.enqueue_dma source(%dma_start3A_859 : memref<128xi32, #tpu.memory_space<hbm>>) target(%arg6 : memref<128xi32, #tpu.memory_space<vmem>>) target_semaphore(%arg23 : memref<!tpu.dma_semaphore, #tpu.memory_space<semaphore_mem>>)
    %dma_start3A_860 = arith.constant 0 : i32
    %dma_start3A_861 = tpu.memref_slice %arg5[%dma_start3A_860] : memref<10000xi32, #tpu.memory_space<vmem>> -> memref<128xi32, #tpu.memory_space<vmem>>
    %dma_start3A_862 = arith.constant 0 : i32
    %dma_start3A_863 = arith.constant 0 : i32
    %dma_start3A_864 = tpu.memref_slice %arg2[%dma_start3A_862, %dma_start3A_863] : memref<10000x64xf32, #tpu.memory_space<hbm>> -> memref<10000x64xf32, #tpu.memory_space<hbm>>
    tpu.enqueue_indirect_dma source(%dma_start3A_864 : memref<10000x64xf32, #tpu.memory_space<hbm>>) target(%arg12 : memref<128x64xf32, #tpu.memory_space<vmem>>) offsets(%dma_start3A_861 : memref<128xi32, #tpu.memory_space<vmem>>) semaphore(%arg29 : memref<!tpu.dma_semaphore, #tpu.memory_space<semaphore_mem>>)
    %add3A_865 = arith.constant 128 : i32
    %add3A_866 = arith.addi %mul3A_753, %add3A_865 : i32
    %multiple_of3A_867 = tpu.assume_multiple %add3A_866, 8 : i32
    %dma_start3A_868 = arith.constant 1 : i32
    %dma_start3A_869 = tpu.memref_slice %arg3[%dma_start3A_868, %multiple_of3A_867] : memref<2x320000xi32, #tpu.memory_space<hbm>> -> memref<1x128xi32, #tpu.memory_space<hbm>>
    %dma_start3A_870 = tpu.memref_squeeze %dma_start3A_869 : memref<1x128xi32, #tpu.memory_space<hbm>> -> memref<128xi32, #tpu.memory_space<hbm>>
    %dma_start3A_871 = tpu.memref_slice %arg3[%dma_start3A_868, %multiple_of3A_867] : memref<2x320000xi32, #tpu.memory_space<hbm>> -> memref<1x128xi32, #tpu.memory_space<hbm>>
    %dma_start3A_872 = tpu.memref_squeeze %dma_start3A_871 : memref<1x128xi32, #tpu.memory_space<hbm>> -> memref<128xi32, #tpu.memory_space<hbm>>
    tpu.enqueue_dma source(%dma_start3A_872 : memref<128xi32, #tpu.memory_space<hbm>>) target(%arg7 : memref<128xi32, #tpu.memory_space<vmem>>) target_semaphore(%arg24 : memref<!tpu.dma_semaphore, #tpu.memory_space<semaphore_mem>>)
    %dma_start3A_873 = arith.constant 128 : i32
    %dma_start3A_874 = tpu.memref_slice %arg5[%dma_start3A_873] : memref<10000xi32, #tpu.memory_space<vmem>> -> memref<128xi32, #tpu.memory_space<vmem>>
    %dma_start3A_875 = arith.constant 0 : i32
    %dma_start3A_876 = arith.constant 0 : i32
    %dma_start3A_877 = tpu.memref_slice %arg2[%dma_start3A_875, %dma_start3A_876] : memref<10000x64xf32, #tpu.memory_space<hbm>> -> memref<10000x64xf32, #tpu.memory_space<hbm>>
    tpu.enqueue_indirect_dma source(%dma_start3A_877 : memref<10000x64xf32, #tpu.memory_space<hbm>>) target(%arg13 : memref<128x64xf32, #tpu.memory_space<vmem>>) offsets(%dma_start3A_874 : memref<128xi32, #tpu.memory_space<vmem>>) semaphore(%arg30 : memref<!tpu.dma_semaphore, #tpu.memory_space<semaphore_mem>>)
    %add3A_878 = arith.constant 256 : i32
    %add3A_879 = arith.addi %mul3A_753, %add3A_878 : i32
    %multiple_of3A_880 = tpu.assume_multiple %add3A_879, 8 : i32
    %dma_start3A_881 = arith.constant 1 : i32
    %dma_start3A_882 = tpu.memref_slice %arg3[%dma_start3A_881, %multiple_of3A_880] : memref<2x320000xi32, #tpu.memory_space<hbm>> -> memref<1x128xi32, #tpu.memory_space<hbm>>
    %dma_start3A_883 = tpu.memref_squeeze %dma_start3A_882 : memref<1x128xi32, #tpu.memory_space<hbm>> -> memref<128xi32, #tpu.memory_space<hbm>>
    %dma_start3A_884 = tpu.memref_slice %arg3[%dma_start3A_881, %multiple_of3A_880] : memref<2x320000xi32, #tpu.memory_space<hbm>> -> memref<1x128xi32, #tpu.memory_space<hbm>>
    %dma_start3A_885 = tpu.memref_squeeze %dma_start3A_884 : memref<1x128xi32, #tpu.memory_space<hbm>> -> memref<128xi32, #tpu.memory_space<hbm>>
    tpu.enqueue_dma source(%dma_start3A_885 : memref<128xi32, #tpu.memory_space<hbm>>) target(%arg8 : memref<128xi32, #tpu.memory_space<vmem>>) target_semaphore(%arg25 : memref<!tpu.dma_semaphore, #tpu.memory_space<semaphore_mem>>)
    %dma_start3A_886 = arith.constant 256 : i32
    %dma_start3A_887 = tpu.memref_slice %arg5[%dma_start3A_886] : memref<10000xi32, #tpu.memory_space<vmem>> -> memref<128xi32, #tpu.memory_space<vmem>>
    %dma_start3A_888 = arith.constant 0 : i32
    %dma_start3A_889 = arith.constant 0 : i32
    %dma_start3A_890 = tpu.memref_slice %arg2[%dma_start3A_888, %dma_start3A_889] : memref<10000x64xf32, #tpu.memory_space<hbm>> -> memref<10000x64xf32, #tpu.memory_space<hbm>>
    tpu.enqueue_indirect_dma source(%dma_start3A_890 : memref<10000x64xf32, #tpu.memory_space<hbm>>) target(%arg14 : memref<128x64xf32, #tpu.memory_space<vmem>>) offsets(%dma_start3A_887 : memref<128xi32, #tpu.memory_space<vmem>>) semaphore(%arg31 : memref<!tpu.dma_semaphore, #tpu.memory_space<semaphore_mem>>)
    %add3A_891 = arith.constant 384 : i32
    %add3A_892 = arith.addi %mul3A_753, %add3A_891 : i32
    %multiple_of3A_893 = tpu.assume_multiple %add3A_892, 8 : i32
    %dma_start3A_894 = arith.constant 1 : i32
    %dma_start3A_895 = tpu.memref_slice %arg3[%dma_start3A_894, %multiple_of3A_893] : memref<2x320000xi32, #tpu.memory_space<hbm>> -> memref<1x128xi32, #tpu.memory_space<hbm>>
    %dma_start3A_896 = tpu.memref_squeeze %dma_start3A_895 : memref<1x128xi32, #tpu.memory_space<hbm>> -> memref<128xi32, #tpu.memory_space<hbm>>
    %dma_start3A_897 = tpu.memref_slice %arg3[%dma_start3A_894, %multiple_of3A_893] : memref<2x320000xi32, #tpu.memory_space<hbm>> -> memref<1x128xi32, #tpu.memory_space<hbm>>
    %dma_start3A_898 = tpu.memref_squeeze %dma_start3A_897 : memref<1x128xi32, #tpu.memory_space<hbm>> -> memref<128xi32, #tpu.memory_space<hbm>>
    tpu.enqueue_dma source(%dma_start3A_898 : memref<128xi32, #tpu.memory_space<hbm>>) target(%arg9 : memref<128xi32, #tpu.memory_space<vmem>>) target_semaphore(%arg26 : memref<!tpu.dma_semaphore, #tpu.memory_space<semaphore_mem>>)
    %dma_start3A_899 = arith.constant 384 : i32
    %dma_start3A_900 = tpu.memref_slice %arg5[%dma_start3A_899] : memref<10000xi32, #tpu.memory_space<vmem>> -> memref<128xi32, #tpu.memory_space<vmem>>
    %dma_start3A_901 = arith.constant 0 : i32
    %dma_start3A_902 = arith.constant 0 : i32
    %dma_start3A_903 = tpu.memref_slice %arg2[%dma_start3A_901, %dma_start3A_902] : memref<10000x64xf32, #tpu.memory_space<hbm>> -> memref<10000x64xf32, #tpu.memory_space<hbm>>
    tpu.enqueue_indirect_dma source(%dma_start3A_903 : memref<10000x64xf32, #tpu.memory_space<hbm>>) target(%arg15 : memref<128x64xf32, #tpu.memory_space<vmem>>) offsets(%dma_start3A_900 : memref<128xi32, #tpu.memory_space<vmem>>) semaphore(%arg32 : memref<!tpu.dma_semaphore, #tpu.memory_space<semaphore_mem>>)
    %add3A_904 = arith.constant 512 : i32
    %add3A_905 = arith.addi %mul3A_753, %add3A_904 : i32
    %multiple_of3A_906 = tpu.assume_multiple %add3A_905, 8 : i32
    %dma_start3A_907 = arith.constant 1 : i32
    %dma_start3A_908 = tpu.memref_slice %arg3[%dma_start3A_907, %multiple_of3A_906] : memref<2x320000xi32, #tpu.memory_space<hbm>> -> memref<1x128xi32, #tpu.memory_space<hbm>>
    %dma_start3A_909 = tpu.memref_squeeze %dma_start3A_908 : memref<1x128xi32, #tpu.memory_space<hbm>> -> memref<128xi32, #tpu.memory_space<hbm>>
    %dma_start3A_910 = tpu.memref_slice %arg3[%dma_start3A_907, %multiple_of3A_906] : memref<2x320000xi32, #tpu.memory_space<hbm>> -> memref<1x128xi32, #tpu.memory_space<hbm>>
    %dma_start3A_911 = tpu.memref_squeeze %dma_start3A_910 : memref<1x128xi32, #tpu.memory_space<hbm>> -> memref<128xi32, #tpu.memory_space<hbm>>
    tpu.enqueue_dma source(%dma_start3A_911 : memref<128xi32, #tpu.memory_space<hbm>>) target(%arg10 : memref<128xi32, #tpu.memory_space<vmem>>) target_semaphore(%arg27 : memref<!tpu.dma_semaphore, #tpu.memory_space<semaphore_mem>>)
    %dma_start3A_912 = arith.constant 512 : i32
    %dma_start3A_913 = tpu.memref_slice %arg5[%dma_start3A_912] : memref<10000xi32, #tpu.memory_space<vmem>> -> memref<128xi32, #tpu.memory_space<vmem>>
    %dma_start3A_914 = arith.constant 0 : i32
    %dma_start3A_915 = arith.constant 0 : i32
    %dma_start3A_916 = tpu.memref_slice %arg2[%dma_start3A_914, %dma_start3A_915] : memref<10000x64xf32, #tpu.memory_space<hbm>> -> memref<10000x64xf32, #tpu.memory_space<hbm>>
    tpu.enqueue_indirect_dma source(%dma_start3A_916 : memref<10000x64xf32, #tpu.memory_space<hbm>>) target(%arg16 : memref<128x64xf32, #tpu.memory_space<vmem>>) offsets(%dma_start3A_913 : memref<128xi32, #tpu.memory_space<vmem>>) semaphore(%arg33 : memref<!tpu.dma_semaphore, #tpu.memory_space<semaphore_mem>>)
    %add3A_917 = arith.constant 640 : i32
    %add3A_918 = arith.addi %mul3A_753, %add3A_917 : i32
    %multiple_of3A_919 = tpu.assume_multiple %add3A_918, 8 : i32
    %dma_start3A_920 = arith.constant 1 : i32
    %dma_start3A_921 = tpu.memref_slice %arg3[%dma_start3A_920, %multiple_of3A_919] : memref<2x320000xi32, #tpu.memory_space<hbm>> -> memref<1x128xi32, #tpu.memory_space<hbm>>
    %dma_start3A_922 = tpu.memref_squeeze %dma_start3A_921 : memref<1x128xi32, #tpu.memory_space<hbm>> -> memref<128xi32, #tpu.memory_space<hbm>>
    %dma_start3A_923 = tpu.memref_slice %arg3[%dma_start3A_920, %multiple_of3A_919] : memref<2x320000xi32, #tpu.memory_space<hbm>> -> memref<1x128xi32, #tpu.memory_space<hbm>>
    %dma_start3A_924 = tpu.memref_squeeze %dma_start3A_923 : memref<1x128xi32, #tpu.memory_space<hbm>> -> memref<128xi32, #tpu.memory_space<hbm>>
    tpu.enqueue_dma source(%dma_start3A_924 : memref<128xi32, #tpu.memory_space<hbm>>) target(%arg11 : memref<128xi32, #tpu.memory_space<vmem>>) target_semaphore(%arg28 : memref<!tpu.dma_semaphore, #tpu.memory_space<semaphore_mem>>)
    %dma_start3A_925 = arith.constant 640 : i32
    %dma_start3A_926 = tpu.memref_slice %arg5[%dma_start3A_925] : memref<10000xi32, #tpu.memory_space<vmem>> -> memref<128xi32, #tpu.memory_space<vmem>>
    %dma_start3A_927 = arith.constant 0 : i32
    %dma_start3A_928 = arith.constant 0 : i32
    %dma_start3A_929 = tpu.memref_slice %arg2[%dma_start3A_927, %dma_start3A_928] : memref<10000x64xf32, #tpu.memory_space<hbm>> -> memref<10000x64xf32, #tpu.memory_space<hbm>>
    tpu.enqueue_indirect_dma source(%dma_start3A_929 : memref<10000x64xf32, #tpu.memory_space<hbm>>) target(%arg17 : memref<128x64xf32, #tpu.memory_space<vmem>>) offsets(%dma_start3A_926 : memref<128xi32, #tpu.memory_space<vmem>>) semaphore(%arg34 : memref<!tpu.dma_semaphore, #tpu.memory_space<semaphore_mem>>)
    %barrier3A = arith.constant 0 : index
    tpu.barrier barrier_id(%barrier3A)
    %scan3A = arith.constant 0 : i32
    %scan3A_930 = arith.constant 0 : i32
    %scan3A_931 = arith.constant 13 : i32
    %scan3A_932 = arith.addi %scan3A_930, %scan3A_931 : i32
    %scan3A_933 = arith.constant 1 : i32
    scf.for %scan3A_947 = %scan3A_930 to %scan3A_932 step %scan3A_933  : i32 {
      %mul3A_948 = arith.constant 6 : i32
      %mul3A_949 = arith.muli %scan3A_947, %mul3A_948 : i32
      %add3A_950 = arith.constant 0 : i32
      %add3A_951 = arith.addi %mul3A_949, %add3A_950 : i32
      %dma_wait3A_952 = arith.constant 1 : i32
      %dma_wait3A_953 = arith.constant 0 : i32
      %dma_wait3A_954 = tpu.memref_slice %arg3[%dma_wait3A_952, %dma_wait3A_953] : memref<2x320000xi32, #tpu.memory_space<hbm>> -> memref<1x128xi32, #tpu.memory_space<hbm>>
      %dma_wait3A_955 = tpu.memref_squeeze %dma_wait3A_954 : memref<1x128xi32, #tpu.memory_space<hbm>> -> memref<128xi32, #tpu.memory_space<hbm>>
      %dma_wait3A_956 = arith.constant 0 : i32
      %dma_wait3A_957 = tpu.memref_slice %arg3[%dma_wait3A_952, %dma_wait3A_956] : memref<2x320000xi32, #tpu.memory_space<hbm>> -> memref<1x128xi32, #tpu.memory_space<hbm>>
      %dma_wait3A_958 = tpu.memref_squeeze %dma_wait3A_957 : memref<1x128xi32, #tpu.memory_space<hbm>> -> memref<128xi32, #tpu.memory_space<hbm>>
      tpu.wait_dma2 semaphore(%arg23 : memref<!tpu.dma_semaphore, #tpu.memory_space<semaphore_mem>>) src(%dma_wait3A_958 : memref<128xi32, #tpu.memory_space<hbm>>) dst(%arg6 : memref<128xi32, #tpu.memory_space<vmem>>)
      %dma_wait3A_959 = arith.constant 0 : i32
      %dma_wait3A_960 = tpu.memref_slice %arg5[%dma_wait3A_959] : memref<10000xi32, #tpu.memory_space<vmem>> -> memref<128xi32, #tpu.memory_space<vmem>>
      %dma_wait3A_961 = arith.constant 0 : i32
      %dma_wait3A_962 = arith.constant 0 : i32
      %dma_wait3A_963 = tpu.memref_slice %arg2[%dma_wait3A_961, %dma_wait3A_962] : memref<10000x64xf32, #tpu.memory_space<hbm>> -> memref<10000x64xf32, #tpu.memory_space<hbm>>
      tpu.wait_indirect_dma semaphore(%arg29 : memref<!tpu.dma_semaphore, #tpu.memory_space<semaphore_mem>>) src(%dma_wait3A_963 : memref<10000x64xf32, #tpu.memory_space<hbm>>) dst(%arg12 : memref<128x64xf32, #tpu.memory_space<vmem>>)
      "tpu.region"() ({
        %run_scoped3A_1083 = tpu.sem_alloc : memref<!tpu.dma_semaphore, #tpu.memory_space<semaphore_mem>>
        %dma_start3A_1084 = arith.constant 0 : i32
        %dma_start3A_1085 = arith.constant 0 : i32
        %dma_start3A_1086 = tpu.memref_slice %arg22[%dma_start3A_1084, %dma_start3A_1085] : memref<10000x64xf32, #tpu.memory_space<vmem_shared>> -> memref<10000x64xf32, #tpu.memory_space<vmem_shared>>
        tpu.enqueue_indirect_dma source(%arg12 : memref<128x64xf32, #tpu.memory_space<vmem>>) target(%dma_start3A_1086 : memref<10000x64xf32, #tpu.memory_space<vmem_shared>>) offsets(%arg6 : memref<128xi32, #tpu.memory_space<vmem>>) semaphore(%run_scoped3A_1083 : memref<!tpu.dma_semaphore, #tpu.memory_space<semaphore_mem>>) {add = true}
        %dma_wait3A_1087 = arith.constant 0 : i32
        %dma_wait3A_1088 = arith.constant 0 : i32
        %dma_wait3A_1089 = tpu.memref_slice %arg22[%dma_wait3A_1087, %dma_wait3A_1088] : memref<10000x64xf32, #tpu.memory_space<vmem_shared>> -> memref<10000x64xf32, #tpu.memory_space<vmem_shared>>
        tpu.wait_indirect_dma semaphore(%run_scoped3A_1083 : memref<!tpu.dma_semaphore, #tpu.memory_space<semaphore_mem>>) src(%arg12 : memref<128x64xf32, #tpu.memory_space<vmem>>) dst(%dma_wait3A_1089 : memref<10000x64xf32, #tpu.memory_space<vmem_shared>>)
        tpu.yield
      }) : () -> ()
      %add3A_964 = arith.constant 6 : i32
      %add3A_965 = arith.addi %add3A_951, %add3A_964 : i32
      %lt3A = arith.constant 78 : i32
      %lt3A_966 = arith.cmpi slt, %add3A_965, %lt3A : i32
      %convert_element_type3A = arith.extui %lt3A_966 : i1 to i32
      %cond3A = arith.constant 0 : i32
      %cond3A_967 = arith.cmpi ne, %convert_element_type3A, %cond3A : i32
      scf.if %cond3A_967 {
        %mul3A_1083 = arith.constant 128 : i32
        %mul3A_1084 = arith.muli %add3A_965, %mul3A_1083 : i32
        %add3A_1085 = arith.addi %mul3A_753, %mul3A_1084 : i32
        %multiple_of3A_1086 = tpu.assume_multiple %add3A_1085, 8 : i32
        %dma_start3A_1087 = arith.constant 1 : i32
        %dma_start3A_1088 = tpu.memref_slice %arg3[%dma_start3A_1087, %multiple_of3A_1086] : memref<2x320000xi32, #tpu.memory_space<hbm>> -> memref<1x128xi32, #tpu.memory_space<hbm>>
        %dma_start3A_1089 = tpu.memref_squeeze %dma_start3A_1088 : memref<1x128xi32, #tpu.memory_space<hbm>> -> memref<128xi32, #tpu.memory_space<hbm>>
        %dma_start3A_1090 = tpu.memref_slice %arg3[%dma_start3A_1087, %multiple_of3A_1086] : memref<2x320000xi32, #tpu.memory_space<hbm>> -> memref<1x128xi32, #tpu.memory_space<hbm>>
        %dma_start3A_1091 = tpu.memref_squeeze %dma_start3A_1090 : memref<1x128xi32, #tpu.memory_space<hbm>> -> memref<128xi32, #tpu.memory_space<hbm>>
        tpu.enqueue_dma source(%dma_start3A_1091 : memref<128xi32, #tpu.memory_space<hbm>>) target(%arg6 : memref<128xi32, #tpu.memory_space<vmem>>) target_semaphore(%arg23 : memref<!tpu.dma_semaphore, #tpu.memory_space<semaphore_mem>>)
        %mul3A_1092 = arith.constant 128 : i32
        %mul3A_1093 = arith.muli %add3A_965, %mul3A_1092 : i32
        %dma_start3A_1094 = tpu.memref_slice %arg5[%mul3A_1093] : memref<10000xi32, #tpu.memory_space<vmem>> -> memref<128xi32, #tpu.memory_space<vmem>>
        %dma_start3A_1095 = arith.constant 0 : i32
        %dma_start3A_1096 = arith.constant 0 : i32
        %dma_start3A_1097 = tpu.memref_slice %arg2[%dma_start3A_1095, %dma_start3A_1096] : memref<10000x64xf32, #tpu.memory_space<hbm>> -> memref<10000x64xf32, #tpu.memory_space<hbm>>
        tpu.enqueue_indirect_dma source(%dma_start3A_1097 : memref<10000x64xf32, #tpu.memory_space<hbm>>) target(%arg12 : memref<128x64xf32, #tpu.memory_space<vmem>>) offsets(%dma_start3A_1094 : memref<128xi32, #tpu.memory_space<vmem>>) semaphore(%arg29 : memref<!tpu.dma_semaphore, #tpu.memory_space<semaphore_mem>>)
      } else {
      }
      %mul3A_968 = arith.constant 6 : i32
      %mul3A_969 = arith.muli %scan3A_947, %mul3A_968 : i32
      %add3A_970 = arith.constant 1 : i32
      %add3A_971 = arith.addi %mul3A_969, %add3A_970 : i32
      %dma_wait3A_972 = arith.constant 1 : i32
      %dma_wait3A_973 = arith.constant 0 : i32
      %dma_wait3A_974 = tpu.memref_slice %arg3[%dma_wait3A_972, %dma_wait3A_973] : memref<2x320000xi32, #tpu.memory_space<hbm>> -> memref<1x128xi32, #tpu.memory_space<hbm>>
      %dma_wait3A_975 = tpu.memref_squeeze %dma_wait3A_974 : memref<1x128xi32, #tpu.memory_space<hbm>> -> memref<128xi32, #tpu.memory_space<hbm>>
      %dma_wait3A_976 = arith.constant 0 : i32
      %dma_wait3A_977 = tpu.memref_slice %arg3[%dma_wait3A_972, %dma_wait3A_976] : memref<2x320000xi32, #tpu.memory_space<hbm>> -> memref<1x128xi32, #tpu.memory_space<hbm>>
      %dma_wait3A_978 = tpu.memref_squeeze %dma_wait3A_977 : memref<1x128xi32, #tpu.memory_space<hbm>> -> memref<128xi32, #tpu.memory_space<hbm>>
      tpu.wait_dma2 semaphore(%arg24 : memref<!tpu.dma_semaphore, #tpu.memory_space<semaphore_mem>>) src(%dma_wait3A_978 : memref<128xi32, #tpu.memory_space<hbm>>) dst(%arg7 : memref<128xi32, #tpu.memory_space<vmem>>)
      %dma_wait3A_979 = arith.constant 0 : i32
      %dma_wait3A_980 = tpu.memref_slice %arg5[%dma_wait3A_979] : memref<10000xi32, #tpu.memory_space<vmem>> -> memref<128xi32, #tpu.memory_space<vmem>>
      %dma_wait3A_981 = arith.constant 0 : i32
      %dma_wait3A_982 = arith.constant 0 : i32
      %dma_wait3A_983 = tpu.memref_slice %arg2[%dma_wait3A_981, %dma_wait3A_982] : memref<10000x64xf32, #tpu.memory_space<hbm>> -> memref<10000x64xf32, #tpu.memory_space<hbm>>
      tpu.wait_indirect_dma semaphore(%arg30 : memref<!tpu.dma_semaphore, #tpu.memory_space<semaphore_mem>>) src(%dma_wait3A_983 : memref<10000x64xf32, #tpu.memory_space<hbm>>) dst(%arg13 : memref<128x64xf32, #tpu.memory_space<vmem>>)
      "tpu.region"() ({
        %run_scoped3A_1083 = tpu.sem_alloc : memref<!tpu.dma_semaphore, #tpu.memory_space<semaphore_mem>>
        %dma_start3A_1084 = arith.constant 0 : i32
        %dma_start3A_1085 = arith.constant 0 : i32
        %dma_start3A_1086 = tpu.memref_slice %arg22[%dma_start3A_1084, %dma_start3A_1085] : memref<10000x64xf32, #tpu.memory_space<vmem_shared>> -> memref<10000x64xf32, #tpu.memory_space<vmem_shared>>
        tpu.enqueue_indirect_dma source(%arg13 : memref<128x64xf32, #tpu.memory_space<vmem>>) target(%dma_start3A_1086 : memref<10000x64xf32, #tpu.memory_space<vmem_shared>>) offsets(%arg7 : memref<128xi32, #tpu.memory_space<vmem>>) semaphore(%run_scoped3A_1083 : memref<!tpu.dma_semaphore, #tpu.memory_space<semaphore_mem>>) {add = true}
        %dma_wait3A_1087 = arith.constant 0 : i32
        %dma_wait3A_1088 = arith.constant 0 : i32
        %dma_wait3A_1089 = tpu.memref_slice %arg22[%dma_wait3A_1087, %dma_wait3A_1088] : memref<10000x64xf32, #tpu.memory_space<vmem_shared>> -> memref<10000x64xf32, #tpu.memory_space<vmem_shared>>
        tpu.wait_indirect_dma semaphore(%run_scoped3A_1083 : memref<!tpu.dma_semaphore, #tpu.memory_space<semaphore_mem>>) src(%arg13 : memref<128x64xf32, #tpu.memory_space<vmem>>) dst(%dma_wait3A_1089 : memref<10000x64xf32, #tpu.memory_space<vmem_shared>>)
        tpu.yield
      }) : () -> ()
      %add3A_984 = arith.constant 6 : i32
      %add3A_985 = arith.addi %add3A_971, %add3A_984 : i32
      %lt3A_986 = arith.constant 78 : i32
      %lt3A_987 = arith.cmpi slt, %add3A_985, %lt3A_986 : i32
      %convert_element_type3A_988 = arith.extui %lt3A_987 : i1 to i32
      %cond3A_989 = arith.constant 0 : i32
      %cond3A_990 = arith.cmpi ne, %convert_element_type3A_988, %cond3A_989 : i32
      scf.if %cond3A_990 {
        %mul3A_1083 = arith.constant 128 : i32
        %mul3A_1084 = arith.muli %add3A_985, %mul3A_1083 : i32
        %add3A_1085 = arith.addi %mul3A_753, %mul3A_1084 : i32
        %multiple_of3A_1086 = tpu.assume_multiple %add3A_1085, 8 : i32
        %dma_start3A_1087 = arith.constant 1 : i32
        %dma_start3A_1088 = tpu.memref_slice %arg3[%dma_start3A_1087, %multiple_of3A_1086] : memref<2x320000xi32, #tpu.memory_space<hbm>> -> memref<1x128xi32, #tpu.memory_space<hbm>>
        %dma_start3A_1089 = tpu.memref_squeeze %dma_start3A_1088 : memref<1x128xi32, #tpu.memory_space<hbm>> -> memref<128xi32, #tpu.memory_space<hbm>>
        %dma_start3A_1090 = tpu.memref_slice %arg3[%dma_start3A_1087, %multiple_of3A_1086] : memref<2x320000xi32, #tpu.memory_space<hbm>> -> memref<1x128xi32, #tpu.memory_space<hbm>>
        %dma_start3A_1091 = tpu.memref_squeeze %dma_start3A_1090 : memref<1x128xi32, #tpu.memory_space<hbm>> -> memref<128xi32, #tpu.memory_space<hbm>>
        tpu.enqueue_dma source(%dma_start3A_1091 : memref<128xi32, #tpu.memory_space<hbm>>) target(%arg7 : memref<128xi32, #tpu.memory_space<vmem>>) target_semaphore(%arg24 : memref<!tpu.dma_semaphore, #tpu.memory_space<semaphore_mem>>)
        %mul3A_1092 = arith.constant 128 : i32
        %mul3A_1093 = arith.muli %add3A_985, %mul3A_1092 : i32
        %dma_start3A_1094 = tpu.memref_slice %arg5[%mul3A_1093] : memref<10000xi32, #tpu.memory_space<vmem>> -> memref<128xi32, #tpu.memory_space<vmem>>
        %dma_start3A_1095 = arith.constant 0 : i32
        %dma_start3A_1096 = arith.constant 0 : i32
        %dma_start3A_1097 = tpu.memref_slice %arg2[%dma_start3A_1095, %dma_start3A_1096] : memref<10000x64xf32, #tpu.memory_space<hbm>> -> memref<10000x64xf32, #tpu.memory_space<hbm>>
        tpu.enqueue_indirect_dma source(%dma_start3A_1097 : memref<10000x64xf32, #tpu.memory_space<hbm>>) target(%arg13 : memref<128x64xf32, #tpu.memory_space<vmem>>) offsets(%dma_start3A_1094 : memref<128xi32, #tpu.memory_space<vmem>>) semaphore(%arg30 : memref<!tpu.dma_semaphore, #tpu.memory_space<semaphore_mem>>)
      } else {
      }
      %mul3A_991 = arith.constant 6 : i32
      %mul3A_992 = arith.muli %scan3A_947, %mul3A_991 : i32
      %add3A_993 = arith.constant 2 : i32
      %add3A_994 = arith.addi %mul3A_992, %add3A_993 : i32
      %dma_wait3A_995 = arith.constant 1 : i32
      %dma_wait3A_996 = arith.constant 0 : i32
      %dma_wait3A_997 = tpu.memref_slice %arg3[%dma_wait3A_995, %dma_wait3A_996] : memref<2x320000xi32, #tpu.memory_space<hbm>> -> memref<1x128xi32, #tpu.memory_space<hbm>>
      %dma_wait3A_998 = tpu.memref_squeeze %dma_wait3A_997 : memref<1x128xi32, #tpu.memory_space<hbm>> -> memref<128xi32, #tpu.memory_space<hbm>>
      %dma_wait3A_999 = arith.constant 0 : i32
      %dma_wait3A_1000 = tpu.memref_slice %arg3[%dma_wait3A_995, %dma_wait3A_999] : memref<2x320000xi32, #tpu.memory_space<hbm>> -> memref<1x128xi32, #tpu.memory_space<hbm>>
      %dma_wait3A_1001 = tpu.memref_squeeze %dma_wait3A_1000 : memref<1x128xi32, #tpu.memory_space<hbm>> -> memref<128xi32, #tpu.memory_space<hbm>>
      tpu.wait_dma2 semaphore(%arg25 : memref<!tpu.dma_semaphore, #tpu.memory_space<semaphore_mem>>) src(%dma_wait3A_1001 : memref<128xi32, #tpu.memory_space<hbm>>) dst(%arg8 : memref<128xi32, #tpu.memory_space<vmem>>)
      %dma_wait3A_1002 = arith.constant 0 : i32
      %dma_wait3A_1003 = tpu.memref_slice %arg5[%dma_wait3A_1002] : memref<10000xi32, #tpu.memory_space<vmem>> -> memref<128xi32, #tpu.memory_space<vmem>>
      %dma_wait3A_1004 = arith.constant 0 : i32
      %dma_wait3A_1005 = arith.constant 0 : i32
      %dma_wait3A_1006 = tpu.memref_slice %arg2[%dma_wait3A_1004, %dma_wait3A_1005] : memref<10000x64xf32, #tpu.memory_space<hbm>> -> memref<10000x64xf32, #tpu.memory_space<hbm>>
      tpu.wait_indirect_dma semaphore(%arg31 : memref<!tpu.dma_semaphore, #tpu.memory_space<semaphore_mem>>) src(%dma_wait3A_1006 : memref<10000x64xf32, #tpu.memory_space<hbm>>) dst(%arg14 : memref<128x64xf32, #tpu.memory_space<vmem>>)
      "tpu.region"() ({
        %run_scoped3A_1083 = tpu.sem_alloc : memref<!tpu.dma_semaphore, #tpu.memory_space<semaphore_mem>>
        %dma_start3A_1084 = arith.constant 0 : i32
        %dma_start3A_1085 = arith.constant 0 : i32
        %dma_start3A_1086 = tpu.memref_slice %arg22[%dma_start3A_1084, %dma_start3A_1085] : memref<10000x64xf32, #tpu.memory_space<vmem_shared>> -> memref<10000x64xf32, #tpu.memory_space<vmem_shared>>
        tpu.enqueue_indirect_dma source(%arg14 : memref<128x64xf32, #tpu.memory_space<vmem>>) target(%dma_start3A_1086 : memref<10000x64xf32, #tpu.memory_space<vmem_shared>>) offsets(%arg8 : memref<128xi32, #tpu.memory_space<vmem>>) semaphore(%run_scoped3A_1083 : memref<!tpu.dma_semaphore, #tpu.memory_space<semaphore_mem>>) {add = true}
        %dma_wait3A_1087 = arith.constant 0 : i32
        %dma_wait3A_1088 = arith.constant 0 : i32
        %dma_wait3A_1089 = tpu.memref_slice %arg22[%dma_wait3A_1087, %dma_wait3A_1088] : memref<10000x64xf32, #tpu.memory_space<vmem_shared>> -> memref<10000x64xf32, #tpu.memory_space<vmem_shared>>
        tpu.wait_indirect_dma semaphore(%run_scoped3A_1083 : memref<!tpu.dma_semaphore, #tpu.memory_space<semaphore_mem>>) src(%arg14 : memref<128x64xf32, #tpu.memory_space<vmem>>) dst(%dma_wait3A_1089 : memref<10000x64xf32, #tpu.memory_space<vmem_shared>>)
        tpu.yield
      }) : () -> ()
      %add3A_1007 = arith.constant 6 : i32
      %add3A_1008 = arith.addi %add3A_994, %add3A_1007 : i32
      %lt3A_1009 = arith.constant 78 : i32
      %lt3A_1010 = arith.cmpi slt, %add3A_1008, %lt3A_1009 : i32
      %convert_element_type3A_1011 = arith.extui %lt3A_1010 : i1 to i32
      %cond3A_1012 = arith.constant 0 : i32
      %cond3A_1013 = arith.cmpi ne, %convert_element_type3A_1011, %cond3A_1012 : i32
      scf.if %cond3A_1013 {
        %mul3A_1083 = arith.constant 128 : i32
        %mul3A_1084 = arith.muli %add3A_1008, %mul3A_1083 : i32
        %add3A_1085 = arith.addi %mul3A_753, %mul3A_1084 : i32
        %multiple_of3A_1086 = tpu.assume_multiple %add3A_1085, 8 : i32
        %dma_start3A_1087 = arith.constant 1 : i32
        %dma_start3A_1088 = tpu.memref_slice %arg3[%dma_start3A_1087, %multiple_of3A_1086] : memref<2x320000xi32, #tpu.memory_space<hbm>> -> memref<1x128xi32, #tpu.memory_space<hbm>>
        %dma_start3A_1089 = tpu.memref_squeeze %dma_start3A_1088 : memref<1x128xi32, #tpu.memory_space<hbm>> -> memref<128xi32, #tpu.memory_space<hbm>>
        %dma_start3A_1090 = tpu.memref_slice %arg3[%dma_start3A_1087, %multiple_of3A_1086] : memref<2x320000xi32, #tpu.memory_space<hbm>> -> memref<1x128xi32, #tpu.memory_space<hbm>>
        %dma_start3A_1091 = tpu.memref_squeeze %dma_start3A_1090 : memref<1x128xi32, #tpu.memory_space<hbm>> -> memref<128xi32, #tpu.memory_space<hbm>>
        tpu.enqueue_dma source(%dma_start3A_1091 : memref<128xi32, #tpu.memory_space<hbm>>) target(%arg8 : memref<128xi32, #tpu.memory_space<vmem>>) target_semaphore(%arg25 : memref<!tpu.dma_semaphore, #tpu.memory_space<semaphore_mem>>)
        %mul3A_1092 = arith.constant 128 : i32
        %mul3A_1093 = arith.muli %add3A_1008, %mul3A_1092 : i32
        %dma_start3A_1094 = tpu.memref_slice %arg5[%mul3A_1093] : memref<10000xi32, #tpu.memory_space<vmem>> -> memref<128xi32, #tpu.memory_space<vmem>>
        %dma_start3A_1095 = arith.constant 0 : i32
        %dma_start3A_1096 = arith.constant 0 : i32
        %dma_start3A_1097 = tpu.memref_slice %arg2[%dma_start3A_1095, %dma_start3A_1096] : memref<10000x64xf32, #tpu.memory_space<hbm>> -> memref<10000x64xf32, #tpu.memory_space<hbm>>
        tpu.enqueue_indirect_dma source(%dma_start3A_1097 : memref<10000x64xf32, #tpu.memory_space<hbm>>) target(%arg14 : memref<128x64xf32, #tpu.memory_space<vmem>>) offsets(%dma_start3A_1094 : memref<128xi32, #tpu.memory_space<vmem>>) semaphore(%arg31 : memref<!tpu.dma_semaphore, #tpu.memory_space<semaphore_mem>>)
      } else {
      }
      %mul3A_1014 = arith.constant 6 : i32
      %mul3A_1015 = arith.muli %scan3A_947, %mul3A_1014 : i32
      %add3A_1016 = arith.constant 3 : i32
      %add3A_1017 = arith.addi %mul3A_1015, %add3A_1016 : i32
      %dma_wait3A_1018 = arith.constant 1 : i32
      %dma_wait3A_1019 = arith.constant 0 : i32
      %dma_wait3A_1020 = tpu.memref_slice %arg3[%dma_wait3A_1018, %dma_wait3A_1019] : memref<2x320000xi32, #tpu.memory_space<hbm>> -> memref<1x128xi32, #tpu.memory_space<hbm>>
      %dma_wait3A_1021 = tpu.memref_squeeze %dma_wait3A_1020 : memref<1x128xi32, #tpu.memory_space<hbm>> -> memref<128xi32, #tpu.memory_space<hbm>>
      %dma_wait3A_1022 = arith.constant 0 : i32
      %dma_wait3A_1023 = tpu.memref_slice %arg3[%dma_wait3A_1018, %dma_wait3A_1022] : memref<2x320000xi32, #tpu.memory_space<hbm>> -> memref<1x128xi32, #tpu.memory_space<hbm>>
      %dma_wait3A_1024 = tpu.memref_squeeze %dma_wait3A_1023 : memref<1x128xi32, #tpu.memory_space<hbm>> -> memref<128xi32, #tpu.memory_space<hbm>>
      tpu.wait_dma2 semaphore(%arg26 : memref<!tpu.dma_semaphore, #tpu.memory_space<semaphore_mem>>) src(%dma_wait3A_1024 : memref<128xi32, #tpu.memory_space<hbm>>) dst(%arg9 : memref<128xi32, #tpu.memory_space<vmem>>)
      %dma_wait3A_1025 = arith.constant 0 : i32
      %dma_wait3A_1026 = tpu.memref_slice %arg5[%dma_wait3A_1025] : memref<10000xi32, #tpu.memory_space<vmem>> -> memref<128xi32, #tpu.memory_space<vmem>>
      %dma_wait3A_1027 = arith.constant 0 : i32
      %dma_wait3A_1028 = arith.constant 0 : i32
      %dma_wait3A_1029 = tpu.memref_slice %arg2[%dma_wait3A_1027, %dma_wait3A_1028] : memref<10000x64xf32, #tpu.memory_space<hbm>> -> memref<10000x64xf32, #tpu.memory_space<hbm>>
      tpu.wait_indirect_dma semaphore(%arg32 : memref<!tpu.dma_semaphore, #tpu.memory_space<semaphore_mem>>) src(%dma_wait3A_1029 : memref<10000x64xf32, #tpu.memory_space<hbm>>) dst(%arg15 : memref<128x64xf32, #tpu.memory_space<vmem>>)
      "tpu.region"() ({
        %run_scoped3A_1083 = tpu.sem_alloc : memref<!tpu.dma_semaphore, #tpu.memory_space<semaphore_mem>>
        %dma_start3A_1084 = arith.constant 0 : i32
        %dma_start3A_1085 = arith.constant 0 : i32
        %dma_start3A_1086 = tpu.memref_slice %arg22[%dma_start3A_1084, %dma_start3A_1085] : memref<10000x64xf32, #tpu.memory_space<vmem_shared>> -> memref<10000x64xf32, #tpu.memory_space<vmem_shared>>
        tpu.enqueue_indirect_dma source(%arg15 : memref<128x64xf32, #tpu.memory_space<vmem>>) target(%dma_start3A_1086 : memref<10000x64xf32, #tpu.memory_space<vmem_shared>>) offsets(%arg9 : memref<128xi32, #tpu.memory_space<vmem>>) semaphore(%run_scoped3A_1083 : memref<!tpu.dma_semaphore, #tpu.memory_space<semaphore_mem>>) {add = true}
        %dma_wait3A_1087 = arith.constant 0 : i32
        %dma_wait3A_1088 = arith.constant 0 : i32
        %dma_wait3A_1089 = tpu.memref_slice %arg22[%dma_wait3A_1087, %dma_wait3A_1088] : memref<10000x64xf32, #tpu.memory_space<vmem_shared>> -> memref<10000x64xf32, #tpu.memory_space<vmem_shared>>
        tpu.wait_indirect_dma semaphore(%run_scoped3A_1083 : memref<!tpu.dma_semaphore, #tpu.memory_space<semaphore_mem>>) src(%arg15 : memref<128x64xf32, #tpu.memory_space<vmem>>) dst(%dma_wait3A_1089 : memref<10000x64xf32, #tpu.memory_space<vmem_shared>>)
        tpu.yield
      }) : () -> ()
      %add3A_1030 = arith.constant 6 : i32
      %add3A_1031 = arith.addi %add3A_1017, %add3A_1030 : i32
      %lt3A_1032 = arith.constant 78 : i32
      %lt3A_1033 = arith.cmpi slt, %add3A_1031, %lt3A_1032 : i32
      %convert_element_type3A_1034 = arith.extui %lt3A_1033 : i1 to i32
      %cond3A_1035 = arith.constant 0 : i32
      %cond3A_1036 = arith.cmpi ne, %convert_element_type3A_1034, %cond3A_1035 : i32
      scf.if %cond3A_1036 {
        %mul3A_1083 = arith.constant 128 : i32
        %mul3A_1084 = arith.muli %add3A_1031, %mul3A_1083 : i32
        %add3A_1085 = arith.addi %mul3A_753, %mul3A_1084 : i32
        %multiple_of3A_1086 = tpu.assume_multiple %add3A_1085, 8 : i32
        %dma_start3A_1087 = arith.constant 1 : i32
        %dma_start3A_1088 = tpu.memref_slice %arg3[%dma_start3A_1087, %multiple_of3A_1086] : memref<2x320000xi32, #tpu.memory_space<hbm>> -> memref<1x128xi32, #tpu.memory_space<hbm>>
        %dma_start3A_1089 = tpu.memref_squeeze %dma_start3A_1088 : memref<1x128xi32, #tpu.memory_space<hbm>> -> memref<128xi32, #tpu.memory_space<hbm>>
        %dma_start3A_1090 = tpu.memref_slice %arg3[%dma_start3A_1087, %multiple_of3A_1086] : memref<2x320000xi32, #tpu.memory_space<hbm>> -> memref<1x128xi32, #tpu.memory_space<hbm>>
        %dma_start3A_1091 = tpu.memref_squeeze %dma_start3A_1090 : memref<1x128xi32, #tpu.memory_space<hbm>> -> memref<128xi32, #tpu.memory_space<hbm>>
        tpu.enqueue_dma source(%dma_start3A_1091 : memref<128xi32, #tpu.memory_space<hbm>>) target(%arg9 : memref<128xi32, #tpu.memory_space<vmem>>) target_semaphore(%arg26 : memref<!tpu.dma_semaphore, #tpu.memory_space<semaphore_mem>>)
        %mul3A_1092 = arith.constant 128 : i32
        %mul3A_1093 = arith.muli %add3A_1031, %mul3A_1092 : i32
        %dma_start3A_1094 = tpu.memref_slice %arg5[%mul3A_1093] : memref<10000xi32, #tpu.memory_space<vmem>> -> memref<128xi32, #tpu.memory_space<vmem>>
        %dma_start3A_1095 = arith.constant 0 : i32
        %dma_start3A_1096 = arith.constant 0 : i32
        %dma_start3A_1097 = tpu.memref_slice %arg2[%dma_start3A_1095, %dma_start3A_1096] : memref<10000x64xf32, #tpu.memory_space<hbm>> -> memref<10000x64xf32, #tpu.memory_space<hbm>>
        tpu.enqueue_indirect_dma source(%dma_start3A_1097 : memref<10000x64xf32, #tpu.memory_space<hbm>>) target(%arg15 : memref<128x64xf32, #tpu.memory_space<vmem>>) offsets(%dma_start3A_1094 : memref<128xi32, #tpu.memory_space<vmem>>) semaphore(%arg32 : memref<!tpu.dma_semaphore, #tpu.memory_space<semaphore_mem>>)
      } else {
      }
      %mul3A_1037 = arith.constant 6 : i32
      %mul3A_1038 = arith.muli %scan3A_947, %mul3A_1037 : i32
      %add3A_1039 = arith.constant 4 : i32
      %add3A_1040 = arith.addi %mul3A_1038, %add3A_1039 : i32
      %dma_wait3A_1041 = arith.constant 1 : i32
      %dma_wait3A_1042 = arith.constant 0 : i32
      %dma_wait3A_1043 = tpu.memref_slice %arg3[%dma_wait3A_1041, %dma_wait3A_1042] : memref<2x320000xi32, #tpu.memory_space<hbm>> -> memref<1x128xi32, #tpu.memory_space<hbm>>
      %dma_wait3A_1044 = tpu.memref_squeeze %dma_wait3A_1043 : memref<1x128xi32, #tpu.memory_space<hbm>> -> memref<128xi32, #tpu.memory_space<hbm>>
      %dma_wait3A_1045 = arith.constant 0 : i32
      %dma_wait3A_1046 = tpu.memref_slice %arg3[%dma_wait3A_1041, %dma_wait3A_1045] : memref<2x320000xi32, #tpu.memory_space<hbm>> -> memref<1x128xi32, #tpu.memory_space<hbm>>
      %dma_wait3A_1047 = tpu.memref_squeeze %dma_wait3A_1046 : memref<1x128xi32, #tpu.memory_space<hbm>> -> memref<128xi32, #tpu.memory_space<hbm>>
      tpu.wait_dma2 semaphore(%arg27 : memref<!tpu.dma_semaphore, #tpu.memory_space<semaphore_mem>>) src(%dma_wait3A_1047 : memref<128xi32, #tpu.memory_space<hbm>>) dst(%arg10 : memref<128xi32, #tpu.memory_space<vmem>>)
      %dma_wait3A_1048 = arith.constant 0 : i32
      %dma_wait3A_1049 = tpu.memref_slice %arg5[%dma_wait3A_1048] : memref<10000xi32, #tpu.memory_space<vmem>> -> memref<128xi32, #tpu.memory_space<vmem>>
      %dma_wait3A_1050 = arith.constant 0 : i32
      %dma_wait3A_1051 = arith.constant 0 : i32
      %dma_wait3A_1052 = tpu.memref_slice %arg2[%dma_wait3A_1050, %dma_wait3A_1051] : memref<10000x64xf32, #tpu.memory_space<hbm>> -> memref<10000x64xf32, #tpu.memory_space<hbm>>
      tpu.wait_indirect_dma semaphore(%arg33 : memref<!tpu.dma_semaphore, #tpu.memory_space<semaphore_mem>>) src(%dma_wait3A_1052 : memref<10000x64xf32, #tpu.memory_space<hbm>>) dst(%arg16 : memref<128x64xf32, #tpu.memory_space<vmem>>)
      "tpu.region"() ({
        %run_scoped3A_1083 = tpu.sem_alloc : memref<!tpu.dma_semaphore, #tpu.memory_space<semaphore_mem>>
        %dma_start3A_1084 = arith.constant 0 : i32
        %dma_start3A_1085 = arith.constant 0 : i32
        %dma_start3A_1086 = tpu.memref_slice %arg22[%dma_start3A_1084, %dma_start3A_1085] : memref<10000x64xf32, #tpu.memory_space<vmem_shared>> -> memref<10000x64xf32, #tpu.memory_space<vmem_shared>>
        tpu.enqueue_indirect_dma source(%arg16 : memref<128x64xf32, #tpu.memory_space<vmem>>) target(%dma_start3A_1086 : memref<10000x64xf32, #tpu.memory_space<vmem_shared>>) offsets(%arg10 : memref<128xi32, #tpu.memory_space<vmem>>) semaphore(%run_scoped3A_1083 : memref<!tpu.dma_semaphore, #tpu.memory_space<semaphore_mem>>) {add = true}
        %dma_wait3A_1087 = arith.constant 0 : i32
        %dma_wait3A_1088 = arith.constant 0 : i32
        %dma_wait3A_1089 = tpu.memref_slice %arg22[%dma_wait3A_1087, %dma_wait3A_1088] : memref<10000x64xf32, #tpu.memory_space<vmem_shared>> -> memref<10000x64xf32, #tpu.memory_space<vmem_shared>>
        tpu.wait_indirect_dma semaphore(%run_scoped3A_1083 : memref<!tpu.dma_semaphore, #tpu.memory_space<semaphore_mem>>) src(%arg16 : memref<128x64xf32, #tpu.memory_space<vmem>>) dst(%dma_wait3A_1089 : memref<10000x64xf32, #tpu.memory_space<vmem_shared>>)
        tpu.yield
      }) : () -> ()
      %add3A_1053 = arith.constant 6 : i32
      %add3A_1054 = arith.addi %add3A_1040, %add3A_1053 : i32
      %lt3A_1055 = arith.constant 78 : i32
      %lt3A_1056 = arith.cmpi slt, %add3A_1054, %lt3A_1055 : i32
      %convert_element_type3A_1057 = arith.extui %lt3A_1056 : i1 to i32
      %cond3A_1058 = arith.constant 0 : i32
      %cond3A_1059 = arith.cmpi ne, %convert_element_type3A_1057, %cond3A_1058 : i32
      scf.if %cond3A_1059 {
        %mul3A_1083 = arith.constant 128 : i32
        %mul3A_1084 = arith.muli %add3A_1054, %mul3A_1083 : i32
        %add3A_1085 = arith.addi %mul3A_753, %mul3A_1084 : i32
        %multiple_of3A_1086 = tpu.assume_multiple %add3A_1085, 8 : i32
        %dma_start3A_1087 = arith.constant 1 : i32
        %dma_start3A_1088 = tpu.memref_slice %arg3[%dma_start3A_1087, %multiple_of3A_1086] : memref<2x320000xi32, #tpu.memory_space<hbm>> -> memref<1x128xi32, #tpu.memory_space<hbm>>
        %dma_start3A_1089 = tpu.memref_squeeze %dma_start3A_1088 : memref<1x128xi32, #tpu.memory_space<hbm>> -> memref<128xi32, #tpu.memory_space<hbm>>
        %dma_start3A_1090 = tpu.memref_slice %arg3[%dma_start3A_1087, %multiple_of3A_1086] : memref<2x320000xi32, #tpu.memory_space<hbm>> -> memref<1x128xi32, #tpu.memory_space<hbm>>
        %dma_start3A_1091 = tpu.memref_squeeze %dma_start3A_1090 : memref<1x128xi32, #tpu.memory_space<hbm>> -> memref<128xi32, #tpu.memory_space<hbm>>
        tpu.enqueue_dma source(%dma_start3A_1091 : memref<128xi32, #tpu.memory_space<hbm>>) target(%arg10 : memref<128xi32, #tpu.memory_space<vmem>>) target_semaphore(%arg27 : memref<!tpu.dma_semaphore, #tpu.memory_space<semaphore_mem>>)
        %mul3A_1092 = arith.constant 128 : i32
        %mul3A_1093 = arith.muli %add3A_1054, %mul3A_1092 : i32
        %dma_start3A_1094 = tpu.memref_slice %arg5[%mul3A_1093] : memref<10000xi32, #tpu.memory_space<vmem>> -> memref<128xi32, #tpu.memory_space<vmem>>
        %dma_start3A_1095 = arith.constant 0 : i32
        %dma_start3A_1096 = arith.constant 0 : i32
        %dma_start3A_1097 = tpu.memref_slice %arg2[%dma_start3A_1095, %dma_start3A_1096] : memref<10000x64xf32, #tpu.memory_space<hbm>> -> memref<10000x64xf32, #tpu.memory_space<hbm>>
        tpu.enqueue_indirect_dma source(%dma_start3A_1097 : memref<10000x64xf32, #tpu.memory_space<hbm>>) target(%arg16 : memref<128x64xf32, #tpu.memory_space<vmem>>) offsets(%dma_start3A_1094 : memref<128xi32, #tpu.memory_space<vmem>>) semaphore(%arg33 : memref<!tpu.dma_semaphore, #tpu.memory_space<semaphore_mem>>)
      } else {
      }
      %mul3A_1060 = arith.constant 6 : i32
      %mul3A_1061 = arith.muli %scan3A_947, %mul3A_1060 : i32
      %add3A_1062 = arith.constant 5 : i32
      %add3A_1063 = arith.addi %mul3A_1061, %add3A_1062 : i32
      %dma_wait3A_1064 = arith.constant 1 : i32
      %dma_wait3A_1065 = arith.constant 0 : i32
      %dma_wait3A_1066 = tpu.memref_slice %arg3[%dma_wait3A_1064, %dma_wait3A_1065] : memref<2x320000xi32, #tpu.memory_space<hbm>> -> memref<1x128xi32, #tpu.memory_space<hbm>>
      %dma_wait3A_1067 = tpu.memref_squeeze %dma_wait3A_1066 : memref<1x128xi32, #tpu.memory_space<hbm>> -> memref<128xi32, #tpu.memory_space<hbm>>
      %dma_wait3A_1068 = arith.constant 0 : i32
      %dma_wait3A_1069 = tpu.memref_slice %arg3[%dma_wait3A_1064, %dma_wait3A_1068] : memref<2x320000xi32, #tpu.memory_space<hbm>> -> memref<1x128xi32, #tpu.memory_space<hbm>>
      %dma_wait3A_1070 = tpu.memref_squeeze %dma_wait3A_1069 : memref<1x128xi32, #tpu.memory_space<hbm>> -> memref<128xi32, #tpu.memory_space<hbm>>
      tpu.wait_dma2 semaphore(%arg28 : memref<!tpu.dma_semaphore, #tpu.memory_space<semaphore_mem>>) src(%dma_wait3A_1070 : memref<128xi32, #tpu.memory_space<hbm>>) dst(%arg11 : memref<128xi32, #tpu.memory_space<vmem>>)
      %dma_wait3A_1071 = arith.constant 0 : i32
      %dma_wait3A_1072 = tpu.memref_slice %arg5[%dma_wait3A_1071] : memref<10000xi32, #tpu.memory_space<vmem>> -> memref<128xi32, #tpu.memory_space<vmem>>
      %dma_wait3A_1073 = arith.constant 0 : i32
      %dma_wait3A_1074 = arith.constant 0 : i32
      %dma_wait3A_1075 = tpu.memref_slice %arg2[%dma_wait3A_1073, %dma_wait3A_1074] : memref<10000x64xf32, #tpu.memory_space<hbm>> -> memref<10000x64xf32, #tpu.memory_space<hbm>>
      tpu.wait_indirect_dma semaphore(%arg34 : memref<!tpu.dma_semaphore, #tpu.memory_space<semaphore_mem>>) src(%dma_wait3A_1075 : memref<10000x64xf32, #tpu.memory_space<hbm>>) dst(%arg17 : memref<128x64xf32, #tpu.memory_space<vmem>>)
      "tpu.region"() ({
        %run_scoped3A_1083 = tpu.sem_alloc : memref<!tpu.dma_semaphore, #tpu.memory_space<semaphore_mem>>
        %dma_start3A_1084 = arith.constant 0 : i32
        %dma_start3A_1085 = arith.constant 0 : i32
        %dma_start3A_1086 = tpu.memref_slice %arg22[%dma_start3A_1084, %dma_start3A_1085] : memref<10000x64xf32, #tpu.memory_space<vmem_shared>> -> memref<10000x64xf32, #tpu.memory_space<vmem_shared>>
        tpu.enqueue_indirect_dma source(%arg17 : memref<128x64xf32, #tpu.memory_space<vmem>>) target(%dma_start3A_1086 : memref<10000x64xf32, #tpu.memory_space<vmem_shared>>) offsets(%arg11 : memref<128xi32, #tpu.memory_space<vmem>>) semaphore(%run_scoped3A_1083 : memref<!tpu.dma_semaphore, #tpu.memory_space<semaphore_mem>>) {add = true}
        %dma_wait3A_1087 = arith.constant 0 : i32
        %dma_wait3A_1088 = arith.constant 0 : i32
        %dma_wait3A_1089 = tpu.memref_slice %arg22[%dma_wait3A_1087, %dma_wait3A_1088] : memref<10000x64xf32, #tpu.memory_space<vmem_shared>> -> memref<10000x64xf32, #tpu.memory_space<vmem_shared>>
        tpu.wait_indirect_dma semaphore(%run_scoped3A_1083 : memref<!tpu.dma_semaphore, #tpu.memory_space<semaphore_mem>>) src(%arg17 : memref<128x64xf32, #tpu.memory_space<vmem>>) dst(%dma_wait3A_1089 : memref<10000x64xf32, #tpu.memory_space<vmem_shared>>)
        tpu.yield
      }) : () -> ()
      %add3A_1076 = arith.constant 6 : i32
      %add3A_1077 = arith.addi %add3A_1063, %add3A_1076 : i32
      %lt3A_1078 = arith.constant 78 : i32
      %lt3A_1079 = arith.cmpi slt, %add3A_1077, %lt3A_1078 : i32
      %convert_element_type3A_1080 = arith.extui %lt3A_1079 : i1 to i32
      %cond3A_1081 = arith.constant 0 : i32
      %cond3A_1082 = arith.cmpi ne, %convert_element_type3A_1080, %cond3A_1081 : i32
      scf.if %cond3A_1082 {
        %mul3A_1083 = arith.constant 128 : i32
        %mul3A_1084 = arith.muli %add3A_1077, %mul3A_1083 : i32
        %add3A_1085 = arith.addi %mul3A_753, %mul3A_1084 : i32
        %multiple_of3A_1086 = tpu.assume_multiple %add3A_1085, 8 : i32
        %dma_start3A_1087 = arith.constant 1 : i32
        %dma_start3A_1088 = tpu.memref_slice %arg3[%dma_start3A_1087, %multiple_of3A_1086] : memref<2x320000xi32, #tpu.memory_space<hbm>> -> memref<1x128xi32, #tpu.memory_space<hbm>>
        %dma_start3A_1089 = tpu.memref_squeeze %dma_start3A_1088 : memref<1x128xi32, #tpu.memory_space<hbm>> -> memref<128xi32, #tpu.memory_space<hbm>>
        %dma_start3A_1090 = tpu.memref_slice %arg3[%dma_start3A_1087, %multiple_of3A_1086] : memref<2x320000xi32, #tpu.memory_space<hbm>> -> memref<1x128xi32, #tpu.memory_space<hbm>>
        %dma_start3A_1091 = tpu.memref_squeeze %dma_start3A_1090 : memref<1x128xi32, #tpu.memory_space<hbm>> -> memref<128xi32, #tpu.memory_space<hbm>>
        tpu.enqueue_dma source(%dma_start3A_1091 : memref<128xi32, #tpu.memory_space<hbm>>) target(%arg11 : memref<128xi32, #tpu.memory_space<vmem>>) target_semaphore(%arg28 : memref<!tpu.dma_semaphore, #tpu.memory_space<semaphore_mem>>)
        %mul3A_1092 = arith.constant 128 : i32
        %mul3A_1093 = arith.muli %add3A_1077, %mul3A_1092 : i32
        %dma_start3A_1094 = tpu.memref_slice %arg5[%mul3A_1093] : memref<10000xi32, #tpu.memory_space<vmem>> -> memref<128xi32, #tpu.memory_space<vmem>>
        %dma_start3A_1095 = arith.constant 0 : i32
        %dma_start3A_1096 = arith.constant 0 : i32
        %dma_start3A_1097 = tpu.memref_slice %arg2[%dma_start3A_1095, %dma_start3A_1096] : memref<10000x64xf32, #tpu.memory_space<hbm>> -> memref<10000x64xf32, #tpu.memory_space<hbm>>
        tpu.enqueue_indirect_dma source(%dma_start3A_1097 : memref<10000x64xf32, #tpu.memory_space<hbm>>) target(%arg17 : memref<128x64xf32, #tpu.memory_space<vmem>>) offsets(%dma_start3A_1094 : memref<128xi32, #tpu.memory_space<vmem>>) semaphore(%arg34 : memref<!tpu.dma_semaphore, #tpu.memory_space<semaphore_mem>>)
      } else {
      }
    }
    %scan3A_934 = arith.constant 13 : i32
    %add3A_935 = arith.constant 9984 : i32
    %add3A_936 = arith.addi %mul3A_753, %add3A_935 : i32
    %multiple_of3A_937 = tpu.assume_multiple %add3A_936, 8 : i32
    %run_scoped3A_938 = arith.constant 0 : i32
    "tpu.region"() ({
      %run_scoped3A_947 = tpu.sem_alloc : memref<!tpu.dma_semaphore, #tpu.memory_space<semaphore_mem>>
      %dma_start3A_948 = tpu.memref_slice %arg3[%run_scoped3A_938, %multiple_of3A_937] : memref<2x320000xi32, #tpu.memory_space<hbm>> -> memref<1x16xi32, #tpu.memory_space<hbm>>
      %dma_start3A_949 = tpu.memref_squeeze %dma_start3A_948 : memref<1x16xi32, #tpu.memory_space<hbm>> -> memref<16xi32, #tpu.memory_space<hbm>>
      %dma_start3A_950 = tpu.memref_slice %arg3[%run_scoped3A_938, %multiple_of3A_937] : memref<2x320000xi32, #tpu.memory_space<hbm>> -> memref<1x16xi32, #tpu.memory_space<hbm>>
      %dma_start3A_951 = tpu.memref_squeeze %dma_start3A_950 : memref<1x16xi32, #tpu.memory_space<hbm>> -> memref<16xi32, #tpu.memory_space<hbm>>
      tpu.enqueue_dma source(%dma_start3A_951 : memref<16xi32, #tpu.memory_space<hbm>>) target(%arg18 : memref<16xi32, #tpu.memory_space<vmem>>) target_semaphore(%run_scoped3A_947 : memref<!tpu.dma_semaphore, #tpu.memory_space<semaphore_mem>>)
      %dma_wait3A_952 = tpu.memref_slice %arg3[%run_scoped3A_938, %multiple_of3A_937] : memref<2x320000xi32, #tpu.memory_space<hbm>> -> memref<1x16xi32, #tpu.memory_space<hbm>>
      %dma_wait3A_953 = tpu.memref_squeeze %dma_wait3A_952 : memref<1x16xi32, #tpu.memory_space<hbm>> -> memref<16xi32, #tpu.memory_space<hbm>>
      %dma_wait3A_954 = tpu.memref_slice %arg3[%run_scoped3A_938, %multiple_of3A_937] : memref<2x320000xi32, #tpu.memory_space<hbm>> -> memref<1x16xi32, #tpu.memory_space<hbm>>
      %dma_wait3A_955 = tpu.memref_squeeze %dma_wait3A_954 : memref<1x16xi32, #tpu.memory_space<hbm>> -> memref<16xi32, #tpu.memory_space<hbm>>
      tpu.wait_dma2 semaphore(%run_scoped3A_947 : memref<!tpu.dma_semaphore, #tpu.memory_space<semaphore_mem>>) src(%dma_wait3A_955 : memref<16xi32, #tpu.memory_space<hbm>>) dst(%arg18 : memref<16xi32, #tpu.memory_space<vmem>>)
      tpu.yield
    }) : () -> ()
    %run_scoped3A_939 = arith.constant 1 : i32
    "tpu.region"() ({
      %run_scoped3A_947 = tpu.sem_alloc : memref<!tpu.dma_semaphore, #tpu.memory_space<semaphore_mem>>
      %dma_start3A_948 = tpu.memref_slice %arg3[%run_scoped3A_939, %multiple_of3A_937] : memref<2x320000xi32, #tpu.memory_space<hbm>> -> memref<1x16xi32, #tpu.memory_space<hbm>>
      %dma_start3A_949 = tpu.memref_squeeze %dma_start3A_948 : memref<1x16xi32, #tpu.memory_space<hbm>> -> memref<16xi32, #tpu.memory_space<hbm>>
      %dma_start3A_950 = tpu.memref_slice %arg3[%run_scoped3A_939, %multiple_of3A_937] : memref<2x320000xi32, #tpu.memory_space<hbm>> -> memref<1x16xi32, #tpu.memory_space<hbm>>
      %dma_start3A_951 = tpu.memref_squeeze %dma_start3A_950 : memref<1x16xi32, #tpu.memory_space<hbm>> -> memref<16xi32, #tpu.memory_space<hbm>>
      tpu.enqueue_dma source(%dma_start3A_951 : memref<16xi32, #tpu.memory_space<hbm>>) target(%arg19 : memref<16xi32, #tpu.memory_space<vmem>>) target_semaphore(%run_scoped3A_947 : memref<!tpu.dma_semaphore, #tpu.memory_space<semaphore_mem>>)
      %dma_wait3A_952 = tpu.memref_slice %arg3[%run_scoped3A_939, %multiple_of3A_937] : memref<2x320000xi32, #tpu.memory_space<hbm>> -> memref<1x16xi32, #tpu.memory_space<hbm>>
      %dma_wait3A_953 = tpu.memref_squeeze %dma_wait3A_952 : memref<1x16xi32, #tpu.memory_space<hbm>> -> memref<16xi32, #tpu.memory_space<hbm>>
      %dma_wait3A_954 = tpu.memref_slice %arg3[%run_scoped3A_939, %multiple_of3A_937] : memref<2x320000xi32, #tpu.memory_space<hbm>> -> memref<1x16xi32, #tpu.memory_space<hbm>>
      %dma_wait3A_955 = tpu.memref_squeeze %dma_wait3A_954 : memref<1x16xi32, #tpu.memory_space<hbm>> -> memref<16xi32, #tpu.memory_space<hbm>>
      tpu.wait_dma2 semaphore(%run_scoped3A_947 : memref<!tpu.dma_semaphore, #tpu.memory_space<semaphore_mem>>) src(%dma_wait3A_955 : memref<16xi32, #tpu.memory_space<hbm>>) dst(%arg19 : memref<16xi32, #tpu.memory_space<vmem>>)
      tpu.yield
    }) : () -> ()
    %dma_start3A_940 = arith.constant 0 : i32
    %dma_start3A_941 = arith.constant 0 : i32
    %dma_start3A_942 = tpu.memref_slice %arg2[%dma_start3A_940, %dma_start3A_941] : memref<10000x64xf32, #tpu.memory_space<hbm>> -> memref<10000x64xf32, #tpu.memory_space<hbm>>
    tpu.enqueue_indirect_dma source(%dma_start3A_942 : memref<10000x64xf32, #tpu.memory_space<hbm>>) target(%arg20 : memref<16x64xf32, #tpu.memory_space<vmem>>) offsets(%arg18 : memref<16xi32, #tpu.memory_space<vmem>>) semaphore(%arg35 : memref<!tpu.dma_semaphore, #tpu.memory_space<semaphore_mem>>)
    %dma_wait3A_943 = arith.constant 0 : i32
    %dma_wait3A_944 = arith.constant 0 : i32
    %dma_wait3A_945 = tpu.memref_slice %arg2[%dma_wait3A_943, %dma_wait3A_944] : memref<10000x64xf32, #tpu.memory_space<hbm>> -> memref<10000x64xf32, #tpu.memory_space<hbm>>
    tpu.wait_indirect_dma semaphore(%arg35 : memref<!tpu.dma_semaphore, #tpu.memory_space<semaphore_mem>>) src(%dma_wait3A_945 : memref<10000x64xf32, #tpu.memory_space<hbm>>) dst(%arg20 : memref<16x64xf32, #tpu.memory_space<vmem>>)
    "tpu.region"() ({
      %run_scoped3A_947 = tpu.sem_alloc : memref<!tpu.dma_semaphore, #tpu.memory_space<semaphore_mem>>
      %dma_start3A_948 = arith.constant 0 : i32
      %dma_start3A_949 = arith.constant 0 : i32
      %dma_start3A_950 = tpu.memref_slice %arg22[%dma_start3A_948, %dma_start3A_949] : memref<10000x64xf32, #tpu.memory_space<vmem_shared>> -> memref<10000x64xf32, #tpu.memory_space<vmem_shared>>
      tpu.enqueue_indirect_dma source(%arg20 : memref<16x64xf32, #tpu.memory_space<vmem>>) target(%dma_start3A_950 : memref<10000x64xf32, #tpu.memory_space<vmem_shared>>) offsets(%arg19 : memref<16xi32, #tpu.memory_space<vmem>>) semaphore(%run_scoped3A_947 : memref<!tpu.dma_semaphore, #tpu.memory_space<semaphore_mem>>) {add = true}
      %dma_wait3A_951 = arith.constant 0 : i32
      %dma_wait3A_952 = arith.constant 0 : i32
      %dma_wait3A_953 = tpu.memref_slice %arg22[%dma_wait3A_951, %dma_wait3A_952] : memref<10000x64xf32, #tpu.memory_space<vmem_shared>> -> memref<10000x64xf32, #tpu.memory_space<vmem_shared>>
      tpu.wait_indirect_dma semaphore(%run_scoped3A_947 : memref<!tpu.dma_semaphore, #tpu.memory_space<semaphore_mem>>) src(%arg20 : memref<16x64xf32, #tpu.memory_space<vmem>>) dst(%dma_wait3A_953 : memref<10000x64xf32, #tpu.memory_space<vmem_shared>>)
      tpu.yield
    }) : () -> ()
    %barrier3A_946 = arith.constant 0 : index
    tpu.barrier barrier_id(%barrier3A_946)
    "tpu.region"() ({
      %run_scoped3A_947 = tpu.sem_alloc : memref<!tpu.dma_semaphore, #tpu.memory_space<semaphore_mem>>
      %dma_start3A_948 = arith.constant 0 : i32
      %dma_start3A_949 = tpu.memref_slice %arg4[%arg0, %mul3A_2, %dma_start3A_948] : memref<2x10000x64xf32, #tpu.memory_space<hbm>> -> memref<1x625x64xf32, #tpu.memory_space<hbm>>
      %dma_start3A_950 = tpu.memref_squeeze %dma_start3A_949 : memref<1x625x64xf32, #tpu.memory_space<hbm>> -> memref<625x64xf32, #tpu.memory_space<hbm>>
      %dma_start3A_951 = arith.constant 0 : i32
      %dma_start3A_952 = tpu.memref_slice %arg22[%mul3A_2, %dma_start3A_951] : memref<10000x64xf32, #tpu.memory_space<vmem_shared>> -> memref<625x64xf32, #tpu.memory_space<vmem_shared>>
      tpu.enqueue_dma source(%dma_start3A_952 : memref<625x64xf32, #tpu.memory_space<vmem_shared>>) target(%dma_start3A_950 : memref<625x64xf32, #tpu.memory_space<hbm>>) target_semaphore(%run_scoped3A_947 : memref<!tpu.dma_semaphore, #tpu.memory_space<semaphore_mem>>)
      %dma_wait3A_953 = arith.constant 0 : i32
      %dma_wait3A_954 = tpu.memref_slice %arg4[%arg0, %mul3A_2, %dma_wait3A_953] : memref<2x10000x64xf32, #tpu.memory_space<hbm>> -> memref<1x625x64xf32, #tpu.memory_space<hbm>>
      %dma_wait3A_955 = tpu.memref_squeeze %dma_wait3A_954 : memref<1x625x64xf32, #tpu.memory_space<hbm>> -> memref<625x64xf32, #tpu.memory_space<hbm>>
      %dma_wait3A_956 = arith.constant 0 : i32
      %dma_wait3A_957 = tpu.memref_slice %arg22[%mul3A_2, %dma_wait3A_956] : memref<10000x64xf32, #tpu.memory_space<vmem_shared>> -> memref<625x64xf32, #tpu.memory_space<vmem_shared>>
      tpu.wait_dma2 semaphore(%run_scoped3A_947 : memref<!tpu.dma_semaphore, #tpu.memory_space<semaphore_mem>>) src(%dma_wait3A_957 : memref<625x64xf32, #tpu.memory_space<vmem_shared>>) dst(%dma_wait3A_955 : memref<625x64xf32, #tpu.memory_space<hbm>>)
      tpu.yield
    }) : () -> ()
    return
  }
}

#map = affine_map<(d0, d1) -> (0, 0)>
#map1 = affine_map<(d0, d1) -> (0, 0, 0)>
module attributes {stable_mosaic.version = 14 : i64} {
  func.func @prop(%arg0: i32, %arg1: i32, %arg2: memref<10000x32xf32, #tpu.memory_space<hbm>>, %arg3: memref<2x320000xi32, #tpu.memory_space<hbm>>, %arg4: memref<2x10000x32xf32, #tpu.memory_space<hbm>>, %arg5: memref<10000xi32, #tpu.memory_space<vmem>>, %arg6: memref<128xi32, #tpu.memory_space<vmem>>, %arg7: memref<128xi32, #tpu.memory_space<vmem>>, %arg8: memref<128xi32, #tpu.memory_space<vmem>>, %arg9: memref<128xi32, #tpu.memory_space<vmem>>, %arg10: memref<128xi32, #tpu.memory_space<vmem>>, %arg11: memref<128xi32, #tpu.memory_space<vmem>>, %arg12: memref<128xi32, #tpu.memory_space<vmem>>, %arg13: memref<128xi32, #tpu.memory_space<vmem>>, %arg14: memref<128xi32, #tpu.memory_space<vmem>>, %arg15: memref<128xi32, #tpu.memory_space<vmem>>, %arg16: memref<128xi32, #tpu.memory_space<vmem>>, %arg17: memref<128xi32, #tpu.memory_space<vmem>>, %arg18: memref<128xi32, #tpu.memory_space<vmem>>, %arg19: memref<128x32xf32, #tpu.memory_space<vmem>>, %arg20: memref<128x32xf32, #tpu.memory_space<vmem>>, %arg21: memref<128x32xf32, #tpu.memory_space<vmem>>, %arg22: memref<128x32xf32, #tpu.memory_space<vmem>>, %arg23: memref<128x32xf32, #tpu.memory_space<vmem>>, %arg24: memref<128x32xf32, #tpu.memory_space<vmem>>, %arg25: memref<128x32xf32, #tpu.memory_space<vmem>>, %arg26: memref<128x32xf32, #tpu.memory_space<vmem>>, %arg27: memref<128x32xf32, #tpu.memory_space<vmem>>, %arg28: memref<128x32xf32, #tpu.memory_space<vmem>>, %arg29: memref<128x32xf32, #tpu.memory_space<vmem>>, %arg30: memref<128x32xf32, #tpu.memory_space<vmem>>, %arg31: memref<128x32xf32, #tpu.memory_space<vmem>>, %arg32: memref<16xi32, #tpu.memory_space<vmem>>, %arg33: memref<16xi32, #tpu.memory_space<vmem>>, %arg34: memref<16x32xf32, #tpu.memory_space<vmem>>, %arg35: memref<25x32xf32, #tpu.memory_space<vmem>>, %arg36: memref<10000x32xf32, #tpu.memory_space<vmem_shared>>, %arg37: memref<!tpu.dma_semaphore, #tpu.memory_space<semaphore_mem>>, %arg38: memref<!tpu.dma_semaphore, #tpu.memory_space<semaphore_mem>>, %arg39: memref<!tpu.dma_semaphore, #tpu.memory_space<semaphore_mem>>, %arg40: memref<!tpu.dma_semaphore, #tpu.memory_space<semaphore_mem>>, %arg41: memref<!tpu.dma_semaphore, #tpu.memory_space<semaphore_mem>>, %arg42: memref<!tpu.dma_semaphore, #tpu.memory_space<semaphore_mem>>, %arg43: memref<!tpu.dma_semaphore, #tpu.memory_space<semaphore_mem>>, %arg44: memref<!tpu.dma_semaphore, #tpu.memory_space<semaphore_mem>>, %arg45: memref<!tpu.dma_semaphore, #tpu.memory_space<semaphore_mem>>, %arg46: memref<!tpu.dma_semaphore, #tpu.memory_space<semaphore_mem>>, %arg47: memref<!tpu.dma_semaphore, #tpu.memory_space<semaphore_mem>>, %arg48: memref<!tpu.dma_semaphore, #tpu.memory_space<semaphore_mem>>, %arg49: memref<!tpu.dma_semaphore, #tpu.memory_space<semaphore_mem>>, %arg50: memref<!tpu.dma_semaphore, #tpu.memory_space<semaphore_mem>>, %arg51: memref<!tpu.dma_semaphore, #tpu.memory_space<semaphore_mem>>, %arg52: memref<!tpu.dma_semaphore, #tpu.memory_space<semaphore_mem>>, %arg53: memref<!tpu.dma_semaphore, #tpu.memory_space<semaphore_mem>>, %arg54: memref<!tpu.dma_semaphore, #tpu.memory_space<semaphore_mem>>, %arg55: memref<!tpu.dma_semaphore, #tpu.memory_space<semaphore_mem>>, %arg56: memref<!tpu.dma_semaphore, #tpu.memory_space<semaphore_mem>>, %arg57: memref<!tpu.dma_semaphore, #tpu.memory_space<semaphore_mem>>, %arg58: memref<!tpu.dma_semaphore, #tpu.memory_space<semaphore_mem>>, %arg59: memref<!tpu.dma_semaphore, #tpu.memory_space<semaphore_mem>>, %arg60: memref<!tpu.dma_semaphore, #tpu.memory_space<semaphore_mem>>, %arg61: memref<!tpu.dma_semaphore, #tpu.memory_space<semaphore_mem>>, %arg62: memref<!tpu.dma_semaphore, #tpu.memory_space<semaphore_mem>>, %arg63: memref<!tpu.dma_semaphore, #tpu.memory_space<semaphore_mem>>, %arg64: memref<!tpu.dma_semaphore, #tpu.memory_space<semaphore_mem>>) attributes {dimension_semantics = [#tpu.dimension_semantics<core_parallel>, #tpu.dimension_semantics<subcore_parallel>], iteration_bounds = array<i64: 2, 16>, scalar_prefetch = 0 : i64, scratch_operands = 60 : i64, tpu.core_type = #tpu.core_type<sc_vector_subcore>, window_params = [{transform_indices = #map}, {transform_indices = #map}, {transform_indices = #map1}]} {
    %mul3A = arith.constant 2 : i32
    %mul3A_0 = arith.muli %arg1, %mul3A : i32
    %add3A = arith.addi %mul3A_0, %arg0 : i32
    %mul3A_1 = arith.constant 625 : i32
    %mul3A_2 = arith.muli %arg1, %mul3A_1 : i32
    %broadcast_in_dim3A = arith.constant 0.000000e+00 : f32
    %broadcast_in_dim3A_3 = vector.broadcast %broadcast_in_dim3A : f32 to vector<16xf32>
    %swap3A = arith.constant 0 : i32
    %swap3A_4 = arith.index_cast %swap3A : i32 to index
    %swap3A_5 = arith.constant 0 : index
    %swap3A_6 = tpu.vector_load %arg35[%swap3A_4, %swap3A_5] {strides = array<i32>} : memref<25x32xf32, #tpu.memory_space<vmem>>, vector<1x16xf32>,
    %swap3A_7 = vector.shape_cast %swap3A_6 : vector<1x16xf32> to vector<16xf32>
    %swap3A_8 = vector.shape_cast %broadcast_in_dim3A_3 : vector<16xf32> to vector<1x16xf32>
    tpu.vector_store %arg35[%swap3A_4, %swap3A_5], %swap3A_8 {strides = array<i32>} : memref<25x32xf32, #tpu.memory_space<vmem>>, vector<1x16xf32>,
    %swap3A_9 = arith.constant 0 : i32
    %swap3A_10 = arith.index_cast %swap3A_9 : i32 to index
    %swap3A_11 = arith.constant 16 : index
    %swap3A_12 = tpu.vector_load %arg35[%swap3A_10, %swap3A_11] {strides = array<i32>} : memref<25x32xf32, #tpu.memory_space<vmem>>, vector<1x16xf32>,
    %swap3A_13 = vector.shape_cast %swap3A_12 : vector<1x16xf32> to vector<16xf32>
    %swap3A_14 = vector.shape_cast %broadcast_in_dim3A_3 : vector<16xf32> to vector<1x16xf32>
    tpu.vector_store %arg35[%swap3A_10, %swap3A_11], %swap3A_14 {strides = array<i32>} : memref<25x32xf32, #tpu.memory_space<vmem>>, vector<1x16xf32>,
    %swap3A_15 = arith.constant 1 : i32
    %swap3A_16 = arith.index_cast %swap3A_15 : i32 to index
    %swap3A_17 = arith.constant 0 : index
    %swap3A_18 = tpu.vector_load %arg35[%swap3A_16, %swap3A_17] {strides = array<i32>} : memref<25x32xf32, #tpu.memory_space<vmem>>, vector<1x16xf32>,
    %swap3A_19 = vector.shape_cast %swap3A_18 : vector<1x16xf32> to vector<16xf32>
    %swap3A_20 = vector.shape_cast %broadcast_in_dim3A_3 : vector<16xf32> to vector<1x16xf32>
    tpu.vector_store %arg35[%swap3A_16, %swap3A_17], %swap3A_20 {strides = array<i32>} : memref<25x32xf32, #tpu.memory_space<vmem>>, vector<1x16xf32>,
    %swap3A_21 = arith.constant 1 : i32
    %swap3A_22 = arith.index_cast %swap3A_21 : i32 to index
    %swap3A_23 = arith.constant 16 : index
    %swap3A_24 = tpu.vector_load %arg35[%swap3A_22, %swap3A_23] {strides = array<i32>} : memref<25x32xf32, #tpu.memory_space<vmem>>, vector<1x16xf32>,
    %swap3A_25 = vector.shape_cast %swap3A_24 : vector<1x16xf32> to vector<16xf32>
    %swap3A_26 = vector.shape_cast %broadcast_in_dim3A_3 : vector<16xf32> to vector<1x16xf32>
    tpu.vector_store %arg35[%swap3A_22, %swap3A_23], %swap3A_26 {strides = array<i32>} : memref<25x32xf32, #tpu.memory_space<vmem>>, vector<1x16xf32>,
    %swap3A_27 = arith.constant 2 : i32
    %swap3A_28 = arith.index_cast %swap3A_27 : i32 to index
    %swap3A_29 = arith.constant 0 : index
    %swap3A_30 = tpu.vector_load %arg35[%swap3A_28, %swap3A_29] {strides = array<i32>} : memref<25x32xf32, #tpu.memory_space<vmem>>, vector<1x16xf32>,
    %swap3A_31 = vector.shape_cast %swap3A_30 : vector<1x16xf32> to vector<16xf32>
    %swap3A_32 = vector.shape_cast %broadcast_in_dim3A_3 : vector<16xf32> to vector<1x16xf32>
    tpu.vector_store %arg35[%swap3A_28, %swap3A_29], %swap3A_32 {strides = array<i32>} : memref<25x32xf32, #tpu.memory_space<vmem>>, vector<1x16xf32>,
    %swap3A_33 = arith.constant 2 : i32
    %swap3A_34 = arith.index_cast %swap3A_33 : i32 to index
    %swap3A_35 = arith.constant 16 : index
    %swap3A_36 = tpu.vector_load %arg35[%swap3A_34, %swap3A_35] {strides = array<i32>} : memref<25x32xf32, #tpu.memory_space<vmem>>, vector<1x16xf32>,
    %swap3A_37 = vector.shape_cast %swap3A_36 : vector<1x16xf32> to vector<16xf32>
    %swap3A_38 = vector.shape_cast %broadcast_in_dim3A_3 : vector<16xf32> to vector<1x16xf32>
    tpu.vector_store %arg35[%swap3A_34, %swap3A_35], %swap3A_38 {strides = array<i32>} : memref<25x32xf32, #tpu.memory_space<vmem>>, vector<1x16xf32>,
    %swap3A_39 = arith.constant 3 : i32
    %swap3A_40 = arith.index_cast %swap3A_39 : i32 to index
    %swap3A_41 = arith.constant 0 : index
    %swap3A_42 = tpu.vector_load %arg35[%swap3A_40, %swap3A_41] {strides = array<i32>} : memref<25x32xf32, #tpu.memory_space<vmem>>, vector<1x16xf32>,
    %swap3A_43 = vector.shape_cast %swap3A_42 : vector<1x16xf32> to vector<16xf32>
    %swap3A_44 = vector.shape_cast %broadcast_in_dim3A_3 : vector<16xf32> to vector<1x16xf32>
    tpu.vector_store %arg35[%swap3A_40, %swap3A_41], %swap3A_44 {strides = array<i32>} : memref<25x32xf32, #tpu.memory_space<vmem>>, vector<1x16xf32>,
    %swap3A_45 = arith.constant 3 : i32
    %swap3A_46 = arith.index_cast %swap3A_45 : i32 to index
    %swap3A_47 = arith.constant 16 : index
    %swap3A_48 = tpu.vector_load %arg35[%swap3A_46, %swap3A_47] {strides = array<i32>} : memref<25x32xf32, #tpu.memory_space<vmem>>, vector<1x16xf32>,
    %swap3A_49 = vector.shape_cast %swap3A_48 : vector<1x16xf32> to vector<16xf32>
    %swap3A_50 = vector.shape_cast %broadcast_in_dim3A_3 : vector<16xf32> to vector<1x16xf32>
    tpu.vector_store %arg35[%swap3A_46, %swap3A_47], %swap3A_50 {strides = array<i32>} : memref<25x32xf32, #tpu.memory_space<vmem>>, vector<1x16xf32>,
    %swap3A_51 = arith.constant 4 : i32
    %swap3A_52 = arith.index_cast %swap3A_51 : i32 to index
    %swap3A_53 = arith.constant 0 : index
    %swap3A_54 = tpu.vector_load %arg35[%swap3A_52, %swap3A_53] {strides = array<i32>} : memref<25x32xf32, #tpu.memory_space<vmem>>, vector<1x16xf32>,
    %swap3A_55 = vector.shape_cast %swap3A_54 : vector<1x16xf32> to vector<16xf32>
    %swap3A_56 = vector.shape_cast %broadcast_in_dim3A_3 : vector<16xf32> to vector<1x16xf32>
    tpu.vector_store %arg35[%swap3A_52, %swap3A_53], %swap3A_56 {strides = array<i32>} : memref<25x32xf32, #tpu.memory_space<vmem>>, vector<1x16xf32>,
    %swap3A_57 = arith.constant 4 : i32
    %swap3A_58 = arith.index_cast %swap3A_57 : i32 to index
    %swap3A_59 = arith.constant 16 : index
    %swap3A_60 = tpu.vector_load %arg35[%swap3A_58, %swap3A_59] {strides = array<i32>} : memref<25x32xf32, #tpu.memory_space<vmem>>, vector<1x16xf32>,
    %swap3A_61 = vector.shape_cast %swap3A_60 : vector<1x16xf32> to vector<16xf32>
    %swap3A_62 = vector.shape_cast %broadcast_in_dim3A_3 : vector<16xf32> to vector<1x16xf32>
    tpu.vector_store %arg35[%swap3A_58, %swap3A_59], %swap3A_62 {strides = array<i32>} : memref<25x32xf32, #tpu.memory_space<vmem>>, vector<1x16xf32>,
    %swap3A_63 = arith.constant 5 : i32
    %swap3A_64 = arith.index_cast %swap3A_63 : i32 to index
    %swap3A_65 = arith.constant 0 : index
    %swap3A_66 = tpu.vector_load %arg35[%swap3A_64, %swap3A_65] {strides = array<i32>} : memref<25x32xf32, #tpu.memory_space<vmem>>, vector<1x16xf32>,
    %swap3A_67 = vector.shape_cast %swap3A_66 : vector<1x16xf32> to vector<16xf32>
    %swap3A_68 = vector.shape_cast %broadcast_in_dim3A_3 : vector<16xf32> to vector<1x16xf32>
    tpu.vector_store %arg35[%swap3A_64, %swap3A_65], %swap3A_68 {strides = array<i32>} : memref<25x32xf32, #tpu.memory_space<vmem>>, vector<1x16xf32>,
    %swap3A_69 = arith.constant 5 : i32
    %swap3A_70 = arith.index_cast %swap3A_69 : i32 to index
    %swap3A_71 = arith.constant 16 : index
    %swap3A_72 = tpu.vector_load %arg35[%swap3A_70, %swap3A_71] {strides = array<i32>} : memref<25x32xf32, #tpu.memory_space<vmem>>, vector<1x16xf32>,
    %swap3A_73 = vector.shape_cast %swap3A_72 : vector<1x16xf32> to vector<16xf32>
    %swap3A_74 = vector.shape_cast %broadcast_in_dim3A_3 : vector<16xf32> to vector<1x16xf32>
    tpu.vector_store %arg35[%swap3A_70, %swap3A_71], %swap3A_74 {strides = array<i32>} : memref<25x32xf32, #tpu.memory_space<vmem>>, vector<1x16xf32>,
    %swap3A_75 = arith.constant 6 : i32
    %swap3A_76 = arith.index_cast %swap3A_75 : i32 to index
    %swap3A_77 = arith.constant 0 : index
    %swap3A_78 = tpu.vector_load %arg35[%swap3A_76, %swap3A_77] {strides = array<i32>} : memref<25x32xf32, #tpu.memory_space<vmem>>, vector<1x16xf32>,
    %swap3A_79 = vector.shape_cast %swap3A_78 : vector<1x16xf32> to vector<16xf32>
    %swap3A_80 = vector.shape_cast %broadcast_in_dim3A_3 : vector<16xf32> to vector<1x16xf32>
    tpu.vector_store %arg35[%swap3A_76, %swap3A_77], %swap3A_80 {strides = array<i32>} : memref<25x32xf32, #tpu.memory_space<vmem>>, vector<1x16xf32>,
    %swap3A_81 = arith.constant 6 : i32
    %swap3A_82 = arith.index_cast %swap3A_81 : i32 to index
    %swap3A_83 = arith.constant 16 : index
    %swap3A_84 = tpu.vector_load %arg35[%swap3A_82, %swap3A_83] {strides = array<i32>} : memref<25x32xf32, #tpu.memory_space<vmem>>, vector<1x16xf32>,
    %swap3A_85 = vector.shape_cast %swap3A_84 : vector<1x16xf32> to vector<16xf32>
    %swap3A_86 = vector.shape_cast %broadcast_in_dim3A_3 : vector<16xf32> to vector<1x16xf32>
    tpu.vector_store %arg35[%swap3A_82, %swap3A_83], %swap3A_86 {strides = array<i32>} : memref<25x32xf32, #tpu.memory_space<vmem>>, vector<1x16xf32>,
    %swap3A_87 = arith.constant 7 : i32
    %swap3A_88 = arith.index_cast %swap3A_87 : i32 to index
    %swap3A_89 = arith.constant 0 : index
    %swap3A_90 = tpu.vector_load %arg35[%swap3A_88, %swap3A_89] {strides = array<i32>} : memref<25x32xf32, #tpu.memory_space<vmem>>, vector<1x16xf32>,
    %swap3A_91 = vector.shape_cast %swap3A_90 : vector<1x16xf32> to vector<16xf32>
    %swap3A_92 = vector.shape_cast %broadcast_in_dim3A_3 : vector<16xf32> to vector<1x16xf32>
    tpu.vector_store %arg35[%swap3A_88, %swap3A_89], %swap3A_92 {strides = array<i32>} : memref<25x32xf32, #tpu.memory_space<vmem>>, vector<1x16xf32>,
    %swap3A_93 = arith.constant 7 : i32
    %swap3A_94 = arith.index_cast %swap3A_93 : i32 to index
    %swap3A_95 = arith.constant 16 : index
    %swap3A_96 = tpu.vector_load %arg35[%swap3A_94, %swap3A_95] {strides = array<i32>} : memref<25x32xf32, #tpu.memory_space<vmem>>, vector<1x16xf32>,
    %swap3A_97 = vector.shape_cast %swap3A_96 : vector<1x16xf32> to vector<16xf32>
    %swap3A_98 = vector.shape_cast %broadcast_in_dim3A_3 : vector<16xf32> to vector<1x16xf32>
    tpu.vector_store %arg35[%swap3A_94, %swap3A_95], %swap3A_98 {strides = array<i32>} : memref<25x32xf32, #tpu.memory_space<vmem>>, vector<1x16xf32>,
    %swap3A_99 = arith.constant 8 : i32
    %swap3A_100 = arith.index_cast %swap3A_99 : i32 to index
    %swap3A_101 = arith.constant 0 : index
    %swap3A_102 = tpu.vector_load %arg35[%swap3A_100, %swap3A_101] {strides = array<i32>} : memref<25x32xf32, #tpu.memory_space<vmem>>, vector<1x16xf32>,
    %swap3A_103 = vector.shape_cast %swap3A_102 : vector<1x16xf32> to vector<16xf32>
    %swap3A_104 = vector.shape_cast %broadcast_in_dim3A_3 : vector<16xf32> to vector<1x16xf32>
    tpu.vector_store %arg35[%swap3A_100, %swap3A_101], %swap3A_104 {strides = array<i32>} : memref<25x32xf32, #tpu.memory_space<vmem>>, vector<1x16xf32>,
    %swap3A_105 = arith.constant 8 : i32
    %swap3A_106 = arith.index_cast %swap3A_105 : i32 to index
    %swap3A_107 = arith.constant 16 : index
    %swap3A_108 = tpu.vector_load %arg35[%swap3A_106, %swap3A_107] {strides = array<i32>} : memref<25x32xf32, #tpu.memory_space<vmem>>, vector<1x16xf32>,
    %swap3A_109 = vector.shape_cast %swap3A_108 : vector<1x16xf32> to vector<16xf32>
    %swap3A_110 = vector.shape_cast %broadcast_in_dim3A_3 : vector<16xf32> to vector<1x16xf32>
    tpu.vector_store %arg35[%swap3A_106, %swap3A_107], %swap3A_110 {strides = array<i32>} : memref<25x32xf32, #tpu.memory_space<vmem>>, vector<1x16xf32>,
    %swap3A_111 = arith.constant 9 : i32
    %swap3A_112 = arith.index_cast %swap3A_111 : i32 to index
    %swap3A_113 = arith.constant 0 : index
    %swap3A_114 = tpu.vector_load %arg35[%swap3A_112, %swap3A_113] {strides = array<i32>} : memref<25x32xf32, #tpu.memory_space<vmem>>, vector<1x16xf32>,
    %swap3A_115 = vector.shape_cast %swap3A_114 : vector<1x16xf32> to vector<16xf32>
    %swap3A_116 = vector.shape_cast %broadcast_in_dim3A_3 : vector<16xf32> to vector<1x16xf32>
    tpu.vector_store %arg35[%swap3A_112, %swap3A_113], %swap3A_116 {strides = array<i32>} : memref<25x32xf32, #tpu.memory_space<vmem>>, vector<1x16xf32>,
    %swap3A_117 = arith.constant 9 : i32
    %swap3A_118 = arith.index_cast %swap3A_117 : i32 to index
    %swap3A_119 = arith.constant 16 : index
    %swap3A_120 = tpu.vector_load %arg35[%swap3A_118, %swap3A_119] {strides = array<i32>} : memref<25x32xf32, #tpu.memory_space<vmem>>, vector<1x16xf32>,
    %swap3A_121 = vector.shape_cast %swap3A_120 : vector<1x16xf32> to vector<16xf32>
    %swap3A_122 = vector.shape_cast %broadcast_in_dim3A_3 : vector<16xf32> to vector<1x16xf32>
    tpu.vector_store %arg35[%swap3A_118, %swap3A_119], %swap3A_122 {strides = array<i32>} : memref<25x32xf32, #tpu.memory_space<vmem>>, vector<1x16xf32>,
    %swap3A_123 = arith.constant 10 : i32
    %swap3A_124 = arith.index_cast %swap3A_123 : i32 to index
    %swap3A_125 = arith.constant 0 : index
    %swap3A_126 = tpu.vector_load %arg35[%swap3A_124, %swap3A_125] {strides = array<i32>} : memref<25x32xf32, #tpu.memory_space<vmem>>, vector<1x16xf32>,
    %swap3A_127 = vector.shape_cast %swap3A_126 : vector<1x16xf32> to vector<16xf32>
    %swap3A_128 = vector.shape_cast %broadcast_in_dim3A_3 : vector<16xf32> to vector<1x16xf32>
    tpu.vector_store %arg35[%swap3A_124, %swap3A_125], %swap3A_128 {strides = array<i32>} : memref<25x32xf32, #tpu.memory_space<vmem>>, vector<1x16xf32>,
    %swap3A_129 = arith.constant 10 : i32
    %swap3A_130 = arith.index_cast %swap3A_129 : i32 to index
    %swap3A_131 = arith.constant 16 : index
    %swap3A_132 = tpu.vector_load %arg35[%swap3A_130, %swap3A_131] {strides = array<i32>} : memref<25x32xf32, #tpu.memory_space<vmem>>, vector<1x16xf32>,
    %swap3A_133 = vector.shape_cast %swap3A_132 : vector<1x16xf32> to vector<16xf32>
    %swap3A_134 = vector.shape_cast %broadcast_in_dim3A_3 : vector<16xf32> to vector<1x16xf32>
    tpu.vector_store %arg35[%swap3A_130, %swap3A_131], %swap3A_134 {strides = array<i32>} : memref<25x32xf32, #tpu.memory_space<vmem>>, vector<1x16xf32>,
    %swap3A_135 = arith.constant 11 : i32
    %swap3A_136 = arith.index_cast %swap3A_135 : i32 to index
    %swap3A_137 = arith.constant 0 : index
    %swap3A_138 = tpu.vector_load %arg35[%swap3A_136, %swap3A_137] {strides = array<i32>} : memref<25x32xf32, #tpu.memory_space<vmem>>, vector<1x16xf32>,
    %swap3A_139 = vector.shape_cast %swap3A_138 : vector<1x16xf32> to vector<16xf32>
    %swap3A_140 = vector.shape_cast %broadcast_in_dim3A_3 : vector<16xf32> to vector<1x16xf32>
    tpu.vector_store %arg35[%swap3A_136, %swap3A_137], %swap3A_140 {strides = array<i32>} : memref<25x32xf32, #tpu.memory_space<vmem>>, vector<1x16xf32>,
    %swap3A_141 = arith.constant 11 : i32
    %swap3A_142 = arith.index_cast %swap3A_141 : i32 to index
    %swap3A_143 = arith.constant 16 : index
    %swap3A_144 = tpu.vector_load %arg35[%swap3A_142, %swap3A_143] {strides = array<i32>} : memref<25x32xf32, #tpu.memory_space<vmem>>, vector<1x16xf32>,
    %swap3A_145 = vector.shape_cast %swap3A_144 : vector<1x16xf32> to vector<16xf32>
    %swap3A_146 = vector.shape_cast %broadcast_in_dim3A_3 : vector<16xf32> to vector<1x16xf32>
    tpu.vector_store %arg35[%swap3A_142, %swap3A_143], %swap3A_146 {strides = array<i32>} : memref<25x32xf32, #tpu.memory_space<vmem>>, vector<1x16xf32>,
    %swap3A_147 = arith.constant 12 : i32
    %swap3A_148 = arith.index_cast %swap3A_147 : i32 to index
    %swap3A_149 = arith.constant 0 : index
    %swap3A_150 = tpu.vector_load %arg35[%swap3A_148, %swap3A_149] {strides = array<i32>} : memref<25x32xf32, #tpu.memory_space<vmem>>, vector<1x16xf32>,
    %swap3A_151 = vector.shape_cast %swap3A_150 : vector<1x16xf32> to vector<16xf32>
    %swap3A_152 = vector.shape_cast %broadcast_in_dim3A_3 : vector<16xf32> to vector<1x16xf32>
    tpu.vector_store %arg35[%swap3A_148, %swap3A_149], %swap3A_152 {strides = array<i32>} : memref<25x32xf32, #tpu.memory_space<vmem>>, vector<1x16xf32>,
    %swap3A_153 = arith.constant 12 : i32
    %swap3A_154 = arith.index_cast %swap3A_153 : i32 to index
    %swap3A_155 = arith.constant 16 : index
    %swap3A_156 = tpu.vector_load %arg35[%swap3A_154, %swap3A_155] {strides = array<i32>} : memref<25x32xf32, #tpu.memory_space<vmem>>, vector<1x16xf32>,
    %swap3A_157 = vector.shape_cast %swap3A_156 : vector<1x16xf32> to vector<16xf32>
    %swap3A_158 = vector.shape_cast %broadcast_in_dim3A_3 : vector<16xf32> to vector<1x16xf32>
    tpu.vector_store %arg35[%swap3A_154, %swap3A_155], %swap3A_158 {strides = array<i32>} : memref<25x32xf32, #tpu.memory_space<vmem>>, vector<1x16xf32>,
    %swap3A_159 = arith.constant 13 : i32
    %swap3A_160 = arith.index_cast %swap3A_159 : i32 to index
    %swap3A_161 = arith.constant 0 : index
    %swap3A_162 = tpu.vector_load %arg35[%swap3A_160, %swap3A_161] {strides = array<i32>} : memref<25x32xf32, #tpu.memory_space<vmem>>, vector<1x16xf32>,
    %swap3A_163 = vector.shape_cast %swap3A_162 : vector<1x16xf32> to vector<16xf32>
    %swap3A_164 = vector.shape_cast %broadcast_in_dim3A_3 : vector<16xf32> to vector<1x16xf32>
    tpu.vector_store %arg35[%swap3A_160, %swap3A_161], %swap3A_164 {strides = array<i32>} : memref<25x32xf32, #tpu.memory_space<vmem>>, vector<1x16xf32>,
    %swap3A_165 = arith.constant 13 : i32
    %swap3A_166 = arith.index_cast %swap3A_165 : i32 to index
    %swap3A_167 = arith.constant 16 : index
    %swap3A_168 = tpu.vector_load %arg35[%swap3A_166, %swap3A_167] {strides = array<i32>} : memref<25x32xf32, #tpu.memory_space<vmem>>, vector<1x16xf32>,
    %swap3A_169 = vector.shape_cast %swap3A_168 : vector<1x16xf32> to vector<16xf32>
    %swap3A_170 = vector.shape_cast %broadcast_in_dim3A_3 : vector<16xf32> to vector<1x16xf32>
    tpu.vector_store %arg35[%swap3A_166, %swap3A_167], %swap3A_170 {strides = array<i32>} : memref<25x32xf32, #tpu.memory_space<vmem>>, vector<1x16xf32>,
    %swap3A_171 = arith.constant 14 : i32
    %swap3A_172 = arith.index_cast %swap3A_171 : i32 to index
    %swap3A_173 = arith.constant 0 : index
    %swap3A_174 = tpu.vector_load %arg35[%swap3A_172, %swap3A_173] {strides = array<i32>} : memref<25x32xf32, #tpu.memory_space<vmem>>, vector<1x16xf32>,
    %swap3A_175 = vector.shape_cast %swap3A_174 : vector<1x16xf32> to vector<16xf32>
    %swap3A_176 = vector.shape_cast %broadcast_in_dim3A_3 : vector<16xf32> to vector<1x16xf32>
    tpu.vector_store %arg35[%swap3A_172, %swap3A_173], %swap3A_176 {strides = array<i32>} : memref<25x32xf32, #tpu.memory_space<vmem>>, vector<1x16xf32>,
    %swap3A_177 = arith.constant 14 : i32
    %swap3A_178 = arith.index_cast %swap3A_177 : i32 to index
    %swap3A_179 = arith.constant 16 : index
    %swap3A_180 = tpu.vector_load %arg35[%swap3A_178, %swap3A_179] {strides = array<i32>} : memref<25x32xf32, #tpu.memory_space<vmem>>, vector<1x16xf32>,
    %swap3A_181 = vector.shape_cast %swap3A_180 : vector<1x16xf32> to vector<16xf32>
    %swap3A_182 = vector.shape_cast %broadcast_in_dim3A_3 : vector<16xf32> to vector<1x16xf32>
    tpu.vector_store %arg35[%swap3A_178, %swap3A_179], %swap3A_182 {strides = array<i32>} : memref<25x32xf32, #tpu.memory_space<vmem>>, vector<1x16xf32>,
    %swap3A_183 = arith.constant 15 : i32
    %swap3A_184 = arith.index_cast %swap3A_183 : i32 to index
    %swap3A_185 = arith.constant 0 : index
    %swap3A_186 = tpu.vector_load %arg35[%swap3A_184, %swap3A_185] {strides = array<i32>} : memref<25x32xf32, #tpu.memory_space<vmem>>, vector<1x16xf32>,
    %swap3A_187 = vector.shape_cast %swap3A_186 : vector<1x16xf32> to vector<16xf32>
    %swap3A_188 = vector.shape_cast %broadcast_in_dim3A_3 : vector<16xf32> to vector<1x16xf32>
    tpu.vector_store %arg35[%swap3A_184, %swap3A_185], %swap3A_188 {strides = array<i32>} : memref<25x32xf32, #tpu.memory_space<vmem>>, vector<1x16xf32>,
    %swap3A_189 = arith.constant 15 : i32
    %swap3A_190 = arith.index_cast %swap3A_189 : i32 to index
    %swap3A_191 = arith.constant 16 : index
    %swap3A_192 = tpu.vector_load %arg35[%swap3A_190, %swap3A_191] {strides = array<i32>} : memref<25x32xf32, #tpu.memory_space<vmem>>, vector<1x16xf32>,
    %swap3A_193 = vector.shape_cast %swap3A_192 : vector<1x16xf32> to vector<16xf32>
    %swap3A_194 = vector.shape_cast %broadcast_in_dim3A_3 : vector<16xf32> to vector<1x16xf32>
    tpu.vector_store %arg35[%swap3A_190, %swap3A_191], %swap3A_194 {strides = array<i32>} : memref<25x32xf32, #tpu.memory_space<vmem>>, vector<1x16xf32>,
    %swap3A_195 = arith.constant 16 : i32
    %swap3A_196 = arith.index_cast %swap3A_195 : i32 to index
    %swap3A_197 = arith.constant 0 : index
    %swap3A_198 = tpu.vector_load %arg35[%swap3A_196, %swap3A_197] {strides = array<i32>} : memref<25x32xf32, #tpu.memory_space<vmem>>, vector<1x16xf32>,
    %swap3A_199 = vector.shape_cast %swap3A_198 : vector<1x16xf32> to vector<16xf32>
    %swap3A_200 = vector.shape_cast %broadcast_in_dim3A_3 : vector<16xf32> to vector<1x16xf32>
    tpu.vector_store %arg35[%swap3A_196, %swap3A_197], %swap3A_200 {strides = array<i32>} : memref<25x32xf32, #tpu.memory_space<vmem>>, vector<1x16xf32>,
    %swap3A_201 = arith.constant 16 : i32
    %swap3A_202 = arith.index_cast %swap3A_201 : i32 to index
    %swap3A_203 = arith.constant 16 : index
    %swap3A_204 = tpu.vector_load %arg35[%swap3A_202, %swap3A_203] {strides = array<i32>} : memref<25x32xf32, #tpu.memory_space<vmem>>, vector<1x16xf32>,
    %swap3A_205 = vector.shape_cast %swap3A_204 : vector<1x16xf32> to vector<16xf32>
    %swap3A_206 = vector.shape_cast %broadcast_in_dim3A_3 : vector<16xf32> to vector<1x16xf32>
    tpu.vector_store %arg35[%swap3A_202, %swap3A_203], %swap3A_206 {strides = array<i32>} : memref<25x32xf32, #tpu.memory_space<vmem>>, vector<1x16xf32>,
    %swap3A_207 = arith.constant 17 : i32
    %swap3A_208 = arith.index_cast %swap3A_207 : i32 to index
    %swap3A_209 = arith.constant 0 : index
    %swap3A_210 = tpu.vector_load %arg35[%swap3A_208, %swap3A_209] {strides = array<i32>} : memref<25x32xf32, #tpu.memory_space<vmem>>, vector<1x16xf32>,
    %swap3A_211 = vector.shape_cast %swap3A_210 : vector<1x16xf32> to vector<16xf32>
    %swap3A_212 = vector.shape_cast %broadcast_in_dim3A_3 : vector<16xf32> to vector<1x16xf32>
    tpu.vector_store %arg35[%swap3A_208, %swap3A_209], %swap3A_212 {strides = array<i32>} : memref<25x32xf32, #tpu.memory_space<vmem>>, vector<1x16xf32>,
    %swap3A_213 = arith.constant 17 : i32
    %swap3A_214 = arith.index_cast %swap3A_213 : i32 to index
    %swap3A_215 = arith.constant 16 : index
    %swap3A_216 = tpu.vector_load %arg35[%swap3A_214, %swap3A_215] {strides = array<i32>} : memref<25x32xf32, #tpu.memory_space<vmem>>, vector<1x16xf32>,
    %swap3A_217 = vector.shape_cast %swap3A_216 : vector<1x16xf32> to vector<16xf32>
    %swap3A_218 = vector.shape_cast %broadcast_in_dim3A_3 : vector<16xf32> to vector<1x16xf32>
    tpu.vector_store %arg35[%swap3A_214, %swap3A_215], %swap3A_218 {strides = array<i32>} : memref<25x32xf32, #tpu.memory_space<vmem>>, vector<1x16xf32>,
    %swap3A_219 = arith.constant 18 : i32
    %swap3A_220 = arith.index_cast %swap3A_219 : i32 to index
    %swap3A_221 = arith.constant 0 : index
    %swap3A_222 = tpu.vector_load %arg35[%swap3A_220, %swap3A_221] {strides = array<i32>} : memref<25x32xf32, #tpu.memory_space<vmem>>, vector<1x16xf32>,
    %swap3A_223 = vector.shape_cast %swap3A_222 : vector<1x16xf32> to vector<16xf32>
    %swap3A_224 = vector.shape_cast %broadcast_in_dim3A_3 : vector<16xf32> to vector<1x16xf32>
    tpu.vector_store %arg35[%swap3A_220, %swap3A_221], %swap3A_224 {strides = array<i32>} : memref<25x32xf32, #tpu.memory_space<vmem>>, vector<1x16xf32>,
    %swap3A_225 = arith.constant 18 : i32
    %swap3A_226 = arith.index_cast %swap3A_225 : i32 to index
    %swap3A_227 = arith.constant 16 : index
    %swap3A_228 = tpu.vector_load %arg35[%swap3A_226, %swap3A_227] {strides = array<i32>} : memref<25x32xf32, #tpu.memory_space<vmem>>, vector<1x16xf32>,
    %swap3A_229 = vector.shape_cast %swap3A_228 : vector<1x16xf32> to vector<16xf32>
    %swap3A_230 = vector.shape_cast %broadcast_in_dim3A_3 : vector<16xf32> to vector<1x16xf32>
    tpu.vector_store %arg35[%swap3A_226, %swap3A_227], %swap3A_230 {strides = array<i32>} : memref<25x32xf32, #tpu.memory_space<vmem>>, vector<1x16xf32>,
    %swap3A_231 = arith.constant 19 : i32
    %swap3A_232 = arith.index_cast %swap3A_231 : i32 to index
    %swap3A_233 = arith.constant 0 : index
    %swap3A_234 = tpu.vector_load %arg35[%swap3A_232, %swap3A_233] {strides = array<i32>} : memref<25x32xf32, #tpu.memory_space<vmem>>, vector<1x16xf32>,
    %swap3A_235 = vector.shape_cast %swap3A_234 : vector<1x16xf32> to vector<16xf32>
    %swap3A_236 = vector.shape_cast %broadcast_in_dim3A_3 : vector<16xf32> to vector<1x16xf32>
    tpu.vector_store %arg35[%swap3A_232, %swap3A_233], %swap3A_236 {strides = array<i32>} : memref<25x32xf32, #tpu.memory_space<vmem>>, vector<1x16xf32>,
    %swap3A_237 = arith.constant 19 : i32
    %swap3A_238 = arith.index_cast %swap3A_237 : i32 to index
    %swap3A_239 = arith.constant 16 : index
    %swap3A_240 = tpu.vector_load %arg35[%swap3A_238, %swap3A_239] {strides = array<i32>} : memref<25x32xf32, #tpu.memory_space<vmem>>, vector<1x16xf32>,
    %swap3A_241 = vector.shape_cast %swap3A_240 : vector<1x16xf32> to vector<16xf32>
    %swap3A_242 = vector.shape_cast %broadcast_in_dim3A_3 : vector<16xf32> to vector<1x16xf32>
    tpu.vector_store %arg35[%swap3A_238, %swap3A_239], %swap3A_242 {strides = array<i32>} : memref<25x32xf32, #tpu.memory_space<vmem>>, vector<1x16xf32>,
    %swap3A_243 = arith.constant 20 : i32
    %swap3A_244 = arith.index_cast %swap3A_243 : i32 to index
    %swap3A_245 = arith.constant 0 : index
    %swap3A_246 = tpu.vector_load %arg35[%swap3A_244, %swap3A_245] {strides = array<i32>} : memref<25x32xf32, #tpu.memory_space<vmem>>, vector<1x16xf32>,
    %swap3A_247 = vector.shape_cast %swap3A_246 : vector<1x16xf32> to vector<16xf32>
    %swap3A_248 = vector.shape_cast %broadcast_in_dim3A_3 : vector<16xf32> to vector<1x16xf32>
    tpu.vector_store %arg35[%swap3A_244, %swap3A_245], %swap3A_248 {strides = array<i32>} : memref<25x32xf32, #tpu.memory_space<vmem>>, vector<1x16xf32>,
    %swap3A_249 = arith.constant 20 : i32
    %swap3A_250 = arith.index_cast %swap3A_249 : i32 to index
    %swap3A_251 = arith.constant 16 : index
    %swap3A_252 = tpu.vector_load %arg35[%swap3A_250, %swap3A_251] {strides = array<i32>} : memref<25x32xf32, #tpu.memory_space<vmem>>, vector<1x16xf32>,
    %swap3A_253 = vector.shape_cast %swap3A_252 : vector<1x16xf32> to vector<16xf32>
    %swap3A_254 = vector.shape_cast %broadcast_in_dim3A_3 : vector<16xf32> to vector<1x16xf32>
    tpu.vector_store %arg35[%swap3A_250, %swap3A_251], %swap3A_254 {strides = array<i32>} : memref<25x32xf32, #tpu.memory_space<vmem>>, vector<1x16xf32>,
    %swap3A_255 = arith.constant 21 : i32
    %swap3A_256 = arith.index_cast %swap3A_255 : i32 to index
    %swap3A_257 = arith.constant 0 : index
    %swap3A_258 = tpu.vector_load %arg35[%swap3A_256, %swap3A_257] {strides = array<i32>} : memref<25x32xf32, #tpu.memory_space<vmem>>, vector<1x16xf32>,
    %swap3A_259 = vector.shape_cast %swap3A_258 : vector<1x16xf32> to vector<16xf32>
    %swap3A_260 = vector.shape_cast %broadcast_in_dim3A_3 : vector<16xf32> to vector<1x16xf32>
    tpu.vector_store %arg35[%swap3A_256, %swap3A_257], %swap3A_260 {strides = array<i32>} : memref<25x32xf32, #tpu.memory_space<vmem>>, vector<1x16xf32>,
    %swap3A_261 = arith.constant 21 : i32
    %swap3A_262 = arith.index_cast %swap3A_261 : i32 to index
    %swap3A_263 = arith.constant 16 : index
    %swap3A_264 = tpu.vector_load %arg35[%swap3A_262, %swap3A_263] {strides = array<i32>} : memref<25x32xf32, #tpu.memory_space<vmem>>, vector<1x16xf32>,
    %swap3A_265 = vector.shape_cast %swap3A_264 : vector<1x16xf32> to vector<16xf32>
    %swap3A_266 = vector.shape_cast %broadcast_in_dim3A_3 : vector<16xf32> to vector<1x16xf32>
    tpu.vector_store %arg35[%swap3A_262, %swap3A_263], %swap3A_266 {strides = array<i32>} : memref<25x32xf32, #tpu.memory_space<vmem>>, vector<1x16xf32>,
    %swap3A_267 = arith.constant 22 : i32
    %swap3A_268 = arith.index_cast %swap3A_267 : i32 to index
    %swap3A_269 = arith.constant 0 : index
    %swap3A_270 = tpu.vector_load %arg35[%swap3A_268, %swap3A_269] {strides = array<i32>} : memref<25x32xf32, #tpu.memory_space<vmem>>, vector<1x16xf32>,
    %swap3A_271 = vector.shape_cast %swap3A_270 : vector<1x16xf32> to vector<16xf32>
    %swap3A_272 = vector.shape_cast %broadcast_in_dim3A_3 : vector<16xf32> to vector<1x16xf32>
    tpu.vector_store %arg35[%swap3A_268, %swap3A_269], %swap3A_272 {strides = array<i32>} : memref<25x32xf32, #tpu.memory_space<vmem>>, vector<1x16xf32>,
    %swap3A_273 = arith.constant 22 : i32
    %swap3A_274 = arith.index_cast %swap3A_273 : i32 to index
    %swap3A_275 = arith.constant 16 : index
    %swap3A_276 = tpu.vector_load %arg35[%swap3A_274, %swap3A_275] {strides = array<i32>} : memref<25x32xf32, #tpu.memory_space<vmem>>, vector<1x16xf32>,
    %swap3A_277 = vector.shape_cast %swap3A_276 : vector<1x16xf32> to vector<16xf32>
    %swap3A_278 = vector.shape_cast %broadcast_in_dim3A_3 : vector<16xf32> to vector<1x16xf32>
    tpu.vector_store %arg35[%swap3A_274, %swap3A_275], %swap3A_278 {strides = array<i32>} : memref<25x32xf32, #tpu.memory_space<vmem>>, vector<1x16xf32>,
    %swap3A_279 = arith.constant 23 : i32
    %swap3A_280 = arith.index_cast %swap3A_279 : i32 to index
    %swap3A_281 = arith.constant 0 : index
    %swap3A_282 = tpu.vector_load %arg35[%swap3A_280, %swap3A_281] {strides = array<i32>} : memref<25x32xf32, #tpu.memory_space<vmem>>, vector<1x16xf32>,
    %swap3A_283 = vector.shape_cast %swap3A_282 : vector<1x16xf32> to vector<16xf32>
    %swap3A_284 = vector.shape_cast %broadcast_in_dim3A_3 : vector<16xf32> to vector<1x16xf32>
    tpu.vector_store %arg35[%swap3A_280, %swap3A_281], %swap3A_284 {strides = array<i32>} : memref<25x32xf32, #tpu.memory_space<vmem>>, vector<1x16xf32>,
    %swap3A_285 = arith.constant 23 : i32
    %swap3A_286 = arith.index_cast %swap3A_285 : i32 to index
    %swap3A_287 = arith.constant 16 : index
    %swap3A_288 = tpu.vector_load %arg35[%swap3A_286, %swap3A_287] {strides = array<i32>} : memref<25x32xf32, #tpu.memory_space<vmem>>, vector<1x16xf32>,
    %swap3A_289 = vector.shape_cast %swap3A_288 : vector<1x16xf32> to vector<16xf32>
    %swap3A_290 = vector.shape_cast %broadcast_in_dim3A_3 : vector<16xf32> to vector<1x16xf32>
    tpu.vector_store %arg35[%swap3A_286, %swap3A_287], %swap3A_290 {strides = array<i32>} : memref<25x32xf32, #tpu.memory_space<vmem>>, vector<1x16xf32>,
    %swap3A_291 = arith.constant 24 : i32
    %swap3A_292 = arith.index_cast %swap3A_291 : i32 to index
    %swap3A_293 = arith.constant 0 : index
    %swap3A_294 = tpu.vector_load %arg35[%swap3A_292, %swap3A_293] {strides = array<i32>} : memref<25x32xf32, #tpu.memory_space<vmem>>, vector<1x16xf32>,
    %swap3A_295 = vector.shape_cast %swap3A_294 : vector<1x16xf32> to vector<16xf32>
    %swap3A_296 = vector.shape_cast %broadcast_in_dim3A_3 : vector<16xf32> to vector<1x16xf32>
    tpu.vector_store %arg35[%swap3A_292, %swap3A_293], %swap3A_296 {strides = array<i32>} : memref<25x32xf32, #tpu.memory_space<vmem>>, vector<1x16xf32>,
    %swap3A_297 = arith.constant 24 : i32
    %swap3A_298 = arith.index_cast %swap3A_297 : i32 to index
    %swap3A_299 = arith.constant 16 : index
    %swap3A_300 = tpu.vector_load %arg35[%swap3A_298, %swap3A_299] {strides = array<i32>} : memref<25x32xf32, #tpu.memory_space<vmem>>, vector<1x16xf32>,
    %swap3A_301 = vector.shape_cast %swap3A_300 : vector<1x16xf32> to vector<16xf32>
    %swap3A_302 = vector.shape_cast %broadcast_in_dim3A_3 : vector<16xf32> to vector<1x16xf32>
    tpu.vector_store %arg35[%swap3A_298, %swap3A_299], %swap3A_302 {strides = array<i32>} : memref<25x32xf32, #tpu.memory_space<vmem>>, vector<1x16xf32>,
    %add3A_303 = arith.constant 0 : i32
    %add3A_304 = arith.addi %mul3A_2, %add3A_303 : i32
    %dma_start3A = arith.constant 0 : i32
    %dma_start3A_305 = tpu.memref_slice %arg36[%add3A_304, %dma_start3A] : memref<10000x32xf32, #tpu.memory_space<vmem_shared>> -> memref<25x32xf32, #tpu.memory_space<vmem_shared>>
    %dma_start3A_306 = arith.constant 0 : i32
    %dma_start3A_307 = tpu.memref_slice %arg36[%add3A_304, %dma_start3A_306] : memref<10000x32xf32, #tpu.memory_space<vmem_shared>> -> memref<25x32xf32, #tpu.memory_space<vmem_shared>>
    tpu.enqueue_dma source(%arg35 : memref<25x32xf32, #tpu.memory_space<vmem>>) target(%dma_start3A_307 : memref<25x32xf32, #tpu.memory_space<vmem_shared>>) target_semaphore(%arg64 : memref<!tpu.dma_semaphore, #tpu.memory_space<semaphore_mem>>)
    %add3A_308 = arith.constant 25 : i32
    %add3A_309 = arith.addi %mul3A_2, %add3A_308 : i32
    %dma_start3A_310 = arith.constant 0 : i32
    %dma_start3A_311 = tpu.memref_slice %arg36[%add3A_309, %dma_start3A_310] : memref<10000x32xf32, #tpu.memory_space<vmem_shared>> -> memref<25x32xf32, #tpu.memory_space<vmem_shared>>
    %dma_start3A_312 = arith.constant 0 : i32
    %dma_start3A_313 = tpu.memref_slice %arg36[%add3A_309, %dma_start3A_312] : memref<10000x32xf32, #tpu.memory_space<vmem_shared>> -> memref<25x32xf32, #tpu.memory_space<vmem_shared>>
    tpu.enqueue_dma source(%arg35 : memref<25x32xf32, #tpu.memory_space<vmem>>) target(%dma_start3A_313 : memref<25x32xf32, #tpu.memory_space<vmem_shared>>) target_semaphore(%arg64 : memref<!tpu.dma_semaphore, #tpu.memory_space<semaphore_mem>>)
    %add3A_314 = arith.constant 50 : i32
    %add3A_315 = arith.addi %mul3A_2, %add3A_314 : i32
    %dma_start3A_316 = arith.constant 0 : i32
    %dma_start3A_317 = tpu.memref_slice %arg36[%add3A_315, %dma_start3A_316] : memref<10000x32xf32, #tpu.memory_space<vmem_shared>> -> memref<25x32xf32, #tpu.memory_space<vmem_shared>>
    %dma_start3A_318 = arith.constant 0 : i32
    %dma_start3A_319 = tpu.memref_slice %arg36[%add3A_315, %dma_start3A_318] : memref<10000x32xf32, #tpu.memory_space<vmem_shared>> -> memref<25x32xf32, #tpu.memory_space<vmem_shared>>
    tpu.enqueue_dma source(%arg35 : memref<25x32xf32, #tpu.memory_space<vmem>>) target(%dma_start3A_319 : memref<25x32xf32, #tpu.memory_space<vmem_shared>>) target_semaphore(%arg64 : memref<!tpu.dma_semaphore, #tpu.memory_space<semaphore_mem>>)
    %add3A_320 = arith.constant 75 : i32
    %add3A_321 = arith.addi %mul3A_2, %add3A_320 : i32
    %dma_start3A_322 = arith.constant 0 : i32
    %dma_start3A_323 = tpu.memref_slice %arg36[%add3A_321, %dma_start3A_322] : memref<10000x32xf32, #tpu.memory_space<vmem_shared>> -> memref<25x32xf32, #tpu.memory_space<vmem_shared>>
    %dma_start3A_324 = arith.constant 0 : i32
    %dma_start3A_325 = tpu.memref_slice %arg36[%add3A_321, %dma_start3A_324] : memref<10000x32xf32, #tpu.memory_space<vmem_shared>> -> memref<25x32xf32, #tpu.memory_space<vmem_shared>>
    tpu.enqueue_dma source(%arg35 : memref<25x32xf32, #tpu.memory_space<vmem>>) target(%dma_start3A_325 : memref<25x32xf32, #tpu.memory_space<vmem_shared>>) target_semaphore(%arg64 : memref<!tpu.dma_semaphore, #tpu.memory_space<semaphore_mem>>)
    %add3A_326 = arith.constant 100 : i32
    %add3A_327 = arith.addi %mul3A_2, %add3A_326 : i32
    %dma_start3A_328 = arith.constant 0 : i32
    %dma_start3A_329 = tpu.memref_slice %arg36[%add3A_327, %dma_start3A_328] : memref<10000x32xf32, #tpu.memory_space<vmem_shared>> -> memref<25x32xf32, #tpu.memory_space<vmem_shared>>
    %dma_start3A_330 = arith.constant 0 : i32
    %dma_start3A_331 = tpu.memref_slice %arg36[%add3A_327, %dma_start3A_330] : memref<10000x32xf32, #tpu.memory_space<vmem_shared>> -> memref<25x32xf32, #tpu.memory_space<vmem_shared>>
    tpu.enqueue_dma source(%arg35 : memref<25x32xf32, #tpu.memory_space<vmem>>) target(%dma_start3A_331 : memref<25x32xf32, #tpu.memory_space<vmem_shared>>) target_semaphore(%arg64 : memref<!tpu.dma_semaphore, #tpu.memory_space<semaphore_mem>>)
    %add3A_332 = arith.constant 125 : i32
    %add3A_333 = arith.addi %mul3A_2, %add3A_332 : i32
    %dma_start3A_334 = arith.constant 0 : i32
    %dma_start3A_335 = tpu.memref_slice %arg36[%add3A_333, %dma_start3A_334] : memref<10000x32xf32, #tpu.memory_space<vmem_shared>> -> memref<25x32xf32, #tpu.memory_space<vmem_shared>>
    %dma_start3A_336 = arith.constant 0 : i32
    %dma_start3A_337 = tpu.memref_slice %arg36[%add3A_333, %dma_start3A_336] : memref<10000x32xf32, #tpu.memory_space<vmem_shared>> -> memref<25x32xf32, #tpu.memory_space<vmem_shared>>
    tpu.enqueue_dma source(%arg35 : memref<25x32xf32, #tpu.memory_space<vmem>>) target(%dma_start3A_337 : memref<25x32xf32, #tpu.memory_space<vmem_shared>>) target_semaphore(%arg64 : memref<!tpu.dma_semaphore, #tpu.memory_space<semaphore_mem>>)
    %add3A_338 = arith.constant 150 : i32
    %add3A_339 = arith.addi %mul3A_2, %add3A_338 : i32
    %dma_start3A_340 = arith.constant 0 : i32
    %dma_start3A_341 = tpu.memref_slice %arg36[%add3A_339, %dma_start3A_340] : memref<10000x32xf32, #tpu.memory_space<vmem_shared>> -> memref<25x32xf32, #tpu.memory_space<vmem_shared>>
    %dma_start3A_342 = arith.constant 0 : i32
    %dma_start3A_343 = tpu.memref_slice %arg36[%add3A_339, %dma_start3A_342] : memref<10000x32xf32, #tpu.memory_space<vmem_shared>> -> memref<25x32xf32, #tpu.memory_space<vmem_shared>>
    tpu.enqueue_dma source(%arg35 : memref<25x32xf32, #tpu.memory_space<vmem>>) target(%dma_start3A_343 : memref<25x32xf32, #tpu.memory_space<vmem_shared>>) target_semaphore(%arg64 : memref<!tpu.dma_semaphore, #tpu.memory_space<semaphore_mem>>)
    %add3A_344 = arith.constant 175 : i32
    %add3A_345 = arith.addi %mul3A_2, %add3A_344 : i32
    %dma_start3A_346 = arith.constant 0 : i32
    %dma_start3A_347 = tpu.memref_slice %arg36[%add3A_345, %dma_start3A_346] : memref<10000x32xf32, #tpu.memory_space<vmem_shared>> -> memref<25x32xf32, #tpu.memory_space<vmem_shared>>
    %dma_start3A_348 = arith.constant 0 : i32
    %dma_start3A_349 = tpu.memref_slice %arg36[%add3A_345, %dma_start3A_348] : memref<10000x32xf32, #tpu.memory_space<vmem_shared>> -> memref<25x32xf32, #tpu.memory_space<vmem_shared>>
    tpu.enqueue_dma source(%arg35 : memref<25x32xf32, #tpu.memory_space<vmem>>) target(%dma_start3A_349 : memref<25x32xf32, #tpu.memory_space<vmem_shared>>) target_semaphore(%arg64 : memref<!tpu.dma_semaphore, #tpu.memory_space<semaphore_mem>>)
    %add3A_350 = arith.constant 200 : i32
    %add3A_351 = arith.addi %mul3A_2, %add3A_350 : i32
    %dma_start3A_352 = arith.constant 0 : i32
    %dma_start3A_353 = tpu.memref_slice %arg36[%add3A_351, %dma_start3A_352] : memref<10000x32xf32, #tpu.memory_space<vmem_shared>> -> memref<25x32xf32, #tpu.memory_space<vmem_shared>>
    %dma_start3A_354 = arith.constant 0 : i32
    %dma_start3A_355 = tpu.memref_slice %arg36[%add3A_351, %dma_start3A_354] : memref<10000x32xf32, #tpu.memory_space<vmem_shared>> -> memref<25x32xf32, #tpu.memory_space<vmem_shared>>
    tpu.enqueue_dma source(%arg35 : memref<25x32xf32, #tpu.memory_space<vmem>>) target(%dma_start3A_355 : memref<25x32xf32, #tpu.memory_space<vmem_shared>>) target_semaphore(%arg64 : memref<!tpu.dma_semaphore, #tpu.memory_space<semaphore_mem>>)
    %add3A_356 = arith.constant 225 : i32
    %add3A_357 = arith.addi %mul3A_2, %add3A_356 : i32
    %dma_start3A_358 = arith.constant 0 : i32
    %dma_start3A_359 = tpu.memref_slice %arg36[%add3A_357, %dma_start3A_358] : memref<10000x32xf32, #tpu.memory_space<vmem_shared>> -> memref<25x32xf32, #tpu.memory_space<vmem_shared>>
    %dma_start3A_360 = arith.constant 0 : i32
    %dma_start3A_361 = tpu.memref_slice %arg36[%add3A_357, %dma_start3A_360] : memref<10000x32xf32, #tpu.memory_space<vmem_shared>> -> memref<25x32xf32, #tpu.memory_space<vmem_shared>>
    tpu.enqueue_dma source(%arg35 : memref<25x32xf32, #tpu.memory_space<vmem>>) target(%dma_start3A_361 : memref<25x32xf32, #tpu.memory_space<vmem_shared>>) target_semaphore(%arg64 : memref<!tpu.dma_semaphore, #tpu.memory_space<semaphore_mem>>)
    %add3A_362 = arith.constant 250 : i32
    %add3A_363 = arith.addi %mul3A_2, %add3A_362 : i32
    %dma_start3A_364 = arith.constant 0 : i32
    %dma_start3A_365 = tpu.memref_slice %arg36[%add3A_363, %dma_start3A_364] : memref<10000x32xf32, #tpu.memory_space<vmem_shared>> -> memref<25x32xf32, #tpu.memory_space<vmem_shared>>
    %dma_start3A_366 = arith.constant 0 : i32
    %dma_start3A_367 = tpu.memref_slice %arg36[%add3A_363, %dma_start3A_366] : memref<10000x32xf32, #tpu.memory_space<vmem_shared>> -> memref<25x32xf32, #tpu.memory_space<vmem_shared>>
    tpu.enqueue_dma source(%arg35 : memref<25x32xf32, #tpu.memory_space<vmem>>) target(%dma_start3A_367 : memref<25x32xf32, #tpu.memory_space<vmem_shared>>) target_semaphore(%arg64 : memref<!tpu.dma_semaphore, #tpu.memory_space<semaphore_mem>>)
    %add3A_368 = arith.constant 275 : i32
    %add3A_369 = arith.addi %mul3A_2, %add3A_368 : i32
    %dma_start3A_370 = arith.constant 0 : i32
    %dma_start3A_371 = tpu.memref_slice %arg36[%add3A_369, %dma_start3A_370] : memref<10000x32xf32, #tpu.memory_space<vmem_shared>> -> memref<25x32xf32, #tpu.memory_space<vmem_shared>>
    %dma_start3A_372 = arith.constant 0 : i32
    %dma_start3A_373 = tpu.memref_slice %arg36[%add3A_369, %dma_start3A_372] : memref<10000x32xf32, #tpu.memory_space<vmem_shared>> -> memref<25x32xf32, #tpu.memory_space<vmem_shared>>
    tpu.enqueue_dma source(%arg35 : memref<25x32xf32, #tpu.memory_space<vmem>>) target(%dma_start3A_373 : memref<25x32xf32, #tpu.memory_space<vmem_shared>>) target_semaphore(%arg64 : memref<!tpu.dma_semaphore, #tpu.memory_space<semaphore_mem>>)
    %add3A_374 = arith.constant 300 : i32
    %add3A_375 = arith.addi %mul3A_2, %add3A_374 : i32
    %dma_start3A_376 = arith.constant 0 : i32
    %dma_start3A_377 = tpu.memref_slice %arg36[%add3A_375, %dma_start3A_376] : memref<10000x32xf32, #tpu.memory_space<vmem_shared>> -> memref<25x32xf32, #tpu.memory_space<vmem_shared>>
    %dma_start3A_378 = arith.constant 0 : i32
    %dma_start3A_379 = tpu.memref_slice %arg36[%add3A_375, %dma_start3A_378] : memref<10000x32xf32, #tpu.memory_space<vmem_shared>> -> memref<25x32xf32, #tpu.memory_space<vmem_shared>>
    tpu.enqueue_dma source(%arg35 : memref<25x32xf32, #tpu.memory_space<vmem>>) target(%dma_start3A_379 : memref<25x32xf32, #tpu.memory_space<vmem_shared>>) target_semaphore(%arg64 : memref<!tpu.dma_semaphore, #tpu.memory_space<semaphore_mem>>)
    %add3A_380 = arith.constant 325 : i32
    %add3A_381 = arith.addi %mul3A_2, %add3A_380 : i32
    %dma_start3A_382 = arith.constant 0 : i32
    %dma_start3A_383 = tpu.memref_slice %arg36[%add3A_381, %dma_start3A_382] : memref<10000x32xf32, #tpu.memory_space<vmem_shared>> -> memref<25x32xf32, #tpu.memory_space<vmem_shared>>
    %dma_start3A_384 = arith.constant 0 : i32
    %dma_start3A_385 = tpu.memref_slice %arg36[%add3A_381, %dma_start3A_384] : memref<10000x32xf32, #tpu.memory_space<vmem_shared>> -> memref<25x32xf32, #tpu.memory_space<vmem_shared>>
    tpu.enqueue_dma source(%arg35 : memref<25x32xf32, #tpu.memory_space<vmem>>) target(%dma_start3A_385 : memref<25x32xf32, #tpu.memory_space<vmem_shared>>) target_semaphore(%arg64 : memref<!tpu.dma_semaphore, #tpu.memory_space<semaphore_mem>>)
    %add3A_386 = arith.constant 350 : i32
    %add3A_387 = arith.addi %mul3A_2, %add3A_386 : i32
    %dma_start3A_388 = arith.constant 0 : i32
    %dma_start3A_389 = tpu.memref_slice %arg36[%add3A_387, %dma_start3A_388] : memref<10000x32xf32, #tpu.memory_space<vmem_shared>> -> memref<25x32xf32, #tpu.memory_space<vmem_shared>>
    %dma_start3A_390 = arith.constant 0 : i32
    %dma_start3A_391 = tpu.memref_slice %arg36[%add3A_387, %dma_start3A_390] : memref<10000x32xf32, #tpu.memory_space<vmem_shared>> -> memref<25x32xf32, #tpu.memory_space<vmem_shared>>
    tpu.enqueue_dma source(%arg35 : memref<25x32xf32, #tpu.memory_space<vmem>>) target(%dma_start3A_391 : memref<25x32xf32, #tpu.memory_space<vmem_shared>>) target_semaphore(%arg64 : memref<!tpu.dma_semaphore, #tpu.memory_space<semaphore_mem>>)
    %add3A_392 = arith.constant 375 : i32
    %add3A_393 = arith.addi %mul3A_2, %add3A_392 : i32
    %dma_start3A_394 = arith.constant 0 : i32
    %dma_start3A_395 = tpu.memref_slice %arg36[%add3A_393, %dma_start3A_394] : memref<10000x32xf32, #tpu.memory_space<vmem_shared>> -> memref<25x32xf32, #tpu.memory_space<vmem_shared>>
    %dma_start3A_396 = arith.constant 0 : i32
    %dma_start3A_397 = tpu.memref_slice %arg36[%add3A_393, %dma_start3A_396] : memref<10000x32xf32, #tpu.memory_space<vmem_shared>> -> memref<25x32xf32, #tpu.memory_space<vmem_shared>>
    tpu.enqueue_dma source(%arg35 : memref<25x32xf32, #tpu.memory_space<vmem>>) target(%dma_start3A_397 : memref<25x32xf32, #tpu.memory_space<vmem_shared>>) target_semaphore(%arg64 : memref<!tpu.dma_semaphore, #tpu.memory_space<semaphore_mem>>)
    %add3A_398 = arith.constant 400 : i32
    %add3A_399 = arith.addi %mul3A_2, %add3A_398 : i32
    %dma_start3A_400 = arith.constant 0 : i32
    %dma_start3A_401 = tpu.memref_slice %arg36[%add3A_399, %dma_start3A_400] : memref<10000x32xf32, #tpu.memory_space<vmem_shared>> -> memref<25x32xf32, #tpu.memory_space<vmem_shared>>
    %dma_start3A_402 = arith.constant 0 : i32
    %dma_start3A_403 = tpu.memref_slice %arg36[%add3A_399, %dma_start3A_402] : memref<10000x32xf32, #tpu.memory_space<vmem_shared>> -> memref<25x32xf32, #tpu.memory_space<vmem_shared>>
    tpu.enqueue_dma source(%arg35 : memref<25x32xf32, #tpu.memory_space<vmem>>) target(%dma_start3A_403 : memref<25x32xf32, #tpu.memory_space<vmem_shared>>) target_semaphore(%arg64 : memref<!tpu.dma_semaphore, #tpu.memory_space<semaphore_mem>>)
    %add3A_404 = arith.constant 425 : i32
    %add3A_405 = arith.addi %mul3A_2, %add3A_404 : i32
    %dma_start3A_406 = arith.constant 0 : i32
    %dma_start3A_407 = tpu.memref_slice %arg36[%add3A_405, %dma_start3A_406] : memref<10000x32xf32, #tpu.memory_space<vmem_shared>> -> memref<25x32xf32, #tpu.memory_space<vmem_shared>>
    %dma_start3A_408 = arith.constant 0 : i32
    %dma_start3A_409 = tpu.memref_slice %arg36[%add3A_405, %dma_start3A_408] : memref<10000x32xf32, #tpu.memory_space<vmem_shared>> -> memref<25x32xf32, #tpu.memory_space<vmem_shared>>
    tpu.enqueue_dma source(%arg35 : memref<25x32xf32, #tpu.memory_space<vmem>>) target(%dma_start3A_409 : memref<25x32xf32, #tpu.memory_space<vmem_shared>>) target_semaphore(%arg64 : memref<!tpu.dma_semaphore, #tpu.memory_space<semaphore_mem>>)
    %add3A_410 = arith.constant 450 : i32
    %add3A_411 = arith.addi %mul3A_2, %add3A_410 : i32
    %dma_start3A_412 = arith.constant 0 : i32
    %dma_start3A_413 = tpu.memref_slice %arg36[%add3A_411, %dma_start3A_412] : memref<10000x32xf32, #tpu.memory_space<vmem_shared>> -> memref<25x32xf32, #tpu.memory_space<vmem_shared>>
    %dma_start3A_414 = arith.constant 0 : i32
    %dma_start3A_415 = tpu.memref_slice %arg36[%add3A_411, %dma_start3A_414] : memref<10000x32xf32, #tpu.memory_space<vmem_shared>> -> memref<25x32xf32, #tpu.memory_space<vmem_shared>>
    tpu.enqueue_dma source(%arg35 : memref<25x32xf32, #tpu.memory_space<vmem>>) target(%dma_start3A_415 : memref<25x32xf32, #tpu.memory_space<vmem_shared>>) target_semaphore(%arg64 : memref<!tpu.dma_semaphore, #tpu.memory_space<semaphore_mem>>)
    %add3A_416 = arith.constant 475 : i32
    %add3A_417 = arith.addi %mul3A_2, %add3A_416 : i32
    %dma_start3A_418 = arith.constant 0 : i32
    %dma_start3A_419 = tpu.memref_slice %arg36[%add3A_417, %dma_start3A_418] : memref<10000x32xf32, #tpu.memory_space<vmem_shared>> -> memref<25x32xf32, #tpu.memory_space<vmem_shared>>
    %dma_start3A_420 = arith.constant 0 : i32
    %dma_start3A_421 = tpu.memref_slice %arg36[%add3A_417, %dma_start3A_420] : memref<10000x32xf32, #tpu.memory_space<vmem_shared>> -> memref<25x32xf32, #tpu.memory_space<vmem_shared>>
    tpu.enqueue_dma source(%arg35 : memref<25x32xf32, #tpu.memory_space<vmem>>) target(%dma_start3A_421 : memref<25x32xf32, #tpu.memory_space<vmem_shared>>) target_semaphore(%arg64 : memref<!tpu.dma_semaphore, #tpu.memory_space<semaphore_mem>>)
    %add3A_422 = arith.constant 500 : i32
    %add3A_423 = arith.addi %mul3A_2, %add3A_422 : i32
    %dma_start3A_424 = arith.constant 0 : i32
    %dma_start3A_425 = tpu.memref_slice %arg36[%add3A_423, %dma_start3A_424] : memref<10000x32xf32, #tpu.memory_space<vmem_shared>> -> memref<25x32xf32, #tpu.memory_space<vmem_shared>>
    %dma_start3A_426 = arith.constant 0 : i32
    %dma_start3A_427 = tpu.memref_slice %arg36[%add3A_423, %dma_start3A_426] : memref<10000x32xf32, #tpu.memory_space<vmem_shared>> -> memref<25x32xf32, #tpu.memory_space<vmem_shared>>
    tpu.enqueue_dma source(%arg35 : memref<25x32xf32, #tpu.memory_space<vmem>>) target(%dma_start3A_427 : memref<25x32xf32, #tpu.memory_space<vmem_shared>>) target_semaphore(%arg64 : memref<!tpu.dma_semaphore, #tpu.memory_space<semaphore_mem>>)
    %add3A_428 = arith.constant 525 : i32
    %add3A_429 = arith.addi %mul3A_2, %add3A_428 : i32
    %dma_start3A_430 = arith.constant 0 : i32
    %dma_start3A_431 = tpu.memref_slice %arg36[%add3A_429, %dma_start3A_430] : memref<10000x32xf32, #tpu.memory_space<vmem_shared>> -> memref<25x32xf32, #tpu.memory_space<vmem_shared>>
    %dma_start3A_432 = arith.constant 0 : i32
    %dma_start3A_433 = tpu.memref_slice %arg36[%add3A_429, %dma_start3A_432] : memref<10000x32xf32, #tpu.memory_space<vmem_shared>> -> memref<25x32xf32, #tpu.memory_space<vmem_shared>>
    tpu.enqueue_dma source(%arg35 : memref<25x32xf32, #tpu.memory_space<vmem>>) target(%dma_start3A_433 : memref<25x32xf32, #tpu.memory_space<vmem_shared>>) target_semaphore(%arg64 : memref<!tpu.dma_semaphore, #tpu.memory_space<semaphore_mem>>)
    %add3A_434 = arith.constant 550 : i32
    %add3A_435 = arith.addi %mul3A_2, %add3A_434 : i32
    %dma_start3A_436 = arith.constant 0 : i32
    %dma_start3A_437 = tpu.memref_slice %arg36[%add3A_435, %dma_start3A_436] : memref<10000x32xf32, #tpu.memory_space<vmem_shared>> -> memref<25x32xf32, #tpu.memory_space<vmem_shared>>
    %dma_start3A_438 = arith.constant 0 : i32
    %dma_start3A_439 = tpu.memref_slice %arg36[%add3A_435, %dma_start3A_438] : memref<10000x32xf32, #tpu.memory_space<vmem_shared>> -> memref<25x32xf32, #tpu.memory_space<vmem_shared>>
    tpu.enqueue_dma source(%arg35 : memref<25x32xf32, #tpu.memory_space<vmem>>) target(%dma_start3A_439 : memref<25x32xf32, #tpu.memory_space<vmem_shared>>) target_semaphore(%arg64 : memref<!tpu.dma_semaphore, #tpu.memory_space<semaphore_mem>>)
    %add3A_440 = arith.constant 575 : i32
    %add3A_441 = arith.addi %mul3A_2, %add3A_440 : i32
    %dma_start3A_442 = arith.constant 0 : i32
    %dma_start3A_443 = tpu.memref_slice %arg36[%add3A_441, %dma_start3A_442] : memref<10000x32xf32, #tpu.memory_space<vmem_shared>> -> memref<25x32xf32, #tpu.memory_space<vmem_shared>>
    %dma_start3A_444 = arith.constant 0 : i32
    %dma_start3A_445 = tpu.memref_slice %arg36[%add3A_441, %dma_start3A_444] : memref<10000x32xf32, #tpu.memory_space<vmem_shared>> -> memref<25x32xf32, #tpu.memory_space<vmem_shared>>
    tpu.enqueue_dma source(%arg35 : memref<25x32xf32, #tpu.memory_space<vmem>>) target(%dma_start3A_445 : memref<25x32xf32, #tpu.memory_space<vmem_shared>>) target_semaphore(%arg64 : memref<!tpu.dma_semaphore, #tpu.memory_space<semaphore_mem>>)
    %add3A_446 = arith.constant 600 : i32
    %add3A_447 = arith.addi %mul3A_2, %add3A_446 : i32
    %dma_start3A_448 = arith.constant 0 : i32
    %dma_start3A_449 = tpu.memref_slice %arg36[%add3A_447, %dma_start3A_448] : memref<10000x32xf32, #tpu.memory_space<vmem_shared>> -> memref<25x32xf32, #tpu.memory_space<vmem_shared>>
    %dma_start3A_450 = arith.constant 0 : i32
    %dma_start3A_451 = tpu.memref_slice %arg36[%add3A_447, %dma_start3A_450] : memref<10000x32xf32, #tpu.memory_space<vmem_shared>> -> memref<25x32xf32, #tpu.memory_space<vmem_shared>>
    tpu.enqueue_dma source(%arg35 : memref<25x32xf32, #tpu.memory_space<vmem>>) target(%dma_start3A_451 : memref<25x32xf32, #tpu.memory_space<vmem_shared>>) target_semaphore(%arg64 : memref<!tpu.dma_semaphore, #tpu.memory_space<semaphore_mem>>)
    %mul3A_452 = arith.constant 10000 : i32
    %mul3A_453 = arith.muli %add3A, %mul3A_452 : i32
    %run_scoped3A = arith.constant 0 : i32
    "tpu.region"() ({
      %run_scoped3A_738 = tpu.sem_alloc : memref<!tpu.dma_semaphore, #tpu.memory_space<semaphore_mem>>
      %dma_start3A_739 = tpu.memref_slice %arg3[%run_scoped3A, %mul3A_453] : memref<2x320000xi32, #tpu.memory_space<hbm>> -> memref<1x10000xi32, #tpu.memory_space<hbm>>
      %dma_start3A_740 = tpu.memref_squeeze %dma_start3A_739 : memref<1x10000xi32, #tpu.memory_space<hbm>> -> memref<10000xi32, #tpu.memory_space<hbm>>
      %dma_start3A_741 = tpu.memref_slice %arg3[%run_scoped3A, %mul3A_453] : memref<2x320000xi32, #tpu.memory_space<hbm>> -> memref<1x10000xi32, #tpu.memory_space<hbm>>
      %dma_start3A_742 = tpu.memref_squeeze %dma_start3A_741 : memref<1x10000xi32, #tpu.memory_space<hbm>> -> memref<10000xi32, #tpu.memory_space<hbm>>
      tpu.enqueue_dma source(%dma_start3A_742 : memref<10000xi32, #tpu.memory_space<hbm>>) target(%arg5 : memref<10000xi32, #tpu.memory_space<vmem>>) target_semaphore(%run_scoped3A_738 : memref<!tpu.dma_semaphore, #tpu.memory_space<semaphore_mem>>)
      %dma_wait3A_743 = tpu.memref_slice %arg3[%run_scoped3A, %mul3A_453] : memref<2x320000xi32, #tpu.memory_space<hbm>> -> memref<1x10000xi32, #tpu.memory_space<hbm>>
      %dma_wait3A_744 = tpu.memref_squeeze %dma_wait3A_743 : memref<1x10000xi32, #tpu.memory_space<hbm>> -> memref<10000xi32, #tpu.memory_space<hbm>>
      %dma_wait3A_745 = tpu.memref_slice %arg3[%run_scoped3A, %mul3A_453] : memref<2x320000xi32, #tpu.memory_space<hbm>> -> memref<1x10000xi32, #tpu.memory_space<hbm>>
      %dma_wait3A_746 = tpu.memref_squeeze %dma_wait3A_745 : memref<1x10000xi32, #tpu.memory_space<hbm>> -> memref<10000xi32, #tpu.memory_space<hbm>>
      tpu.wait_dma2 semaphore(%run_scoped3A_738 : memref<!tpu.dma_semaphore, #tpu.memory_space<semaphore_mem>>) src(%dma_wait3A_746 : memref<10000xi32, #tpu.memory_space<hbm>>) dst(%arg5 : memref<10000xi32, #tpu.memory_space<vmem>>)
      tpu.yield
    }) : () -> ()
    %dma_wait3A = arith.constant 0 : i32
    %dma_wait3A_454 = tpu.memref_slice %arg36[%mul3A_2, %dma_wait3A] : memref<10000x32xf32, #tpu.memory_space<vmem_shared>> -> memref<25x32xf32, #tpu.memory_space<vmem_shared>>
    %dma_wait3A_455 = arith.constant 0 : i32
    %dma_wait3A_456 = tpu.memref_slice %arg36[%mul3A_2, %dma_wait3A_455] : memref<10000x32xf32, #tpu.memory_space<vmem_shared>> -> memref<25x32xf32, #tpu.memory_space<vmem_shared>>
    tpu.wait_dma2 semaphore(%arg64 : memref<!tpu.dma_semaphore, #tpu.memory_space<semaphore_mem>>) src(%arg35 : memref<25x32xf32, #tpu.memory_space<vmem>>) dst(%dma_wait3A_456 : memref<25x32xf32, #tpu.memory_space<vmem_shared>>)
    %dma_wait3A_457 = arith.constant 0 : i32
    %dma_wait3A_458 = tpu.memref_slice %arg36[%mul3A_2, %dma_wait3A_457] : memref<10000x32xf32, #tpu.memory_space<vmem_shared>> -> memref<25x32xf32, #tpu.memory_space<vmem_shared>>
    %dma_wait3A_459 = arith.constant 0 : i32
    %dma_wait3A_460 = tpu.memref_slice %arg36[%mul3A_2, %dma_wait3A_459] : memref<10000x32xf32, #tpu.memory_space<vmem_shared>> -> memref<25x32xf32, #tpu.memory_space<vmem_shared>>
    tpu.wait_dma2 semaphore(%arg64 : memref<!tpu.dma_semaphore, #tpu.memory_space<semaphore_mem>>) src(%arg35 : memref<25x32xf32, #tpu.memory_space<vmem>>) dst(%dma_wait3A_460 : memref<25x32xf32, #tpu.memory_space<vmem_shared>>)
    %dma_wait3A_461 = arith.constant 0 : i32
    %dma_wait3A_462 = tpu.memref_slice %arg36[%mul3A_2, %dma_wait3A_461] : memref<10000x32xf32, #tpu.memory_space<vmem_shared>> -> memref<25x32xf32, #tpu.memory_space<vmem_shared>>
    %dma_wait3A_463 = arith.constant 0 : i32
    %dma_wait3A_464 = tpu.memref_slice %arg36[%mul3A_2, %dma_wait3A_463] : memref<10000x32xf32, #tpu.memory_space<vmem_shared>> -> memref<25x32xf32, #tpu.memory_space<vmem_shared>>
    tpu.wait_dma2 semaphore(%arg64 : memref<!tpu.dma_semaphore, #tpu.memory_space<semaphore_mem>>) src(%arg35 : memref<25x32xf32, #tpu.memory_space<vmem>>) dst(%dma_wait3A_464 : memref<25x32xf32, #tpu.memory_space<vmem_shared>>)
    %dma_wait3A_465 = arith.constant 0 : i32
    %dma_wait3A_466 = tpu.memref_slice %arg36[%mul3A_2, %dma_wait3A_465] : memref<10000x32xf32, #tpu.memory_space<vmem_shared>> -> memref<25x32xf32, #tpu.memory_space<vmem_shared>>
    %dma_wait3A_467 = arith.constant 0 : i32
    %dma_wait3A_468 = tpu.memref_slice %arg36[%mul3A_2, %dma_wait3A_467] : memref<10000x32xf32, #tpu.memory_space<vmem_shared>> -> memref<25x32xf32, #tpu.memory_space<vmem_shared>>
    tpu.wait_dma2 semaphore(%arg64 : memref<!tpu.dma_semaphore, #tpu.memory_space<semaphore_mem>>) src(%arg35 : memref<25x32xf32, #tpu.memory_space<vmem>>) dst(%dma_wait3A_468 : memref<25x32xf32, #tpu.memory_space<vmem_shared>>)
    %dma_wait3A_469 = arith.constant 0 : i32
    %dma_wait3A_470 = tpu.memref_slice %arg36[%mul3A_2, %dma_wait3A_469] : memref<10000x32xf32, #tpu.memory_space<vmem_shared>> -> memref<25x32xf32, #tpu.memory_space<vmem_shared>>
    %dma_wait3A_471 = arith.constant 0 : i32
    %dma_wait3A_472 = tpu.memref_slice %arg36[%mul3A_2, %dma_wait3A_471] : memref<10000x32xf32, #tpu.memory_space<vmem_shared>> -> memref<25x32xf32, #tpu.memory_space<vmem_shared>>
    tpu.wait_dma2 semaphore(%arg64 : memref<!tpu.dma_semaphore, #tpu.memory_space<semaphore_mem>>) src(%arg35 : memref<25x32xf32, #tpu.memory_space<vmem>>) dst(%dma_wait3A_472 : memref<25x32xf32, #tpu.memory_space<vmem_shared>>)
    %dma_wait3A_473 = arith.constant 0 : i32
    %dma_wait3A_474 = tpu.memref_slice %arg36[%mul3A_2, %dma_wait3A_473] : memref<10000x32xf32, #tpu.memory_space<vmem_shared>> -> memref<25x32xf32, #tpu.memory_space<vmem_shared>>
    %dma_wait3A_475 = arith.constant 0 : i32
    %dma_wait3A_476 = tpu.memref_slice %arg36[%mul3A_2, %dma_wait3A_475] : memref<10000x32xf32, #tpu.memory_space<vmem_shared>> -> memref<25x32xf32, #tpu.memory_space<vmem_shared>>
    tpu.wait_dma2 semaphore(%arg64 : memref<!tpu.dma_semaphore, #tpu.memory_space<semaphore_mem>>) src(%arg35 : memref<25x32xf32, #tpu.memory_space<vmem>>) dst(%dma_wait3A_476 : memref<25x32xf32, #tpu.memory_space<vmem_shared>>)
    %dma_wait3A_477 = arith.constant 0 : i32
    %dma_wait3A_478 = tpu.memref_slice %arg36[%mul3A_2, %dma_wait3A_477] : memref<10000x32xf32, #tpu.memory_space<vmem_shared>> -> memref<25x32xf32, #tpu.memory_space<vmem_shared>>
    %dma_wait3A_479 = arith.constant 0 : i32
    %dma_wait3A_480 = tpu.memref_slice %arg36[%mul3A_2, %dma_wait3A_479] : memref<10000x32xf32, #tpu.memory_space<vmem_shared>> -> memref<25x32xf32, #tpu.memory_space<vmem_shared>>
    tpu.wait_dma2 semaphore(%arg64 : memref<!tpu.dma_semaphore, #tpu.memory_space<semaphore_mem>>) src(%arg35 : memref<25x32xf32, #tpu.memory_space<vmem>>) dst(%dma_wait3A_480 : memref<25x32xf32, #tpu.memory_space<vmem_shared>>)
    %dma_wait3A_481 = arith.constant 0 : i32
    %dma_wait3A_482 = tpu.memref_slice %arg36[%mul3A_2, %dma_wait3A_481] : memref<10000x32xf32, #tpu.memory_space<vmem_shared>> -> memref<25x32xf32, #tpu.memory_space<vmem_shared>>
    %dma_wait3A_483 = arith.constant 0 : i32
    %dma_wait3A_484 = tpu.memref_slice %arg36[%mul3A_2, %dma_wait3A_483] : memref<10000x32xf32, #tpu.memory_space<vmem_shared>> -> memref<25x32xf32, #tpu.memory_space<vmem_shared>>
    tpu.wait_dma2 semaphore(%arg64 : memref<!tpu.dma_semaphore, #tpu.memory_space<semaphore_mem>>) src(%arg35 : memref<25x32xf32, #tpu.memory_space<vmem>>) dst(%dma_wait3A_484 : memref<25x32xf32, #tpu.memory_space<vmem_shared>>)
    %dma_wait3A_485 = arith.constant 0 : i32
    %dma_wait3A_486 = tpu.memref_slice %arg36[%mul3A_2, %dma_wait3A_485] : memref<10000x32xf32, #tpu.memory_space<vmem_shared>> -> memref<25x32xf32, #tpu.memory_space<vmem_shared>>
    %dma_wait3A_487 = arith.constant 0 : i32
    %dma_wait3A_488 = tpu.memref_slice %arg36[%mul3A_2, %dma_wait3A_487] : memref<10000x32xf32, #tpu.memory_space<vmem_shared>> -> memref<25x32xf32, #tpu.memory_space<vmem_shared>>
    tpu.wait_dma2 semaphore(%arg64 : memref<!tpu.dma_semaphore, #tpu.memory_space<semaphore_mem>>) src(%arg35 : memref<25x32xf32, #tpu.memory_space<vmem>>) dst(%dma_wait3A_488 : memref<25x32xf32, #tpu.memory_space<vmem_shared>>)
    %dma_wait3A_489 = arith.constant 0 : i32
    %dma_wait3A_490 = tpu.memref_slice %arg36[%mul3A_2, %dma_wait3A_489] : memref<10000x32xf32, #tpu.memory_space<vmem_shared>> -> memref<25x32xf32, #tpu.memory_space<vmem_shared>>
    %dma_wait3A_491 = arith.constant 0 : i32
    %dma_wait3A_492 = tpu.memref_slice %arg36[%mul3A_2, %dma_wait3A_491] : memref<10000x32xf32, #tpu.memory_space<vmem_shared>> -> memref<25x32xf32, #tpu.memory_space<vmem_shared>>
    tpu.wait_dma2 semaphore(%arg64 : memref<!tpu.dma_semaphore, #tpu.memory_space<semaphore_mem>>) src(%arg35 : memref<25x32xf32, #tpu.memory_space<vmem>>) dst(%dma_wait3A_492 : memref<25x32xf32, #tpu.memory_space<vmem_shared>>)
    %dma_wait3A_493 = arith.constant 0 : i32
    %dma_wait3A_494 = tpu.memref_slice %arg36[%mul3A_2, %dma_wait3A_493] : memref<10000x32xf32, #tpu.memory_space<vmem_shared>> -> memref<25x32xf32, #tpu.memory_space<vmem_shared>>
    %dma_wait3A_495 = arith.constant 0 : i32
    %dma_wait3A_496 = tpu.memref_slice %arg36[%mul3A_2, %dma_wait3A_495] : memref<10000x32xf32, #tpu.memory_space<vmem_shared>> -> memref<25x32xf32, #tpu.memory_space<vmem_shared>>
    tpu.wait_dma2 semaphore(%arg64 : memref<!tpu.dma_semaphore, #tpu.memory_space<semaphore_mem>>) src(%arg35 : memref<25x32xf32, #tpu.memory_space<vmem>>) dst(%dma_wait3A_496 : memref<25x32xf32, #tpu.memory_space<vmem_shared>>)
    %dma_wait3A_497 = arith.constant 0 : i32
    %dma_wait3A_498 = tpu.memref_slice %arg36[%mul3A_2, %dma_wait3A_497] : memref<10000x32xf32, #tpu.memory_space<vmem_shared>> -> memref<25x32xf32, #tpu.memory_space<vmem_shared>>
    %dma_wait3A_499 = arith.constant 0 : i32
    %dma_wait3A_500 = tpu.memref_slice %arg36[%mul3A_2, %dma_wait3A_499] : memref<10000x32xf32, #tpu.memory_space<vmem_shared>> -> memref<25x32xf32, #tpu.memory_space<vmem_shared>>
    tpu.wait_dma2 semaphore(%arg64 : memref<!tpu.dma_semaphore, #tpu.memory_space<semaphore_mem>>) src(%arg35 : memref<25x32xf32, #tpu.memory_space<vmem>>) dst(%dma_wait3A_500 : memref<25x32xf32, #tpu.memory_space<vmem_shared>>)
    %dma_wait3A_501 = arith.constant 0 : i32
    %dma_wait3A_502 = tpu.memref_slice %arg36[%mul3A_2, %dma_wait3A_501] : memref<10000x32xf32, #tpu.memory_space<vmem_shared>> -> memref<25x32xf32, #tpu.memory_space<vmem_shared>>
    %dma_wait3A_503 = arith.constant 0 : i32
    %dma_wait3A_504 = tpu.memref_slice %arg36[%mul3A_2, %dma_wait3A_503] : memref<10000x32xf32, #tpu.memory_space<vmem_shared>> -> memref<25x32xf32, #tpu.memory_space<vmem_shared>>
    tpu.wait_dma2 semaphore(%arg64 : memref<!tpu.dma_semaphore, #tpu.memory_space<semaphore_mem>>) src(%arg35 : memref<25x32xf32, #tpu.memory_space<vmem>>) dst(%dma_wait3A_504 : memref<25x32xf32, #tpu.memory_space<vmem_shared>>)
    %dma_wait3A_505 = arith.constant 0 : i32
    %dma_wait3A_506 = tpu.memref_slice %arg36[%mul3A_2, %dma_wait3A_505] : memref<10000x32xf32, #tpu.memory_space<vmem_shared>> -> memref<25x32xf32, #tpu.memory_space<vmem_shared>>
    %dma_wait3A_507 = arith.constant 0 : i32
    %dma_wait3A_508 = tpu.memref_slice %arg36[%mul3A_2, %dma_wait3A_507] : memref<10000x32xf32, #tpu.memory_space<vmem_shared>> -> memref<25x32xf32, #tpu.memory_space<vmem_shared>>
    tpu.wait_dma2 semaphore(%arg64 : memref<!tpu.dma_semaphore, #tpu.memory_space<semaphore_mem>>) src(%arg35 : memref<25x32xf32, #tpu.memory_space<vmem>>) dst(%dma_wait3A_508 : memref<25x32xf32, #tpu.memory_space<vmem_shared>>)
    %dma_wait3A_509 = arith.constant 0 : i32
    %dma_wait3A_510 = tpu.memref_slice %arg36[%mul3A_2, %dma_wait3A_509] : memref<10000x32xf32, #tpu.memory_space<vmem_shared>> -> memref<25x32xf32, #tpu.memory_space<vmem_shared>>
    %dma_wait3A_511 = arith.constant 0 : i32
    %dma_wait3A_512 = tpu.memref_slice %arg36[%mul3A_2, %dma_wait3A_511] : memref<10000x32xf32, #tpu.memory_space<vmem_shared>> -> memref<25x32xf32, #tpu.memory_space<vmem_shared>>
    tpu.wait_dma2 semaphore(%arg64 : memref<!tpu.dma_semaphore, #tpu.memory_space<semaphore_mem>>) src(%arg35 : memref<25x32xf32, #tpu.memory_space<vmem>>) dst(%dma_wait3A_512 : memref<25x32xf32, #tpu.memory_space<vmem_shared>>)
    %dma_wait3A_513 = arith.constant 0 : i32
    %dma_wait3A_514 = tpu.memref_slice %arg36[%mul3A_2, %dma_wait3A_513] : memref<10000x32xf32, #tpu.memory_space<vmem_shared>> -> memref<25x32xf32, #tpu.memory_space<vmem_shared>>
    %dma_wait3A_515 = arith.constant 0 : i32
    %dma_wait3A_516 = tpu.memref_slice %arg36[%mul3A_2, %dma_wait3A_515] : memref<10000x32xf32, #tpu.memory_space<vmem_shared>> -> memref<25x32xf32, #tpu.memory_space<vmem_shared>>
    tpu.wait_dma2 semaphore(%arg64 : memref<!tpu.dma_semaphore, #tpu.memory_space<semaphore_mem>>) src(%arg35 : memref<25x32xf32, #tpu.memory_space<vmem>>) dst(%dma_wait3A_516 : memref<25x32xf32, #tpu.memory_space<vmem_shared>>)
    %dma_wait3A_517 = arith.constant 0 : i32
    %dma_wait3A_518 = tpu.memref_slice %arg36[%mul3A_2, %dma_wait3A_517] : memref<10000x32xf32, #tpu.memory_space<vmem_shared>> -> memref<25x32xf32, #tpu.memory_space<vmem_shared>>
    %dma_wait3A_519 = arith.constant 0 : i32
    %dma_wait3A_520 = tpu.memref_slice %arg36[%mul3A_2, %dma_wait3A_519] : memref<10000x32xf32, #tpu.memory_space<vmem_shared>> -> memref<25x32xf32, #tpu.memory_space<vmem_shared>>
    tpu.wait_dma2 semaphore(%arg64 : memref<!tpu.dma_semaphore, #tpu.memory_space<semaphore_mem>>) src(%arg35 : memref<25x32xf32, #tpu.memory_space<vmem>>) dst(%dma_wait3A_520 : memref<25x32xf32, #tpu.memory_space<vmem_shared>>)
    %dma_wait3A_521 = arith.constant 0 : i32
    %dma_wait3A_522 = tpu.memref_slice %arg36[%mul3A_2, %dma_wait3A_521] : memref<10000x32xf32, #tpu.memory_space<vmem_shared>> -> memref<25x32xf32, #tpu.memory_space<vmem_shared>>
    %dma_wait3A_523 = arith.constant 0 : i32
    %dma_wait3A_524 = tpu.memref_slice %arg36[%mul3A_2, %dma_wait3A_523] : memref<10000x32xf32, #tpu.memory_space<vmem_shared>> -> memref<25x32xf32, #tpu.memory_space<vmem_shared>>
    tpu.wait_dma2 semaphore(%arg64 : memref<!tpu.dma_semaphore, #tpu.memory_space<semaphore_mem>>) src(%arg35 : memref<25x32xf32, #tpu.memory_space<vmem>>) dst(%dma_wait3A_524 : memref<25x32xf32, #tpu.memory_space<vmem_shared>>)
    %dma_wait3A_525 = arith.constant 0 : i32
    %dma_wait3A_526 = tpu.memref_slice %arg36[%mul3A_2, %dma_wait3A_525] : memref<10000x32xf32, #tpu.memory_space<vmem_shared>> -> memref<25x32xf32, #tpu.memory_space<vmem_shared>>
    %dma_wait3A_527 = arith.constant 0 : i32
    %dma_wait3A_528 = tpu.memref_slice %arg36[%mul3A_2, %dma_wait3A_527] : memref<10000x32xf32, #tpu.memory_space<vmem_shared>> -> memref<25x32xf32, #tpu.memory_space<vmem_shared>>
    tpu.wait_dma2 semaphore(%arg64 : memref<!tpu.dma_semaphore, #tpu.memory_space<semaphore_mem>>) src(%arg35 : memref<25x32xf32, #tpu.memory_space<vmem>>) dst(%dma_wait3A_528 : memref<25x32xf32, #tpu.memory_space<vmem_shared>>)
    %dma_wait3A_529 = arith.constant 0 : i32
    %dma_wait3A_530 = tpu.memref_slice %arg36[%mul3A_2, %dma_wait3A_529] : memref<10000x32xf32, #tpu.memory_space<vmem_shared>> -> memref<25x32xf32, #tpu.memory_space<vmem_shared>>
    %dma_wait3A_531 = arith.constant 0 : i32
    %dma_wait3A_532 = tpu.memref_slice %arg36[%mul3A_2, %dma_wait3A_531] : memref<10000x32xf32, #tpu.memory_space<vmem_shared>> -> memref<25x32xf32, #tpu.memory_space<vmem_shared>>
    tpu.wait_dma2 semaphore(%arg64 : memref<!tpu.dma_semaphore, #tpu.memory_space<semaphore_mem>>) src(%arg35 : memref<25x32xf32, #tpu.memory_space<vmem>>) dst(%dma_wait3A_532 : memref<25x32xf32, #tpu.memory_space<vmem_shared>>)
    %dma_wait3A_533 = arith.constant 0 : i32
    %dma_wait3A_534 = tpu.memref_slice %arg36[%mul3A_2, %dma_wait3A_533] : memref<10000x32xf32, #tpu.memory_space<vmem_shared>> -> memref<25x32xf32, #tpu.memory_space<vmem_shared>>
    %dma_wait3A_535 = arith.constant 0 : i32
    %dma_wait3A_536 = tpu.memref_slice %arg36[%mul3A_2, %dma_wait3A_535] : memref<10000x32xf32, #tpu.memory_space<vmem_shared>> -> memref<25x32xf32, #tpu.memory_space<vmem_shared>>
    tpu.wait_dma2 semaphore(%arg64 : memref<!tpu.dma_semaphore, #tpu.memory_space<semaphore_mem>>) src(%arg35 : memref<25x32xf32, #tpu.memory_space<vmem>>) dst(%dma_wait3A_536 : memref<25x32xf32, #tpu.memory_space<vmem_shared>>)
    %dma_wait3A_537 = arith.constant 0 : i32
    %dma_wait3A_538 = tpu.memref_slice %arg36[%mul3A_2, %dma_wait3A_537] : memref<10000x32xf32, #tpu.memory_space<vmem_shared>> -> memref<25x32xf32, #tpu.memory_space<vmem_shared>>
    %dma_wait3A_539 = arith.constant 0 : i32
    %dma_wait3A_540 = tpu.memref_slice %arg36[%mul3A_2, %dma_wait3A_539] : memref<10000x32xf32, #tpu.memory_space<vmem_shared>> -> memref<25x32xf32, #tpu.memory_space<vmem_shared>>
    tpu.wait_dma2 semaphore(%arg64 : memref<!tpu.dma_semaphore, #tpu.memory_space<semaphore_mem>>) src(%arg35 : memref<25x32xf32, #tpu.memory_space<vmem>>) dst(%dma_wait3A_540 : memref<25x32xf32, #tpu.memory_space<vmem_shared>>)
    %dma_wait3A_541 = arith.constant 0 : i32
    %dma_wait3A_542 = tpu.memref_slice %arg36[%mul3A_2, %dma_wait3A_541] : memref<10000x32xf32, #tpu.memory_space<vmem_shared>> -> memref<25x32xf32, #tpu.memory_space<vmem_shared>>
    %dma_wait3A_543 = arith.constant 0 : i32
    %dma_wait3A_544 = tpu.memref_slice %arg36[%mul3A_2, %dma_wait3A_543] : memref<10000x32xf32, #tpu.memory_space<vmem_shared>> -> memref<25x32xf32, #tpu.memory_space<vmem_shared>>
    tpu.wait_dma2 semaphore(%arg64 : memref<!tpu.dma_semaphore, #tpu.memory_space<semaphore_mem>>) src(%arg35 : memref<25x32xf32, #tpu.memory_space<vmem>>) dst(%dma_wait3A_544 : memref<25x32xf32, #tpu.memory_space<vmem_shared>>)
    %dma_wait3A_545 = arith.constant 0 : i32
    %dma_wait3A_546 = tpu.memref_slice %arg36[%mul3A_2, %dma_wait3A_545] : memref<10000x32xf32, #tpu.memory_space<vmem_shared>> -> memref<25x32xf32, #tpu.memory_space<vmem_shared>>
    %dma_wait3A_547 = arith.constant 0 : i32
    %dma_wait3A_548 = tpu.memref_slice %arg36[%mul3A_2, %dma_wait3A_547] : memref<10000x32xf32, #tpu.memory_space<vmem_shared>> -> memref<25x32xf32, #tpu.memory_space<vmem_shared>>
    tpu.wait_dma2 semaphore(%arg64 : memref<!tpu.dma_semaphore, #tpu.memory_space<semaphore_mem>>) src(%arg35 : memref<25x32xf32, #tpu.memory_space<vmem>>) dst(%dma_wait3A_548 : memref<25x32xf32, #tpu.memory_space<vmem_shared>>)
    %dma_wait3A_549 = arith.constant 0 : i32
    %dma_wait3A_550 = tpu.memref_slice %arg36[%mul3A_2, %dma_wait3A_549] : memref<10000x32xf32, #tpu.memory_space<vmem_shared>> -> memref<25x32xf32, #tpu.memory_space<vmem_shared>>
    %dma_wait3A_551 = arith.constant 0 : i32
    %dma_wait3A_552 = tpu.memref_slice %arg36[%mul3A_2, %dma_wait3A_551] : memref<10000x32xf32, #tpu.memory_space<vmem_shared>> -> memref<25x32xf32, #tpu.memory_space<vmem_shared>>
    tpu.wait_dma2 semaphore(%arg64 : memref<!tpu.dma_semaphore, #tpu.memory_space<semaphore_mem>>) src(%arg35 : memref<25x32xf32, #tpu.memory_space<vmem>>) dst(%dma_wait3A_552 : memref<25x32xf32, #tpu.memory_space<vmem_shared>>)
    %add3A_553 = arith.constant 0 : i32
    %add3A_554 = arith.addi %mul3A_453, %add3A_553 : i32
    %multiple_of3A = tpu.assume_multiple %add3A_554, 8 : i32
    %dma_start3A_555 = arith.constant 1 : i32
    %dma_start3A_556 = tpu.memref_slice %arg3[%dma_start3A_555, %multiple_of3A] : memref<2x320000xi32, #tpu.memory_space<hbm>> -> memref<1x128xi32, #tpu.memory_space<hbm>>
    %dma_start3A_557 = tpu.memref_squeeze %dma_start3A_556 : memref<1x128xi32, #tpu.memory_space<hbm>> -> memref<128xi32, #tpu.memory_space<hbm>>
    %dma_start3A_558 = tpu.memref_slice %arg3[%dma_start3A_555, %multiple_of3A] : memref<2x320000xi32, #tpu.memory_space<hbm>> -> memref<1x128xi32, #tpu.memory_space<hbm>>
    %dma_start3A_559 = tpu.memref_squeeze %dma_start3A_558 : memref<1x128xi32, #tpu.memory_space<hbm>> -> memref<128xi32, #tpu.memory_space<hbm>>
    tpu.enqueue_dma source(%dma_start3A_559 : memref<128xi32, #tpu.memory_space<hbm>>) target(%arg6 : memref<128xi32, #tpu.memory_space<vmem>>) target_semaphore(%arg37 : memref<!tpu.dma_semaphore, #tpu.memory_space<semaphore_mem>>)
    %dma_start3A_560 = arith.constant 0 : i32
    %dma_start3A_561 = tpu.memref_slice %arg5[%dma_start3A_560] : memref<10000xi32, #tpu.memory_space<vmem>> -> memref<128xi32, #tpu.memory_space<vmem>>
    %dma_start3A_562 = arith.constant 0 : i32
    %dma_start3A_563 = arith.constant 0 : i32
    %dma_start3A_564 = tpu.memref_slice %arg2[%dma_start3A_562, %dma_start3A_563] : memref<10000x32xf32, #tpu.memory_space<hbm>> -> memref<10000x32xf32, #tpu.memory_space<hbm>>
    tpu.enqueue_indirect_dma source(%dma_start3A_564 : memref<10000x32xf32, #tpu.memory_space<hbm>>) target(%arg19 : memref<128x32xf32, #tpu.memory_space<vmem>>) offsets(%dma_start3A_561 : memref<128xi32, #tpu.memory_space<vmem>>) semaphore(%arg50 : memref<!tpu.dma_semaphore, #tpu.memory_space<semaphore_mem>>)
    %add3A_565 = arith.constant 128 : i32
    %add3A_566 = arith.addi %mul3A_453, %add3A_565 : i32
    %multiple_of3A_567 = tpu.assume_multiple %add3A_566, 8 : i32
    %dma_start3A_568 = arith.constant 1 : i32
    %dma_start3A_569 = tpu.memref_slice %arg3[%dma_start3A_568, %multiple_of3A_567] : memref<2x320000xi32, #tpu.memory_space<hbm>> -> memref<1x128xi32, #tpu.memory_space<hbm>>
    %dma_start3A_570 = tpu.memref_squeeze %dma_start3A_569 : memref<1x128xi32, #tpu.memory_space<hbm>> -> memref<128xi32, #tpu.memory_space<hbm>>
    %dma_start3A_571 = tpu.memref_slice %arg3[%dma_start3A_568, %multiple_of3A_567] : memref<2x320000xi32, #tpu.memory_space<hbm>> -> memref<1x128xi32, #tpu.memory_space<hbm>>
    %dma_start3A_572 = tpu.memref_squeeze %dma_start3A_571 : memref<1x128xi32, #tpu.memory_space<hbm>> -> memref<128xi32, #tpu.memory_space<hbm>>
    tpu.enqueue_dma source(%dma_start3A_572 : memref<128xi32, #tpu.memory_space<hbm>>) target(%arg7 : memref<128xi32, #tpu.memory_space<vmem>>) target_semaphore(%arg38 : memref<!tpu.dma_semaphore, #tpu.memory_space<semaphore_mem>>)
    %dma_start3A_573 = arith.constant 128 : i32
    %dma_start3A_574 = tpu.memref_slice %arg5[%dma_start3A_573] : memref<10000xi32, #tpu.memory_space<vmem>> -> memref<128xi32, #tpu.memory_space<vmem>>
    %dma_start3A_575 = arith.constant 0 : i32
    %dma_start3A_576 = arith.constant 0 : i32
    %dma_start3A_577 = tpu.memref_slice %arg2[%dma_start3A_575, %dma_start3A_576] : memref<10000x32xf32, #tpu.memory_space<hbm>> -> memref<10000x32xf32, #tpu.memory_space<hbm>>
    tpu.enqueue_indirect_dma source(%dma_start3A_577 : memref<10000x32xf32, #tpu.memory_space<hbm>>) target(%arg20 : memref<128x32xf32, #tpu.memory_space<vmem>>) offsets(%dma_start3A_574 : memref<128xi32, #tpu.memory_space<vmem>>) semaphore(%arg51 : memref<!tpu.dma_semaphore, #tpu.memory_space<semaphore_mem>>)
    %add3A_578 = arith.constant 256 : i32
    %add3A_579 = arith.addi %mul3A_453, %add3A_578 : i32
    %multiple_of3A_580 = tpu.assume_multiple %add3A_579, 8 : i32
    %dma_start3A_581 = arith.constant 1 : i32
    %dma_start3A_582 = tpu.memref_slice %arg3[%dma_start3A_581, %multiple_of3A_580] : memref<2x320000xi32, #tpu.memory_space<hbm>> -> memref<1x128xi32, #tpu.memory_space<hbm>>
    %dma_start3A_583 = tpu.memref_squeeze %dma_start3A_582 : memref<1x128xi32, #tpu.memory_space<hbm>> -> memref<128xi32, #tpu.memory_space<hbm>>
    %dma_start3A_584 = tpu.memref_slice %arg3[%dma_start3A_581, %multiple_of3A_580] : memref<2x320000xi32, #tpu.memory_space<hbm>> -> memref<1x128xi32, #tpu.memory_space<hbm>>
    %dma_start3A_585 = tpu.memref_squeeze %dma_start3A_584 : memref<1x128xi32, #tpu.memory_space<hbm>> -> memref<128xi32, #tpu.memory_space<hbm>>
    tpu.enqueue_dma source(%dma_start3A_585 : memref<128xi32, #tpu.memory_space<hbm>>) target(%arg8 : memref<128xi32, #tpu.memory_space<vmem>>) target_semaphore(%arg39 : memref<!tpu.dma_semaphore, #tpu.memory_space<semaphore_mem>>)
    %dma_start3A_586 = arith.constant 256 : i32
    %dma_start3A_587 = tpu.memref_slice %arg5[%dma_start3A_586] : memref<10000xi32, #tpu.memory_space<vmem>> -> memref<128xi32, #tpu.memory_space<vmem>>
    %dma_start3A_588 = arith.constant 0 : i32
    %dma_start3A_589 = arith.constant 0 : i32
    %dma_start3A_590 = tpu.memref_slice %arg2[%dma_start3A_588, %dma_start3A_589] : memref<10000x32xf32, #tpu.memory_space<hbm>> -> memref<10000x32xf32, #tpu.memory_space<hbm>>
    tpu.enqueue_indirect_dma source(%dma_start3A_590 : memref<10000x32xf32, #tpu.memory_space<hbm>>) target(%arg21 : memref<128x32xf32, #tpu.memory_space<vmem>>) offsets(%dma_start3A_587 : memref<128xi32, #tpu.memory_space<vmem>>) semaphore(%arg52 : memref<!tpu.dma_semaphore, #tpu.memory_space<semaphore_mem>>)
    %add3A_591 = arith.constant 384 : i32
    %add3A_592 = arith.addi %mul3A_453, %add3A_591 : i32
    %multiple_of3A_593 = tpu.assume_multiple %add3A_592, 8 : i32
    %dma_start3A_594 = arith.constant 1 : i32
    %dma_start3A_595 = tpu.memref_slice %arg3[%dma_start3A_594, %multiple_of3A_593] : memref<2x320000xi32, #tpu.memory_space<hbm>> -> memref<1x128xi32, #tpu.memory_space<hbm>>
    %dma_start3A_596 = tpu.memref_squeeze %dma_start3A_595 : memref<1x128xi32, #tpu.memory_space<hbm>> -> memref<128xi32, #tpu.memory_space<hbm>>
    %dma_start3A_597 = tpu.memref_slice %arg3[%dma_start3A_594, %multiple_of3A_593] : memref<2x320000xi32, #tpu.memory_space<hbm>> -> memref<1x128xi32, #tpu.memory_space<hbm>>
    %dma_start3A_598 = tpu.memref_squeeze %dma_start3A_597 : memref<1x128xi32, #tpu.memory_space<hbm>> -> memref<128xi32, #tpu.memory_space<hbm>>
    tpu.enqueue_dma source(%dma_start3A_598 : memref<128xi32, #tpu.memory_space<hbm>>) target(%arg9 : memref<128xi32, #tpu.memory_space<vmem>>) target_semaphore(%arg40 : memref<!tpu.dma_semaphore, #tpu.memory_space<semaphore_mem>>)
    %dma_start3A_599 = arith.constant 384 : i32
    %dma_start3A_600 = tpu.memref_slice %arg5[%dma_start3A_599] : memref<10000xi32, #tpu.memory_space<vmem>> -> memref<128xi32, #tpu.memory_space<vmem>>
    %dma_start3A_601 = arith.constant 0 : i32
    %dma_start3A_602 = arith.constant 0 : i32
    %dma_start3A_603 = tpu.memref_slice %arg2[%dma_start3A_601, %dma_start3A_602] : memref<10000x32xf32, #tpu.memory_space<hbm>> -> memref<10000x32xf32, #tpu.memory_space<hbm>>
    tpu.enqueue_indirect_dma source(%dma_start3A_603 : memref<10000x32xf32, #tpu.memory_space<hbm>>) target(%arg22 : memref<128x32xf32, #tpu.memory_space<vmem>>) offsets(%dma_start3A_600 : memref<128xi32, #tpu.memory_space<vmem>>) semaphore(%arg53 : memref<!tpu.dma_semaphore, #tpu.memory_space<semaphore_mem>>)
    %add3A_604 = arith.constant 512 : i32
    %add3A_605 = arith.addi %mul3A_453, %add3A_604 : i32
    %multiple_of3A_606 = tpu.assume_multiple %add3A_605, 8 : i32
    %dma_start3A_607 = arith.constant 1 : i32
    %dma_start3A_608 = tpu.memref_slice %arg3[%dma_start3A_607, %multiple_of3A_606] : memref<2x320000xi32, #tpu.memory_space<hbm>> -> memref<1x128xi32, #tpu.memory_space<hbm>>
    %dma_start3A_609 = tpu.memref_squeeze %dma_start3A_608 : memref<1x128xi32, #tpu.memory_space<hbm>> -> memref<128xi32, #tpu.memory_space<hbm>>
    %dma_start3A_610 = tpu.memref_slice %arg3[%dma_start3A_607, %multiple_of3A_606] : memref<2x320000xi32, #tpu.memory_space<hbm>> -> memref<1x128xi32, #tpu.memory_space<hbm>>
    %dma_start3A_611 = tpu.memref_squeeze %dma_start3A_610 : memref<1x128xi32, #tpu.memory_space<hbm>> -> memref<128xi32, #tpu.memory_space<hbm>>
    tpu.enqueue_dma source(%dma_start3A_611 : memref<128xi32, #tpu.memory_space<hbm>>) target(%arg10 : memref<128xi32, #tpu.memory_space<vmem>>) target_semaphore(%arg41 : memref<!tpu.dma_semaphore, #tpu.memory_space<semaphore_mem>>)
    %dma_start3A_612 = arith.constant 512 : i32
    %dma_start3A_613 = tpu.memref_slice %arg5[%dma_start3A_612] : memref<10000xi32, #tpu.memory_space<vmem>> -> memref<128xi32, #tpu.memory_space<vmem>>
    %dma_start3A_614 = arith.constant 0 : i32
    %dma_start3A_615 = arith.constant 0 : i32
    %dma_start3A_616 = tpu.memref_slice %arg2[%dma_start3A_614, %dma_start3A_615] : memref<10000x32xf32, #tpu.memory_space<hbm>> -> memref<10000x32xf32, #tpu.memory_space<hbm>>
    tpu.enqueue_indirect_dma source(%dma_start3A_616 : memref<10000x32xf32, #tpu.memory_space<hbm>>) target(%arg23 : memref<128x32xf32, #tpu.memory_space<vmem>>) offsets(%dma_start3A_613 : memref<128xi32, #tpu.memory_space<vmem>>) semaphore(%arg54 : memref<!tpu.dma_semaphore, #tpu.memory_space<semaphore_mem>>)
    %add3A_617 = arith.constant 640 : i32
    %add3A_618 = arith.addi %mul3A_453, %add3A_617 : i32
    %multiple_of3A_619 = tpu.assume_multiple %add3A_618, 8 : i32
    %dma_start3A_620 = arith.constant 1 : i32
    %dma_start3A_621 = tpu.memref_slice %arg3[%dma_start3A_620, %multiple_of3A_619] : memref<2x320000xi32, #tpu.memory_space<hbm>> -> memref<1x128xi32, #tpu.memory_space<hbm>>
    %dma_start3A_622 = tpu.memref_squeeze %dma_start3A_621 : memref<1x128xi32, #tpu.memory_space<hbm>> -> memref<128xi32, #tpu.memory_space<hbm>>
    %dma_start3A_623 = tpu.memref_slice %arg3[%dma_start3A_620, %multiple_of3A_619] : memref<2x320000xi32, #tpu.memory_space<hbm>> -> memref<1x128xi32, #tpu.memory_space<hbm>>
    %dma_start3A_624 = tpu.memref_squeeze %dma_start3A_623 : memref<1x128xi32, #tpu.memory_space<hbm>> -> memref<128xi32, #tpu.memory_space<hbm>>
    tpu.enqueue_dma source(%dma_start3A_624 : memref<128xi32, #tpu.memory_space<hbm>>) target(%arg11 : memref<128xi32, #tpu.memory_space<vmem>>) target_semaphore(%arg42 : memref<!tpu.dma_semaphore, #tpu.memory_space<semaphore_mem>>)
    %dma_start3A_625 = arith.constant 640 : i32
    %dma_start3A_626 = tpu.memref_slice %arg5[%dma_start3A_625] : memref<10000xi32, #tpu.memory_space<vmem>> -> memref<128xi32, #tpu.memory_space<vmem>>
    %dma_start3A_627 = arith.constant 0 : i32
    %dma_start3A_628 = arith.constant 0 : i32
    %dma_start3A_629 = tpu.memref_slice %arg2[%dma_start3A_627, %dma_start3A_628] : memref<10000x32xf32, #tpu.memory_space<hbm>> -> memref<10000x32xf32, #tpu.memory_space<hbm>>
    tpu.enqueue_indirect_dma source(%dma_start3A_629 : memref<10000x32xf32, #tpu.memory_space<hbm>>) target(%arg24 : memref<128x32xf32, #tpu.memory_space<vmem>>) offsets(%dma_start3A_626 : memref<128xi32, #tpu.memory_space<vmem>>) semaphore(%arg55 : memref<!tpu.dma_semaphore, #tpu.memory_space<semaphore_mem>>)
    %add3A_630 = arith.constant 768 : i32
    %add3A_631 = arith.addi %mul3A_453, %add3A_630 : i32
    %multiple_of3A_632 = tpu.assume_multiple %add3A_631, 8 : i32
    %dma_start3A_633 = arith.constant 1 : i32
    %dma_start3A_634 = tpu.memref_slice %arg3[%dma_start3A_633, %multiple_of3A_632] : memref<2x320000xi32, #tpu.memory_space<hbm>> -> memref<1x128xi32, #tpu.memory_space<hbm>>
    %dma_start3A_635 = tpu.memref_squeeze %dma_start3A_634 : memref<1x128xi32, #tpu.memory_space<hbm>> -> memref<128xi32, #tpu.memory_space<hbm>>
    %dma_start3A_636 = tpu.memref_slice %arg3[%dma_start3A_633, %multiple_of3A_632] : memref<2x320000xi32, #tpu.memory_space<hbm>> -> memref<1x128xi32, #tpu.memory_space<hbm>>
    %dma_start3A_637 = tpu.memref_squeeze %dma_start3A_636 : memref<1x128xi32, #tpu.memory_space<hbm>> -> memref<128xi32, #tpu.memory_space<hbm>>
    tpu.enqueue_dma source(%dma_start3A_637 : memref<128xi32, #tpu.memory_space<hbm>>) target(%arg12 : memref<128xi32, #tpu.memory_space<vmem>>) target_semaphore(%arg43 : memref<!tpu.dma_semaphore, #tpu.memory_space<semaphore_mem>>)
    %dma_start3A_638 = arith.constant 768 : i32
    %dma_start3A_639 = tpu.memref_slice %arg5[%dma_start3A_638] : memref<10000xi32, #tpu.memory_space<vmem>> -> memref<128xi32, #tpu.memory_space<vmem>>
    %dma_start3A_640 = arith.constant 0 : i32
    %dma_start3A_641 = arith.constant 0 : i32
    %dma_start3A_642 = tpu.memref_slice %arg2[%dma_start3A_640, %dma_start3A_641] : memref<10000x32xf32, #tpu.memory_space<hbm>> -> memref<10000x32xf32, #tpu.memory_space<hbm>>
    tpu.enqueue_indirect_dma source(%dma_start3A_642 : memref<10000x32xf32, #tpu.memory_space<hbm>>) target(%arg25 : memref<128x32xf32, #tpu.memory_space<vmem>>) offsets(%dma_start3A_639 : memref<128xi32, #tpu.memory_space<vmem>>) semaphore(%arg56 : memref<!tpu.dma_semaphore, #tpu.memory_space<semaphore_mem>>)
    %add3A_643 = arith.constant 896 : i32
    %add3A_644 = arith.addi %mul3A_453, %add3A_643 : i32
    %multiple_of3A_645 = tpu.assume_multiple %add3A_644, 8 : i32
    %dma_start3A_646 = arith.constant 1 : i32
    %dma_start3A_647 = tpu.memref_slice %arg3[%dma_start3A_646, %multiple_of3A_645] : memref<2x320000xi32, #tpu.memory_space<hbm>> -> memref<1x128xi32, #tpu.memory_space<hbm>>
    %dma_start3A_648 = tpu.memref_squeeze %dma_start3A_647 : memref<1x128xi32, #tpu.memory_space<hbm>> -> memref<128xi32, #tpu.memory_space<hbm>>
    %dma_start3A_649 = tpu.memref_slice %arg3[%dma_start3A_646, %multiple_of3A_645] : memref<2x320000xi32, #tpu.memory_space<hbm>> -> memref<1x128xi32, #tpu.memory_space<hbm>>
    %dma_start3A_650 = tpu.memref_squeeze %dma_start3A_649 : memref<1x128xi32, #tpu.memory_space<hbm>> -> memref<128xi32, #tpu.memory_space<hbm>>
    tpu.enqueue_dma source(%dma_start3A_650 : memref<128xi32, #tpu.memory_space<hbm>>) target(%arg13 : memref<128xi32, #tpu.memory_space<vmem>>) target_semaphore(%arg44 : memref<!tpu.dma_semaphore, #tpu.memory_space<semaphore_mem>>)
    %dma_start3A_651 = arith.constant 896 : i32
    %dma_start3A_652 = tpu.memref_slice %arg5[%dma_start3A_651] : memref<10000xi32, #tpu.memory_space<vmem>> -> memref<128xi32, #tpu.memory_space<vmem>>
    %dma_start3A_653 = arith.constant 0 : i32
    %dma_start3A_654 = arith.constant 0 : i32
    %dma_start3A_655 = tpu.memref_slice %arg2[%dma_start3A_653, %dma_start3A_654] : memref<10000x32xf32, #tpu.memory_space<hbm>> -> memref<10000x32xf32, #tpu.memory_space<hbm>>
    tpu.enqueue_indirect_dma source(%dma_start3A_655 : memref<10000x32xf32, #tpu.memory_space<hbm>>) target(%arg26 : memref<128x32xf32, #tpu.memory_space<vmem>>) offsets(%dma_start3A_652 : memref<128xi32, #tpu.memory_space<vmem>>) semaphore(%arg57 : memref<!tpu.dma_semaphore, #tpu.memory_space<semaphore_mem>>)
    %add3A_656 = arith.constant 1024 : i32
    %add3A_657 = arith.addi %mul3A_453, %add3A_656 : i32
    %multiple_of3A_658 = tpu.assume_multiple %add3A_657, 8 : i32
    %dma_start3A_659 = arith.constant 1 : i32
    %dma_start3A_660 = tpu.memref_slice %arg3[%dma_start3A_659, %multiple_of3A_658] : memref<2x320000xi32, #tpu.memory_space<hbm>> -> memref<1x128xi32, #tpu.memory_space<hbm>>
    %dma_start3A_661 = tpu.memref_squeeze %dma_start3A_660 : memref<1x128xi32, #tpu.memory_space<hbm>> -> memref<128xi32, #tpu.memory_space<hbm>>
    %dma_start3A_662 = tpu.memref_slice %arg3[%dma_start3A_659, %multiple_of3A_658] : memref<2x320000xi32, #tpu.memory_space<hbm>> -> memref<1x128xi32, #tpu.memory_space<hbm>>
    %dma_start3A_663 = tpu.memref_squeeze %dma_start3A_662 : memref<1x128xi32, #tpu.memory_space<hbm>> -> memref<128xi32, #tpu.memory_space<hbm>>
    tpu.enqueue_dma source(%dma_start3A_663 : memref<128xi32, #tpu.memory_space<hbm>>) target(%arg14 : memref<128xi32, #tpu.memory_space<vmem>>) target_semaphore(%arg45 : memref<!tpu.dma_semaphore, #tpu.memory_space<semaphore_mem>>)
    %dma_start3A_664 = arith.constant 1024 : i32
    %dma_start3A_665 = tpu.memref_slice %arg5[%dma_start3A_664] : memref<10000xi32, #tpu.memory_space<vmem>> -> memref<128xi32, #tpu.memory_space<vmem>>
    %dma_start3A_666 = arith.constant 0 : i32
    %dma_start3A_667 = arith.constant 0 : i32
    %dma_start3A_668 = tpu.memref_slice %arg2[%dma_start3A_666, %dma_start3A_667] : memref<10000x32xf32, #tpu.memory_space<hbm>> -> memref<10000x32xf32, #tpu.memory_space<hbm>>
    tpu.enqueue_indirect_dma source(%dma_start3A_668 : memref<10000x32xf32, #tpu.memory_space<hbm>>) target(%arg27 : memref<128x32xf32, #tpu.memory_space<vmem>>) offsets(%dma_start3A_665 : memref<128xi32, #tpu.memory_space<vmem>>) semaphore(%arg58 : memref<!tpu.dma_semaphore, #tpu.memory_space<semaphore_mem>>)
    %add3A_669 = arith.constant 1152 : i32
    %add3A_670 = arith.addi %mul3A_453, %add3A_669 : i32
    %multiple_of3A_671 = tpu.assume_multiple %add3A_670, 8 : i32
    %dma_start3A_672 = arith.constant 1 : i32
    %dma_start3A_673 = tpu.memref_slice %arg3[%dma_start3A_672, %multiple_of3A_671] : memref<2x320000xi32, #tpu.memory_space<hbm>> -> memref<1x128xi32, #tpu.memory_space<hbm>>
    %dma_start3A_674 = tpu.memref_squeeze %dma_start3A_673 : memref<1x128xi32, #tpu.memory_space<hbm>> -> memref<128xi32, #tpu.memory_space<hbm>>
    %dma_start3A_675 = tpu.memref_slice %arg3[%dma_start3A_672, %multiple_of3A_671] : memref<2x320000xi32, #tpu.memory_space<hbm>> -> memref<1x128xi32, #tpu.memory_space<hbm>>
    %dma_start3A_676 = tpu.memref_squeeze %dma_start3A_675 : memref<1x128xi32, #tpu.memory_space<hbm>> -> memref<128xi32, #tpu.memory_space<hbm>>
    tpu.enqueue_dma source(%dma_start3A_676 : memref<128xi32, #tpu.memory_space<hbm>>) target(%arg15 : memref<128xi32, #tpu.memory_space<vmem>>) target_semaphore(%arg46 : memref<!tpu.dma_semaphore, #tpu.memory_space<semaphore_mem>>)
    %dma_start3A_677 = arith.constant 1152 : i32
    %dma_start3A_678 = tpu.memref_slice %arg5[%dma_start3A_677] : memref<10000xi32, #tpu.memory_space<vmem>> -> memref<128xi32, #tpu.memory_space<vmem>>
    %dma_start3A_679 = arith.constant 0 : i32
    %dma_start3A_680 = arith.constant 0 : i32
    %dma_start3A_681 = tpu.memref_slice %arg2[%dma_start3A_679, %dma_start3A_680] : memref<10000x32xf32, #tpu.memory_space<hbm>> -> memref<10000x32xf32, #tpu.memory_space<hbm>>
    tpu.enqueue_indirect_dma source(%dma_start3A_681 : memref<10000x32xf32, #tpu.memory_space<hbm>>) target(%arg28 : memref<128x32xf32, #tpu.memory_space<vmem>>) offsets(%dma_start3A_678 : memref<128xi32, #tpu.memory_space<vmem>>) semaphore(%arg59 : memref<!tpu.dma_semaphore, #tpu.memory_space<semaphore_mem>>)
    %add3A_682 = arith.constant 1280 : i32
    %add3A_683 = arith.addi %mul3A_453, %add3A_682 : i32
    %multiple_of3A_684 = tpu.assume_multiple %add3A_683, 8 : i32
    %dma_start3A_685 = arith.constant 1 : i32
    %dma_start3A_686 = tpu.memref_slice %arg3[%dma_start3A_685, %multiple_of3A_684] : memref<2x320000xi32, #tpu.memory_space<hbm>> -> memref<1x128xi32, #tpu.memory_space<hbm>>
    %dma_start3A_687 = tpu.memref_squeeze %dma_start3A_686 : memref<1x128xi32, #tpu.memory_space<hbm>> -> memref<128xi32, #tpu.memory_space<hbm>>
    %dma_start3A_688 = tpu.memref_slice %arg3[%dma_start3A_685, %multiple_of3A_684] : memref<2x320000xi32, #tpu.memory_space<hbm>> -> memref<1x128xi32, #tpu.memory_space<hbm>>
    %dma_start3A_689 = tpu.memref_squeeze %dma_start3A_688 : memref<1x128xi32, #tpu.memory_space<hbm>> -> memref<128xi32, #tpu.memory_space<hbm>>
    tpu.enqueue_dma source(%dma_start3A_689 : memref<128xi32, #tpu.memory_space<hbm>>) target(%arg16 : memref<128xi32, #tpu.memory_space<vmem>>) target_semaphore(%arg47 : memref<!tpu.dma_semaphore, #tpu.memory_space<semaphore_mem>>)
    %dma_start3A_690 = arith.constant 1280 : i32
    %dma_start3A_691 = tpu.memref_slice %arg5[%dma_start3A_690] : memref<10000xi32, #tpu.memory_space<vmem>> -> memref<128xi32, #tpu.memory_space<vmem>>
    %dma_start3A_692 = arith.constant 0 : i32
    %dma_start3A_693 = arith.constant 0 : i32
    %dma_start3A_694 = tpu.memref_slice %arg2[%dma_start3A_692, %dma_start3A_693] : memref<10000x32xf32, #tpu.memory_space<hbm>> -> memref<10000x32xf32, #tpu.memory_space<hbm>>
    tpu.enqueue_indirect_dma source(%dma_start3A_694 : memref<10000x32xf32, #tpu.memory_space<hbm>>) target(%arg29 : memref<128x32xf32, #tpu.memory_space<vmem>>) offsets(%dma_start3A_691 : memref<128xi32, #tpu.memory_space<vmem>>) semaphore(%arg60 : memref<!tpu.dma_semaphore, #tpu.memory_space<semaphore_mem>>)
    %add3A_695 = arith.constant 1408 : i32
    %add3A_696 = arith.addi %mul3A_453, %add3A_695 : i32
    %multiple_of3A_697 = tpu.assume_multiple %add3A_696, 8 : i32
    %dma_start3A_698 = arith.constant 1 : i32
    %dma_start3A_699 = tpu.memref_slice %arg3[%dma_start3A_698, %multiple_of3A_697] : memref<2x320000xi32, #tpu.memory_space<hbm>> -> memref<1x128xi32, #tpu.memory_space<hbm>>
    %dma_start3A_700 = tpu.memref_squeeze %dma_start3A_699 : memref<1x128xi32, #tpu.memory_space<hbm>> -> memref<128xi32, #tpu.memory_space<hbm>>
    %dma_start3A_701 = tpu.memref_slice %arg3[%dma_start3A_698, %multiple_of3A_697] : memref<2x320000xi32, #tpu.memory_space<hbm>> -> memref<1x128xi32, #tpu.memory_space<hbm>>
    %dma_start3A_702 = tpu.memref_squeeze %dma_start3A_701 : memref<1x128xi32, #tpu.memory_space<hbm>> -> memref<128xi32, #tpu.memory_space<hbm>>
    tpu.enqueue_dma source(%dma_start3A_702 : memref<128xi32, #tpu.memory_space<hbm>>) target(%arg17 : memref<128xi32, #tpu.memory_space<vmem>>) target_semaphore(%arg48 : memref<!tpu.dma_semaphore, #tpu.memory_space<semaphore_mem>>)
    %dma_start3A_703 = arith.constant 1408 : i32
    %dma_start3A_704 = tpu.memref_slice %arg5[%dma_start3A_703] : memref<10000xi32, #tpu.memory_space<vmem>> -> memref<128xi32, #tpu.memory_space<vmem>>
    %dma_start3A_705 = arith.constant 0 : i32
    %dma_start3A_706 = arith.constant 0 : i32
    %dma_start3A_707 = tpu.memref_slice %arg2[%dma_start3A_705, %dma_start3A_706] : memref<10000x32xf32, #tpu.memory_space<hbm>> -> memref<10000x32xf32, #tpu.memory_space<hbm>>
    tpu.enqueue_indirect_dma source(%dma_start3A_707 : memref<10000x32xf32, #tpu.memory_space<hbm>>) target(%arg30 : memref<128x32xf32, #tpu.memory_space<vmem>>) offsets(%dma_start3A_704 : memref<128xi32, #tpu.memory_space<vmem>>) semaphore(%arg61 : memref<!tpu.dma_semaphore, #tpu.memory_space<semaphore_mem>>)
    %add3A_708 = arith.constant 1536 : i32
    %add3A_709 = arith.addi %mul3A_453, %add3A_708 : i32
    %multiple_of3A_710 = tpu.assume_multiple %add3A_709, 8 : i32
    %dma_start3A_711 = arith.constant 1 : i32
    %dma_start3A_712 = tpu.memref_slice %arg3[%dma_start3A_711, %multiple_of3A_710] : memref<2x320000xi32, #tpu.memory_space<hbm>> -> memref<1x128xi32, #tpu.memory_space<hbm>>
    %dma_start3A_713 = tpu.memref_squeeze %dma_start3A_712 : memref<1x128xi32, #tpu.memory_space<hbm>> -> memref<128xi32, #tpu.memory_space<hbm>>
    %dma_start3A_714 = tpu.memref_slice %arg3[%dma_start3A_711, %multiple_of3A_710] : memref<2x320000xi32, #tpu.memory_space<hbm>> -> memref<1x128xi32, #tpu.memory_space<hbm>>
    %dma_start3A_715 = tpu.memref_squeeze %dma_start3A_714 : memref<1x128xi32, #tpu.memory_space<hbm>> -> memref<128xi32, #tpu.memory_space<hbm>>
    tpu.enqueue_dma source(%dma_start3A_715 : memref<128xi32, #tpu.memory_space<hbm>>) target(%arg18 : memref<128xi32, #tpu.memory_space<vmem>>) target_semaphore(%arg49 : memref<!tpu.dma_semaphore, #tpu.memory_space<semaphore_mem>>)
    %dma_start3A_716 = arith.constant 1536 : i32
    %dma_start3A_717 = tpu.memref_slice %arg5[%dma_start3A_716] : memref<10000xi32, #tpu.memory_space<vmem>> -> memref<128xi32, #tpu.memory_space<vmem>>
    %dma_start3A_718 = arith.constant 0 : i32
    %dma_start3A_719 = arith.constant 0 : i32
    %dma_start3A_720 = tpu.memref_slice %arg2[%dma_start3A_718, %dma_start3A_719] : memref<10000x32xf32, #tpu.memory_space<hbm>> -> memref<10000x32xf32, #tpu.memory_space<hbm>>
    tpu.enqueue_indirect_dma source(%dma_start3A_720 : memref<10000x32xf32, #tpu.memory_space<hbm>>) target(%arg31 : memref<128x32xf32, #tpu.memory_space<vmem>>) offsets(%dma_start3A_717 : memref<128xi32, #tpu.memory_space<vmem>>) semaphore(%arg62 : memref<!tpu.dma_semaphore, #tpu.memory_space<semaphore_mem>>)
    %barrier3A = arith.constant 0 : index
    tpu.barrier barrier_id(%barrier3A)
    %scan3A = arith.constant 0 : i32
    %scan3A_721 = arith.constant 0 : i32
    %scan3A_722 = arith.constant 6 : i32
    %scan3A_723 = arith.addi %scan3A_721, %scan3A_722 : i32
    %scan3A_724 = arith.constant 1 : i32
    scf.for %scan3A_738 = %scan3A_721 to %scan3A_723 step %scan3A_724  : i32 {
      %mul3A_739 = arith.constant 13 : i32
      %mul3A_740 = arith.muli %scan3A_738, %mul3A_739 : i32
      %add3A_741 = arith.constant 0 : i32
      %add3A_742 = arith.addi %mul3A_740, %add3A_741 : i32
      %dma_wait3A_743 = arith.constant 1 : i32
      %dma_wait3A_744 = arith.constant 0 : i32
      %dma_wait3A_745 = tpu.memref_slice %arg3[%dma_wait3A_743, %dma_wait3A_744] : memref<2x320000xi32, #tpu.memory_space<hbm>> -> memref<1x128xi32, #tpu.memory_space<hbm>>
      %dma_wait3A_746 = tpu.memref_squeeze %dma_wait3A_745 : memref<1x128xi32, #tpu.memory_space<hbm>> -> memref<128xi32, #tpu.memory_space<hbm>>
      %dma_wait3A_747 = arith.constant 0 : i32
      %dma_wait3A_748 = tpu.memref_slice %arg3[%dma_wait3A_743, %dma_wait3A_747] : memref<2x320000xi32, #tpu.memory_space<hbm>> -> memref<1x128xi32, #tpu.memory_space<hbm>>
      %dma_wait3A_749 = tpu.memref_squeeze %dma_wait3A_748 : memref<1x128xi32, #tpu.memory_space<hbm>> -> memref<128xi32, #tpu.memory_space<hbm>>
      tpu.wait_dma2 semaphore(%arg37 : memref<!tpu.dma_semaphore, #tpu.memory_space<semaphore_mem>>) src(%dma_wait3A_749 : memref<128xi32, #tpu.memory_space<hbm>>) dst(%arg6 : memref<128xi32, #tpu.memory_space<vmem>>)
      %dma_wait3A_750 = arith.constant 0 : i32
      %dma_wait3A_751 = tpu.memref_slice %arg5[%dma_wait3A_750] : memref<10000xi32, #tpu.memory_space<vmem>> -> memref<128xi32, #tpu.memory_space<vmem>>
      %dma_wait3A_752 = arith.constant 0 : i32
      %dma_wait3A_753 = arith.constant 0 : i32
      %dma_wait3A_754 = tpu.memref_slice %arg2[%dma_wait3A_752, %dma_wait3A_753] : memref<10000x32xf32, #tpu.memory_space<hbm>> -> memref<10000x32xf32, #tpu.memory_space<hbm>>
      tpu.wait_indirect_dma semaphore(%arg50 : memref<!tpu.dma_semaphore, #tpu.memory_space<semaphore_mem>>) src(%dma_wait3A_754 : memref<10000x32xf32, #tpu.memory_space<hbm>>) dst(%arg19 : memref<128x32xf32, #tpu.memory_space<vmem>>)
      "tpu.region"() ({
        %run_scoped3A_1035 = tpu.sem_alloc : memref<!tpu.dma_semaphore, #tpu.memory_space<semaphore_mem>>
        %dma_start3A_1036 = arith.constant 0 : i32
        %dma_start3A_1037 = arith.constant 0 : i32
        %dma_start3A_1038 = tpu.memref_slice %arg36[%dma_start3A_1036, %dma_start3A_1037] : memref<10000x32xf32, #tpu.memory_space<vmem_shared>> -> memref<10000x32xf32, #tpu.memory_space<vmem_shared>>
        tpu.enqueue_indirect_dma source(%arg19 : memref<128x32xf32, #tpu.memory_space<vmem>>) target(%dma_start3A_1038 : memref<10000x32xf32, #tpu.memory_space<vmem_shared>>) offsets(%arg6 : memref<128xi32, #tpu.memory_space<vmem>>) semaphore(%run_scoped3A_1035 : memref<!tpu.dma_semaphore, #tpu.memory_space<semaphore_mem>>) {add = true}
        %dma_wait3A_1039 = arith.constant 0 : i32
        %dma_wait3A_1040 = arith.constant 0 : i32
        %dma_wait3A_1041 = tpu.memref_slice %arg36[%dma_wait3A_1039, %dma_wait3A_1040] : memref<10000x32xf32, #tpu.memory_space<vmem_shared>> -> memref<10000x32xf32, #tpu.memory_space<vmem_shared>>
        tpu.wait_indirect_dma semaphore(%run_scoped3A_1035 : memref<!tpu.dma_semaphore, #tpu.memory_space<semaphore_mem>>) src(%arg19 : memref<128x32xf32, #tpu.memory_space<vmem>>) dst(%dma_wait3A_1041 : memref<10000x32xf32, #tpu.memory_space<vmem_shared>>)
        tpu.yield
      }) : () -> ()
      %add3A_755 = arith.constant 13 : i32
      %add3A_756 = arith.addi %add3A_742, %add3A_755 : i32
      %lt3A = arith.constant 78 : i32
      %lt3A_757 = arith.cmpi slt, %add3A_756, %lt3A : i32
      %convert_element_type3A = arith.extui %lt3A_757 : i1 to i32
      %cond3A = arith.constant 0 : i32
      %cond3A_758 = arith.cmpi ne, %convert_element_type3A, %cond3A : i32
      scf.if %cond3A_758 {
        %mul3A_1035 = arith.constant 128 : i32
        %mul3A_1036 = arith.muli %add3A_756, %mul3A_1035 : i32
        %add3A_1037 = arith.addi %mul3A_453, %mul3A_1036 : i32
        %multiple_of3A_1038 = tpu.assume_multiple %add3A_1037, 8 : i32
        %dma_start3A_1039 = arith.constant 1 : i32
        %dma_start3A_1040 = tpu.memref_slice %arg3[%dma_start3A_1039, %multiple_of3A_1038] : memref<2x320000xi32, #tpu.memory_space<hbm>> -> memref<1x128xi32, #tpu.memory_space<hbm>>
        %dma_start3A_1041 = tpu.memref_squeeze %dma_start3A_1040 : memref<1x128xi32, #tpu.memory_space<hbm>> -> memref<128xi32, #tpu.memory_space<hbm>>
        %dma_start3A_1042 = tpu.memref_slice %arg3[%dma_start3A_1039, %multiple_of3A_1038] : memref<2x320000xi32, #tpu.memory_space<hbm>> -> memref<1x128xi32, #tpu.memory_space<hbm>>
        %dma_start3A_1043 = tpu.memref_squeeze %dma_start3A_1042 : memref<1x128xi32, #tpu.memory_space<hbm>> -> memref<128xi32, #tpu.memory_space<hbm>>
        tpu.enqueue_dma source(%dma_start3A_1043 : memref<128xi32, #tpu.memory_space<hbm>>) target(%arg6 : memref<128xi32, #tpu.memory_space<vmem>>) target_semaphore(%arg37 : memref<!tpu.dma_semaphore, #tpu.memory_space<semaphore_mem>>)
        %mul3A_1044 = arith.constant 128 : i32
        %mul3A_1045 = arith.muli %add3A_756, %mul3A_1044 : i32
        %dma_start3A_1046 = tpu.memref_slice %arg5[%mul3A_1045] : memref<10000xi32, #tpu.memory_space<vmem>> -> memref<128xi32, #tpu.memory_space<vmem>>
        %dma_start3A_1047 = arith.constant 0 : i32
        %dma_start3A_1048 = arith.constant 0 : i32
        %dma_start3A_1049 = tpu.memref_slice %arg2[%dma_start3A_1047, %dma_start3A_1048] : memref<10000x32xf32, #tpu.memory_space<hbm>> -> memref<10000x32xf32, #tpu.memory_space<hbm>>
        tpu.enqueue_indirect_dma source(%dma_start3A_1049 : memref<10000x32xf32, #tpu.memory_space<hbm>>) target(%arg19 : memref<128x32xf32, #tpu.memory_space<vmem>>) offsets(%dma_start3A_1046 : memref<128xi32, #tpu.memory_space<vmem>>) semaphore(%arg50 : memref<!tpu.dma_semaphore, #tpu.memory_space<semaphore_mem>>)
      } else {
      }
      %mul3A_759 = arith.constant 13 : i32
      %mul3A_760 = arith.muli %scan3A_738, %mul3A_759 : i32
      %add3A_761 = arith.constant 1 : i32
      %add3A_762 = arith.addi %mul3A_760, %add3A_761 : i32
      %dma_wait3A_763 = arith.constant 1 : i32
      %dma_wait3A_764 = arith.constant 0 : i32
      %dma_wait3A_765 = tpu.memref_slice %arg3[%dma_wait3A_763, %dma_wait3A_764] : memref<2x320000xi32, #tpu.memory_space<hbm>> -> memref<1x128xi32, #tpu.memory_space<hbm>>
      %dma_wait3A_766 = tpu.memref_squeeze %dma_wait3A_765 : memref<1x128xi32, #tpu.memory_space<hbm>> -> memref<128xi32, #tpu.memory_space<hbm>>
      %dma_wait3A_767 = arith.constant 0 : i32
      %dma_wait3A_768 = tpu.memref_slice %arg3[%dma_wait3A_763, %dma_wait3A_767] : memref<2x320000xi32, #tpu.memory_space<hbm>> -> memref<1x128xi32, #tpu.memory_space<hbm>>
      %dma_wait3A_769 = tpu.memref_squeeze %dma_wait3A_768 : memref<1x128xi32, #tpu.memory_space<hbm>> -> memref<128xi32, #tpu.memory_space<hbm>>
      tpu.wait_dma2 semaphore(%arg38 : memref<!tpu.dma_semaphore, #tpu.memory_space<semaphore_mem>>) src(%dma_wait3A_769 : memref<128xi32, #tpu.memory_space<hbm>>) dst(%arg7 : memref<128xi32, #tpu.memory_space<vmem>>)
      %dma_wait3A_770 = arith.constant 0 : i32
      %dma_wait3A_771 = tpu.memref_slice %arg5[%dma_wait3A_770] : memref<10000xi32, #tpu.memory_space<vmem>> -> memref<128xi32, #tpu.memory_space<vmem>>
      %dma_wait3A_772 = arith.constant 0 : i32
      %dma_wait3A_773 = arith.constant 0 : i32
      %dma_wait3A_774 = tpu.memref_slice %arg2[%dma_wait3A_772, %dma_wait3A_773] : memref<10000x32xf32, #tpu.memory_space<hbm>> -> memref<10000x32xf32, #tpu.memory_space<hbm>>
      tpu.wait_indirect_dma semaphore(%arg51 : memref<!tpu.dma_semaphore, #tpu.memory_space<semaphore_mem>>) src(%dma_wait3A_774 : memref<10000x32xf32, #tpu.memory_space<hbm>>) dst(%arg20 : memref<128x32xf32, #tpu.memory_space<vmem>>)
      "tpu.region"() ({
        %run_scoped3A_1035 = tpu.sem_alloc : memref<!tpu.dma_semaphore, #tpu.memory_space<semaphore_mem>>
        %dma_start3A_1036 = arith.constant 0 : i32
        %dma_start3A_1037 = arith.constant 0 : i32
        %dma_start3A_1038 = tpu.memref_slice %arg36[%dma_start3A_1036, %dma_start3A_1037] : memref<10000x32xf32, #tpu.memory_space<vmem_shared>> -> memref<10000x32xf32, #tpu.memory_space<vmem_shared>>
        tpu.enqueue_indirect_dma source(%arg20 : memref<128x32xf32, #tpu.memory_space<vmem>>) target(%dma_start3A_1038 : memref<10000x32xf32, #tpu.memory_space<vmem_shared>>) offsets(%arg7 : memref<128xi32, #tpu.memory_space<vmem>>) semaphore(%run_scoped3A_1035 : memref<!tpu.dma_semaphore, #tpu.memory_space<semaphore_mem>>) {add = true}
        %dma_wait3A_1039 = arith.constant 0 : i32
        %dma_wait3A_1040 = arith.constant 0 : i32
        %dma_wait3A_1041 = tpu.memref_slice %arg36[%dma_wait3A_1039, %dma_wait3A_1040] : memref<10000x32xf32, #tpu.memory_space<vmem_shared>> -> memref<10000x32xf32, #tpu.memory_space<vmem_shared>>
        tpu.wait_indirect_dma semaphore(%run_scoped3A_1035 : memref<!tpu.dma_semaphore, #tpu.memory_space<semaphore_mem>>) src(%arg20 : memref<128x32xf32, #tpu.memory_space<vmem>>) dst(%dma_wait3A_1041 : memref<10000x32xf32, #tpu.memory_space<vmem_shared>>)
        tpu.yield
      }) : () -> ()
      %add3A_775 = arith.constant 13 : i32
      %add3A_776 = arith.addi %add3A_762, %add3A_775 : i32
      %lt3A_777 = arith.constant 78 : i32
      %lt3A_778 = arith.cmpi slt, %add3A_776, %lt3A_777 : i32
      %convert_element_type3A_779 = arith.extui %lt3A_778 : i1 to i32
      %cond3A_780 = arith.constant 0 : i32
      %cond3A_781 = arith.cmpi ne, %convert_element_type3A_779, %cond3A_780 : i32
      scf.if %cond3A_781 {
        %mul3A_1035 = arith.constant 128 : i32
        %mul3A_1036 = arith.muli %add3A_776, %mul3A_1035 : i32
        %add3A_1037 = arith.addi %mul3A_453, %mul3A_1036 : i32
        %multiple_of3A_1038 = tpu.assume_multiple %add3A_1037, 8 : i32
        %dma_start3A_1039 = arith.constant 1 : i32
        %dma_start3A_1040 = tpu.memref_slice %arg3[%dma_start3A_1039, %multiple_of3A_1038] : memref<2x320000xi32, #tpu.memory_space<hbm>> -> memref<1x128xi32, #tpu.memory_space<hbm>>
        %dma_start3A_1041 = tpu.memref_squeeze %dma_start3A_1040 : memref<1x128xi32, #tpu.memory_space<hbm>> -> memref<128xi32, #tpu.memory_space<hbm>>
        %dma_start3A_1042 = tpu.memref_slice %arg3[%dma_start3A_1039, %multiple_of3A_1038] : memref<2x320000xi32, #tpu.memory_space<hbm>> -> memref<1x128xi32, #tpu.memory_space<hbm>>
        %dma_start3A_1043 = tpu.memref_squeeze %dma_start3A_1042 : memref<1x128xi32, #tpu.memory_space<hbm>> -> memref<128xi32, #tpu.memory_space<hbm>>
        tpu.enqueue_dma source(%dma_start3A_1043 : memref<128xi32, #tpu.memory_space<hbm>>) target(%arg7 : memref<128xi32, #tpu.memory_space<vmem>>) target_semaphore(%arg38 : memref<!tpu.dma_semaphore, #tpu.memory_space<semaphore_mem>>)
        %mul3A_1044 = arith.constant 128 : i32
        %mul3A_1045 = arith.muli %add3A_776, %mul3A_1044 : i32
        %dma_start3A_1046 = tpu.memref_slice %arg5[%mul3A_1045] : memref<10000xi32, #tpu.memory_space<vmem>> -> memref<128xi32, #tpu.memory_space<vmem>>
        %dma_start3A_1047 = arith.constant 0 : i32
        %dma_start3A_1048 = arith.constant 0 : i32
        %dma_start3A_1049 = tpu.memref_slice %arg2[%dma_start3A_1047, %dma_start3A_1048] : memref<10000x32xf32, #tpu.memory_space<hbm>> -> memref<10000x32xf32, #tpu.memory_space<hbm>>
        tpu.enqueue_indirect_dma source(%dma_start3A_1049 : memref<10000x32xf32, #tpu.memory_space<hbm>>) target(%arg20 : memref<128x32xf32, #tpu.memory_space<vmem>>) offsets(%dma_start3A_1046 : memref<128xi32, #tpu.memory_space<vmem>>) semaphore(%arg51 : memref<!tpu.dma_semaphore, #tpu.memory_space<semaphore_mem>>)
      } else {
      }
      %mul3A_782 = arith.constant 13 : i32
      %mul3A_783 = arith.muli %scan3A_738, %mul3A_782 : i32
      %add3A_784 = arith.constant 2 : i32
      %add3A_785 = arith.addi %mul3A_783, %add3A_784 : i32
      %dma_wait3A_786 = arith.constant 1 : i32
      %dma_wait3A_787 = arith.constant 0 : i32
      %dma_wait3A_788 = tpu.memref_slice %arg3[%dma_wait3A_786, %dma_wait3A_787] : memref<2x320000xi32, #tpu.memory_space<hbm>> -> memref<1x128xi32, #tpu.memory_space<hbm>>
      %dma_wait3A_789 = tpu.memref_squeeze %dma_wait3A_788 : memref<1x128xi32, #tpu.memory_space<hbm>> -> memref<128xi32, #tpu.memory_space<hbm>>
      %dma_wait3A_790 = arith.constant 0 : i32
      %dma_wait3A_791 = tpu.memref_slice %arg3[%dma_wait3A_786, %dma_wait3A_790] : memref<2x320000xi32, #tpu.memory_space<hbm>> -> memref<1x128xi32, #tpu.memory_space<hbm>>
      %dma_wait3A_792 = tpu.memref_squeeze %dma_wait3A_791 : memref<1x128xi32, #tpu.memory_space<hbm>> -> memref<128xi32, #tpu.memory_space<hbm>>
      tpu.wait_dma2 semaphore(%arg39 : memref<!tpu.dma_semaphore, #tpu.memory_space<semaphore_mem>>) src(%dma_wait3A_792 : memref<128xi32, #tpu.memory_space<hbm>>) dst(%arg8 : memref<128xi32, #tpu.memory_space<vmem>>)
      %dma_wait3A_793 = arith.constant 0 : i32
      %dma_wait3A_794 = tpu.memref_slice %arg5[%dma_wait3A_793] : memref<10000xi32, #tpu.memory_space<vmem>> -> memref<128xi32, #tpu.memory_space<vmem>>
      %dma_wait3A_795 = arith.constant 0 : i32
      %dma_wait3A_796 = arith.constant 0 : i32
      %dma_wait3A_797 = tpu.memref_slice %arg2[%dma_wait3A_795, %dma_wait3A_796] : memref<10000x32xf32, #tpu.memory_space<hbm>> -> memref<10000x32xf32, #tpu.memory_space<hbm>>
      tpu.wait_indirect_dma semaphore(%arg52 : memref<!tpu.dma_semaphore, #tpu.memory_space<semaphore_mem>>) src(%dma_wait3A_797 : memref<10000x32xf32, #tpu.memory_space<hbm>>) dst(%arg21 : memref<128x32xf32, #tpu.memory_space<vmem>>)
      "tpu.region"() ({
        %run_scoped3A_1035 = tpu.sem_alloc : memref<!tpu.dma_semaphore, #tpu.memory_space<semaphore_mem>>
        %dma_start3A_1036 = arith.constant 0 : i32
        %dma_start3A_1037 = arith.constant 0 : i32
        %dma_start3A_1038 = tpu.memref_slice %arg36[%dma_start3A_1036, %dma_start3A_1037] : memref<10000x32xf32, #tpu.memory_space<vmem_shared>> -> memref<10000x32xf32, #tpu.memory_space<vmem_shared>>
        tpu.enqueue_indirect_dma source(%arg21 : memref<128x32xf32, #tpu.memory_space<vmem>>) target(%dma_start3A_1038 : memref<10000x32xf32, #tpu.memory_space<vmem_shared>>) offsets(%arg8 : memref<128xi32, #tpu.memory_space<vmem>>) semaphore(%run_scoped3A_1035 : memref<!tpu.dma_semaphore, #tpu.memory_space<semaphore_mem>>) {add = true}
        %dma_wait3A_1039 = arith.constant 0 : i32
        %dma_wait3A_1040 = arith.constant 0 : i32
        %dma_wait3A_1041 = tpu.memref_slice %arg36[%dma_wait3A_1039, %dma_wait3A_1040] : memref<10000x32xf32, #tpu.memory_space<vmem_shared>> -> memref<10000x32xf32, #tpu.memory_space<vmem_shared>>
        tpu.wait_indirect_dma semaphore(%run_scoped3A_1035 : memref<!tpu.dma_semaphore, #tpu.memory_space<semaphore_mem>>) src(%arg21 : memref<128x32xf32, #tpu.memory_space<vmem>>) dst(%dma_wait3A_1041 : memref<10000x32xf32, #tpu.memory_space<vmem_shared>>)
        tpu.yield
      }) : () -> ()
      %add3A_798 = arith.constant 13 : i32
      %add3A_799 = arith.addi %add3A_785, %add3A_798 : i32
      %lt3A_800 = arith.constant 78 : i32
      %lt3A_801 = arith.cmpi slt, %add3A_799, %lt3A_800 : i32
      %convert_element_type3A_802 = arith.extui %lt3A_801 : i1 to i32
      %cond3A_803 = arith.constant 0 : i32
      %cond3A_804 = arith.cmpi ne, %convert_element_type3A_802, %cond3A_803 : i32
      scf.if %cond3A_804 {
        %mul3A_1035 = arith.constant 128 : i32
        %mul3A_1036 = arith.muli %add3A_799, %mul3A_1035 : i32
        %add3A_1037 = arith.addi %mul3A_453, %mul3A_1036 : i32
        %multiple_of3A_1038 = tpu.assume_multiple %add3A_1037, 8 : i32
        %dma_start3A_1039 = arith.constant 1 : i32
        %dma_start3A_1040 = tpu.memref_slice %arg3[%dma_start3A_1039, %multiple_of3A_1038] : memref<2x320000xi32, #tpu.memory_space<hbm>> -> memref<1x128xi32, #tpu.memory_space<hbm>>
        %dma_start3A_1041 = tpu.memref_squeeze %dma_start3A_1040 : memref<1x128xi32, #tpu.memory_space<hbm>> -> memref<128xi32, #tpu.memory_space<hbm>>
        %dma_start3A_1042 = tpu.memref_slice %arg3[%dma_start3A_1039, %multiple_of3A_1038] : memref<2x320000xi32, #tpu.memory_space<hbm>> -> memref<1x128xi32, #tpu.memory_space<hbm>>
        %dma_start3A_1043 = tpu.memref_squeeze %dma_start3A_1042 : memref<1x128xi32, #tpu.memory_space<hbm>> -> memref<128xi32, #tpu.memory_space<hbm>>
        tpu.enqueue_dma source(%dma_start3A_1043 : memref<128xi32, #tpu.memory_space<hbm>>) target(%arg8 : memref<128xi32, #tpu.memory_space<vmem>>) target_semaphore(%arg39 : memref<!tpu.dma_semaphore, #tpu.memory_space<semaphore_mem>>)
        %mul3A_1044 = arith.constant 128 : i32
        %mul3A_1045 = arith.muli %add3A_799, %mul3A_1044 : i32
        %dma_start3A_1046 = tpu.memref_slice %arg5[%mul3A_1045] : memref<10000xi32, #tpu.memory_space<vmem>> -> memref<128xi32, #tpu.memory_space<vmem>>
        %dma_start3A_1047 = arith.constant 0 : i32
        %dma_start3A_1048 = arith.constant 0 : i32
        %dma_start3A_1049 = tpu.memref_slice %arg2[%dma_start3A_1047, %dma_start3A_1048] : memref<10000x32xf32, #tpu.memory_space<hbm>> -> memref<10000x32xf32, #tpu.memory_space<hbm>>
        tpu.enqueue_indirect_dma source(%dma_start3A_1049 : memref<10000x32xf32, #tpu.memory_space<hbm>>) target(%arg21 : memref<128x32xf32, #tpu.memory_space<vmem>>) offsets(%dma_start3A_1046 : memref<128xi32, #tpu.memory_space<vmem>>) semaphore(%arg52 : memref<!tpu.dma_semaphore, #tpu.memory_space<semaphore_mem>>)
      } else {
      }
      %mul3A_805 = arith.constant 13 : i32
      %mul3A_806 = arith.muli %scan3A_738, %mul3A_805 : i32
      %add3A_807 = arith.constant 3 : i32
      %add3A_808 = arith.addi %mul3A_806, %add3A_807 : i32
      %dma_wait3A_809 = arith.constant 1 : i32
      %dma_wait3A_810 = arith.constant 0 : i32
      %dma_wait3A_811 = tpu.memref_slice %arg3[%dma_wait3A_809, %dma_wait3A_810] : memref<2x320000xi32, #tpu.memory_space<hbm>> -> memref<1x128xi32, #tpu.memory_space<hbm>>
      %dma_wait3A_812 = tpu.memref_squeeze %dma_wait3A_811 : memref<1x128xi32, #tpu.memory_space<hbm>> -> memref<128xi32, #tpu.memory_space<hbm>>
      %dma_wait3A_813 = arith.constant 0 : i32
      %dma_wait3A_814 = tpu.memref_slice %arg3[%dma_wait3A_809, %dma_wait3A_813] : memref<2x320000xi32, #tpu.memory_space<hbm>> -> memref<1x128xi32, #tpu.memory_space<hbm>>
      %dma_wait3A_815 = tpu.memref_squeeze %dma_wait3A_814 : memref<1x128xi32, #tpu.memory_space<hbm>> -> memref<128xi32, #tpu.memory_space<hbm>>
      tpu.wait_dma2 semaphore(%arg40 : memref<!tpu.dma_semaphore, #tpu.memory_space<semaphore_mem>>) src(%dma_wait3A_815 : memref<128xi32, #tpu.memory_space<hbm>>) dst(%arg9 : memref<128xi32, #tpu.memory_space<vmem>>)
      %dma_wait3A_816 = arith.constant 0 : i32
      %dma_wait3A_817 = tpu.memref_slice %arg5[%dma_wait3A_816] : memref<10000xi32, #tpu.memory_space<vmem>> -> memref<128xi32, #tpu.memory_space<vmem>>
      %dma_wait3A_818 = arith.constant 0 : i32
      %dma_wait3A_819 = arith.constant 0 : i32
      %dma_wait3A_820 = tpu.memref_slice %arg2[%dma_wait3A_818, %dma_wait3A_819] : memref<10000x32xf32, #tpu.memory_space<hbm>> -> memref<10000x32xf32, #tpu.memory_space<hbm>>
      tpu.wait_indirect_dma semaphore(%arg53 : memref<!tpu.dma_semaphore, #tpu.memory_space<semaphore_mem>>) src(%dma_wait3A_820 : memref<10000x32xf32, #tpu.memory_space<hbm>>) dst(%arg22 : memref<128x32xf32, #tpu.memory_space<vmem>>)
      "tpu.region"() ({
        %run_scoped3A_1035 = tpu.sem_alloc : memref<!tpu.dma_semaphore, #tpu.memory_space<semaphore_mem>>
        %dma_start3A_1036 = arith.constant 0 : i32
        %dma_start3A_1037 = arith.constant 0 : i32
        %dma_start3A_1038 = tpu.memref_slice %arg36[%dma_start3A_1036, %dma_start3A_1037] : memref<10000x32xf32, #tpu.memory_space<vmem_shared>> -> memref<10000x32xf32, #tpu.memory_space<vmem_shared>>
        tpu.enqueue_indirect_dma source(%arg22 : memref<128x32xf32, #tpu.memory_space<vmem>>) target(%dma_start3A_1038 : memref<10000x32xf32, #tpu.memory_space<vmem_shared>>) offsets(%arg9 : memref<128xi32, #tpu.memory_space<vmem>>) semaphore(%run_scoped3A_1035 : memref<!tpu.dma_semaphore, #tpu.memory_space<semaphore_mem>>) {add = true}
        %dma_wait3A_1039 = arith.constant 0 : i32
        %dma_wait3A_1040 = arith.constant 0 : i32
        %dma_wait3A_1041 = tpu.memref_slice %arg36[%dma_wait3A_1039, %dma_wait3A_1040] : memref<10000x32xf32, #tpu.memory_space<vmem_shared>> -> memref<10000x32xf32, #tpu.memory_space<vmem_shared>>
        tpu.wait_indirect_dma semaphore(%run_scoped3A_1035 : memref<!tpu.dma_semaphore, #tpu.memory_space<semaphore_mem>>) src(%arg22 : memref<128x32xf32, #tpu.memory_space<vmem>>) dst(%dma_wait3A_1041 : memref<10000x32xf32, #tpu.memory_space<vmem_shared>>)
        tpu.yield
      }) : () -> ()
      %add3A_821 = arith.constant 13 : i32
      %add3A_822 = arith.addi %add3A_808, %add3A_821 : i32
      %lt3A_823 = arith.constant 78 : i32
      %lt3A_824 = arith.cmpi slt, %add3A_822, %lt3A_823 : i32
      %convert_element_type3A_825 = arith.extui %lt3A_824 : i1 to i32
      %cond3A_826 = arith.constant 0 : i32
      %cond3A_827 = arith.cmpi ne, %convert_element_type3A_825, %cond3A_826 : i32
      scf.if %cond3A_827 {
        %mul3A_1035 = arith.constant 128 : i32
        %mul3A_1036 = arith.muli %add3A_822, %mul3A_1035 : i32
        %add3A_1037 = arith.addi %mul3A_453, %mul3A_1036 : i32
        %multiple_of3A_1038 = tpu.assume_multiple %add3A_1037, 8 : i32
        %dma_start3A_1039 = arith.constant 1 : i32
        %dma_start3A_1040 = tpu.memref_slice %arg3[%dma_start3A_1039, %multiple_of3A_1038] : memref<2x320000xi32, #tpu.memory_space<hbm>> -> memref<1x128xi32, #tpu.memory_space<hbm>>
        %dma_start3A_1041 = tpu.memref_squeeze %dma_start3A_1040 : memref<1x128xi32, #tpu.memory_space<hbm>> -> memref<128xi32, #tpu.memory_space<hbm>>
        %dma_start3A_1042 = tpu.memref_slice %arg3[%dma_start3A_1039, %multiple_of3A_1038] : memref<2x320000xi32, #tpu.memory_space<hbm>> -> memref<1x128xi32, #tpu.memory_space<hbm>>
        %dma_start3A_1043 = tpu.memref_squeeze %dma_start3A_1042 : memref<1x128xi32, #tpu.memory_space<hbm>> -> memref<128xi32, #tpu.memory_space<hbm>>
        tpu.enqueue_dma source(%dma_start3A_1043 : memref<128xi32, #tpu.memory_space<hbm>>) target(%arg9 : memref<128xi32, #tpu.memory_space<vmem>>) target_semaphore(%arg40 : memref<!tpu.dma_semaphore, #tpu.memory_space<semaphore_mem>>)
        %mul3A_1044 = arith.constant 128 : i32
        %mul3A_1045 = arith.muli %add3A_822, %mul3A_1044 : i32
        %dma_start3A_1046 = tpu.memref_slice %arg5[%mul3A_1045] : memref<10000xi32, #tpu.memory_space<vmem>> -> memref<128xi32, #tpu.memory_space<vmem>>
        %dma_start3A_1047 = arith.constant 0 : i32
        %dma_start3A_1048 = arith.constant 0 : i32
        %dma_start3A_1049 = tpu.memref_slice %arg2[%dma_start3A_1047, %dma_start3A_1048] : memref<10000x32xf32, #tpu.memory_space<hbm>> -> memref<10000x32xf32, #tpu.memory_space<hbm>>
        tpu.enqueue_indirect_dma source(%dma_start3A_1049 : memref<10000x32xf32, #tpu.memory_space<hbm>>) target(%arg22 : memref<128x32xf32, #tpu.memory_space<vmem>>) offsets(%dma_start3A_1046 : memref<128xi32, #tpu.memory_space<vmem>>) semaphore(%arg53 : memref<!tpu.dma_semaphore, #tpu.memory_space<semaphore_mem>>)
      } else {
      }
      %mul3A_828 = arith.constant 13 : i32
      %mul3A_829 = arith.muli %scan3A_738, %mul3A_828 : i32
      %add3A_830 = arith.constant 4 : i32
      %add3A_831 = arith.addi %mul3A_829, %add3A_830 : i32
      %dma_wait3A_832 = arith.constant 1 : i32
      %dma_wait3A_833 = arith.constant 0 : i32
      %dma_wait3A_834 = tpu.memref_slice %arg3[%dma_wait3A_832, %dma_wait3A_833] : memref<2x320000xi32, #tpu.memory_space<hbm>> -> memref<1x128xi32, #tpu.memory_space<hbm>>
      %dma_wait3A_835 = tpu.memref_squeeze %dma_wait3A_834 : memref<1x128xi32, #tpu.memory_space<hbm>> -> memref<128xi32, #tpu.memory_space<hbm>>
      %dma_wait3A_836 = arith.constant 0 : i32
      %dma_wait3A_837 = tpu.memref_slice %arg3[%dma_wait3A_832, %dma_wait3A_836] : memref<2x320000xi32, #tpu.memory_space<hbm>> -> memref<1x128xi32, #tpu.memory_space<hbm>>
      %dma_wait3A_838 = tpu.memref_squeeze %dma_wait3A_837 : memref<1x128xi32, #tpu.memory_space<hbm>> -> memref<128xi32, #tpu.memory_space<hbm>>
      tpu.wait_dma2 semaphore(%arg41 : memref<!tpu.dma_semaphore, #tpu.memory_space<semaphore_mem>>) src(%dma_wait3A_838 : memref<128xi32, #tpu.memory_space<hbm>>) dst(%arg10 : memref<128xi32, #tpu.memory_space<vmem>>)
      %dma_wait3A_839 = arith.constant 0 : i32
      %dma_wait3A_840 = tpu.memref_slice %arg5[%dma_wait3A_839] : memref<10000xi32, #tpu.memory_space<vmem>> -> memref<128xi32, #tpu.memory_space<vmem>>
      %dma_wait3A_841 = arith.constant 0 : i32
      %dma_wait3A_842 = arith.constant 0 : i32
      %dma_wait3A_843 = tpu.memref_slice %arg2[%dma_wait3A_841, %dma_wait3A_842] : memref<10000x32xf32, #tpu.memory_space<hbm>> -> memref<10000x32xf32, #tpu.memory_space<hbm>>
      tpu.wait_indirect_dma semaphore(%arg54 : memref<!tpu.dma_semaphore, #tpu.memory_space<semaphore_mem>>) src(%dma_wait3A_843 : memref<10000x32xf32, #tpu.memory_space<hbm>>) dst(%arg23 : memref<128x32xf32, #tpu.memory_space<vmem>>)
      "tpu.region"() ({
        %run_scoped3A_1035 = tpu.sem_alloc : memref<!tpu.dma_semaphore, #tpu.memory_space<semaphore_mem>>
        %dma_start3A_1036 = arith.constant 0 : i32
        %dma_start3A_1037 = arith.constant 0 : i32
        %dma_start3A_1038 = tpu.memref_slice %arg36[%dma_start3A_1036, %dma_start3A_1037] : memref<10000x32xf32, #tpu.memory_space<vmem_shared>> -> memref<10000x32xf32, #tpu.memory_space<vmem_shared>>
        tpu.enqueue_indirect_dma source(%arg23 : memref<128x32xf32, #tpu.memory_space<vmem>>) target(%dma_start3A_1038 : memref<10000x32xf32, #tpu.memory_space<vmem_shared>>) offsets(%arg10 : memref<128xi32, #tpu.memory_space<vmem>>) semaphore(%run_scoped3A_1035 : memref<!tpu.dma_semaphore, #tpu.memory_space<semaphore_mem>>) {add = true}
        %dma_wait3A_1039 = arith.constant 0 : i32
        %dma_wait3A_1040 = arith.constant 0 : i32
        %dma_wait3A_1041 = tpu.memref_slice %arg36[%dma_wait3A_1039, %dma_wait3A_1040] : memref<10000x32xf32, #tpu.memory_space<vmem_shared>> -> memref<10000x32xf32, #tpu.memory_space<vmem_shared>>
        tpu.wait_indirect_dma semaphore(%run_scoped3A_1035 : memref<!tpu.dma_semaphore, #tpu.memory_space<semaphore_mem>>) src(%arg23 : memref<128x32xf32, #tpu.memory_space<vmem>>) dst(%dma_wait3A_1041 : memref<10000x32xf32, #tpu.memory_space<vmem_shared>>)
        tpu.yield
      }) : () -> ()
      %add3A_844 = arith.constant 13 : i32
      %add3A_845 = arith.addi %add3A_831, %add3A_844 : i32
      %lt3A_846 = arith.constant 78 : i32
      %lt3A_847 = arith.cmpi slt, %add3A_845, %lt3A_846 : i32
      %convert_element_type3A_848 = arith.extui %lt3A_847 : i1 to i32
      %cond3A_849 = arith.constant 0 : i32
      %cond3A_850 = arith.cmpi ne, %convert_element_type3A_848, %cond3A_849 : i32
      scf.if %cond3A_850 {
        %mul3A_1035 = arith.constant 128 : i32
        %mul3A_1036 = arith.muli %add3A_845, %mul3A_1035 : i32
        %add3A_1037 = arith.addi %mul3A_453, %mul3A_1036 : i32
        %multiple_of3A_1038 = tpu.assume_multiple %add3A_1037, 8 : i32
        %dma_start3A_1039 = arith.constant 1 : i32
        %dma_start3A_1040 = tpu.memref_slice %arg3[%dma_start3A_1039, %multiple_of3A_1038] : memref<2x320000xi32, #tpu.memory_space<hbm>> -> memref<1x128xi32, #tpu.memory_space<hbm>>
        %dma_start3A_1041 = tpu.memref_squeeze %dma_start3A_1040 : memref<1x128xi32, #tpu.memory_space<hbm>> -> memref<128xi32, #tpu.memory_space<hbm>>
        %dma_start3A_1042 = tpu.memref_slice %arg3[%dma_start3A_1039, %multiple_of3A_1038] : memref<2x320000xi32, #tpu.memory_space<hbm>> -> memref<1x128xi32, #tpu.memory_space<hbm>>
        %dma_start3A_1043 = tpu.memref_squeeze %dma_start3A_1042 : memref<1x128xi32, #tpu.memory_space<hbm>> -> memref<128xi32, #tpu.memory_space<hbm>>
        tpu.enqueue_dma source(%dma_start3A_1043 : memref<128xi32, #tpu.memory_space<hbm>>) target(%arg10 : memref<128xi32, #tpu.memory_space<vmem>>) target_semaphore(%arg41 : memref<!tpu.dma_semaphore, #tpu.memory_space<semaphore_mem>>)
        %mul3A_1044 = arith.constant 128 : i32
        %mul3A_1045 = arith.muli %add3A_845, %mul3A_1044 : i32
        %dma_start3A_1046 = tpu.memref_slice %arg5[%mul3A_1045] : memref<10000xi32, #tpu.memory_space<vmem>> -> memref<128xi32, #tpu.memory_space<vmem>>
        %dma_start3A_1047 = arith.constant 0 : i32
        %dma_start3A_1048 = arith.constant 0 : i32
        %dma_start3A_1049 = tpu.memref_slice %arg2[%dma_start3A_1047, %dma_start3A_1048] : memref<10000x32xf32, #tpu.memory_space<hbm>> -> memref<10000x32xf32, #tpu.memory_space<hbm>>
        tpu.enqueue_indirect_dma source(%dma_start3A_1049 : memref<10000x32xf32, #tpu.memory_space<hbm>>) target(%arg23 : memref<128x32xf32, #tpu.memory_space<vmem>>) offsets(%dma_start3A_1046 : memref<128xi32, #tpu.memory_space<vmem>>) semaphore(%arg54 : memref<!tpu.dma_semaphore, #tpu.memory_space<semaphore_mem>>)
      } else {
      }
      %mul3A_851 = arith.constant 13 : i32
      %mul3A_852 = arith.muli %scan3A_738, %mul3A_851 : i32
      %add3A_853 = arith.constant 5 : i32
      %add3A_854 = arith.addi %mul3A_852, %add3A_853 : i32
      %dma_wait3A_855 = arith.constant 1 : i32
      %dma_wait3A_856 = arith.constant 0 : i32
      %dma_wait3A_857 = tpu.memref_slice %arg3[%dma_wait3A_855, %dma_wait3A_856] : memref<2x320000xi32, #tpu.memory_space<hbm>> -> memref<1x128xi32, #tpu.memory_space<hbm>>
      %dma_wait3A_858 = tpu.memref_squeeze %dma_wait3A_857 : memref<1x128xi32, #tpu.memory_space<hbm>> -> memref<128xi32, #tpu.memory_space<hbm>>
      %dma_wait3A_859 = arith.constant 0 : i32
      %dma_wait3A_860 = tpu.memref_slice %arg3[%dma_wait3A_855, %dma_wait3A_859] : memref<2x320000xi32, #tpu.memory_space<hbm>> -> memref<1x128xi32, #tpu.memory_space<hbm>>
      %dma_wait3A_861 = tpu.memref_squeeze %dma_wait3A_860 : memref<1x128xi32, #tpu.memory_space<hbm>> -> memref<128xi32, #tpu.memory_space<hbm>>
      tpu.wait_dma2 semaphore(%arg42 : memref<!tpu.dma_semaphore, #tpu.memory_space<semaphore_mem>>) src(%dma_wait3A_861 : memref<128xi32, #tpu.memory_space<hbm>>) dst(%arg11 : memref<128xi32, #tpu.memory_space<vmem>>)
      %dma_wait3A_862 = arith.constant 0 : i32
      %dma_wait3A_863 = tpu.memref_slice %arg5[%dma_wait3A_862] : memref<10000xi32, #tpu.memory_space<vmem>> -> memref<128xi32, #tpu.memory_space<vmem>>
      %dma_wait3A_864 = arith.constant 0 : i32
      %dma_wait3A_865 = arith.constant 0 : i32
      %dma_wait3A_866 = tpu.memref_slice %arg2[%dma_wait3A_864, %dma_wait3A_865] : memref<10000x32xf32, #tpu.memory_space<hbm>> -> memref<10000x32xf32, #tpu.memory_space<hbm>>
      tpu.wait_indirect_dma semaphore(%arg55 : memref<!tpu.dma_semaphore, #tpu.memory_space<semaphore_mem>>) src(%dma_wait3A_866 : memref<10000x32xf32, #tpu.memory_space<hbm>>) dst(%arg24 : memref<128x32xf32, #tpu.memory_space<vmem>>)
      "tpu.region"() ({
        %run_scoped3A_1035 = tpu.sem_alloc : memref<!tpu.dma_semaphore, #tpu.memory_space<semaphore_mem>>
        %dma_start3A_1036 = arith.constant 0 : i32
        %dma_start3A_1037 = arith.constant 0 : i32
        %dma_start3A_1038 = tpu.memref_slice %arg36[%dma_start3A_1036, %dma_start3A_1037] : memref<10000x32xf32, #tpu.memory_space<vmem_shared>> -> memref<10000x32xf32, #tpu.memory_space<vmem_shared>>
        tpu.enqueue_indirect_dma source(%arg24 : memref<128x32xf32, #tpu.memory_space<vmem>>) target(%dma_start3A_1038 : memref<10000x32xf32, #tpu.memory_space<vmem_shared>>) offsets(%arg11 : memref<128xi32, #tpu.memory_space<vmem>>) semaphore(%run_scoped3A_1035 : memref<!tpu.dma_semaphore, #tpu.memory_space<semaphore_mem>>) {add = true}
        %dma_wait3A_1039 = arith.constant 0 : i32
        %dma_wait3A_1040 = arith.constant 0 : i32
        %dma_wait3A_1041 = tpu.memref_slice %arg36[%dma_wait3A_1039, %dma_wait3A_1040] : memref<10000x32xf32, #tpu.memory_space<vmem_shared>> -> memref<10000x32xf32, #tpu.memory_space<vmem_shared>>
        tpu.wait_indirect_dma semaphore(%run_scoped3A_1035 : memref<!tpu.dma_semaphore, #tpu.memory_space<semaphore_mem>>) src(%arg24 : memref<128x32xf32, #tpu.memory_space<vmem>>) dst(%dma_wait3A_1041 : memref<10000x32xf32, #tpu.memory_space<vmem_shared>>)
        tpu.yield
      }) : () -> ()
      %add3A_867 = arith.constant 13 : i32
      %add3A_868 = arith.addi %add3A_854, %add3A_867 : i32
      %lt3A_869 = arith.constant 78 : i32
      %lt3A_870 = arith.cmpi slt, %add3A_868, %lt3A_869 : i32
      %convert_element_type3A_871 = arith.extui %lt3A_870 : i1 to i32
      %cond3A_872 = arith.constant 0 : i32
      %cond3A_873 = arith.cmpi ne, %convert_element_type3A_871, %cond3A_872 : i32
      scf.if %cond3A_873 {
        %mul3A_1035 = arith.constant 128 : i32
        %mul3A_1036 = arith.muli %add3A_868, %mul3A_1035 : i32
        %add3A_1037 = arith.addi %mul3A_453, %mul3A_1036 : i32
        %multiple_of3A_1038 = tpu.assume_multiple %add3A_1037, 8 : i32
        %dma_start3A_1039 = arith.constant 1 : i32
        %dma_start3A_1040 = tpu.memref_slice %arg3[%dma_start3A_1039, %multiple_of3A_1038] : memref<2x320000xi32, #tpu.memory_space<hbm>> -> memref<1x128xi32, #tpu.memory_space<hbm>>
        %dma_start3A_1041 = tpu.memref_squeeze %dma_start3A_1040 : memref<1x128xi32, #tpu.memory_space<hbm>> -> memref<128xi32, #tpu.memory_space<hbm>>
        %dma_start3A_1042 = tpu.memref_slice %arg3[%dma_start3A_1039, %multiple_of3A_1038] : memref<2x320000xi32, #tpu.memory_space<hbm>> -> memref<1x128xi32, #tpu.memory_space<hbm>>
        %dma_start3A_1043 = tpu.memref_squeeze %dma_start3A_1042 : memref<1x128xi32, #tpu.memory_space<hbm>> -> memref<128xi32, #tpu.memory_space<hbm>>
        tpu.enqueue_dma source(%dma_start3A_1043 : memref<128xi32, #tpu.memory_space<hbm>>) target(%arg11 : memref<128xi32, #tpu.memory_space<vmem>>) target_semaphore(%arg42 : memref<!tpu.dma_semaphore, #tpu.memory_space<semaphore_mem>>)
        %mul3A_1044 = arith.constant 128 : i32
        %mul3A_1045 = arith.muli %add3A_868, %mul3A_1044 : i32
        %dma_start3A_1046 = tpu.memref_slice %arg5[%mul3A_1045] : memref<10000xi32, #tpu.memory_space<vmem>> -> memref<128xi32, #tpu.memory_space<vmem>>
        %dma_start3A_1047 = arith.constant 0 : i32
        %dma_start3A_1048 = arith.constant 0 : i32
        %dma_start3A_1049 = tpu.memref_slice %arg2[%dma_start3A_1047, %dma_start3A_1048] : memref<10000x32xf32, #tpu.memory_space<hbm>> -> memref<10000x32xf32, #tpu.memory_space<hbm>>
        tpu.enqueue_indirect_dma source(%dma_start3A_1049 : memref<10000x32xf32, #tpu.memory_space<hbm>>) target(%arg24 : memref<128x32xf32, #tpu.memory_space<vmem>>) offsets(%dma_start3A_1046 : memref<128xi32, #tpu.memory_space<vmem>>) semaphore(%arg55 : memref<!tpu.dma_semaphore, #tpu.memory_space<semaphore_mem>>)
      } else {
      }
      %mul3A_874 = arith.constant 13 : i32
      %mul3A_875 = arith.muli %scan3A_738, %mul3A_874 : i32
      %add3A_876 = arith.constant 6 : i32
      %add3A_877 = arith.addi %mul3A_875, %add3A_876 : i32
      %dma_wait3A_878 = arith.constant 1 : i32
      %dma_wait3A_879 = arith.constant 0 : i32
      %dma_wait3A_880 = tpu.memref_slice %arg3[%dma_wait3A_878, %dma_wait3A_879] : memref<2x320000xi32, #tpu.memory_space<hbm>> -> memref<1x128xi32, #tpu.memory_space<hbm>>
      %dma_wait3A_881 = tpu.memref_squeeze %dma_wait3A_880 : memref<1x128xi32, #tpu.memory_space<hbm>> -> memref<128xi32, #tpu.memory_space<hbm>>
      %dma_wait3A_882 = arith.constant 0 : i32
      %dma_wait3A_883 = tpu.memref_slice %arg3[%dma_wait3A_878, %dma_wait3A_882] : memref<2x320000xi32, #tpu.memory_space<hbm>> -> memref<1x128xi32, #tpu.memory_space<hbm>>
      %dma_wait3A_884 = tpu.memref_squeeze %dma_wait3A_883 : memref<1x128xi32, #tpu.memory_space<hbm>> -> memref<128xi32, #tpu.memory_space<hbm>>
      tpu.wait_dma2 semaphore(%arg43 : memref<!tpu.dma_semaphore, #tpu.memory_space<semaphore_mem>>) src(%dma_wait3A_884 : memref<128xi32, #tpu.memory_space<hbm>>) dst(%arg12 : memref<128xi32, #tpu.memory_space<vmem>>)
      %dma_wait3A_885 = arith.constant 0 : i32
      %dma_wait3A_886 = tpu.memref_slice %arg5[%dma_wait3A_885] : memref<10000xi32, #tpu.memory_space<vmem>> -> memref<128xi32, #tpu.memory_space<vmem>>
      %dma_wait3A_887 = arith.constant 0 : i32
      %dma_wait3A_888 = arith.constant 0 : i32
      %dma_wait3A_889 = tpu.memref_slice %arg2[%dma_wait3A_887, %dma_wait3A_888] : memref<10000x32xf32, #tpu.memory_space<hbm>> -> memref<10000x32xf32, #tpu.memory_space<hbm>>
      tpu.wait_indirect_dma semaphore(%arg56 : memref<!tpu.dma_semaphore, #tpu.memory_space<semaphore_mem>>) src(%dma_wait3A_889 : memref<10000x32xf32, #tpu.memory_space<hbm>>) dst(%arg25 : memref<128x32xf32, #tpu.memory_space<vmem>>)
      "tpu.region"() ({
        %run_scoped3A_1035 = tpu.sem_alloc : memref<!tpu.dma_semaphore, #tpu.memory_space<semaphore_mem>>
        %dma_start3A_1036 = arith.constant 0 : i32
        %dma_start3A_1037 = arith.constant 0 : i32
        %dma_start3A_1038 = tpu.memref_slice %arg36[%dma_start3A_1036, %dma_start3A_1037] : memref<10000x32xf32, #tpu.memory_space<vmem_shared>> -> memref<10000x32xf32, #tpu.memory_space<vmem_shared>>
        tpu.enqueue_indirect_dma source(%arg25 : memref<128x32xf32, #tpu.memory_space<vmem>>) target(%dma_start3A_1038 : memref<10000x32xf32, #tpu.memory_space<vmem_shared>>) offsets(%arg12 : memref<128xi32, #tpu.memory_space<vmem>>) semaphore(%run_scoped3A_1035 : memref<!tpu.dma_semaphore, #tpu.memory_space<semaphore_mem>>) {add = true}
        %dma_wait3A_1039 = arith.constant 0 : i32
        %dma_wait3A_1040 = arith.constant 0 : i32
        %dma_wait3A_1041 = tpu.memref_slice %arg36[%dma_wait3A_1039, %dma_wait3A_1040] : memref<10000x32xf32, #tpu.memory_space<vmem_shared>> -> memref<10000x32xf32, #tpu.memory_space<vmem_shared>>
        tpu.wait_indirect_dma semaphore(%run_scoped3A_1035 : memref<!tpu.dma_semaphore, #tpu.memory_space<semaphore_mem>>) src(%arg25 : memref<128x32xf32, #tpu.memory_space<vmem>>) dst(%dma_wait3A_1041 : memref<10000x32xf32, #tpu.memory_space<vmem_shared>>)
        tpu.yield
      }) : () -> ()
      %add3A_890 = arith.constant 13 : i32
      %add3A_891 = arith.addi %add3A_877, %add3A_890 : i32
      %lt3A_892 = arith.constant 78 : i32
      %lt3A_893 = arith.cmpi slt, %add3A_891, %lt3A_892 : i32
      %convert_element_type3A_894 = arith.extui %lt3A_893 : i1 to i32
      %cond3A_895 = arith.constant 0 : i32
      %cond3A_896 = arith.cmpi ne, %convert_element_type3A_894, %cond3A_895 : i32
      scf.if %cond3A_896 {
        %mul3A_1035 = arith.constant 128 : i32
        %mul3A_1036 = arith.muli %add3A_891, %mul3A_1035 : i32
        %add3A_1037 = arith.addi %mul3A_453, %mul3A_1036 : i32
        %multiple_of3A_1038 = tpu.assume_multiple %add3A_1037, 8 : i32
        %dma_start3A_1039 = arith.constant 1 : i32
        %dma_start3A_1040 = tpu.memref_slice %arg3[%dma_start3A_1039, %multiple_of3A_1038] : memref<2x320000xi32, #tpu.memory_space<hbm>> -> memref<1x128xi32, #tpu.memory_space<hbm>>
        %dma_start3A_1041 = tpu.memref_squeeze %dma_start3A_1040 : memref<1x128xi32, #tpu.memory_space<hbm>> -> memref<128xi32, #tpu.memory_space<hbm>>
        %dma_start3A_1042 = tpu.memref_slice %arg3[%dma_start3A_1039, %multiple_of3A_1038] : memref<2x320000xi32, #tpu.memory_space<hbm>> -> memref<1x128xi32, #tpu.memory_space<hbm>>
        %dma_start3A_1043 = tpu.memref_squeeze %dma_start3A_1042 : memref<1x128xi32, #tpu.memory_space<hbm>> -> memref<128xi32, #tpu.memory_space<hbm>>
        tpu.enqueue_dma source(%dma_start3A_1043 : memref<128xi32, #tpu.memory_space<hbm>>) target(%arg12 : memref<128xi32, #tpu.memory_space<vmem>>) target_semaphore(%arg43 : memref<!tpu.dma_semaphore, #tpu.memory_space<semaphore_mem>>)
        %mul3A_1044 = arith.constant 128 : i32
        %mul3A_1045 = arith.muli %add3A_891, %mul3A_1044 : i32
        %dma_start3A_1046 = tpu.memref_slice %arg5[%mul3A_1045] : memref<10000xi32, #tpu.memory_space<vmem>> -> memref<128xi32, #tpu.memory_space<vmem>>
        %dma_start3A_1047 = arith.constant 0 : i32
        %dma_start3A_1048 = arith.constant 0 : i32
        %dma_start3A_1049 = tpu.memref_slice %arg2[%dma_start3A_1047, %dma_start3A_1048] : memref<10000x32xf32, #tpu.memory_space<hbm>> -> memref<10000x32xf32, #tpu.memory_space<hbm>>
        tpu.enqueue_indirect_dma source(%dma_start3A_1049 : memref<10000x32xf32, #tpu.memory_space<hbm>>) target(%arg25 : memref<128x32xf32, #tpu.memory_space<vmem>>) offsets(%dma_start3A_1046 : memref<128xi32, #tpu.memory_space<vmem>>) semaphore(%arg56 : memref<!tpu.dma_semaphore, #tpu.memory_space<semaphore_mem>>)
      } else {
      }
      %mul3A_897 = arith.constant 13 : i32
      %mul3A_898 = arith.muli %scan3A_738, %mul3A_897 : i32
      %add3A_899 = arith.constant 7 : i32
      %add3A_900 = arith.addi %mul3A_898, %add3A_899 : i32
      %dma_wait3A_901 = arith.constant 1 : i32
      %dma_wait3A_902 = arith.constant 0 : i32
      %dma_wait3A_903 = tpu.memref_slice %arg3[%dma_wait3A_901, %dma_wait3A_902] : memref<2x320000xi32, #tpu.memory_space<hbm>> -> memref<1x128xi32, #tpu.memory_space<hbm>>
      %dma_wait3A_904 = tpu.memref_squeeze %dma_wait3A_903 : memref<1x128xi32, #tpu.memory_space<hbm>> -> memref<128xi32, #tpu.memory_space<hbm>>
      %dma_wait3A_905 = arith.constant 0 : i32
      %dma_wait3A_906 = tpu.memref_slice %arg3[%dma_wait3A_901, %dma_wait3A_905] : memref<2x320000xi32, #tpu.memory_space<hbm>> -> memref<1x128xi32, #tpu.memory_space<hbm>>
      %dma_wait3A_907 = tpu.memref_squeeze %dma_wait3A_906 : memref<1x128xi32, #tpu.memory_space<hbm>> -> memref<128xi32, #tpu.memory_space<hbm>>
      tpu.wait_dma2 semaphore(%arg44 : memref<!tpu.dma_semaphore, #tpu.memory_space<semaphore_mem>>) src(%dma_wait3A_907 : memref<128xi32, #tpu.memory_space<hbm>>) dst(%arg13 : memref<128xi32, #tpu.memory_space<vmem>>)
      %dma_wait3A_908 = arith.constant 0 : i32
      %dma_wait3A_909 = tpu.memref_slice %arg5[%dma_wait3A_908] : memref<10000xi32, #tpu.memory_space<vmem>> -> memref<128xi32, #tpu.memory_space<vmem>>
      %dma_wait3A_910 = arith.constant 0 : i32
      %dma_wait3A_911 = arith.constant 0 : i32
      %dma_wait3A_912 = tpu.memref_slice %arg2[%dma_wait3A_910, %dma_wait3A_911] : memref<10000x32xf32, #tpu.memory_space<hbm>> -> memref<10000x32xf32, #tpu.memory_space<hbm>>
      tpu.wait_indirect_dma semaphore(%arg57 : memref<!tpu.dma_semaphore, #tpu.memory_space<semaphore_mem>>) src(%dma_wait3A_912 : memref<10000x32xf32, #tpu.memory_space<hbm>>) dst(%arg26 : memref<128x32xf32, #tpu.memory_space<vmem>>)
      "tpu.region"() ({
        %run_scoped3A_1035 = tpu.sem_alloc : memref<!tpu.dma_semaphore, #tpu.memory_space<semaphore_mem>>
        %dma_start3A_1036 = arith.constant 0 : i32
        %dma_start3A_1037 = arith.constant 0 : i32
        %dma_start3A_1038 = tpu.memref_slice %arg36[%dma_start3A_1036, %dma_start3A_1037] : memref<10000x32xf32, #tpu.memory_space<vmem_shared>> -> memref<10000x32xf32, #tpu.memory_space<vmem_shared>>
        tpu.enqueue_indirect_dma source(%arg26 : memref<128x32xf32, #tpu.memory_space<vmem>>) target(%dma_start3A_1038 : memref<10000x32xf32, #tpu.memory_space<vmem_shared>>) offsets(%arg13 : memref<128xi32, #tpu.memory_space<vmem>>) semaphore(%run_scoped3A_1035 : memref<!tpu.dma_semaphore, #tpu.memory_space<semaphore_mem>>) {add = true}
        %dma_wait3A_1039 = arith.constant 0 : i32
        %dma_wait3A_1040 = arith.constant 0 : i32
        %dma_wait3A_1041 = tpu.memref_slice %arg36[%dma_wait3A_1039, %dma_wait3A_1040] : memref<10000x32xf32, #tpu.memory_space<vmem_shared>> -> memref<10000x32xf32, #tpu.memory_space<vmem_shared>>
        tpu.wait_indirect_dma semaphore(%run_scoped3A_1035 : memref<!tpu.dma_semaphore, #tpu.memory_space<semaphore_mem>>) src(%arg26 : memref<128x32xf32, #tpu.memory_space<vmem>>) dst(%dma_wait3A_1041 : memref<10000x32xf32, #tpu.memory_space<vmem_shared>>)
        tpu.yield
      }) : () -> ()
      %add3A_913 = arith.constant 13 : i32
      %add3A_914 = arith.addi %add3A_900, %add3A_913 : i32
      %lt3A_915 = arith.constant 78 : i32
      %lt3A_916 = arith.cmpi slt, %add3A_914, %lt3A_915 : i32
      %convert_element_type3A_917 = arith.extui %lt3A_916 : i1 to i32
      %cond3A_918 = arith.constant 0 : i32
      %cond3A_919 = arith.cmpi ne, %convert_element_type3A_917, %cond3A_918 : i32
      scf.if %cond3A_919 {
        %mul3A_1035 = arith.constant 128 : i32
        %mul3A_1036 = arith.muli %add3A_914, %mul3A_1035 : i32
        %add3A_1037 = arith.addi %mul3A_453, %mul3A_1036 : i32
        %multiple_of3A_1038 = tpu.assume_multiple %add3A_1037, 8 : i32
        %dma_start3A_1039 = arith.constant 1 : i32
        %dma_start3A_1040 = tpu.memref_slice %arg3[%dma_start3A_1039, %multiple_of3A_1038] : memref<2x320000xi32, #tpu.memory_space<hbm>> -> memref<1x128xi32, #tpu.memory_space<hbm>>
        %dma_start3A_1041 = tpu.memref_squeeze %dma_start3A_1040 : memref<1x128xi32, #tpu.memory_space<hbm>> -> memref<128xi32, #tpu.memory_space<hbm>>
        %dma_start3A_1042 = tpu.memref_slice %arg3[%dma_start3A_1039, %multiple_of3A_1038] : memref<2x320000xi32, #tpu.memory_space<hbm>> -> memref<1x128xi32, #tpu.memory_space<hbm>>
        %dma_start3A_1043 = tpu.memref_squeeze %dma_start3A_1042 : memref<1x128xi32, #tpu.memory_space<hbm>> -> memref<128xi32, #tpu.memory_space<hbm>>
        tpu.enqueue_dma source(%dma_start3A_1043 : memref<128xi32, #tpu.memory_space<hbm>>) target(%arg13 : memref<128xi32, #tpu.memory_space<vmem>>) target_semaphore(%arg44 : memref<!tpu.dma_semaphore, #tpu.memory_space<semaphore_mem>>)
        %mul3A_1044 = arith.constant 128 : i32
        %mul3A_1045 = arith.muli %add3A_914, %mul3A_1044 : i32
        %dma_start3A_1046 = tpu.memref_slice %arg5[%mul3A_1045] : memref<10000xi32, #tpu.memory_space<vmem>> -> memref<128xi32, #tpu.memory_space<vmem>>
        %dma_start3A_1047 = arith.constant 0 : i32
        %dma_start3A_1048 = arith.constant 0 : i32
        %dma_start3A_1049 = tpu.memref_slice %arg2[%dma_start3A_1047, %dma_start3A_1048] : memref<10000x32xf32, #tpu.memory_space<hbm>> -> memref<10000x32xf32, #tpu.memory_space<hbm>>
        tpu.enqueue_indirect_dma source(%dma_start3A_1049 : memref<10000x32xf32, #tpu.memory_space<hbm>>) target(%arg26 : memref<128x32xf32, #tpu.memory_space<vmem>>) offsets(%dma_start3A_1046 : memref<128xi32, #tpu.memory_space<vmem>>) semaphore(%arg57 : memref<!tpu.dma_semaphore, #tpu.memory_space<semaphore_mem>>)
      } else {
      }
      %mul3A_920 = arith.constant 13 : i32
      %mul3A_921 = arith.muli %scan3A_738, %mul3A_920 : i32
      %add3A_922 = arith.constant 8 : i32
      %add3A_923 = arith.addi %mul3A_921, %add3A_922 : i32
      %dma_wait3A_924 = arith.constant 1 : i32
      %dma_wait3A_925 = arith.constant 0 : i32
      %dma_wait3A_926 = tpu.memref_slice %arg3[%dma_wait3A_924, %dma_wait3A_925] : memref<2x320000xi32, #tpu.memory_space<hbm>> -> memref<1x128xi32, #tpu.memory_space<hbm>>
      %dma_wait3A_927 = tpu.memref_squeeze %dma_wait3A_926 : memref<1x128xi32, #tpu.memory_space<hbm>> -> memref<128xi32, #tpu.memory_space<hbm>>
      %dma_wait3A_928 = arith.constant 0 : i32
      %dma_wait3A_929 = tpu.memref_slice %arg3[%dma_wait3A_924, %dma_wait3A_928] : memref<2x320000xi32, #tpu.memory_space<hbm>> -> memref<1x128xi32, #tpu.memory_space<hbm>>
      %dma_wait3A_930 = tpu.memref_squeeze %dma_wait3A_929 : memref<1x128xi32, #tpu.memory_space<hbm>> -> memref<128xi32, #tpu.memory_space<hbm>>
      tpu.wait_dma2 semaphore(%arg45 : memref<!tpu.dma_semaphore, #tpu.memory_space<semaphore_mem>>) src(%dma_wait3A_930 : memref<128xi32, #tpu.memory_space<hbm>>) dst(%arg14 : memref<128xi32, #tpu.memory_space<vmem>>)
      %dma_wait3A_931 = arith.constant 0 : i32
      %dma_wait3A_932 = tpu.memref_slice %arg5[%dma_wait3A_931] : memref<10000xi32, #tpu.memory_space<vmem>> -> memref<128xi32, #tpu.memory_space<vmem>>
      %dma_wait3A_933 = arith.constant 0 : i32
      %dma_wait3A_934 = arith.constant 0 : i32
      %dma_wait3A_935 = tpu.memref_slice %arg2[%dma_wait3A_933, %dma_wait3A_934] : memref<10000x32xf32, #tpu.memory_space<hbm>> -> memref<10000x32xf32, #tpu.memory_space<hbm>>
      tpu.wait_indirect_dma semaphore(%arg58 : memref<!tpu.dma_semaphore, #tpu.memory_space<semaphore_mem>>) src(%dma_wait3A_935 : memref<10000x32xf32, #tpu.memory_space<hbm>>) dst(%arg27 : memref<128x32xf32, #tpu.memory_space<vmem>>)
      "tpu.region"() ({
        %run_scoped3A_1035 = tpu.sem_alloc : memref<!tpu.dma_semaphore, #tpu.memory_space<semaphore_mem>>
        %dma_start3A_1036 = arith.constant 0 : i32
        %dma_start3A_1037 = arith.constant 0 : i32
        %dma_start3A_1038 = tpu.memref_slice %arg36[%dma_start3A_1036, %dma_start3A_1037] : memref<10000x32xf32, #tpu.memory_space<vmem_shared>> -> memref<10000x32xf32, #tpu.memory_space<vmem_shared>>
        tpu.enqueue_indirect_dma source(%arg27 : memref<128x32xf32, #tpu.memory_space<vmem>>) target(%dma_start3A_1038 : memref<10000x32xf32, #tpu.memory_space<vmem_shared>>) offsets(%arg14 : memref<128xi32, #tpu.memory_space<vmem>>) semaphore(%run_scoped3A_1035 : memref<!tpu.dma_semaphore, #tpu.memory_space<semaphore_mem>>) {add = true}
        %dma_wait3A_1039 = arith.constant 0 : i32
        %dma_wait3A_1040 = arith.constant 0 : i32
        %dma_wait3A_1041 = tpu.memref_slice %arg36[%dma_wait3A_1039, %dma_wait3A_1040] : memref<10000x32xf32, #tpu.memory_space<vmem_shared>> -> memref<10000x32xf32, #tpu.memory_space<vmem_shared>>
        tpu.wait_indirect_dma semaphore(%run_scoped3A_1035 : memref<!tpu.dma_semaphore, #tpu.memory_space<semaphore_mem>>) src(%arg27 : memref<128x32xf32, #tpu.memory_space<vmem>>) dst(%dma_wait3A_1041 : memref<10000x32xf32, #tpu.memory_space<vmem_shared>>)
        tpu.yield
      }) : () -> ()
      %add3A_936 = arith.constant 13 : i32
      %add3A_937 = arith.addi %add3A_923, %add3A_936 : i32
      %lt3A_938 = arith.constant 78 : i32
      %lt3A_939 = arith.cmpi slt, %add3A_937, %lt3A_938 : i32
      %convert_element_type3A_940 = arith.extui %lt3A_939 : i1 to i32
      %cond3A_941 = arith.constant 0 : i32
      %cond3A_942 = arith.cmpi ne, %convert_element_type3A_940, %cond3A_941 : i32
      scf.if %cond3A_942 {
        %mul3A_1035 = arith.constant 128 : i32
        %mul3A_1036 = arith.muli %add3A_937, %mul3A_1035 : i32
        %add3A_1037 = arith.addi %mul3A_453, %mul3A_1036 : i32
        %multiple_of3A_1038 = tpu.assume_multiple %add3A_1037, 8 : i32
        %dma_start3A_1039 = arith.constant 1 : i32
        %dma_start3A_1040 = tpu.memref_slice %arg3[%dma_start3A_1039, %multiple_of3A_1038] : memref<2x320000xi32, #tpu.memory_space<hbm>> -> memref<1x128xi32, #tpu.memory_space<hbm>>
        %dma_start3A_1041 = tpu.memref_squeeze %dma_start3A_1040 : memref<1x128xi32, #tpu.memory_space<hbm>> -> memref<128xi32, #tpu.memory_space<hbm>>
        %dma_start3A_1042 = tpu.memref_slice %arg3[%dma_start3A_1039, %multiple_of3A_1038] : memref<2x320000xi32, #tpu.memory_space<hbm>> -> memref<1x128xi32, #tpu.memory_space<hbm>>
        %dma_start3A_1043 = tpu.memref_squeeze %dma_start3A_1042 : memref<1x128xi32, #tpu.memory_space<hbm>> -> memref<128xi32, #tpu.memory_space<hbm>>
        tpu.enqueue_dma source(%dma_start3A_1043 : memref<128xi32, #tpu.memory_space<hbm>>) target(%arg14 : memref<128xi32, #tpu.memory_space<vmem>>) target_semaphore(%arg45 : memref<!tpu.dma_semaphore, #tpu.memory_space<semaphore_mem>>)
        %mul3A_1044 = arith.constant 128 : i32
        %mul3A_1045 = arith.muli %add3A_937, %mul3A_1044 : i32
        %dma_start3A_1046 = tpu.memref_slice %arg5[%mul3A_1045] : memref<10000xi32, #tpu.memory_space<vmem>> -> memref<128xi32, #tpu.memory_space<vmem>>
        %dma_start3A_1047 = arith.constant 0 : i32
        %dma_start3A_1048 = arith.constant 0 : i32
        %dma_start3A_1049 = tpu.memref_slice %arg2[%dma_start3A_1047, %dma_start3A_1048] : memref<10000x32xf32, #tpu.memory_space<hbm>> -> memref<10000x32xf32, #tpu.memory_space<hbm>>
        tpu.enqueue_indirect_dma source(%dma_start3A_1049 : memref<10000x32xf32, #tpu.memory_space<hbm>>) target(%arg27 : memref<128x32xf32, #tpu.memory_space<vmem>>) offsets(%dma_start3A_1046 : memref<128xi32, #tpu.memory_space<vmem>>) semaphore(%arg58 : memref<!tpu.dma_semaphore, #tpu.memory_space<semaphore_mem>>)
      } else {
      }
      %mul3A_943 = arith.constant 13 : i32
      %mul3A_944 = arith.muli %scan3A_738, %mul3A_943 : i32
      %add3A_945 = arith.constant 9 : i32
      %add3A_946 = arith.addi %mul3A_944, %add3A_945 : i32
      %dma_wait3A_947 = arith.constant 1 : i32
      %dma_wait3A_948 = arith.constant 0 : i32
      %dma_wait3A_949 = tpu.memref_slice %arg3[%dma_wait3A_947, %dma_wait3A_948] : memref<2x320000xi32, #tpu.memory_space<hbm>> -> memref<1x128xi32, #tpu.memory_space<hbm>>
      %dma_wait3A_950 = tpu.memref_squeeze %dma_wait3A_949 : memref<1x128xi32, #tpu.memory_space<hbm>> -> memref<128xi32, #tpu.memory_space<hbm>>
      %dma_wait3A_951 = arith.constant 0 : i32
      %dma_wait3A_952 = tpu.memref_slice %arg3[%dma_wait3A_947, %dma_wait3A_951] : memref<2x320000xi32, #tpu.memory_space<hbm>> -> memref<1x128xi32, #tpu.memory_space<hbm>>
      %dma_wait3A_953 = tpu.memref_squeeze %dma_wait3A_952 : memref<1x128xi32, #tpu.memory_space<hbm>> -> memref<128xi32, #tpu.memory_space<hbm>>
      tpu.wait_dma2 semaphore(%arg46 : memref<!tpu.dma_semaphore, #tpu.memory_space<semaphore_mem>>) src(%dma_wait3A_953 : memref<128xi32, #tpu.memory_space<hbm>>) dst(%arg15 : memref<128xi32, #tpu.memory_space<vmem>>)
      %dma_wait3A_954 = arith.constant 0 : i32
      %dma_wait3A_955 = tpu.memref_slice %arg5[%dma_wait3A_954] : memref<10000xi32, #tpu.memory_space<vmem>> -> memref<128xi32, #tpu.memory_space<vmem>>
      %dma_wait3A_956 = arith.constant 0 : i32
      %dma_wait3A_957 = arith.constant 0 : i32
      %dma_wait3A_958 = tpu.memref_slice %arg2[%dma_wait3A_956, %dma_wait3A_957] : memref<10000x32xf32, #tpu.memory_space<hbm>> -> memref<10000x32xf32, #tpu.memory_space<hbm>>
      tpu.wait_indirect_dma semaphore(%arg59 : memref<!tpu.dma_semaphore, #tpu.memory_space<semaphore_mem>>) src(%dma_wait3A_958 : memref<10000x32xf32, #tpu.memory_space<hbm>>) dst(%arg28 : memref<128x32xf32, #tpu.memory_space<vmem>>)
      "tpu.region"() ({
        %run_scoped3A_1035 = tpu.sem_alloc : memref<!tpu.dma_semaphore, #tpu.memory_space<semaphore_mem>>
        %dma_start3A_1036 = arith.constant 0 : i32
        %dma_start3A_1037 = arith.constant 0 : i32
        %dma_start3A_1038 = tpu.memref_slice %arg36[%dma_start3A_1036, %dma_start3A_1037] : memref<10000x32xf32, #tpu.memory_space<vmem_shared>> -> memref<10000x32xf32, #tpu.memory_space<vmem_shared>>
        tpu.enqueue_indirect_dma source(%arg28 : memref<128x32xf32, #tpu.memory_space<vmem>>) target(%dma_start3A_1038 : memref<10000x32xf32, #tpu.memory_space<vmem_shared>>) offsets(%arg15 : memref<128xi32, #tpu.memory_space<vmem>>) semaphore(%run_scoped3A_1035 : memref<!tpu.dma_semaphore, #tpu.memory_space<semaphore_mem>>) {add = true}
        %dma_wait3A_1039 = arith.constant 0 : i32
        %dma_wait3A_1040 = arith.constant 0 : i32
        %dma_wait3A_1041 = tpu.memref_slice %arg36[%dma_wait3A_1039, %dma_wait3A_1040] : memref<10000x32xf32, #tpu.memory_space<vmem_shared>> -> memref<10000x32xf32, #tpu.memory_space<vmem_shared>>
        tpu.wait_indirect_dma semaphore(%run_scoped3A_1035 : memref<!tpu.dma_semaphore, #tpu.memory_space<semaphore_mem>>) src(%arg28 : memref<128x32xf32, #tpu.memory_space<vmem>>) dst(%dma_wait3A_1041 : memref<10000x32xf32, #tpu.memory_space<vmem_shared>>)
        tpu.yield
      }) : () -> ()
      %add3A_959 = arith.constant 13 : i32
      %add3A_960 = arith.addi %add3A_946, %add3A_959 : i32
      %lt3A_961 = arith.constant 78 : i32
      %lt3A_962 = arith.cmpi slt, %add3A_960, %lt3A_961 : i32
      %convert_element_type3A_963 = arith.extui %lt3A_962 : i1 to i32
      %cond3A_964 = arith.constant 0 : i32
      %cond3A_965 = arith.cmpi ne, %convert_element_type3A_963, %cond3A_964 : i32
      scf.if %cond3A_965 {
        %mul3A_1035 = arith.constant 128 : i32
        %mul3A_1036 = arith.muli %add3A_960, %mul3A_1035 : i32
        %add3A_1037 = arith.addi %mul3A_453, %mul3A_1036 : i32
        %multiple_of3A_1038 = tpu.assume_multiple %add3A_1037, 8 : i32
        %dma_start3A_1039 = arith.constant 1 : i32
        %dma_start3A_1040 = tpu.memref_slice %arg3[%dma_start3A_1039, %multiple_of3A_1038] : memref<2x320000xi32, #tpu.memory_space<hbm>> -> memref<1x128xi32, #tpu.memory_space<hbm>>
        %dma_start3A_1041 = tpu.memref_squeeze %dma_start3A_1040 : memref<1x128xi32, #tpu.memory_space<hbm>> -> memref<128xi32, #tpu.memory_space<hbm>>
        %dma_start3A_1042 = tpu.memref_slice %arg3[%dma_start3A_1039, %multiple_of3A_1038] : memref<2x320000xi32, #tpu.memory_space<hbm>> -> memref<1x128xi32, #tpu.memory_space<hbm>>
        %dma_start3A_1043 = tpu.memref_squeeze %dma_start3A_1042 : memref<1x128xi32, #tpu.memory_space<hbm>> -> memref<128xi32, #tpu.memory_space<hbm>>
        tpu.enqueue_dma source(%dma_start3A_1043 : memref<128xi32, #tpu.memory_space<hbm>>) target(%arg15 : memref<128xi32, #tpu.memory_space<vmem>>) target_semaphore(%arg46 : memref<!tpu.dma_semaphore, #tpu.memory_space<semaphore_mem>>)
        %mul3A_1044 = arith.constant 128 : i32
        %mul3A_1045 = arith.muli %add3A_960, %mul3A_1044 : i32
        %dma_start3A_1046 = tpu.memref_slice %arg5[%mul3A_1045] : memref<10000xi32, #tpu.memory_space<vmem>> -> memref<128xi32, #tpu.memory_space<vmem>>
        %dma_start3A_1047 = arith.constant 0 : i32
        %dma_start3A_1048 = arith.constant 0 : i32
        %dma_start3A_1049 = tpu.memref_slice %arg2[%dma_start3A_1047, %dma_start3A_1048] : memref<10000x32xf32, #tpu.memory_space<hbm>> -> memref<10000x32xf32, #tpu.memory_space<hbm>>
        tpu.enqueue_indirect_dma source(%dma_start3A_1049 : memref<10000x32xf32, #tpu.memory_space<hbm>>) target(%arg28 : memref<128x32xf32, #tpu.memory_space<vmem>>) offsets(%dma_start3A_1046 : memref<128xi32, #tpu.memory_space<vmem>>) semaphore(%arg59 : memref<!tpu.dma_semaphore, #tpu.memory_space<semaphore_mem>>)
      } else {
      }
      %mul3A_966 = arith.constant 13 : i32
      %mul3A_967 = arith.muli %scan3A_738, %mul3A_966 : i32
      %add3A_968 = arith.constant 10 : i32
      %add3A_969 = arith.addi %mul3A_967, %add3A_968 : i32
      %dma_wait3A_970 = arith.constant 1 : i32
      %dma_wait3A_971 = arith.constant 0 : i32
      %dma_wait3A_972 = tpu.memref_slice %arg3[%dma_wait3A_970, %dma_wait3A_971] : memref<2x320000xi32, #tpu.memory_space<hbm>> -> memref<1x128xi32, #tpu.memory_space<hbm>>
      %dma_wait3A_973 = tpu.memref_squeeze %dma_wait3A_972 : memref<1x128xi32, #tpu.memory_space<hbm>> -> memref<128xi32, #tpu.memory_space<hbm>>
      %dma_wait3A_974 = arith.constant 0 : i32
      %dma_wait3A_975 = tpu.memref_slice %arg3[%dma_wait3A_970, %dma_wait3A_974] : memref<2x320000xi32, #tpu.memory_space<hbm>> -> memref<1x128xi32, #tpu.memory_space<hbm>>
      %dma_wait3A_976 = tpu.memref_squeeze %dma_wait3A_975 : memref<1x128xi32, #tpu.memory_space<hbm>> -> memref<128xi32, #tpu.memory_space<hbm>>
      tpu.wait_dma2 semaphore(%arg47 : memref<!tpu.dma_semaphore, #tpu.memory_space<semaphore_mem>>) src(%dma_wait3A_976 : memref<128xi32, #tpu.memory_space<hbm>>) dst(%arg16 : memref<128xi32, #tpu.memory_space<vmem>>)
      %dma_wait3A_977 = arith.constant 0 : i32
      %dma_wait3A_978 = tpu.memref_slice %arg5[%dma_wait3A_977] : memref<10000xi32, #tpu.memory_space<vmem>> -> memref<128xi32, #tpu.memory_space<vmem>>
      %dma_wait3A_979 = arith.constant 0 : i32
      %dma_wait3A_980 = arith.constant 0 : i32
      %dma_wait3A_981 = tpu.memref_slice %arg2[%dma_wait3A_979, %dma_wait3A_980] : memref<10000x32xf32, #tpu.memory_space<hbm>> -> memref<10000x32xf32, #tpu.memory_space<hbm>>
      tpu.wait_indirect_dma semaphore(%arg60 : memref<!tpu.dma_semaphore, #tpu.memory_space<semaphore_mem>>) src(%dma_wait3A_981 : memref<10000x32xf32, #tpu.memory_space<hbm>>) dst(%arg29 : memref<128x32xf32, #tpu.memory_space<vmem>>)
      "tpu.region"() ({
        %run_scoped3A_1035 = tpu.sem_alloc : memref<!tpu.dma_semaphore, #tpu.memory_space<semaphore_mem>>
        %dma_start3A_1036 = arith.constant 0 : i32
        %dma_start3A_1037 = arith.constant 0 : i32
        %dma_start3A_1038 = tpu.memref_slice %arg36[%dma_start3A_1036, %dma_start3A_1037] : memref<10000x32xf32, #tpu.memory_space<vmem_shared>> -> memref<10000x32xf32, #tpu.memory_space<vmem_shared>>
        tpu.enqueue_indirect_dma source(%arg29 : memref<128x32xf32, #tpu.memory_space<vmem>>) target(%dma_start3A_1038 : memref<10000x32xf32, #tpu.memory_space<vmem_shared>>) offsets(%arg16 : memref<128xi32, #tpu.memory_space<vmem>>) semaphore(%run_scoped3A_1035 : memref<!tpu.dma_semaphore, #tpu.memory_space<semaphore_mem>>) {add = true}
        %dma_wait3A_1039 = arith.constant 0 : i32
        %dma_wait3A_1040 = arith.constant 0 : i32
        %dma_wait3A_1041 = tpu.memref_slice %arg36[%dma_wait3A_1039, %dma_wait3A_1040] : memref<10000x32xf32, #tpu.memory_space<vmem_shared>> -> memref<10000x32xf32, #tpu.memory_space<vmem_shared>>
        tpu.wait_indirect_dma semaphore(%run_scoped3A_1035 : memref<!tpu.dma_semaphore, #tpu.memory_space<semaphore_mem>>) src(%arg29 : memref<128x32xf32, #tpu.memory_space<vmem>>) dst(%dma_wait3A_1041 : memref<10000x32xf32, #tpu.memory_space<vmem_shared>>)
        tpu.yield
      }) : () -> ()
      %add3A_982 = arith.constant 13 : i32
      %add3A_983 = arith.addi %add3A_969, %add3A_982 : i32
      %lt3A_984 = arith.constant 78 : i32
      %lt3A_985 = arith.cmpi slt, %add3A_983, %lt3A_984 : i32
      %convert_element_type3A_986 = arith.extui %lt3A_985 : i1 to i32
      %cond3A_987 = arith.constant 0 : i32
      %cond3A_988 = arith.cmpi ne, %convert_element_type3A_986, %cond3A_987 : i32
      scf.if %cond3A_988 {
        %mul3A_1035 = arith.constant 128 : i32
        %mul3A_1036 = arith.muli %add3A_983, %mul3A_1035 : i32
        %add3A_1037 = arith.addi %mul3A_453, %mul3A_1036 : i32
        %multiple_of3A_1038 = tpu.assume_multiple %add3A_1037, 8 : i32
        %dma_start3A_1039 = arith.constant 1 : i32
        %dma_start3A_1040 = tpu.memref_slice %arg3[%dma_start3A_1039, %multiple_of3A_1038] : memref<2x320000xi32, #tpu.memory_space<hbm>> -> memref<1x128xi32, #tpu.memory_space<hbm>>
        %dma_start3A_1041 = tpu.memref_squeeze %dma_start3A_1040 : memref<1x128xi32, #tpu.memory_space<hbm>> -> memref<128xi32, #tpu.memory_space<hbm>>
        %dma_start3A_1042 = tpu.memref_slice %arg3[%dma_start3A_1039, %multiple_of3A_1038] : memref<2x320000xi32, #tpu.memory_space<hbm>> -> memref<1x128xi32, #tpu.memory_space<hbm>>
        %dma_start3A_1043 = tpu.memref_squeeze %dma_start3A_1042 : memref<1x128xi32, #tpu.memory_space<hbm>> -> memref<128xi32, #tpu.memory_space<hbm>>
        tpu.enqueue_dma source(%dma_start3A_1043 : memref<128xi32, #tpu.memory_space<hbm>>) target(%arg16 : memref<128xi32, #tpu.memory_space<vmem>>) target_semaphore(%arg47 : memref<!tpu.dma_semaphore, #tpu.memory_space<semaphore_mem>>)
        %mul3A_1044 = arith.constant 128 : i32
        %mul3A_1045 = arith.muli %add3A_983, %mul3A_1044 : i32
        %dma_start3A_1046 = tpu.memref_slice %arg5[%mul3A_1045] : memref<10000xi32, #tpu.memory_space<vmem>> -> memref<128xi32, #tpu.memory_space<vmem>>
        %dma_start3A_1047 = arith.constant 0 : i32
        %dma_start3A_1048 = arith.constant 0 : i32
        %dma_start3A_1049 = tpu.memref_slice %arg2[%dma_start3A_1047, %dma_start3A_1048] : memref<10000x32xf32, #tpu.memory_space<hbm>> -> memref<10000x32xf32, #tpu.memory_space<hbm>>
        tpu.enqueue_indirect_dma source(%dma_start3A_1049 : memref<10000x32xf32, #tpu.memory_space<hbm>>) target(%arg29 : memref<128x32xf32, #tpu.memory_space<vmem>>) offsets(%dma_start3A_1046 : memref<128xi32, #tpu.memory_space<vmem>>) semaphore(%arg60 : memref<!tpu.dma_semaphore, #tpu.memory_space<semaphore_mem>>)
      } else {
      }
      %mul3A_989 = arith.constant 13 : i32
      %mul3A_990 = arith.muli %scan3A_738, %mul3A_989 : i32
      %add3A_991 = arith.constant 11 : i32
      %add3A_992 = arith.addi %mul3A_990, %add3A_991 : i32
      %dma_wait3A_993 = arith.constant 1 : i32
      %dma_wait3A_994 = arith.constant 0 : i32
      %dma_wait3A_995 = tpu.memref_slice %arg3[%dma_wait3A_993, %dma_wait3A_994] : memref<2x320000xi32, #tpu.memory_space<hbm>> -> memref<1x128xi32, #tpu.memory_space<hbm>>
      %dma_wait3A_996 = tpu.memref_squeeze %dma_wait3A_995 : memref<1x128xi32, #tpu.memory_space<hbm>> -> memref<128xi32, #tpu.memory_space<hbm>>
      %dma_wait3A_997 = arith.constant 0 : i32
      %dma_wait3A_998 = tpu.memref_slice %arg3[%dma_wait3A_993, %dma_wait3A_997] : memref<2x320000xi32, #tpu.memory_space<hbm>> -> memref<1x128xi32, #tpu.memory_space<hbm>>
      %dma_wait3A_999 = tpu.memref_squeeze %dma_wait3A_998 : memref<1x128xi32, #tpu.memory_space<hbm>> -> memref<128xi32, #tpu.memory_space<hbm>>
      tpu.wait_dma2 semaphore(%arg48 : memref<!tpu.dma_semaphore, #tpu.memory_space<semaphore_mem>>) src(%dma_wait3A_999 : memref<128xi32, #tpu.memory_space<hbm>>) dst(%arg17 : memref<128xi32, #tpu.memory_space<vmem>>)
      %dma_wait3A_1000 = arith.constant 0 : i32
      %dma_wait3A_1001 = tpu.memref_slice %arg5[%dma_wait3A_1000] : memref<10000xi32, #tpu.memory_space<vmem>> -> memref<128xi32, #tpu.memory_space<vmem>>
      %dma_wait3A_1002 = arith.constant 0 : i32
      %dma_wait3A_1003 = arith.constant 0 : i32
      %dma_wait3A_1004 = tpu.memref_slice %arg2[%dma_wait3A_1002, %dma_wait3A_1003] : memref<10000x32xf32, #tpu.memory_space<hbm>> -> memref<10000x32xf32, #tpu.memory_space<hbm>>
      tpu.wait_indirect_dma semaphore(%arg61 : memref<!tpu.dma_semaphore, #tpu.memory_space<semaphore_mem>>) src(%dma_wait3A_1004 : memref<10000x32xf32, #tpu.memory_space<hbm>>) dst(%arg30 : memref<128x32xf32, #tpu.memory_space<vmem>>)
      "tpu.region"() ({
        %run_scoped3A_1035 = tpu.sem_alloc : memref<!tpu.dma_semaphore, #tpu.memory_space<semaphore_mem>>
        %dma_start3A_1036 = arith.constant 0 : i32
        %dma_start3A_1037 = arith.constant 0 : i32
        %dma_start3A_1038 = tpu.memref_slice %arg36[%dma_start3A_1036, %dma_start3A_1037] : memref<10000x32xf32, #tpu.memory_space<vmem_shared>> -> memref<10000x32xf32, #tpu.memory_space<vmem_shared>>
        tpu.enqueue_indirect_dma source(%arg30 : memref<128x32xf32, #tpu.memory_space<vmem>>) target(%dma_start3A_1038 : memref<10000x32xf32, #tpu.memory_space<vmem_shared>>) offsets(%arg17 : memref<128xi32, #tpu.memory_space<vmem>>) semaphore(%run_scoped3A_1035 : memref<!tpu.dma_semaphore, #tpu.memory_space<semaphore_mem>>) {add = true}
        %dma_wait3A_1039 = arith.constant 0 : i32
        %dma_wait3A_1040 = arith.constant 0 : i32
        %dma_wait3A_1041 = tpu.memref_slice %arg36[%dma_wait3A_1039, %dma_wait3A_1040] : memref<10000x32xf32, #tpu.memory_space<vmem_shared>> -> memref<10000x32xf32, #tpu.memory_space<vmem_shared>>
        tpu.wait_indirect_dma semaphore(%run_scoped3A_1035 : memref<!tpu.dma_semaphore, #tpu.memory_space<semaphore_mem>>) src(%arg30 : memref<128x32xf32, #tpu.memory_space<vmem>>) dst(%dma_wait3A_1041 : memref<10000x32xf32, #tpu.memory_space<vmem_shared>>)
        tpu.yield
      }) : () -> ()
      %add3A_1005 = arith.constant 13 : i32
      %add3A_1006 = arith.addi %add3A_992, %add3A_1005 : i32
      %lt3A_1007 = arith.constant 78 : i32
      %lt3A_1008 = arith.cmpi slt, %add3A_1006, %lt3A_1007 : i32
      %convert_element_type3A_1009 = arith.extui %lt3A_1008 : i1 to i32
      %cond3A_1010 = arith.constant 0 : i32
      %cond3A_1011 = arith.cmpi ne, %convert_element_type3A_1009, %cond3A_1010 : i32
      scf.if %cond3A_1011 {
        %mul3A_1035 = arith.constant 128 : i32
        %mul3A_1036 = arith.muli %add3A_1006, %mul3A_1035 : i32
        %add3A_1037 = arith.addi %mul3A_453, %mul3A_1036 : i32
        %multiple_of3A_1038 = tpu.assume_multiple %add3A_1037, 8 : i32
        %dma_start3A_1039 = arith.constant 1 : i32
        %dma_start3A_1040 = tpu.memref_slice %arg3[%dma_start3A_1039, %multiple_of3A_1038] : memref<2x320000xi32, #tpu.memory_space<hbm>> -> memref<1x128xi32, #tpu.memory_space<hbm>>
        %dma_start3A_1041 = tpu.memref_squeeze %dma_start3A_1040 : memref<1x128xi32, #tpu.memory_space<hbm>> -> memref<128xi32, #tpu.memory_space<hbm>>
        %dma_start3A_1042 = tpu.memref_slice %arg3[%dma_start3A_1039, %multiple_of3A_1038] : memref<2x320000xi32, #tpu.memory_space<hbm>> -> memref<1x128xi32, #tpu.memory_space<hbm>>
        %dma_start3A_1043 = tpu.memref_squeeze %dma_start3A_1042 : memref<1x128xi32, #tpu.memory_space<hbm>> -> memref<128xi32, #tpu.memory_space<hbm>>
        tpu.enqueue_dma source(%dma_start3A_1043 : memref<128xi32, #tpu.memory_space<hbm>>) target(%arg17 : memref<128xi32, #tpu.memory_space<vmem>>) target_semaphore(%arg48 : memref<!tpu.dma_semaphore, #tpu.memory_space<semaphore_mem>>)
        %mul3A_1044 = arith.constant 128 : i32
        %mul3A_1045 = arith.muli %add3A_1006, %mul3A_1044 : i32
        %dma_start3A_1046 = tpu.memref_slice %arg5[%mul3A_1045] : memref<10000xi32, #tpu.memory_space<vmem>> -> memref<128xi32, #tpu.memory_space<vmem>>
        %dma_start3A_1047 = arith.constant 0 : i32
        %dma_start3A_1048 = arith.constant 0 : i32
        %dma_start3A_1049 = tpu.memref_slice %arg2[%dma_start3A_1047, %dma_start3A_1048] : memref<10000x32xf32, #tpu.memory_space<hbm>> -> memref<10000x32xf32, #tpu.memory_space<hbm>>
        tpu.enqueue_indirect_dma source(%dma_start3A_1049 : memref<10000x32xf32, #tpu.memory_space<hbm>>) target(%arg30 : memref<128x32xf32, #tpu.memory_space<vmem>>) offsets(%dma_start3A_1046 : memref<128xi32, #tpu.memory_space<vmem>>) semaphore(%arg61 : memref<!tpu.dma_semaphore, #tpu.memory_space<semaphore_mem>>)
      } else {
      }
      %mul3A_1012 = arith.constant 13 : i32
      %mul3A_1013 = arith.muli %scan3A_738, %mul3A_1012 : i32
      %add3A_1014 = arith.constant 12 : i32
      %add3A_1015 = arith.addi %mul3A_1013, %add3A_1014 : i32
      %dma_wait3A_1016 = arith.constant 1 : i32
      %dma_wait3A_1017 = arith.constant 0 : i32
      %dma_wait3A_1018 = tpu.memref_slice %arg3[%dma_wait3A_1016, %dma_wait3A_1017] : memref<2x320000xi32, #tpu.memory_space<hbm>> -> memref<1x128xi32, #tpu.memory_space<hbm>>
      %dma_wait3A_1019 = tpu.memref_squeeze %dma_wait3A_1018 : memref<1x128xi32, #tpu.memory_space<hbm>> -> memref<128xi32, #tpu.memory_space<hbm>>
      %dma_wait3A_1020 = arith.constant 0 : i32
      %dma_wait3A_1021 = tpu.memref_slice %arg3[%dma_wait3A_1016, %dma_wait3A_1020] : memref<2x320000xi32, #tpu.memory_space<hbm>> -> memref<1x128xi32, #tpu.memory_space<hbm>>
      %dma_wait3A_1022 = tpu.memref_squeeze %dma_wait3A_1021 : memref<1x128xi32, #tpu.memory_space<hbm>> -> memref<128xi32, #tpu.memory_space<hbm>>
      tpu.wait_dma2 semaphore(%arg49 : memref<!tpu.dma_semaphore, #tpu.memory_space<semaphore_mem>>) src(%dma_wait3A_1022 : memref<128xi32, #tpu.memory_space<hbm>>) dst(%arg18 : memref<128xi32, #tpu.memory_space<vmem>>)
      %dma_wait3A_1023 = arith.constant 0 : i32
      %dma_wait3A_1024 = tpu.memref_slice %arg5[%dma_wait3A_1023] : memref<10000xi32, #tpu.memory_space<vmem>> -> memref<128xi32, #tpu.memory_space<vmem>>
      %dma_wait3A_1025 = arith.constant 0 : i32
      %dma_wait3A_1026 = arith.constant 0 : i32
      %dma_wait3A_1027 = tpu.memref_slice %arg2[%dma_wait3A_1025, %dma_wait3A_1026] : memref<10000x32xf32, #tpu.memory_space<hbm>> -> memref<10000x32xf32, #tpu.memory_space<hbm>>
      tpu.wait_indirect_dma semaphore(%arg62 : memref<!tpu.dma_semaphore, #tpu.memory_space<semaphore_mem>>) src(%dma_wait3A_1027 : memref<10000x32xf32, #tpu.memory_space<hbm>>) dst(%arg31 : memref<128x32xf32, #tpu.memory_space<vmem>>)
      "tpu.region"() ({
        %run_scoped3A_1035 = tpu.sem_alloc : memref<!tpu.dma_semaphore, #tpu.memory_space<semaphore_mem>>
        %dma_start3A_1036 = arith.constant 0 : i32
        %dma_start3A_1037 = arith.constant 0 : i32
        %dma_start3A_1038 = tpu.memref_slice %arg36[%dma_start3A_1036, %dma_start3A_1037] : memref<10000x32xf32, #tpu.memory_space<vmem_shared>> -> memref<10000x32xf32, #tpu.memory_space<vmem_shared>>
        tpu.enqueue_indirect_dma source(%arg31 : memref<128x32xf32, #tpu.memory_space<vmem>>) target(%dma_start3A_1038 : memref<10000x32xf32, #tpu.memory_space<vmem_shared>>) offsets(%arg18 : memref<128xi32, #tpu.memory_space<vmem>>) semaphore(%run_scoped3A_1035 : memref<!tpu.dma_semaphore, #tpu.memory_space<semaphore_mem>>) {add = true}
        %dma_wait3A_1039 = arith.constant 0 : i32
        %dma_wait3A_1040 = arith.constant 0 : i32
        %dma_wait3A_1041 = tpu.memref_slice %arg36[%dma_wait3A_1039, %dma_wait3A_1040] : memref<10000x32xf32, #tpu.memory_space<vmem_shared>> -> memref<10000x32xf32, #tpu.memory_space<vmem_shared>>
        tpu.wait_indirect_dma semaphore(%run_scoped3A_1035 : memref<!tpu.dma_semaphore, #tpu.memory_space<semaphore_mem>>) src(%arg31 : memref<128x32xf32, #tpu.memory_space<vmem>>) dst(%dma_wait3A_1041 : memref<10000x32xf32, #tpu.memory_space<vmem_shared>>)
        tpu.yield
      }) : () -> ()
      %add3A_1028 = arith.constant 13 : i32
      %add3A_1029 = arith.addi %add3A_1015, %add3A_1028 : i32
      %lt3A_1030 = arith.constant 78 : i32
      %lt3A_1031 = arith.cmpi slt, %add3A_1029, %lt3A_1030 : i32
      %convert_element_type3A_1032 = arith.extui %lt3A_1031 : i1 to i32
      %cond3A_1033 = arith.constant 0 : i32
      %cond3A_1034 = arith.cmpi ne, %convert_element_type3A_1032, %cond3A_1033 : i32
      scf.if %cond3A_1034 {
        %mul3A_1035 = arith.constant 128 : i32
        %mul3A_1036 = arith.muli %add3A_1029, %mul3A_1035 : i32
        %add3A_1037 = arith.addi %mul3A_453, %mul3A_1036 : i32
        %multiple_of3A_1038 = tpu.assume_multiple %add3A_1037, 8 : i32
        %dma_start3A_1039 = arith.constant 1 : i32
        %dma_start3A_1040 = tpu.memref_slice %arg3[%dma_start3A_1039, %multiple_of3A_1038] : memref<2x320000xi32, #tpu.memory_space<hbm>> -> memref<1x128xi32, #tpu.memory_space<hbm>>
        %dma_start3A_1041 = tpu.memref_squeeze %dma_start3A_1040 : memref<1x128xi32, #tpu.memory_space<hbm>> -> memref<128xi32, #tpu.memory_space<hbm>>
        %dma_start3A_1042 = tpu.memref_slice %arg3[%dma_start3A_1039, %multiple_of3A_1038] : memref<2x320000xi32, #tpu.memory_space<hbm>> -> memref<1x128xi32, #tpu.memory_space<hbm>>
        %dma_start3A_1043 = tpu.memref_squeeze %dma_start3A_1042 : memref<1x128xi32, #tpu.memory_space<hbm>> -> memref<128xi32, #tpu.memory_space<hbm>>
        tpu.enqueue_dma source(%dma_start3A_1043 : memref<128xi32, #tpu.memory_space<hbm>>) target(%arg18 : memref<128xi32, #tpu.memory_space<vmem>>) target_semaphore(%arg49 : memref<!tpu.dma_semaphore, #tpu.memory_space<semaphore_mem>>)
        %mul3A_1044 = arith.constant 128 : i32
        %mul3A_1045 = arith.muli %add3A_1029, %mul3A_1044 : i32
        %dma_start3A_1046 = tpu.memref_slice %arg5[%mul3A_1045] : memref<10000xi32, #tpu.memory_space<vmem>> -> memref<128xi32, #tpu.memory_space<vmem>>
        %dma_start3A_1047 = arith.constant 0 : i32
        %dma_start3A_1048 = arith.constant 0 : i32
        %dma_start3A_1049 = tpu.memref_slice %arg2[%dma_start3A_1047, %dma_start3A_1048] : memref<10000x32xf32, #tpu.memory_space<hbm>> -> memref<10000x32xf32, #tpu.memory_space<hbm>>
        tpu.enqueue_indirect_dma source(%dma_start3A_1049 : memref<10000x32xf32, #tpu.memory_space<hbm>>) target(%arg31 : memref<128x32xf32, #tpu.memory_space<vmem>>) offsets(%dma_start3A_1046 : memref<128xi32, #tpu.memory_space<vmem>>) semaphore(%arg62 : memref<!tpu.dma_semaphore, #tpu.memory_space<semaphore_mem>>)
      } else {
      }
    }
    %scan3A_725 = arith.constant 6 : i32
    %add3A_726 = arith.constant 9984 : i32
    %add3A_727 = arith.addi %mul3A_453, %add3A_726 : i32
    %multiple_of3A_728 = tpu.assume_multiple %add3A_727, 8 : i32
    %run_scoped3A_729 = arith.constant 0 : i32
    "tpu.region"() ({
      %run_scoped3A_738 = tpu.sem_alloc : memref<!tpu.dma_semaphore, #tpu.memory_space<semaphore_mem>>
      %dma_start3A_739 = tpu.memref_slice %arg3[%run_scoped3A_729, %multiple_of3A_728] : memref<2x320000xi32, #tpu.memory_space<hbm>> -> memref<1x16xi32, #tpu.memory_space<hbm>>
      %dma_start3A_740 = tpu.memref_squeeze %dma_start3A_739 : memref<1x16xi32, #tpu.memory_space<hbm>> -> memref<16xi32, #tpu.memory_space<hbm>>
      %dma_start3A_741 = tpu.memref_slice %arg3[%run_scoped3A_729, %multiple_of3A_728] : memref<2x320000xi32, #tpu.memory_space<hbm>> -> memref<1x16xi32, #tpu.memory_space<hbm>>
      %dma_start3A_742 = tpu.memref_squeeze %dma_start3A_741 : memref<1x16xi32, #tpu.memory_space<hbm>> -> memref<16xi32, #tpu.memory_space<hbm>>
      tpu.enqueue_dma source(%dma_start3A_742 : memref<16xi32, #tpu.memory_space<hbm>>) target(%arg32 : memref<16xi32, #tpu.memory_space<vmem>>) target_semaphore(%run_scoped3A_738 : memref<!tpu.dma_semaphore, #tpu.memory_space<semaphore_mem>>)
      %dma_wait3A_743 = tpu.memref_slice %arg3[%run_scoped3A_729, %multiple_of3A_728] : memref<2x320000xi32, #tpu.memory_space<hbm>> -> memref<1x16xi32, #tpu.memory_space<hbm>>
      %dma_wait3A_744 = tpu.memref_squeeze %dma_wait3A_743 : memref<1x16xi32, #tpu.memory_space<hbm>> -> memref<16xi32, #tpu.memory_space<hbm>>
      %dma_wait3A_745 = tpu.memref_slice %arg3[%run_scoped3A_729, %multiple_of3A_728] : memref<2x320000xi32, #tpu.memory_space<hbm>> -> memref<1x16xi32, #tpu.memory_space<hbm>>
      %dma_wait3A_746 = tpu.memref_squeeze %dma_wait3A_745 : memref<1x16xi32, #tpu.memory_space<hbm>> -> memref<16xi32, #tpu.memory_space<hbm>>
      tpu.wait_dma2 semaphore(%run_scoped3A_738 : memref<!tpu.dma_semaphore, #tpu.memory_space<semaphore_mem>>) src(%dma_wait3A_746 : memref<16xi32, #tpu.memory_space<hbm>>) dst(%arg32 : memref<16xi32, #tpu.memory_space<vmem>>)
      tpu.yield
    }) : () -> ()
    %run_scoped3A_730 = arith.constant 1 : i32
    "tpu.region"() ({
      %run_scoped3A_738 = tpu.sem_alloc : memref<!tpu.dma_semaphore, #tpu.memory_space<semaphore_mem>>
      %dma_start3A_739 = tpu.memref_slice %arg3[%run_scoped3A_730, %multiple_of3A_728] : memref<2x320000xi32, #tpu.memory_space<hbm>> -> memref<1x16xi32, #tpu.memory_space<hbm>>
      %dma_start3A_740 = tpu.memref_squeeze %dma_start3A_739 : memref<1x16xi32, #tpu.memory_space<hbm>> -> memref<16xi32, #tpu.memory_space<hbm>>
      %dma_start3A_741 = tpu.memref_slice %arg3[%run_scoped3A_730, %multiple_of3A_728] : memref<2x320000xi32, #tpu.memory_space<hbm>> -> memref<1x16xi32, #tpu.memory_space<hbm>>
      %dma_start3A_742 = tpu.memref_squeeze %dma_start3A_741 : memref<1x16xi32, #tpu.memory_space<hbm>> -> memref<16xi32, #tpu.memory_space<hbm>>
      tpu.enqueue_dma source(%dma_start3A_742 : memref<16xi32, #tpu.memory_space<hbm>>) target(%arg33 : memref<16xi32, #tpu.memory_space<vmem>>) target_semaphore(%run_scoped3A_738 : memref<!tpu.dma_semaphore, #tpu.memory_space<semaphore_mem>>)
      %dma_wait3A_743 = tpu.memref_slice %arg3[%run_scoped3A_730, %multiple_of3A_728] : memref<2x320000xi32, #tpu.memory_space<hbm>> -> memref<1x16xi32, #tpu.memory_space<hbm>>
      %dma_wait3A_744 = tpu.memref_squeeze %dma_wait3A_743 : memref<1x16xi32, #tpu.memory_space<hbm>> -> memref<16xi32, #tpu.memory_space<hbm>>
      %dma_wait3A_745 = tpu.memref_slice %arg3[%run_scoped3A_730, %multiple_of3A_728] : memref<2x320000xi32, #tpu.memory_space<hbm>> -> memref<1x16xi32, #tpu.memory_space<hbm>>
      %dma_wait3A_746 = tpu.memref_squeeze %dma_wait3A_745 : memref<1x16xi32, #tpu.memory_space<hbm>> -> memref<16xi32, #tpu.memory_space<hbm>>
      tpu.wait_dma2 semaphore(%run_scoped3A_738 : memref<!tpu.dma_semaphore, #tpu.memory_space<semaphore_mem>>) src(%dma_wait3A_746 : memref<16xi32, #tpu.memory_space<hbm>>) dst(%arg33 : memref<16xi32, #tpu.memory_space<vmem>>)
      tpu.yield
    }) : () -> ()
    %dma_start3A_731 = arith.constant 0 : i32
    %dma_start3A_732 = arith.constant 0 : i32
    %dma_start3A_733 = tpu.memref_slice %arg2[%dma_start3A_731, %dma_start3A_732] : memref<10000x32xf32, #tpu.memory_space<hbm>> -> memref<10000x32xf32, #tpu.memory_space<hbm>>
    tpu.enqueue_indirect_dma source(%dma_start3A_733 : memref<10000x32xf32, #tpu.memory_space<hbm>>) target(%arg34 : memref<16x32xf32, #tpu.memory_space<vmem>>) offsets(%arg32 : memref<16xi32, #tpu.memory_space<vmem>>) semaphore(%arg63 : memref<!tpu.dma_semaphore, #tpu.memory_space<semaphore_mem>>)
    %dma_wait3A_734 = arith.constant 0 : i32
    %dma_wait3A_735 = arith.constant 0 : i32
    %dma_wait3A_736 = tpu.memref_slice %arg2[%dma_wait3A_734, %dma_wait3A_735] : memref<10000x32xf32, #tpu.memory_space<hbm>> -> memref<10000x32xf32, #tpu.memory_space<hbm>>
    tpu.wait_indirect_dma semaphore(%arg63 : memref<!tpu.dma_semaphore, #tpu.memory_space<semaphore_mem>>) src(%dma_wait3A_736 : memref<10000x32xf32, #tpu.memory_space<hbm>>) dst(%arg34 : memref<16x32xf32, #tpu.memory_space<vmem>>)
    "tpu.region"() ({
      %run_scoped3A_738 = tpu.sem_alloc : memref<!tpu.dma_semaphore, #tpu.memory_space<semaphore_mem>>
      %dma_start3A_739 = arith.constant 0 : i32
      %dma_start3A_740 = arith.constant 0 : i32
      %dma_start3A_741 = tpu.memref_slice %arg36[%dma_start3A_739, %dma_start3A_740] : memref<10000x32xf32, #tpu.memory_space<vmem_shared>> -> memref<10000x32xf32, #tpu.memory_space<vmem_shared>>
      tpu.enqueue_indirect_dma source(%arg34 : memref<16x32xf32, #tpu.memory_space<vmem>>) target(%dma_start3A_741 : memref<10000x32xf32, #tpu.memory_space<vmem_shared>>) offsets(%arg33 : memref<16xi32, #tpu.memory_space<vmem>>) semaphore(%run_scoped3A_738 : memref<!tpu.dma_semaphore, #tpu.memory_space<semaphore_mem>>) {add = true}
      %dma_wait3A_742 = arith.constant 0 : i32
      %dma_wait3A_743 = arith.constant 0 : i32
      %dma_wait3A_744 = tpu.memref_slice %arg36[%dma_wait3A_742, %dma_wait3A_743] : memref<10000x32xf32, #tpu.memory_space<vmem_shared>> -> memref<10000x32xf32, #tpu.memory_space<vmem_shared>>
      tpu.wait_indirect_dma semaphore(%run_scoped3A_738 : memref<!tpu.dma_semaphore, #tpu.memory_space<semaphore_mem>>) src(%arg34 : memref<16x32xf32, #tpu.memory_space<vmem>>) dst(%dma_wait3A_744 : memref<10000x32xf32, #tpu.memory_space<vmem_shared>>)
      tpu.yield
    }) : () -> ()
    %barrier3A_737 = arith.constant 0 : index
    tpu.barrier barrier_id(%barrier3A_737)
    "tpu.region"() ({
      %run_scoped3A_738 = tpu.sem_alloc : memref<!tpu.dma_semaphore, #tpu.memory_space<semaphore_mem>>
      %dma_start3A_739 = arith.constant 0 : i32
      %dma_start3A_740 = tpu.memref_slice %arg4[%arg0, %mul3A_2, %dma_start3A_739] : memref<2x10000x32xf32, #tpu.memory_space<hbm>> -> memref<1x625x32xf32, #tpu.memory_space<hbm>>
      %dma_start3A_741 = tpu.memref_squeeze %dma_start3A_740 : memref<1x625x32xf32, #tpu.memory_space<hbm>> -> memref<625x32xf32, #tpu.memory_space<hbm>>
      %dma_start3A_742 = arith.constant 0 : i32
      %dma_start3A_743 = tpu.memref_slice %arg36[%mul3A_2, %dma_start3A_742] : memref<10000x32xf32, #tpu.memory_space<vmem_shared>> -> memref<625x32xf32, #tpu.memory_space<vmem_shared>>
      tpu.enqueue_dma source(%dma_start3A_743 : memref<625x32xf32, #tpu.memory_space<vmem_shared>>) target(%dma_start3A_741 : memref<625x32xf32, #tpu.memory_space<hbm>>) target_semaphore(%run_scoped3A_738 : memref<!tpu.dma_semaphore, #tpu.memory_space<semaphore_mem>>)
      %dma_wait3A_744 = arith.constant 0 : i32
      %dma_wait3A_745 = tpu.memref_slice %arg4[%arg0, %mul3A_2, %dma_wait3A_744] : memref<2x10000x32xf32, #tpu.memory_space<hbm>> -> memref<1x625x32xf32, #tpu.memory_space<hbm>>
      %dma_wait3A_746 = tpu.memref_squeeze %dma_wait3A_745 : memref<1x625x32xf32, #tpu.memory_space<hbm>> -> memref<625x32xf32, #tpu.memory_space<hbm>>
      %dma_wait3A_747 = arith.constant 0 : i32
      %dma_wait3A_748 = tpu.memref_slice %arg36[%mul3A_2, %dma_wait3A_747] : memref<10000x32xf32, #tpu.memory_space<vmem_shared>> -> memref<625x32xf32, #tpu.memory_space<vmem_shared>>
      tpu.wait_dma2 semaphore(%run_scoped3A_738 : memref<!tpu.dma_semaphore, #tpu.memory_space<semaphore_mem>>) src(%dma_wait3A_748 : memref<625x32xf32, #tpu.memory_space<vmem_shared>>) dst(%dma_wait3A_746 : memref<625x32xf32, #tpu.memory_space<hbm>>)
      tpu.yield
    }) : () -> ()
    return
  }
}

module attributes {stable_mosaic.version = 14 : i64} {
  func.func @_mm_scale(%arg0: i32, %arg1: memref<2x2048xf32, #tpu.memory_space<vmem>>, %arg2: memref<2048x128xf32, #tpu.memory_space<vmem>>, %arg3: memref<128x64xf32, #tpu.memory_space<vmem>>, %arg4: memref<2048x64xf32, #tpu.memory_space<vmem>>) attributes {dimension_semantics = [#tpu.dimension_semantics<arbitrary>], iteration_bounds = array<i64: 5>, scalar_prefetch = 0 : i64, scratch_operands = 0 : i64, tpu.core_type = #tpu.core_type<tc>, window_params = [{transform_indices = @transform_0, window_bounds = array<i64: 2, 2048>}, {transform_indices = @transform_1, window_bounds = array<i64: 2048, 128>}, {pipeline_mode = #tpu.pipeline_mode<synchronous>, transform_indices = @transform_2, window_bounds = array<i64: 128, 64>}, {transform_indices = @transform_3, window_bounds = array<i64: 2048, 64>}]} {
    %get3A = arith.constant 0 : index
    %get3A_0 = arith.constant 0 : index
    %get3A_1 = vector.load %arg1[%get3A, %get3A_0] : memref<2x2048xf32, #tpu.memory_space<vmem>>, vector<1x2048xf32>
    %get3A_2 = vector.shape_cast %get3A_1 : vector<1x2048xf32> to vector<2048xf32>
    %get3A_3 = arith.constant 1 : index
    %get3A_4 = arith.constant 0 : index
    %get3A_5 = vector.load %arg1[%get3A_3, %get3A_4] : memref<2x2048xf32, #tpu.memory_space<vmem>>, vector<1x2048xf32>
    %get3A_6 = vector.shape_cast %get3A_5 : vector<1x2048xf32> to vector<2048xf32>
    %add3A = arith.addf %get3A_2, %get3A_6 : vector<2048xf32>
    %add3A_7 = arith.constant 1.000000e+00 : f32
    %add3A_8 = vector.broadcast %add3A_7 : f32 to vector<2048xf32>
    %add3A_9 = arith.addf %add3A, %add3A_8 : vector<2048xf32>
    %rsqrt3A = math.rsqrt %add3A_9 : vector<2048xf32>
    %reshape3A = vector.shape_cast %rsqrt3A : vector<2048xf32> to vector<2048x1xf32>
    %get3A_10 = arith.constant 0 : index
    %get3A_11 = arith.constant 0 : index
    %get3A_12 = vector.load %arg2[%get3A_10, %get3A_11] : memref<2048x128xf32, #tpu.memory_space<vmem>>, vector<2048x128xf32>
    %get3A_13 = arith.constant 0 : index
    %get3A_14 = arith.constant 0 : index
    %get3A_15 = vector.load %arg3[%get3A_13, %get3A_14] : memref<128x64xf32, #tpu.memory_space<vmem>>, vector<128x64xf32>
    %dot_general3A = arith.constant dense<0.000000e+00> : vector<2048x64xf32>
    %dot_general3A_16 = tpu.matmul %get3A_12, %get3A_15, %dot_general3A {dimension_numbers = #tpu.dot_dimension_numbers<[1], [0], [0], [1], [0, 0, 1, 1], [], []>, transpose_lhs_hint = false} : vector<2048x128xf32>, vector<128x64xf32>, vector<2048x64xf32> -> vector<2048x64xf32>
    %mul3A = vector.broadcast %reshape3A : vector<2048x1xf32> to vector<2048x64xf32>
    %mul3A_17 = arith.mulf %dot_general3A_16, %mul3A : vector<2048x64xf32>
    %swap3A = arith.constant 0 : index
    %swap3A_18 = arith.constant 0 : index
    %swap3A_19 = vector.load %arg4[%swap3A, %swap3A_18] : memref<2048x64xf32, #tpu.memory_space<vmem>>, vector<2048x64xf32>
    tpu.vector_store %arg4[%swap3A, %swap3A_18], %mul3A_17 {strides = array<i32>} : memref<2048x64xf32, #tpu.memory_space<vmem>>, vector<2048x64xf32>,
    return
  }
  func.func @transform_0(%arg0: i32) -> (i32, i32) {
    %c0_i32 = arith.constant 0 : i32
    %c0_i32_0 = arith.constant 0 : i32
    return %c0_i32, %arg0 : i32, i32
  }
  func.func @transform_1(%arg0: i32) -> (i32, i32) {
    %c0_i32 = arith.constant 0 : i32
    %c0_i32_0 = arith.constant 0 : i32
    return %arg0, %c0_i32 : i32, i32
  }
  func.func @transform_2(%arg0: i32) -> (i32, i32) {
    %c0_i32 = arith.constant 0 : i32
    %c0_i32_0 = arith.constant 0 : i32
    %c0_i32_1 = arith.constant 0 : i32
    return %c0_i32, %c0_i32_0 : i32, i32
  }
  func.func @transform_3(%arg0: i32) -> (i32, i32) {
    %c0_i32 = arith.constant 0 : i32
    %c0_i32_0 = arith.constant 0 : i32
    return %arg0, %c0_i32 : i32, i32
  }
}

module attributes {stable_mosaic.version = 14 : i64} {
  func.func @_layer2(%arg0: i32, %arg1: memref<2x2048xf32, #tpu.memory_space<vmem>>, %arg2: memref<2x2048x64xf32, #tpu.memory_space<vmem>>, %arg3: memref<2048x64xf32, #tpu.memory_space<vmem>>, %arg4: memref<1x64xf32, #tpu.memory_space<vmem>>, %arg5: memref<64x32xf32, #tpu.memory_space<vmem>>, %arg6: memref<2048x32xf32, #tpu.memory_space<vmem>>) attributes {dimension_semantics = [#tpu.dimension_semantics<arbitrary>], iteration_bounds = array<i64: 5>, scalar_prefetch = 0 : i64, scratch_operands = 0 : i64, tpu.core_type = #tpu.core_type<tc>, window_params = [{transform_indices = @transform_0, window_bounds = array<i64: 2, 2048>}, {transform_indices = @transform_1, window_bounds = array<i64: 2, 2048, 64>}, {transform_indices = @transform_2, window_bounds = array<i64: 2048, 64>}, {pipeline_mode = #tpu.pipeline_mode<synchronous>, transform_indices = @transform_3, window_bounds = array<i64: 1, 64>}, {pipeline_mode = #tpu.pipeline_mode<synchronous>, transform_indices = @transform_4, window_bounds = array<i64: 64, 32>}, {transform_indices = @transform_5, window_bounds = array<i64: 2048, 32>}]} {
    %get3A = arith.constant 0 : index
    %get3A_0 = arith.constant 0 : index
    %get3A_1 = vector.load %arg1[%get3A, %get3A_0] : memref<2x2048xf32, #tpu.memory_space<vmem>>, vector<1x2048xf32>
    %get3A_2 = vector.shape_cast %get3A_1 : vector<1x2048xf32> to vector<2048xf32>
    %get3A_3 = arith.constant 1 : index
    %get3A_4 = arith.constant 0 : index
    %get3A_5 = vector.load %arg1[%get3A_3, %get3A_4] : memref<2x2048xf32, #tpu.memory_space<vmem>>, vector<1x2048xf32>
    %get3A_6 = vector.shape_cast %get3A_5 : vector<1x2048xf32> to vector<2048xf32>
    %add3A = arith.addf %get3A_2, %get3A_6 : vector<2048xf32>
    %add3A_7 = arith.constant 1.000000e+00 : f32
    %add3A_8 = vector.broadcast %add3A_7 : f32 to vector<2048xf32>
    %add3A_9 = arith.addf %add3A, %add3A_8 : vector<2048xf32>
    %rsqrt3A = math.rsqrt %add3A_9 : vector<2048xf32>
    %reshape3A = vector.shape_cast %rsqrt3A : vector<2048xf32> to vector<2048x1xf32>
    %get3A_10 = arith.constant 0 : index
    %get3A_11 = arith.constant 0 : index
    %get3A_12 = arith.constant 0 : index
    %get3A_13 = vector.load %arg2[%get3A_10, %get3A_11, %get3A_12] : memref<2x2048x64xf32, #tpu.memory_space<vmem>>, vector<1x2048x64xf32>
    %get3A_14 = vector.shape_cast %get3A_13 : vector<1x2048x64xf32> to vector<2048x64xf32>
    %get3A_15 = arith.constant 1 : index
    %get3A_16 = arith.constant 0 : index
    %get3A_17 = arith.constant 0 : index
    %get3A_18 = vector.load %arg2[%get3A_15, %get3A_16, %get3A_17] : memref<2x2048x64xf32, #tpu.memory_space<vmem>>, vector<1x2048x64xf32>
    %get3A_19 = vector.shape_cast %get3A_18 : vector<1x2048x64xf32> to vector<2048x64xf32>
    %add3A_20 = arith.addf %get3A_14, %get3A_19 : vector<2048x64xf32>
    %get3A_21 = arith.constant 0 : index
    %get3A_22 = arith.constant 0 : index
    %get3A_23 = vector.load %arg3[%get3A_21, %get3A_22] : memref<2048x64xf32, #tpu.memory_space<vmem>>, vector<2048x64xf32>
    %add3A_24 = arith.addf %add3A_20, %get3A_23 : vector<2048x64xf32>
    %mul3A = vector.broadcast %reshape3A : vector<2048x1xf32> to vector<2048x64xf32>
    %mul3A_25 = arith.mulf %add3A_24, %mul3A : vector<2048x64xf32>
    %get3A_26 = arith.constant 0 : index
    %get3A_27 = arith.constant 0 : index
    %get3A_28 = vector.load %arg4[%get3A_26, %get3A_27] : memref<1x64xf32, #tpu.memory_space<vmem>>, vector<1x64xf32>
    %add3A_29 = vector.broadcast %get3A_28 : vector<1x64xf32> to vector<2048x64xf32>
    %add3A_30 = arith.addf %mul3A_25, %add3A_29 : vector<2048x64xf32>
    %max3A = arith.constant 0.000000e+00 : f32
    %max3A_31 = vector.broadcast %max3A : f32 to vector<2048x64xf32>
    %max3A_32 = arith.maximumf %add3A_30, %max3A_31 : vector<2048x64xf32>
    %get3A_33 = arith.constant 0 : index
    %get3A_34 = arith.constant 0 : index
    %get3A_35 = vector.load %arg5[%get3A_33, %get3A_34] : memref<64x32xf32, #tpu.memory_space<vmem>>, vector<64x32xf32>
    %dot_general3A = arith.constant dense<0.000000e+00> : vector<2048x32xf32>
    %dot_general3A_36 = tpu.matmul %max3A_32, %get3A_35, %dot_general3A {dimension_numbers = #tpu.dot_dimension_numbers<[1], [0], [0], [1], [0, 0, 1, 1], [], []>, transpose_lhs_hint = false} : vector<2048x64xf32>, vector<64x32xf32>, vector<2048x32xf32> -> vector<2048x32xf32>
    %mul3A_37 = vector.broadcast %reshape3A : vector<2048x1xf32> to vector<2048x32xf32>
    %mul3A_38 = arith.mulf %dot_general3A_36, %mul3A_37 : vector<2048x32xf32>
    %swap3A = arith.constant 0 : index
    %swap3A_39 = arith.constant 0 : index
    %swap3A_40 = vector.load %arg6[%swap3A, %swap3A_39] : memref<2048x32xf32, #tpu.memory_space<vmem>>, vector<2048x32xf32>
    tpu.vector_store %arg6[%swap3A, %swap3A_39], %mul3A_38 {strides = array<i32>} : memref<2048x32xf32, #tpu.memory_space<vmem>>, vector<2048x32xf32>,
    return
  }
  func.func @transform_0(%arg0: i32) -> (i32, i32) {
    %c0_i32 = arith.constant 0 : i32
    %c0_i32_0 = arith.constant 0 : i32
    return %c0_i32, %arg0 : i32, i32
  }
  func.func @transform_1(%arg0: i32) -> (i32, i32, i32) {
    %c0_i32 = arith.constant 0 : i32
    %c0_i32_0 = arith.constant 0 : i32
    %c0_i32_1 = arith.constant 0 : i32
    return %c0_i32, %arg0, %c0_i32_0 : i32, i32, i32
  }
  func.func @transform_2(%arg0: i32) -> (i32, i32) {
    %c0_i32 = arith.constant 0 : i32
    %c0_i32_0 = arith.constant 0 : i32
    return %arg0, %c0_i32 : i32, i32
  }
  func.func @transform_3(%arg0: i32) -> (i32, i32) {
    %c0_i32 = arith.constant 0 : i32
    %c0_i32_0 = arith.constant 0 : i32
    %c0_i32_1 = arith.constant 0 : i32
    return %c0_i32, %c0_i32_0 : i32, i32
  }
  func.func @transform_4(%arg0: i32) -> (i32, i32) {
    %c0_i32 = arith.constant 0 : i32
    %c0_i32_0 = arith.constant 0 : i32
    %c0_i32_1 = arith.constant 0 : i32
    return %c0_i32, %c0_i32_0 : i32, i32
  }
  func.func @transform_5(%arg0: i32) -> (i32, i32) {
    %c0_i32 = arith.constant 0 : i32
    %c0_i32_0 = arith.constant 0 : i32
    return %arg0, %c0_i32 : i32, i32
  }
}

module attributes {stable_mosaic.version = 14 : i64} {
  func.func @_final(%arg0: i32, %arg1: memref<2x2048xf32, #tpu.memory_space<vmem>>, %arg2: memref<2x2048x32xf32, #tpu.memory_space<vmem>>, %arg3: memref<2048x32xf32, #tpu.memory_space<vmem>>, %arg4: memref<1x32xf32, #tpu.memory_space<vmem>>, %arg5: memref<32x2048xf32, #tpu.memory_space<vmem>>) attributes {dimension_semantics = [#tpu.dimension_semantics<arbitrary>], iteration_bounds = array<i64: 5>, scalar_prefetch = 0 : i64, scratch_operands = 0 : i64, tpu.core_type = #tpu.core_type<tc>, window_params = [{transform_indices = @transform_0, window_bounds = array<i64: 2, 2048>}, {transform_indices = @transform_1, window_bounds = array<i64: 2, 2048, 32>}, {transform_indices = @transform_2, window_bounds = array<i64: 2048, 32>}, {pipeline_mode = #tpu.pipeline_mode<synchronous>, transform_indices = @transform_3, window_bounds = array<i64: 1, 32>}, {transform_indices = @transform_4, window_bounds = array<i64: 32, 2048>}]} {
    %get3A = arith.constant 0 : index
    %get3A_0 = arith.constant 0 : index
    %get3A_1 = vector.load %arg1[%get3A, %get3A_0] : memref<2x2048xf32, #tpu.memory_space<vmem>>, vector<1x2048xf32>
    %get3A_2 = vector.shape_cast %get3A_1 : vector<1x2048xf32> to vector<2048xf32>
    %get3A_3 = arith.constant 1 : index
    %get3A_4 = arith.constant 0 : index
    %get3A_5 = vector.load %arg1[%get3A_3, %get3A_4] : memref<2x2048xf32, #tpu.memory_space<vmem>>, vector<1x2048xf32>
    %get3A_6 = vector.shape_cast %get3A_5 : vector<1x2048xf32> to vector<2048xf32>
    %add3A = arith.addf %get3A_2, %get3A_6 : vector<2048xf32>
    %add3A_7 = arith.constant 1.000000e+00 : f32
    %add3A_8 = vector.broadcast %add3A_7 : f32 to vector<2048xf32>
    %add3A_9 = arith.addf %add3A, %add3A_8 : vector<2048xf32>
    %rsqrt3A = math.rsqrt %add3A_9 : vector<2048xf32>
    %reshape3A = vector.shape_cast %rsqrt3A : vector<2048xf32> to vector<2048x1xf32>
    %get3A_10 = arith.constant 0 : index
    %get3A_11 = arith.constant 0 : index
    %get3A_12 = arith.constant 0 : index
    %get3A_13 = vector.load %arg2[%get3A_10, %get3A_11, %get3A_12] : memref<2x2048x32xf32, #tpu.memory_space<vmem>>, vector<1x2048x32xf32>
    %get3A_14 = vector.shape_cast %get3A_13 : vector<1x2048x32xf32> to vector<2048x32xf32>
    %get3A_15 = arith.constant 1 : index
    %get3A_16 = arith.constant 0 : index
    %get3A_17 = arith.constant 0 : index
    %get3A_18 = vector.load %arg2[%get3A_15, %get3A_16, %get3A_17] : memref<2x2048x32xf32, #tpu.memory_space<vmem>>, vector<1x2048x32xf32>
    %get3A_19 = vector.shape_cast %get3A_18 : vector<1x2048x32xf32> to vector<2048x32xf32>
    %add3A_20 = arith.addf %get3A_14, %get3A_19 : vector<2048x32xf32>
    %get3A_21 = arith.constant 0 : index
    %get3A_22 = arith.constant 0 : index
    %get3A_23 = vector.load %arg3[%get3A_21, %get3A_22] : memref<2048x32xf32, #tpu.memory_space<vmem>>, vector<2048x32xf32>
    %add3A_24 = arith.addf %add3A_20, %get3A_23 : vector<2048x32xf32>
    %mul3A = vector.broadcast %reshape3A : vector<2048x1xf32> to vector<2048x32xf32>
    %mul3A_25 = arith.mulf %add3A_24, %mul3A : vector<2048x32xf32>
    %get3A_26 = arith.constant 0 : index
    %get3A_27 = arith.constant 0 : index
    %get3A_28 = vector.load %arg4[%get3A_26, %get3A_27] : memref<1x32xf32, #tpu.memory_space<vmem>>, vector<1x32xf32>
    %add3A_29 = vector.broadcast %get3A_28 : vector<1x32xf32> to vector<2048x32xf32>
    %add3A_30 = arith.addf %mul3A_25, %add3A_29 : vector<2048x32xf32>
    %transpose3A = tpu.transpose %add3A_30, [1, 0] : vector<2048x32xf32> -> vector<32x2048xf32>
    %swap3A = arith.constant 0 : index
    %swap3A_31 = arith.constant 0 : index
    %swap3A_32 = vector.load %arg5[%swap3A, %swap3A_31] : memref<32x2048xf32, #tpu.memory_space<vmem>>, vector<32x2048xf32>
    tpu.vector_store %arg5[%swap3A, %swap3A_31], %transpose3A {strides = array<i32>} : memref<32x2048xf32, #tpu.memory_space<vmem>>, vector<32x2048xf32>,
    return
  }
  func.func @transform_0(%arg0: i32) -> (i32, i32) {
    %c0_i32 = arith.constant 0 : i32
    %c0_i32_0 = arith.constant 0 : i32
    return %c0_i32, %arg0 : i32, i32
  }
  func.func @transform_1(%arg0: i32) -> (i32, i32, i32) {
    %c0_i32 = arith.constant 0 : i32
    %c0_i32_0 = arith.constant 0 : i32
    %c0_i32_1 = arith.constant 0 : i32
    return %c0_i32, %arg0, %c0_i32_0 : i32, i32, i32
  }
  func.func @transform_2(%arg0: i32) -> (i32, i32) {
    %c0_i32 = arith.constant 0 : i32
    %c0_i32_0 = arith.constant 0 : i32
    return %arg0, %c0_i32 : i32, i32
  }
  func.func @transform_3(%arg0: i32) -> (i32, i32) {
    %c0_i32 = arith.constant 0 : i32
    %c0_i32_0 = arith.constant 0 : i32
    %c0_i32_1 = arith.constant 0 : i32
    return %c0_i32, %c0_i32_0 : i32, i32
  }
  func.func @transform_4(%arg0: i32) -> (i32, i32) {
    %c0_i32 = arith.constant 0 : i32
    %c0_i32_0 = arith.constant 0 : i32
    return %c0_i32, %arg0 : i32, i32
  }
}

</mosaic_0001>

<sc_bundles>
// kernel: kernel.11.cloned.1.call-start
scs
__scs_entry_jumppad:
0x0: {  	(pc) =	sbr.rel $0x88, $3  }
0x1: {  	(tag) =	ssettag $0x0;
	lr =	simm.s32 $0x1  }
0x2: {  	[smem:$0x3F9B] =	sst lr;
	_ =	strace $0xD0000000  }
0x3: {  	_ = 	snop  }
0x4: {  	_ = 	snop  }
0x5: {  	_ = 	snop  }
0x6: {  	_ = 	snop  }
0x7: {  	_ = 	snop  }
__scs_overlays_trampoline_lowered:
0x8: {  	[smem:$0x3FAA] =	sst s0  }
0x9: {  	[smem:$0x3FAB] =	sst s1  }
0xa: {  	[smem:$0x3FAC] =	sst s2  }
0xb: {  	[smem:$0x3FAD] =	sst s3  }
0xc: {  	[smem:$0x3FAE] =	sst s4  }
0xd: {  	[smem:$0x3FAF] =	sst s5  }
0xe: {  	[smem:$0x3FB0] =	sst s6  }
0xf: {  	[smem:$0x3FB1] =	sst s7  }
0x10: {  	[smem:$0x3FB2] =	sst s8  }
0x11: {  	[smem:$0x3FB3] =	sst s9;
	s0 =	simm.s32 @!p0 $0x0  }
0x12: {  	s1 =	sld [smem:$0x3F99];
	s0 =	simm.s32 @p0 $0x1  }
0x13: {  	[smem:$0x3FB4] =	sst s0;
	s0 =	simm.s32 @!p1 $0x0  }
0x14: {  	s2 =	sld [smem:$0x3F98];
	s0 =	simm.s32 @p1 $0x1  }
0x15: {  	[smem:$0x3FB5] =	sst s0;
	s0 =	simm.s32 @!p2 $0x0  }
0x16: {  	s3 =	sld [smem:$0x3FDB];
	s0 =	simm.s32 @p2 $0x1  }
0x17: {  	s4 =	simm.s32 $0x1BF5;
	[smem:$0x3FB7] =	sst s0  }
0x18: {  	s0 =	sld [smem:$0x3F9A];
	_ =	swait.ge [sflag:s4], $0x0  }
0x19: {  	s7 =	sld [smem:$0x3F9B]  }
0x1a: {  	s8 =	sadd.s32 $0xFFFFE003, lr  }
0x1b: {  	s9 =	sadd.s32 $0xFFFFFEF7, lr;
	s5 =	simm.s32 $0xFFFFFFFF;
	p2 =	slt.u32 s8, $0xFFFFF086  }
0x1c: {  	p1 =	slt.u32 s9, $0xF7A;
	s5 =	simm.s32 @!p2 $0x0  }
0x1d: {  	s5 =	simm.s32 @p1 $0x1;
	p0 =	seq.s32 s7, s2  }
0x1e: {  	s7 =	smul.u32 @!p0 $0xF7A, s2;
	p2 =	seq.s32 @!p0 s5, $0x0  }
0x1f: {  	s9 =	smul.u32 $0xF7A, s1;
	s8 =	simm.s32 @!p0 $0x1BF5;
	p2 =	por !p2, p0  }
0x20: {  	[sflag:s8] =	ssyncset.s32 @!p0 $0xFFFFF086;
	s6 =	sadd.s32 @!p0 s3, s7;
	s7 =	simm.s32 @!p0 $0x108  }
0x21: {  	s3 =	sadd.s32 s3, s9;
	s6 =	sadd.s32 @!p0 $0x88, s6;
	s7 =	simm.s32 @p2 $0x1082  }
0x22: {  	[simem:s7], [sflag:s8] =	dma.local @!p0 [hbm:s6], $0xF7A  }
0x23: {  	s9 =	sor.u32 $0xD0000000, s2;
	s6 =	simm.s32 $0x108;
	_ =	swait.ge @!p0 [sflag:s8], $0x0  }
0x24: {  	s3 =	sadd.s32 $0x88, s3;
	s6 =	simm.s32 @!p1 $0x1082;
	[sflag:s4] =	ssyncset.s32 $0xFFFFF086  }
0x25: {  	[simem:s6], [sflag:s4] =	dma.local [hbm:s3], $0xF7A  }
0x26: {  	[smem:$0x3F9B] =	sst s1;
	(tag) =	ssettag s2;
	_ =	strace s9  }
0x27: {  	s1 =	sld [smem:$0x3FAB]  }
0x28: {  	s2 =	sld [smem:$0x3FAC]  }
0x29: {  	s4 =	sld [smem:$0x3FAE]  }
0x2a: {  	p0 =	seq.s32 s5, $0x0;
	s5 =	sld [smem:$0x3FAF]  }
0x2b: {  	s6 =	sld [smem:$0x3FB0]  }
0x2c: {  	s7 =	sld [smem:$0x3FB1]  }
0x2d: {  	s3 =	simm.s32 $0x108;
	s8 =	sld [smem:$0x3FB2]  }
0x2e: {  	s3 =	simm.s32 @!p0 $0x1082;
	s9 =	sld [smem:$0x3FB3]  }
0x2f: {  	lr =	sadd.s32 s0, s3;
	s0 =	sld [smem:$0x3FAA]  }
0x30: {  	s3 =	sld [smem:$0x3FAD]  }
0x31: {  	[smem:$0x3FB6] =	sst s10  }
0x32: {  	s10 =	sld [smem:$0x3FB4];
	_ =	sdelay $0x3  }
0x33: {  	p0 =	seq.s32 s10, $0x1;
	s10 =	sld [smem:$0x3FB6];
	_ =	sdelay $0x3  }
0x34: {  	[smem:$0x3FB6] =	sst s10  }
0x35: {  	s10 =	sld [smem:$0x3FB5];
	_ =	sdelay $0x3  }
0x36: {  	p1 =	seq.s32 s10, $0x1;
	s10 =	sld [smem:$0x3FB6];
	_ =	sdelay $0x3  }
0x37: {  	[smem:$0x3FB6] =	sst s10  }
0x38: {  	s10 =	sld [smem:$0x3FB7]  }
0x39: {  	_ = 	snop;
	(pc) =	sbr.ind lr, $3  }
0x3a: {  	_ = 	snop  }
0x3b: {  	_ = 	snop  }
0x3c: {  	p2 =	seq.s32 s10, $0x1;
	s10 =	sld [smem:$0x3FB6]  }
0x3d: {  	_ =	shalt  }
0x3e: {  	_ =	shalt  }
0x3f: {  	_ =	shalt  }
0x40: {  	_ =	shalt  }
0x41: {  	_ =	shalt  }
0x42: {  	_ =	shalt  }
0x43: {  	_ =	shalt  }
0x44: {  	_ =	shalt  }
0x45: {  	_ =	shalt  }
0x46: {  	_ =	shalt  }
0x47: {  	_ =	shalt  }
0x48: {  	_ =	shalt  }
0x49: {  	_ =	shalt  }
0x4a: {  	_ =	shalt  }
0x4b: {  	_ =	shalt  }
0x4c: {  	_ =	shalt  }
0x4d: {  	_ =	shalt  }
0x4e: {  	_ =	shalt  }
0x4f: {  	_ =	shalt  }
0x50: {  	_ =	shalt  }
0x51: {  	_ =	shalt  }
0x52: {  	_ =	shalt  }
0x53: {  	_ =	shalt  }
0x54: {  	_ =	shalt  }
0x55: {  	_ =	shalt  }
0x56: {  	_ =	shalt  }
0x57: {  	_ =	shalt  }
0x58: {  	_ =	shalt  }
0x59: {  	_ =	shalt  }
0x5a: {  	_ =	shalt  }
0x5b: {  	_ =	shalt  }
0x5c: {  	_ =	shalt  }
0x5d: {  	_ =	shalt  }
0x5e: {  	_ =	shalt  }
0x5f: {  	_ =	shalt  }
0x60: {  	_ =	shalt  }
0x61: {  	_ =	shalt  }
0x62: {  	_ =	shalt  }
0x63: {  	_ =	shalt  }
0x64: {  	_ =	shalt  }
0x65: {  	_ =	shalt  }
0x66: {  	_ =	shalt  }
0x67: {  	_ =	shalt  }
0x68: {  	_ =	shalt  }
0x69: {  	_ =	shalt  }
0x6a: {  	_ =	shalt  }
0x6b: {  	_ =	shalt  }
0x6c: {  	_ =	shalt  }
0x6d: {  	_ =	shalt  }
0x6e: {  	_ =	shalt  }
0x6f: {  	_ =	shalt  }
0x70: {  	_ =	shalt  }
0x71: {  	_ =	shalt  }
0x72: {  	_ =	shalt  }
0x73: {  	_ =	shalt  }
0x74: {  	_ =	shalt  }
0x75: {  	_ =	shalt  }
0x76: {  	_ =	shalt  }
0x77: {  	_ =	shalt  }
0x78: {  	_ =	shalt  }
0x79: {  	_ =	shalt  }
0x7a: {  	_ =	shalt  }
0x7b: {  	_ =	shalt  }
0x7c: {  	_ =	shalt  }
0x7d: {  	_ =	shalt  }
0x7e: {  	_ =	shalt  }
0x7f: {  	_ =	shalt  }
0x80: {  	_ =	shalt  }
0x81: {  	_ =	shalt  }
0x82: {  	_ =	shalt  }
0x83: {  	_ =	shalt  }
0x84: {  	_ =	shalt  }
0x85: {  	_ =	shalt  }
0x86: {  	_ =	shalt  }
0x87: {  	_ =	shalt  }
.Lfunc_end0:
.L_simem_size_0:
called_computation.1_lowered:
.L_overlay_start_0:
0x88: {  	s2 =	sld [smem:$0x3FD9]  }
0x89: {  	s3 =	sld [smem:$0x3FFE];
	_ =	sdelay $0x1  }
0x8a: {  	s1 =	srdreg.scid  }
0x8b: {  	s0 =	sand.u32 $0x1, s1  }
0x8c: {  	s16 =	sshll.u32 s0, $0xA;
	s2 =	sadd.s32 s3, s2  }
0x8d: {  	s2 =	sadd.s32 s2, s16  }
0x8e: {  	[smem:$0x3FC2] =	sst s2  }
0x8f: {  	_ = 	snop  }
0x90: {  	(tm) =	ssettm $0x1  }
0x91: {  	s17 =	sld [smem:$0x3FFB];
	_ =	sdelay $0x3  }
0x92: {  	_ =	strace s17  }
0x93: {  	s2 =	sld [smem:$0x3FFC];
	_ =	sdelay $0x3  }
0x94: {  	_ =	strace s2  }
0x95: {  	s2 =	sld [smem:$0x3FFD];
	_ =	sdelay $0x3  }
0x96: {  	_ =	strace s2  }
0x97: {  	_ =	strace $0x8FFFFFFF  }
0x98: {  	s18 =	sld [smem:$0x3FDB];
	_ =	sdelay $0x1  }
0x99: {  	s19 =	simm.s32 $_scs_section_size  }
0x9a: {  	s4 =	simm.s32 $_size__tile_overlayer_lowered;
	s5 =	simm.s32 $_tile_overlayer_lowered  }
0x9b: {  	s22 =	simm.s32 $0x1BFF;
	s21 =	sshll.u32 s5, $0x1;
	s2 =	sadd.s32 s19, s18  }
0x9c: {  	s6 =	simm.s32 $0x0;
	s20 =	sshll.u32 s4, $0x1;
	s4 =	sadd.s32 s21, s2  }
0x9d: {  	[timem:s6], [sflag:s22] =	dma.local [hbm:s4], s20  }
0x9e: {  	_ =	swait.ge [sflag:s22], s20  }
0x9f: {  	s3 =	ssub.s32 $0x0, s20;
	[sflag:s22] =	ssyncset.done $0x0  }
0xa0: {  	[sflag:s22] =	ssyncadd.s32 s3;
	_ =	sdelay $0x1  }
0xa1: {  	s23 =	simm.s32 $0x1B8B  }
0xa2: {  	_ =	swait.ge [sflag:s23], $0x1  }
0xa3: {  	[sflag:s23] =	ssyncset.done $0x0  }
0xa4: {  	s25 =	simm.s32 $0x1B8E;
	s24 =	sld [smem:$0x3FFE];
	[sflag:s23] =	ssyncadd.s32 $0xFFFFFFFF  }
0xa5: {  	s26 =	simm.s32 $execute0_lowered;
	[smem:$0x3FD2] =	sst s25  }
0xa6: {  	s4 =	sshll.u32 s26, $0x1;
	_ =	strace $0x80000049;
	[dreg:$0x1] =	wrdreg $0xFFFFFFFF  }
0xa7: {  	s28 =	simm.s32 $_size_execute0_lowered;
	s2 =	sadd.s32 s2, s4;
	[dreg:$0x0] =	wrdreg $0x0  }
0xa8: {  	s4 =	sshll.u32 s28, $0x1;
	[dreg:$0x2] =	wrdreg s2  }
0xa9: {  	[dreg:$0x3] =	wrdreg s4  }
0xaa: {  	[dreg:$0x4] =	wrdreg $0xC0  }
0xab: {  	_ =	task [dreg:s6], $0x5FFFF  }
0xac: {  	[dreg:$0x1] =	wrdreg $0xFFFFFFFF  }
0xad: {  	[dreg:$0x0] =	wrdreg $0x60  }
0xae: {  	[dreg:$0x2] =	wrdreg s24  }
0xaf: {  	[dreg:$0x3] =	wrdreg $0xF4700  }
0xb0: {  	[dreg:$0x4] =	wrdreg $0x9  }
0xb1: {  	_ =	task.clear_ibuf [dreg:s6], $0x5FFFF;
	_ =	strace $0x90000049  }
0xb2: {  	s29 =	simm.s32 $0x9;
	_ =	strace $0x8000004B  }
0xb3: {  	_ =	swait.ge [sflag:s29], $0x1  }
0xb4: {  	[sflag:s29] =	ssyncadd.s32 $0xFFFFFFFF  }
0xb5: {  	_ =	strace $0x9000004B  }
0xb6: {  	_ =	sfence  }
0xb7: {  	s30 =	sld [smem:$0x0];
	_ =	sdelay $0x2  }
0xb8: {  	s31 =	sshll.u32 s1, $0xD;
	s1 =	sshrl.u32 s1, $0x2  }
0xb9: {  	s3 =	sand.u32 $0x4000, s31;
	s1 =	sadd.s32 s1, s30  }
0xba: {  	s0 =	sor.u32 s3, s0;
	s1 =	sshll.u32 s1, $0x11  }
0xbb: {  	s0 =	sor.u32 s1, s0  }
0xbc: {  	s0 =	sadd.s32 $0x8F2B, s0  }
0xbd: {  	[sflag:s0] =	ssyncadd.remote.s32 $0x1  }
0xbe: {  	_ =	sfence.sel $0xFFFF  }
0xbf: {  	[dreg:$0x0] =	wrdreg $0xFFFFFFFF;
	(pc) =	sbr.abs _section_cstart, $3  }
0xc0: {  	[dreg:$0x1] =	wrdreg $0xFFFFFFFF  }
0xc1: {  	_ =	task.clear_ibuf [dreg:s6], $0x2FFFF;
	_ =	strace $0x9FFFFFFF  }
0xc2: {  	(tm) =	ssettm $0x7FFFFFFF  }
0xc3: {  	_ =	shalt  }
tec
execute0_lowered:
.L_overlay_start_1:
0x0: {  	(tag) =	ssettag $0x1  }
0x1: {  	s0 =	rddreg [dreg:$0x0]  }
0x2: {  	s1 =	srdreg.scid;
	s11 =	stileid.u32  }
0x3: {  	s2 =	rddreg [dreg:$0x1];
	s3 =	simm.s32 $0x0;
	s7 =	smul.u32 $0x27100, s11  }
0x4: {  	s29 =	simm.s32 $0xF;
	s30 =	simm.s32 $0xE;
	s5 =	smul.u32 $0x9C40, s11  }
0x5: {  	s1 =	sand.u32 $0x1, s1;
	[smem:$0x7FF] =	sst s3;
	s7 =	sshrl.u32 s7, $0x2  }
0x6: {  	s8 =	sadd.s32 $0x1C00, s0;
	s15 =	sadd.s32 s5, s2;
	s7 =	sadd.s32 s7, s2  }
0x7: {  	_ =	strace $0x8000004A;
	[dreg:$0x3] =	wrdreg s15;
	s22 =	sadd.s32 $0x640, s7  }
0x8: {  	s10 =	sshll.u32 s11, $0x1;
	s24 =	sadd.s32 $0xC80, s7;
	[dreg:$0x4] =	wrdreg s22  }
0x9: {  	s26 =	smul.u32 $0x4E20, s11;
	s25 =	sadd.s32 $0x12C0, s7;
	[dreg:$0x5] =	wrdreg s24  }
0xa: {  	s4 =	smul.u32 $0x9C400, s1;
	s28 =	sadd.s32 $0x1900, s7;
	[dreg:$0x6] =	wrdreg s25  }
0xb: {  	s20 =	ssub.s32 $0x2, s1;
	s31 =	sadd.s32 $0x1F40, s7;
	[dreg:$0x7] =	wrdreg s28  }
0xc: {  	s21 =	sor.u32 s1, s10;
	s11 =	sadd.s32 $0x2580, s7;
	[dreg:$0x8] =	wrdreg s31  }
0xd: {  	s1 =	smul.u32 $0x2710, s1;
	s12 =	sadd.s32 $0x2BC0, s7;
	[dreg:$0x9] =	wrdreg s11  }
0xe: {  	s23 =	smul.u32 $0x2710, s21;
	s13 =	sadd.s32 $0x3200, s7;
	[dreg:$0xa] =	wrdreg s12  }
0xf: {  	s6 =	sadd.s32 s5, s4;
	s14 =	sadd.s32 $0x3840, s7;
	[dreg:$0xb] =	wrdreg s13  }
0x10: {  	s5 =	sshrl.u32 s23, $0x3;
	s23 =	sadd.s32 $0x44C0, s7;
	[dreg:$0xc] =	wrdreg s14  }
0x11: {  	s1 =	sadd.s32 s1, s26;
	s26 =	sadd.s32 $0x5780, s7;
	[dreg:$0x12] =	wrdreg s23  }
0x12: {  	s9 =	sshrl.u32 s20, $0x1;
	s10 =	sadd.s32 $0x7D00, s7;
	[dreg:$0x15] =	wrdreg s26  }
0x13: {  	s4 =	sadd.s32 $0x15600, s0;
	s22 =	sadd.s32 $0x3E80, s7;
	[dreg:$0x1b] =	wrdreg s10  }
0x14: {  	s6 =	sshrl.u32 s6, $0x3;
	s24 =	sadd.s32 $0x4B00, s7;
	[dreg:$0x11] =	wrdreg s22  }
0x15: {  	s16 =	sadd.s32 $0x4E780, s1;
	s25 =	sadd.s32 $0x5140, s7;
	[dreg:$0x13] =	wrdreg s24  }
0x16: {  	s17 =	sadd.s32 $0x4E680, s1;
	s28 =	sadd.s32 $0x5DC0, s7;
	[dreg:$0x14] =	wrdreg s25  }
0x17: {  	s21 =	sadd.s32 $0x4E580, s1;
	s31 =	sadd.s32 $0x6400, s7;
	[dreg:$0x16] =	wrdreg s28  }
0x18: {  	s0 =	sadd.s32 s6, s0;
	s12 =	sadd.s32 $0x8340, s7;
	[dreg:$0x17] =	wrdreg s31  }
0x19: {  	s6 =	ssub.s32 s20, s9;
	s13 =	sadd.s32 $0x8980, s7;
	[dreg:$0x1c] =	wrdreg s12  }
0x1a: {  	s11 =	sadd.s32 s8, s5;
	s14 =	sadd.s32 $0x8FC0, s7;
	[dreg:$0x1d] =	wrdreg s13  }
0x1b: {  	s5 =	sshrl.u32 s16, $0x3;
	s16 =	sadd.s32 $0x9600, s7;
	[dreg:$0x1e] =	wrdreg s14  }
0x1c: {  	s9 =	sadd.s32 $0x4E700, s1;
	s19 =	sshrl.u32 s17, $0x3;
	[dreg:$0x1f] =	wrdreg s16  }
0x1d: {  	s20 =	sadd.s32 $0x4E600, s1;
	s5 =	sadd.s32 s5, s8;
	[dreg:$0xd] =	wrdreg s11  }
0x1e: {  	s1 =	sadd.s32 $0x4E500, s1;
	s0 =	sadd.s32 $0x29000, s0;
	[dreg:$0xe] =	wrdreg s5  }
0x1f: {  	s10 =	simm.s32 $0x2990;
	s17 =	smax.u32 s6, $0x1;
	[smem:$0x7F4] =	sst s0  }
0x20: {  	s9 =	sshrl.u32 s9, $0x3;
	s22 =	sadd.s32 $0x9C50, s11;
	[smem:$0x7F5] =	sst s17  }
0x21: {  	s1 =	sshrl.u32 s1, $0x3;
	s23 =	sadd.s32 $0x9C60, s11;
	[smem:$0x7F7] =	sst s22  }
0x22: {  	s24 =	sadd.s32 $0x9C70, s11;
	s25 =	sadd.s32 $0x9C80, s11;
	[smem:$0x7F8] =	sst s23  }
0x23: {  	s26 =	sadd.s32 $0x9C90, s11;
	s28 =	sadd.s32 $0x4E0, s11;
	[smem:$0x7F9] =	sst s24  }
0x24: {  	s31 =	sadd.s32 $0xA120, s11;
	s12 =	simm.s32 $0x1;
	[smem:$0x7FA] =	sst s25  }
0x25: {  	s13 =	simm.s32 $0x7;
	s14 =	simm.s32 $0x3;
	[smem:$0x7FB] =	sst s26  }
0x26: {  	s18 =	sadd.s32 s9, s8;
	s5 =	sadd.s32 s19, s8;
	[smem:$0x7FC] =	sst s28  }
0x27: {  	s9 =	sshrl.u32 s21, $0x3;
	s21 =	sadd.s32 s1, s8;
	[smem:$0x7FD] =	sst s31  }
0x28: {  	s1 =	simm.s32 $0x80;
	s22 =	simm.s32 $0x9;
	s23 =	simm.s32 $0x5  }
0x29: {  	s24 =	simm.s32 $0xB;
	s25 =	simm.s32 $0x6;
	[dreg:$0xf] =	wrdreg s18  }
0x2a: {  	s26 =	simm.s32 $0xC;
	[dreg:$0x10] =	wrdreg s5;
	s5 =	sshrl.u32 s20, $0x3  }
.Ltmp0:
0x2b: {  	s20 =	sadd.s32 s9, s8;
	s9 =	sadd.s32 $0x76C0, s7;
	(pc) =	sbr.rel .LBB2_1-.Ltmp0, $4  }
0x2c: {  	s18 =	sadd.s32 $0x9C40, s11;
	s11 =	simm.s32 $0xCA10;
	[dreg:$0x1a] =	wrdreg s9  }
0x2d: {  	s19 =	sadd.s32 s5, s8;
	s5 =	sadd.s32 $0x6A40, s7;
	[smem:$0x7F6] =	sst s18  }
0x2e: {  	s8 =	sadd.s32 $0x7080, s7;
	s9 =	simm.s32 $0xAA10;
	[dreg:$0x18] =	wrdreg s5  }
0x2f: {  	v0 =	vimm.f32 $0.0e+00;
	[dreg:$0x19] =	wrdreg s8;
	s8 =	simm.s32 $0x2910;
	s5 =	simm.s32 $0x0  }
.LBB2_4:
0x30: {  	_ =	swait.ge [sflag:s25], $0x80  }
0x31: {  	[sflag:s25] =	ssyncset.done $0x0  }
0x32: {  	[sflag:s25] =	ssyncadd.s32 $0xFFFFFF80  }
0x33: {  	_ =	swait.ge [sflag:s26], $0x2000  }
0x34: {  	[sflag:s26] =	ssyncset.done $0x0  }
0x35: {  	[sflag:s26] =	ssyncadd.s32 $0xFFFFE000  }
0x36: {  	[spmem:s2] =	stream.indirect.scatter.add.f32 [tilespmem:s11], [sflag:$0xF], $0x40, s10, s1, $0xb8;
	[tilespmem:$0x190B0] =	vst v63  }
0x37: {  	_ =	swait.ge [sflag:s29], $0x2000  }
0x38: {  	s0 =	sld [smem:$0x7FC]  }
0x39: {  	[sflag:s29] =	ssyncset.done $0x0  }
0x3a: {  	s5 =	simm.s32 $0xEA10;
	[sflag:s29] =	ssyncadd.s32 $0xFFFFE000  }
0x3b: {  	[tilespmem:s5], [sflag:$0xF] =	stream.linear.gather [hbm4b:s0+s3], $0x10, $0x38;
	[tilespmem:$0x190B0] =	vst v63  }
0x3c: {  	_ =	swait.ge [sflag:s29], $0x10  }
0x3d: {  	s28 =	sld [smem:$0x7FD]  }
0x3e: {  	[sflag:s29] =	ssyncset.done $0x0  }
0x3f: {  	s6 =	simm.s32 $0xEA20;
	[sflag:s29] =	ssyncadd.s32 $0xFFFFFFF0  }
0x40: {  	[tilespmem:s6], [sflag:$0xF] =	stream.linear.gather [hbm4b:s28+s3], $0x10, $0x38;
	[tilespmem:$0x190B0] =	vst v63  }
0x41: {  	_ =	swait.ge [sflag:s29], $0x10  }
0x42: {  	s31 =	simm.s32 $0x10;
	[sflag:s29] =	ssyncset.done $0x0  }
0x43: {  	s7 =	simm.s32 $0xEA30;
	s15 =	simm.s32 $0xD;
	[sflag:s29] =	ssyncadd.s32 $0xFFFFFFF0  }
0x44: {  	[tilespmem:s7], [sflag:$0xD] =	stream.indirect.gather [hbm4b:s4+s31], $0x40, s5, s31, $0xb8;
	[tilespmem:$0x190B0] =	vst v63  }
0x45: {  	_ =	swait.ge [sflag:s15], $0x400  }
0x46: {  	[sflag:s15] =	ssyncset.done $0x0  }
0x47: {  	[sflag:s15] =	ssyncadd.s32 $0xFFFFFC00  }
0x48: {  	[spmem:s2] =	stream.indirect.scatter.add.f32 [tilespmem:s7], [sflag:$0xF], $0x40, s6, s31, $0xb8;
	[tilespmem:$0x190B0] =	vst v63  }
0x49: {  	_ =	swait.ge [sflag:s29], $0x400  }
0x4a: {  	[sflag:s29] =	ssyncset.done $0x0  }
0x4b: {  	[sflag:s29] =	ssyncadd.s32 $0xFFFFFC00  }
0x4c: {  	[bflag:$0x0] =	sbarrier.arrive $0xFFFF  }
0x4d: {  	s16 =	stileid.u32;
	s18 =	sld [smem:$0x7F4]  }
0x4e: {  	s0 =	sshll.u32 s16, $0x6;
	s15 =	rddreg [dreg:$0x3]  }
0x4f: {  	s0 =	sor.u32 $0x1C0F, s0;
	s17 =	sshrl.u32 s15, $0x3  }
0x50: {  	[hbm:s18], [sflag:s0] =	dma.local [spmem:s17], $0x1388  }
0x51: {  	_ =	swait.ge [sflag:s29], $0x1388  }
0x52: {  	s28 =	sld [smem:$0x7F3]  }
0x53: {  	s31 =	sld [smem:$0x7F5];
	_ =	sdelay $0x1  }
0x54: {  	s5 =	sadd.s32 $0x1, s28  }
0x55: {  	p0 =	sne.s32 s5, s31  }
.Ltmp1:
0x56: {  	_ = 	snop;
	(pc) =	sbr.rel @!p0 .LBB2_5-.Ltmp1, $3  }
0x57: {  	_ =	sdelay $0x1  }
0x58: {  	[sflag:s29] =	ssyncset.done $0x0  }
0x59: {  	[sflag:s29] =	ssyncadd.s32 $0xFFFFEC78  }
.LBB2_1:
0x5a: {  	[tilespmem:$0xEE30] =	vst v0  }
0x5b: {  	[tilespmem:$0xEE40] =	vst v0  }
0x5c: {  	[tilespmem:$0xEE50] =	vst v0  }
0x5d: {  	[tilespmem:$0xEE60] =	vst v0  }
0x5e: {  	[tilespmem:$0xEE70] =	vst v0  }
0x5f: {  	[tilespmem:$0xEE80] =	vst v0  }
0x60: {  	[tilespmem:$0xEE90] =	vst v0  }
0x61: {  	[tilespmem:$0xEEA0] =	vst v0  }
0x62: {  	[tilespmem:$0xEEB0] =	vst v0  }
0x63: {  	[tilespmem:$0xEEC0] =	vst v0  }
0x64: {  	[tilespmem:$0xEED0] =	vst v0  }
0x65: {  	[tilespmem:$0xEEE0] =	vst v0  }
0x66: {  	[tilespmem:$0xEEF0] =	vst v0  }
0x67: {  	[tilespmem:$0xEF00] =	vst v0  }
0x68: {  	[tilespmem:$0xEF10] =	vst v0  }
0x69: {  	[tilespmem:$0xEF20] =	vst v0  }
0x6a: {  	[tilespmem:$0xEF30] =	vst v0  }
0x6b: {  	[tilespmem:$0xEF40] =	vst v0  }
0x6c: {  	[tilespmem:$0xEF50] =	vst v0  }
0x6d: {  	[tilespmem:$0xEF60] =	vst v0  }
0x6e: {  	[tilespmem:$0xEF70] =	vst v0  }
0x6f: {  	[tilespmem:$0xEF80] =	vst v0  }
0x70: {  	[tilespmem:$0xEF90] =	vst v0  }
0x71: {  	[tilespmem:$0xEFA0] =	vst v0  }
0x72: {  	[tilespmem:$0xEFB0] =	vst v0  }
0x73: {  	[tilespmem:$0xEFC0] =	vst v0  }
0x74: {  	[tilespmem:$0xEFD0] =	vst v0  }
0x75: {  	[tilespmem:$0xEFE0] =	vst v0  }
0x76: {  	[tilespmem:$0xEFF0] =	vst v0  }
0x77: {  	[tilespmem:$0xF000] =	vst v0  }
0x78: {  	[tilespmem:$0xF010] =	vst v0  }
0x79: {  	[tilespmem:$0xF020] =	vst v0  }
0x7a: {  	[tilespmem:$0xF030] =	vst v0  }
0x7b: {  	[tilespmem:$0xF040] =	vst v0  }
0x7c: {  	[tilespmem:$0xF050] =	vst v0  }
0x7d: {  	[tilespmem:$0xF060] =	vst v0  }
0x7e: {  	[tilespmem:$0xF070] =	vst v0  }
0x7f: {  	[tilespmem:$0xF080] =	vst v0  }
0x80: {  	[tilespmem:$0xF090] =	vst v0  }
0x81: {  	[tilespmem:$0xF0A0] =	vst v0  }
0x82: {  	[tilespmem:$0xF0B0] =	vst v0  }
0x83: {  	[tilespmem:$0xF0C0] =	vst v0  }
0x84: {  	[tilespmem:$0xF0D0] =	vst v0  }
0x85: {  	[tilespmem:$0xF0E0] =	vst v0  }
0x86: {  	[tilespmem:$0xF0F0] =	vst v0  }
0x87: {  	[tilespmem:$0xF100] =	vst v0  }
0x88: {  	[tilespmem:$0xF110] =	vst v0  }
0x89: {  	[tilespmem:$0xF120] =	vst v0  }
0x8a: {  	[tilespmem:$0xF130] =	vst v0  }
0x8b: {  	[tilespmem:$0xF140] =	vst v0  }
0x8c: {  	[tilespmem:$0xF150] =	vst v0  }
0x8d: {  	[tilespmem:$0xF160] =	vst v0  }
0x8e: {  	[tilespmem:$0xF170] =	vst v0  }
0x8f: {  	[tilespmem:$0xF180] =	vst v0  }
0x90: {  	[tilespmem:$0xF190] =	vst v0  }
0x91: {  	[tilespmem:$0xF1A0] =	vst v0  }
0x92: {  	[tilespmem:$0xF1B0] =	vst v0  }
0x93: {  	[tilespmem:$0xF1C0] =	vst v0  }
0x94: {  	[tilespmem:$0xF1D0] =	vst v0  }
0x95: {  	[tilespmem:$0xF1E0] =	vst v0  }
0x96: {  	[tilespmem:$0xF1F0] =	vst v0  }
0x97: {  	[tilespmem:$0xF200] =	vst v0  }
0x98: {  	[tilespmem:$0xF210] =	vst v0  }
0x99: {  	[tilespmem:$0xF220] =	vst v0  }
0x9a: {  	[tilespmem:$0xF230] =	vst v0  }
0x9b: {  	[tilespmem:$0xF240] =	vst v0  }
0x9c: {  	[tilespmem:$0xF250] =	vst v0  }
0x9d: {  	[tilespmem:$0xF260] =	vst v0  }
0x9e: {  	[tilespmem:$0xF270] =	vst v0  }
0x9f: {  	[tilespmem:$0xF280] =	vst v0  }
0xa0: {  	[tilespmem:$0xF290] =	vst v0  }
0xa1: {  	[tilespmem:$0xF2A0] =	vst v0  }
0xa2: {  	[tilespmem:$0xF2B0] =	vst v0  }
0xa3: {  	[tilespmem:$0xF2C0] =	vst v0  }
0xa4: {  	[tilespmem:$0xF2D0] =	vst v0  }
0xa5: {  	[tilespmem:$0xF2E0] =	vst v0  }
0xa6: {  	[tilespmem:$0xF2F0] =	vst v0  }
0xa7: {  	[tilespmem:$0xF300] =	vst v0  }
0xa8: {  	[tilespmem:$0xF310] =	vst v0  }
0xa9: {  	[tilespmem:$0xF320] =	vst v0  }
0xaa: {  	[tilespmem:$0xF330] =	vst v0  }
0xab: {  	[tilespmem:$0xF340] =	vst v0  }
0xac: {  	[tilespmem:$0xF350] =	vst v0  }
0xad: {  	[tilespmem:$0xF360] =	vst v0  }
0xae: {  	[tilespmem:$0xF370] =	vst v0  }
0xaf: {  	[tilespmem:$0xF380] =	vst v0  }
0xb0: {  	[tilespmem:$0xF390] =	vst v0  }
0xb1: {  	[tilespmem:$0xF3A0] =	vst v0  }
0xb2: {  	[tilespmem:$0xF3B0] =	vst v0  }
0xb3: {  	[tilespmem:$0xF3C0] =	vst v0  }
0xb4: {  	[tilespmem:$0xF3D0] =	vst v0  }
0xb5: {  	[tilespmem:$0xF3E0] =	vst v0  }
0xb6: {  	[tilespmem:$0xF3F0] =	vst v0  }
0xb7: {  	[tilespmem:$0xF400] =	vst v0  }
0xb8: {  	[tilespmem:$0xF410] =	vst v0  }
0xb9: {  	[tilespmem:$0xF420] =	vst v0  }
0xba: {  	[tilespmem:$0xF430] =	vst v0  }
0xbb: {  	[tilespmem:$0xF440] =	vst v0  }
0xbc: {  	[tilespmem:$0xF450] =	vst v0  }
0xbd: {  	[smem:$0x7F3] =	sst s5;
	[tilespmem:$0xF460] =	vst v0;
	s5 =	simm.s32 $0xEE30  }
0xbe: {  	[spmem:s15] =	stream.linear.scatter [tilespmem:s5], [sflag:$0xE], $0x640, $0x38;
	[tilespmem:$0x190B0] =	vst v63  }
0xbf: {  	s0 =	rddreg [dreg:$0x4]  }
0xc0: {  	[spmem:s0] =	stream.linear.scatter [tilespmem:s5], [sflag:$0xE], $0x640, $0x38;
	[tilespmem:$0x190B0] =	vst v63  }
0xc1: {  	s28 =	rddreg [dreg:$0x5]  }
0xc2: {  	[spmem:s28] =	stream.linear.scatter [tilespmem:s5], [sflag:$0xE], $0x640, $0x38;
	[tilespmem:$0x190B0] =	vst v63  }
0xc3: {  	s31 =	rddreg [dreg:$0x6]  }
0xc4: {  	[spmem:s31] =	stream.linear.scatter [tilespmem:s5], [sflag:$0xE], $0x640, $0x38;
	[tilespmem:$0x190B0] =	vst v63  }
0xc5: {  	s6 =	rddreg [dreg:$0x7]  }
0xc6: {  	[spmem:s6] =	stream.linear.scatter [tilespmem:s5], [sflag:$0xE], $0x640, $0x38;
	[tilespmem:$0x190B0] =	vst v63  }
0xc7: {  	s7 =	rddreg [dreg:$0x8]  }
0xc8: {  	[spmem:s7] =	stream.linear.scatter [tilespmem:s5], [sflag:$0xE], $0x640, $0x38;
	[tilespmem:$0x190B0] =	vst v63  }
0xc9: {  	s15 =	rddreg [dreg:$0x9]  }
0xca: {  	[spmem:s15] =	stream.linear.scatter [tilespmem:s5], [sflag:$0xE], $0x640, $0x38;
	[tilespmem:$0x190B0] =	vst v63  }
0xcb: {  	s16 =	rddreg [dreg:$0xa]  }
0xcc: {  	[spmem:s16] =	stream.linear.scatter [tilespmem:s5], [sflag:$0xE], $0x640, $0x38;
	[tilespmem:$0x190B0] =	vst v63  }
0xcd: {  	s17 =	rddreg [dreg:$0xb]  }
0xce: {  	[spmem:s17] =	stream.linear.scatter [tilespmem:s5], [sflag:$0xE], $0x640, $0x38;
	[tilespmem:$0x190B0] =	vst v63  }
0xcf: {  	s18 =	rddreg [dreg:$0xc]  }
0xd0: {  	[spmem:s18] =	stream.linear.scatter [tilespmem:s5], [sflag:$0xE], $0x640, $0x38;
	[tilespmem:$0x190B0] =	vst v63  }
0xd1: {  	s28 =	rddreg [dreg:$0x11]  }
0xd2: {  	[spmem:s28] =	stream.linear.scatter [tilespmem:s5], [sflag:$0xE], $0x640, $0x38;
	[tilespmem:$0x190B0] =	vst v63  }
0xd3: {  	s31 =	rddreg [dreg:$0x12]  }
0xd4: {  	[spmem:s31] =	stream.linear.scatter [tilespmem:s5], [sflag:$0xE], $0x640, $0x38;
	[tilespmem:$0x190B0] =	vst v63  }
0xd5: {  	s6 =	rddreg [dreg:$0x13]  }
0xd6: {  	[spmem:s6] =	stream.linear.scatter [tilespmem:s5], [sflag:$0xE], $0x640, $0x38;
	[tilespmem:$0x190B0] =	vst v63  }
0xd7: {  	s7 =	rddreg [dreg:$0x14]  }
0xd8: {  	[spmem:s7] =	stream.linear.scatter [tilespmem:s5], [sflag:$0xE], $0x640, $0x38;
	[tilespmem:$0x190B0] =	vst v63  }
0xd9: {  	s15 =	rddreg [dreg:$0x15]  }
0xda: {  	[spmem:s15] =	stream.linear.scatter [tilespmem:s5], [sflag:$0xE], $0x640, $0x38;
	[tilespmem:$0x190B0] =	vst v63  }
0xdb: {  	s16 =	rddreg [dreg:$0x16]  }
0xdc: {  	[spmem:s16] =	stream.linear.scatter [tilespmem:s5], [sflag:$0xE], $0x640, $0x38;
	[tilespmem:$0x190B0] =	vst v63  }
0xdd: {  	s17 =	rddreg [dreg:$0x17]  }
0xde: {  	[spmem:s17] =	stream.linear.scatter [tilespmem:s5], [sflag:$0xE], $0x640, $0x38;
	[tilespmem:$0x190B0] =	vst v63  }
0xdf: {  	s18 =	rddreg [dreg:$0x18]  }
0xe0: {  	[spmem:s18] =	stream.linear.scatter [tilespmem:s5], [sflag:$0xE], $0x640, $0x38;
	[tilespmem:$0x190B0] =	vst v63  }
0xe1: {  	s28 =	rddreg [dreg:$0x19]  }
0xe2: {  	[spmem:s28] =	stream.linear.scatter [tilespmem:s5], [sflag:$0xE], $0x640, $0x38;
	[tilespmem:$0x190B0] =	vst v63  }
0xe3: {  	s31 =	rddreg [dreg:$0x1a]  }
0xe4: {  	[spmem:s31] =	stream.linear.scatter [tilespmem:s5], [sflag:$0xE], $0x640, $0x38;
	[tilespmem:$0x190B0] =	vst v63  }
0xe5: {  	s6 =	rddreg [dreg:$0x1b]  }
0xe6: {  	[spmem:s6] =	stream.linear.scatter [tilespmem:s5], [sflag:$0xE], $0x640, $0x38;
	[tilespmem:$0x190B0] =	vst v63  }
0xe7: {  	s7 =	rddreg [dreg:$0x1c]  }
0xe8: {  	[spmem:s7] =	stream.linear.scatter [tilespmem:s5], [sflag:$0xE], $0x640, $0x38;
	[tilespmem:$0x190B0] =	vst v63  }
0xe9: {  	s15 =	rddreg [dreg:$0x1d]  }
0xea: {  	[spmem:s15] =	stream.linear.scatter [tilespmem:s5], [sflag:$0xE], $0x640, $0x38;
	[tilespmem:$0x190B0] =	vst v63  }
0xeb: {  	s16 =	rddreg [dreg:$0x1e]  }
0xec: {  	[spmem:s16] =	stream.linear.scatter [tilespmem:s5], [sflag:$0xE], $0x640, $0x38;
	[tilespmem:$0x190B0] =	vst v63  }
0xed: {  	s17 =	rddreg [dreg:$0x1f]  }
0xee: {  	[spmem:s17] =	stream.linear.scatter [tilespmem:s5], [sflag:$0xE], $0x640, $0x38;
	[tilespmem:$0x190B0] =	vst v63  }
0xef: {  	s18 =	rddreg [dreg:$0xd]  }
0xf0: {  	[tilespmem:s3], [sflag:$0xF] =	stream.linear.gather [hbm4b:s18+s3], $0x2710, $0x38;
	[tilespmem:$0x190B0] =	vst v63  }
0xf1: {  	_ =	swait.ge [sflag:s29], $0x2710  }
0xf2: {  	[sflag:s29] =	ssyncset.done $0x0  }
0xf3: {  	[sflag:s29] =	ssyncadd.s32 $0xFFFFD8F0  }
0xf4: {  	_ =	swait.ge [sflag:s30], $0x640  }
0xf5: {  	[sflag:s30] =	ssyncset.done $0x0  }
0xf6: {  	[sflag:s30] =	ssyncadd.s32 $0xFFFFF9C0  }
0xf7: {  	_ =	swait.ge [sflag:s30], $0x640  }
0xf8: {  	[sflag:s30] =	ssyncset.done $0x0  }
0xf9: {  	[sflag:s30] =	ssyncadd.s32 $0xFFFFF9C0  }
0xfa: {  	_ =	swait.ge [sflag:s30], $0x640  }
0xfb: {  	[sflag:s30] =	ssyncset.done $0x0  }
0xfc: {  	[sflag:s30] =	ssyncadd.s32 $0xFFFFF9C0  }
0xfd: {  	_ =	swait.ge [sflag:s30], $0x640  }
0xfe: {  	[sflag:s30] =	ssyncset.done $0x0  }
0xff: {  	[sflag:s30] =	ssyncadd.s32 $0xFFFFF9C0  }
0x100: {  	_ =	swait.ge [sflag:s30], $0x640  }
0x101: {  	[sflag:s30] =	ssyncset.done $0x0  }
0x102: {  	[sflag:s30] =	ssyncadd.s32 $0xFFFFF9C0  }
0x103: {  	_ =	swait.ge [sflag:s30], $0x640  }
0x104: {  	[sflag:s30] =	ssyncset.done $0x0  }
0x105: {  	[sflag:s30] =	ssyncadd.s32 $0xFFFFF9C0  }
0x106: {  	_ =	swait.ge [sflag:s30], $0x640  }
0x107: {  	[sflag:s30] =	ssyncset.done $0x0  }
0x108: {  	[sflag:s30] =	ssyncadd.s32 $0xFFFFF9C0  }
0x109: {  	_ =	swait.ge [sflag:s30], $0x640  }
0x10a: {  	[sflag:s30] =	ssyncset.done $0x0  }
0x10b: {  	[sflag:s30] =	ssyncadd.s32 $0xFFFFF9C0  }
0x10c: {  	_ =	swait.ge [sflag:s30], $0x640  }
0x10d: {  	[sflag:s30] =	ssyncset.done $0x0  }
0x10e: {  	[sflag:s30] =	ssyncadd.s32 $0xFFFFF9C0  }
0x10f: {  	_ =	swait.ge [sflag:s30], $0x640  }
0x110: {  	[sflag:s30] =	ssyncset.done $0x0  }
0x111: {  	[sflag:s30] =	ssyncadd.s32 $0xFFFFF9C0  }
0x112: {  	_ =	swait.ge [sflag:s30], $0x640  }
0x113: {  	[sflag:s30] =	ssyncset.done $0x0  }
0x114: {  	[sflag:s30] =	ssyncadd.s32 $0xFFFFF9C0  }
0x115: {  	_ =	swait.ge [sflag:s30], $0x640  }
0x116: {  	[sflag:s30] =	ssyncset.done $0x0  }
0x117: {  	[sflag:s30] =	ssyncadd.s32 $0xFFFFF9C0  }
0x118: {  	_ =	swait.ge [sflag:s30], $0x640  }
0x119: {  	[sflag:s30] =	ssyncset.done $0x0  }
0x11a: {  	[sflag:s30] =	ssyncadd.s32 $0xFFFFF9C0  }
0x11b: {  	_ =	swait.ge [sflag:s30], $0x640  }
0x11c: {  	[sflag:s30] =	ssyncset.done $0x0  }
0x11d: {  	[sflag:s30] =	ssyncadd.s32 $0xFFFFF9C0  }
0x11e: {  	_ =	swait.ge [sflag:s30], $0x640  }
0x11f: {  	[sflag:s30] =	ssyncset.done $0x0  }
0x120: {  	[sflag:s30] =	ssyncadd.s32 $0xFFFFF9C0  }
0x121: {  	_ =	swait.ge [sflag:s30], $0x640  }
0x122: {  	[sflag:s30] =	ssyncset.done $0x0  }
0x123: {  	[sflag:s30] =	ssyncadd.s32 $0xFFFFF9C0  }
0x124: {  	_ =	swait.ge [sflag:s30], $0x640  }
0x125: {  	[sflag:s30] =	ssyncset.done $0x0  }
0x126: {  	[sflag:s30] =	ssyncadd.s32 $0xFFFFF9C0  }
0x127: {  	_ =	swait.ge [sflag:s30], $0x640  }
0x128: {  	[sflag:s30] =	ssyncset.done $0x0  }
0x129: {  	[sflag:s30] =	ssyncadd.s32 $0xFFFFF9C0  }
0x12a: {  	_ =	swait.ge [sflag:s30], $0x640  }
0x12b: {  	[sflag:s30] =	ssyncset.done $0x0  }
0x12c: {  	[sflag:s30] =	ssyncadd.s32 $0xFFFFF9C0  }
0x12d: {  	_ =	swait.ge [sflag:s30], $0x640  }
0x12e: {  	[sflag:s30] =	ssyncset.done $0x0  }
0x12f: {  	[sflag:s30] =	ssyncadd.s32 $0xFFFFF9C0  }
0x130: {  	_ =	swait.ge [sflag:s30], $0x640  }
0x131: {  	[sflag:s30] =	ssyncset.done $0x0  }
0x132: {  	[sflag:s30] =	ssyncadd.s32 $0xFFFFF9C0  }
0x133: {  	_ =	swait.ge [sflag:s30], $0x640  }
0x134: {  	[sflag:s30] =	ssyncset.done $0x0  }
0x135: {  	[sflag:s30] =	ssyncadd.s32 $0xFFFFF9C0  }
0x136: {  	_ =	swait.ge [sflag:s30], $0x640  }
0x137: {  	[sflag:s30] =	ssyncset.done $0x0  }
0x138: {  	[sflag:s30] =	ssyncadd.s32 $0xFFFFF9C0  }
0x139: {  	_ =	swait.ge [sflag:s30], $0x640  }
0x13a: {  	[sflag:s30] =	ssyncset.done $0x0  }
0x13b: {  	[sflag:s30] =	ssyncadd.s32 $0xFFFFF9C0  }
0x13c: {  	_ =	swait.ge [sflag:s30], $0x640  }
0x13d: {  	s28 =	sld [smem:$0x7F6]  }
0x13e: {  	[sflag:s30] =	ssyncset.done $0x0  }
0x13f: {  	s31 =	simm.s32 $0x2710;
	[sflag:s30] =	ssyncadd.s32 $0xFFFFF9C0  }
0x140: {  	[tilespmem:s31], [sflag:$0x1] =	stream.linear.gather [hbm4b:s28+s3], $0x80, $0x38;
	[tilespmem:$0x190B0] =	vst v63  }
0x141: {  	s6 =	simm.s32 $0x2A10;
	s7 =	sld [smem:$0x7F7]  }
0x142: {  	[tilespmem:s6], [sflag:$0x7] =	stream.indirect.gather [hbm4b:s4+s1], $0x40, s3, s1, $0xb8;
	[tilespmem:$0x190B0] =	vst v63  }
0x143: {  	s15 =	simm.s32 $0x2790  }
0x144: {  	[tilespmem:s15], [sflag:$0x2] =	stream.linear.gather [hbm4b:s7+s3], $0x80, $0x38;
	[tilespmem:$0x190B0] =	vst v63  }
0x145: {  	s16 =	simm.s32 $0x4A10;
	s17 =	sld [smem:$0x7F8]  }
0x146: {  	[tilespmem:s16], [sflag:$0x8] =	stream.indirect.gather [hbm4b:s4+s1], $0x40, s1, s1, $0xb8;
	[tilespmem:$0x190B0] =	vst v63  }
0x147: {  	s18 =	simm.s32 $0x2810  }
0x148: {  	[tilespmem:s18], [sflag:$0x3] =	stream.linear.gather [hbm4b:s17+s3], $0x80, $0x38;
	[tilespmem:$0x190B0] =	vst v63  }
0x149: {  	s28 =	simm.s32 $0x100;
	s31 =	simm.s32 $0x6A10;
	s6 =	sld [smem:$0x7F9]  }
0x14a: {  	[tilespmem:s31], [sflag:$0x9] =	stream.indirect.gather [hbm4b:s4+s1], $0x40, s28, s1, $0xb8;
	[tilespmem:$0x190B0] =	vst v63  }
0x14b: {  	s7 =	simm.s32 $0x2890  }
0x14c: {  	[tilespmem:s7], [sflag:$0x4] =	stream.linear.gather [hbm4b:s6+s3], $0x80, $0x38;
	[tilespmem:$0x190B0] =	vst v63  }
0x14d: {  	s15 =	simm.s32 $0x180;
	s16 =	simm.s32 $0x8A10;
	s17 =	sld [smem:$0x7FA]  }
0x14e: {  	[tilespmem:s16], [sflag:$0xA] =	stream.indirect.gather [hbm4b:s4+s1], $0x40, s15, s1, $0xb8;
	[tilespmem:$0x190B0] =	vst v63  }
0x14f: {  	_ = 	snop  }
0x150: {  	[tilespmem:s8], [sflag:$0x5] =	stream.linear.gather [hbm4b:s17+s3], $0x80, $0x38;
	[tilespmem:$0x190B0] =	vst v63  }
0x151: {  	s18 =	simm.s32 $0x200;
	s28 =	sld [smem:$0x7FB]  }
0x152: {  	[tilespmem:s9], [sflag:$0xB] =	stream.indirect.gather [hbm4b:s4+s1], $0x40, s18, s1, $0xb8;
	[tilespmem:$0x190B0] =	vst v63  }
0x153: {  	_ = 	snop  }
0x154: {  	[tilespmem:s10], [sflag:$0x6] =	stream.linear.gather [hbm4b:s28+s3], $0x80, $0x38;
	[tilespmem:$0x190B0] =	vst v63  }
0x155: {  	s31 =	simm.s32 $0x280  }
0x156: {  	[tilespmem:s11], [sflag:$0xC] =	stream.indirect.gather [hbm4b:s4+s1], $0x40, s31, s1, $0xb8;
	[tilespmem:$0x190B0] =	vst v63  }
0x157: {  	s5 =	simm.s32 $0x580;
	s15 =	simm.s32 $0x0;
	[bflag:$0x0] =	sbarrier.arrive $0xFFFF  }
.LBB2_2:
0x158: {  	_ =	swait.ge [sflag:s12], $0x80  }
0x159: {  	[sflag:s12] =	ssyncset.done $0x0  }
0x15a: {  	[sflag:s12] =	ssyncadd.s32 $0xFFFFFF80  }
0x15b: {  	_ =	swait.ge [sflag:s13], $0x2000  }
0x15c: {  	[sflag:s13] =	ssyncset.done $0x0  }
0x15d: {  	s0 =	simm.s32 $0x2710;
	s6 =	simm.s32 $0x2A10;
	[sflag:s13] =	ssyncadd.s32 $0xFFFFE000  }
0x15e: {  	[spmem:s2] =	stream.indirect.scatter.add.f32 [tilespmem:s6], [sflag:$0xF], $0x40, s0, s1, $0xb8;
	[tilespmem:$0x190B0] =	vst v63  }
0x15f: {  	_ =	swait.ge [sflag:s29], $0x2000  }
0x160: {  	p0 =	seq.s32 s15, $0x480;
	[sflag:s29] =	ssyncset.done $0x0  }
0x161: {  	s28 =	simm.s32 @p0 $0x2;
	[sflag:s29] =	ssyncadd.s32 $0xFFFFE000  }
0x162: {  	_ =	swait.ge @p0 [sflag:s28], $0x80  }
0x163: {  	[sflag:s28] =	ssyncset.done @p0 $0x0  }
0x164: {  	[sflag:s28] =	ssyncadd.s32 @p0 $0xFFFFFF80;
	s28 =	simm.s32 @p0 $0x8  }
0x165: {  	_ =	swait.ge @p0 [sflag:s28], $0x2000  }
0x166: {  	s31 =	simm.s32 @p0 $0x4A10;
	s0 =	simm.s32 @p0 $0x80;
	[sflag:s28] =	ssyncset.done @p0 $0x0  }
0x167: {  	s6 =	simm.s32 @p0 $0xF;
	[sflag:s28] =	ssyncadd.s32 @p0 $0xFFFFE000;
	s28 =	simm.s32 @p0 $0x2790  }
0x168: {  	[spmem:s2] =	stream.indirect.scatter.add.f32 @p0 [tilespmem:s31], [sflag:$0xF], $0x40, s28, s0, $0xb8;
	[tilespmem:$0x190B0] =	vst v63  }
0x169: {  	_ =	swait.ge @p0 [sflag:s6], $0x2000  }
0x16a: {  	s7 =	simm.s32 @!p0 $0x2710;
	[sflag:s6] =	ssyncset.done @p0 $0x0  }
0x16b: {  	s31 =	sadd.s32 @!p0 s15, s21;
	s28 =	simm.s32 @!p0 $0x0;
	[sflag:s6] =	ssyncadd.s32 @p0 $0xFFFFE000  }
0x16c: {  	[tilespmem:s7], [sflag:$0x1] =	stream.linear.gather @!p0 [hbm4b:s31+s28], $0x80, $0x38;
	[tilespmem:$0x190B0] =	vst v63  }
0x16d: {  	s16 =	simm.s32 @!p0 $0x2A10;
	s7 =	sadd.s32 @!p0 $0xFFFFFD80, s5;
	s31 =	simm.s32 @!p0 $0x80  }
0x16e: {  	[tilespmem:s16], [sflag:$0x7] =	stream.indirect.gather @!p0 [hbm4b:s4+s31], $0x40, s7, s31, $0xb8;
	[tilespmem:$0x190B0] =	vst v63  }
0x16f: {  	s7 =	simm.s32 @!p0 $0x2  }
0x170: {  	_ =	swait.ge @!p0 [sflag:s7], $0x80  }
0x171: {  	[sflag:s7] =	ssyncset.done @!p0 $0x0  }
0x172: {  	[sflag:s7] =	ssyncadd.s32 @!p0 $0xFFFFFF80;
	s7 =	simm.s32 @!p0 $0x8  }
0x173: {  	_ =	swait.ge @!p0 [sflag:s7], $0x2000  }
0x174: {  	s17 =	simm.s32 @!p0 $0xF;
	[sflag:s7] =	ssyncset.done @!p0 $0x0  }
0x175: {  	s16 =	simm.s32 @!p0 $0x4A10;
	[sflag:s7] =	ssyncadd.s32 @!p0 $0xFFFFE000;
	s7 =	simm.s32 @!p0 $0x2790  }
0x176: {  	[spmem:s2] =	stream.indirect.scatter.add.f32 @!p0 [tilespmem:s16], [sflag:$0xF], $0x40, s7, s31, $0xb8;
	[tilespmem:$0x190B0] =	vst v63  }
0x177: {  	_ =	swait.ge @!p0 [sflag:s17], $0x2000  }
0x178: {  	[sflag:s17] =	ssyncset.done @!p0 $0x0  }
0x179: {  	s18 =	sadd.s32 @!p0 s15, s20;
	[sflag:s17] =	ssyncadd.s32 @!p0 $0xFFFFE000  }
0x17a: {  	[tilespmem:s7], [sflag:$0x2] =	stream.linear.gather @!p0 [hbm4b:s18+s28], $0x80, $0x38;
	[tilespmem:$0x190B0] =	vst v63  }
0x17b: {  	s7 =	sadd.s32 @!p0 $0xFFFFFE00, s5  }
0x17c: {  	[tilespmem:s16], [sflag:$0x8] =	stream.indirect.gather @!p0 [hbm4b:s4+s31], $0x40, s7, s31, $0xb8;
	[tilespmem:$0x190B0] =	vst v63  }
0x17d: {  	_ =	swait.ge [sflag:s14], $0x80  }
0x17e: {  	[sflag:s14] =	ssyncset.done $0x0  }
0x17f: {  	[sflag:s14] =	ssyncadd.s32 $0xFFFFFF80  }
0x180: {  	_ =	swait.ge [sflag:s22], $0x2000  }
0x181: {  	[sflag:s22] =	ssyncset.done $0x0  }
0x182: {  	s18 =	simm.s32 $0x6A10;
	s16 =	simm.s32 $0x2810;
	[sflag:s22] =	ssyncadd.s32 $0xFFFFE000  }
0x183: {  	[spmem:s2] =	stream.indirect.scatter.add.f32 [tilespmem:s18], [sflag:$0xF], $0x40, s16, s1, $0xb8;
	[tilespmem:$0x190B0] =	vst v63  }
0x184: {  	_ =	swait.ge [sflag:s29], $0x2000  }
0x185: {  	[sflag:s29] =	ssyncset.done $0x0  }
0x186: {  	s7 =	simm.s32 @p0 $0x4;
	[sflag:s29] =	ssyncadd.s32 $0xFFFFE000  }
0x187: {  	_ =	swait.ge @p0 [sflag:s7], $0x80  }
0x188: {  	[sflag:s7] =	ssyncset.done @p0 $0x0  }
0x189: {  	[sflag:s7] =	ssyncadd.s32 @p0 $0xFFFFFF80;
	s7 =	simm.s32 @p0 $0xA  }
0x18a: {  	_ =	swait.ge @p0 [sflag:s7], $0x2000  }
0x18b: {  	[sflag:s7] =	ssyncset.done @p0 $0x0  }
0x18c: {  	s16 =	simm.s32 @p0 $0x8A10;
	[sflag:s7] =	ssyncadd.s32 @p0 $0xFFFFE000;
	s7 =	simm.s32 @p0 $0x2890  }
0x18d: {  	[spmem:s2] =	stream.indirect.scatter.add.f32 @p0 [tilespmem:s16], [sflag:$0xF], $0x40, s7, s0, $0xb8;
	[tilespmem:$0x190B0] =	vst v63  }
0x18e: {  	_ =	swait.ge @p0 [sflag:s6], $0x2000  }
0x18f: {  	[sflag:s6] =	ssyncset.done @p0 $0x0  }
0x190: {  	s0 =	sadd.s32 @!p0 s15, s19;
	[sflag:s6] =	ssyncadd.s32 @p0 $0xFFFFE000;
	s6 =	simm.s32 @!p0 $0x2810  }
0x191: {  	[tilespmem:s6], [sflag:$0x3] =	stream.linear.gather @!p0 [hbm4b:s0+s28], $0x80, $0x38;
	[tilespmem:$0x190B0] =	vst v63  }
0x192: {  	s0 =	sadd.s32 @!p0 $0xFFFFFE80, s5;
	s6 =	simm.s32 @!p0 $0x6A10  }
0x193: {  	[tilespmem:s6], [sflag:$0x9] =	stream.indirect.gather @!p0 [hbm4b:s4+s31], $0x40, s0, s31, $0xb8;
	[tilespmem:$0x190B0] =	vst v63  }
0x194: {  	s0 =	simm.s32 @!p0 $0x4  }
0x195: {  	_ =	swait.ge @!p0 [sflag:s0], $0x80  }
0x196: {  	[sflag:s0] =	ssyncset.done @!p0 $0x0  }
0x197: {  	[sflag:s0] =	ssyncadd.s32 @!p0 $0xFFFFFF80;
	s0 =	simm.s32 @!p0 $0xA  }
0x198: {  	_ =	swait.ge @!p0 [sflag:s0], $0x2000  }
0x199: {  	[sflag:s0] =	ssyncset.done @!p0 $0x0  }
0x19a: {  	s6 =	simm.s32 @!p0 $0x8A10;
	[sflag:s0] =	ssyncadd.s32 @!p0 $0xFFFFE000;
	s0 =	simm.s32 @!p0 $0x2890  }
0x19b: {  	[spmem:s2] =	stream.indirect.scatter.add.f32 @!p0 [tilespmem:s6], [sflag:$0xF], $0x40, s0, s31, $0xb8;
	[tilespmem:$0x190B0] =	vst v63  }
0x19c: {  	_ =	swait.ge @!p0 [sflag:s17], $0x2000  }
0x19d: {  	[sflag:s17] =	ssyncset.done @!p0 $0x0;
	s7 =	rddreg [dreg:$0x10]  }
0x19e: {  	[sflag:s17] =	ssyncadd.s32 @!p0 $0xFFFFE000;
	s7 =	sadd.s32 @!p0 s15, s7  }
0x19f: {  	[tilespmem:s0], [sflag:$0x4] =	stream.linear.gather @!p0 [hbm4b:s7+s28], $0x80, $0x38;
	[tilespmem:$0x190B0] =	vst v63  }
0x1a0: {  	s0 =	sadd.s32 @!p0 $0xFFFFFF00, s5  }
0x1a1: {  	[tilespmem:s6], [sflag:$0xA] =	stream.indirect.gather @!p0 [hbm4b:s4+s31], $0x40, s0, s31, $0xb8;
	[tilespmem:$0x190B0] =	vst v63  }
0x1a2: {  	_ =	swait.ge [sflag:s23], $0x80  }
0x1a3: {  	[sflag:s23] =	ssyncset.done $0x0  }
0x1a4: {  	[sflag:s23] =	ssyncadd.s32 $0xFFFFFF80  }
0x1a5: {  	_ =	swait.ge [sflag:s24], $0x2000  }
0x1a6: {  	[sflag:s24] =	ssyncset.done $0x0  }
.Ltmp2:
0x1a7: {  	[sflag:s24] =	ssyncadd.s32 $0xFFFFE000;
	(pc) =	sbr.rel @p0 .LBB2_4-.Ltmp2, $4  }
0x1a8: {  	[spmem:s2] =	stream.indirect.scatter.add.f32 [tilespmem:s9], [sflag:$0xF], $0x40, s8, s1, $0xb8;
	[tilespmem:$0x190B0] =	vst v63  }
0x1a9: {  	_ =	swait.ge [sflag:s29], $0x2000  }
0x1aa: {  	[sflag:s29] =	ssyncset.done $0x0  }
0x1ab: {  	[sflag:s29] =	ssyncadd.s32 $0xFFFFE000  }
0x1ac: {  	s0 =	rddreg [dreg:$0xf]  }
0x1ad: {  	s0 =	sadd.s32 s15, s0  }
0x1ae: {  	[tilespmem:s8], [sflag:$0x5] =	stream.linear.gather [hbm4b:s0+s3], $0x80, $0x38;
	[tilespmem:$0x190B0] =	vst v63  }
0x1af: {  	s28 =	sadd.s32 $0xFFFFFF80, s5  }
0x1b0: {  	[tilespmem:s9], [sflag:$0xB] =	stream.indirect.gather [hbm4b:s4+s1], $0x40, s28, s1, $0xb8;
	[tilespmem:$0x190B0] =	vst v63  }
0x1b1: {  	_ =	swait.ge [sflag:s25], $0x80  }
0x1b2: {  	[sflag:s25] =	ssyncset.done $0x0  }
0x1b3: {  	[sflag:s25] =	ssyncadd.s32 $0xFFFFFF80  }
0x1b4: {  	_ =	swait.ge [sflag:s26], $0x2000  }
0x1b5: {  	[sflag:s26] =	ssyncset.done $0x0  }
0x1b6: {  	[sflag:s26] =	ssyncadd.s32 $0xFFFFE000  }
0x1b7: {  	[spmem:s2] =	stream.indirect.scatter.add.f32 [tilespmem:s11], [sflag:$0xF], $0x40, s10, s1, $0xb8;
	[tilespmem:$0x190B0] =	vst v63  }
0x1b8: {  	_ =	swait.ge [sflag:s29], $0x2000  }
0x1b9: {  	[sflag:s29] =	ssyncset.done $0x0;
	s31 =	rddreg [dreg:$0xe]  }
.Ltmp3:
0x1ba: {  	[sflag:s29] =	ssyncadd.s32 $0xFFFFE000;
	s0 =	sadd.s32 s15, s31;
	(pc) =	sbr.rel .LBB2_2-.Ltmp3, $4  }
0x1bb: {  	[tilespmem:s10], [sflag:$0x6] =	stream.linear.gather [hbm4b:s0+s3], $0x80, $0x38;
	[tilespmem:$0x190B0] =	vst v63  }
0x1bc: {  	_ = 	snop  }
0x1bd: {  	[tilespmem:s11], [sflag:$0xC] =	stream.indirect.gather [hbm4b:s4+s1], $0x40, s5, s1, $0xb8;
	[tilespmem:$0x190B0] =	vst v63  }
0x1be: {  	s15 =	sadd.s32 $0x60, s15;
	s5 =	sadd.s32 $0x300, s5  }
.LBB2_5:
0x1bf: {  	_ =	sfence.sel $0x180000  }
0x1c0: {  	[bflag:$0x0] =	sbarrier.arrive $0xFFFF  }
0x1c1: {  	_ =	strace $0x9000004A  }
0x1c2: {  	s0 =	stileid.u32;
	[bflag:$0x2] =	sbarrier.arrive $0xFFFF  }
0x1c3: {  	p0 =	sne.s32 s0, $0x0;
	s0 =	rddreg [dreg:$0x2]  }
0x1c4: {  	s0 =	sadd.s32 @!p0 $0x100000, s0  }
0x1c5: {  	[sflag:s0] =	ssyncadd.tile.s32 @!p0 $0x1;
	_ =	shalt  }
.Lfunc_end2:
_tile_overlayer_lowered:
.L_overlay_start_2:
0x1c6: {  	(tag) =	ssettag $0x2  }
0x1c7: {  	s0 =	rddreg [dreg:$0x0];
	s2 =	stileid.u32  }
0x1c8: {  	s1 =	rddreg [dreg:$0x1];
	p0 =	sne.s32 s2, $0x0  }
0x1c9: {  	s3 =	rddreg [dreg:$0x2];
	[bflag:$0x3] =	sbarrier.arrive $0xFFFF;
	s2 =	simm.s32 @!p0 $0x1C0F  }
0x1ca: {  	[timem:s3], [sflag:s2] =	dma.local @!p0 [hbm:s0], s1  }
0x1cb: {  	s0 =	simm.s32 @!p0 $0xF  }
0x1cc: {  	_ =	swait.ge @!p0 [sflag:s0], s1  }
0x1cd: {  	s1 =	ssub.s32 @!p0 $0x0, s1;
	[sflag:s0] =	ssyncset.done @!p0 $0x0  }
0x1ce: {  	[sflag:s0] =	ssyncadd.s32 @!p0 s1  }
0x1cf: {  	[bflag:$0x3] =	sbarrier.arrive $0xFFFF  }
0x1d0: {  	_ =	shalt  }

// kernel: kernel.14.cloned.1.call-start
scs
__scs_entry_jumppad:
0x0: {  	(pc) =	sbr.rel $0x88, $3  }
0x1: {  	(tag) =	ssettag $0x0;
	lr =	simm.s32 $0x1  }
0x2: {  	[smem:$0x3F9B] =	sst lr;
	_ =	strace $0xD0000000  }
0x3: {  	_ = 	snop  }
0x4: {  	_ = 	snop  }
0x5: {  	_ = 	snop  }
0x6: {  	_ = 	snop  }
0x7: {  	_ = 	snop  }
__scs_overlays_trampoline_lowered:
0x8: {  	[smem:$0x3FAA] =	sst s0  }
0x9: {  	[smem:$0x3FAB] =	sst s1  }
0xa: {  	[smem:$0x3FAC] =	sst s2  }
0xb: {  	[smem:$0x3FAD] =	sst s3  }
0xc: {  	[smem:$0x3FAE] =	sst s4  }
0xd: {  	[smem:$0x3FAF] =	sst s5  }
0xe: {  	[smem:$0x3FB0] =	sst s6  }
0xf: {  	[smem:$0x3FB1] =	sst s7  }
0x10: {  	[smem:$0x3FB2] =	sst s8  }
0x11: {  	[smem:$0x3FB3] =	sst s9;
	s0 =	simm.s32 @!p0 $0x0  }
0x12: {  	s1 =	sld [smem:$0x3F99];
	s0 =	simm.s32 @p0 $0x1  }
0x13: {  	[smem:$0x3FB4] =	sst s0;
	s0 =	simm.s32 @!p1 $0x0  }
0x14: {  	s2 =	sld [smem:$0x3F98];
	s0 =	simm.s32 @p1 $0x1  }
0x15: {  	[smem:$0x3FB5] =	sst s0;
	s0 =	simm.s32 @!p2 $0x0  }
0x16: {  	s3 =	sld [smem:$0x3FDB];
	s0 =	simm.s32 @p2 $0x1  }
0x17: {  	s4 =	simm.s32 $0x1BF5;
	[smem:$0x3FB7] =	sst s0  }
0x18: {  	s0 =	sld [smem:$0x3F9A];
	_ =	swait.ge [sflag:s4], $0x0  }
0x19: {  	s7 =	sld [smem:$0x3F9B]  }
0x1a: {  	s8 =	sadd.s32 $0xFFFFE003, lr  }
0x1b: {  	s9 =	sadd.s32 $0xFFFFFEF7, lr;
	s5 =	simm.s32 $0xFFFFFFFF;
	p2 =	slt.u32 s8, $0xFFFFF086  }
0x1c: {  	p1 =	slt.u32 s9, $0xF7A;
	s5 =	simm.s32 @!p2 $0x0  }
0x1d: {  	s5 =	simm.s32 @p1 $0x1;
	p0 =	seq.s32 s7, s2  }
0x1e: {  	s7 =	smul.u32 @!p0 $0xF7A, s2;
	p2 =	seq.s32 @!p0 s5, $0x0  }
0x1f: {  	s9 =	smul.u32 $0xF7A, s1;
	s8 =	simm.s32 @!p0 $0x1BF5;
	p2 =	por !p2, p0  }
0x20: {  	[sflag:s8] =	ssyncset.s32 @!p0 $0xFFFFF086;
	s6 =	sadd.s32 @!p0 s3, s7;
	s7 =	simm.s32 @!p0 $0x108  }
0x21: {  	s3 =	sadd.s32 s3, s9;
	s6 =	sadd.s32 @!p0 $0x88, s6;
	s7 =	simm.s32 @p2 $0x1082  }
0x22: {  	[simem:s7], [sflag:s8] =	dma.local @!p0 [hbm:s6], $0xF7A  }
0x23: {  	s9 =	sor.u32 $0xD0000000, s2;
	s6 =	simm.s32 $0x108;
	_ =	swait.ge @!p0 [sflag:s8], $0x0  }
0x24: {  	s3 =	sadd.s32 $0x88, s3;
	s6 =	simm.s32 @!p1 $0x1082;
	[sflag:s4] =	ssyncset.s32 $0xFFFFF086  }
0x25: {  	[simem:s6], [sflag:s4] =	dma.local [hbm:s3], $0xF7A  }
0x26: {  	[smem:$0x3F9B] =	sst s1;
	(tag) =	ssettag s2;
	_ =	strace s9  }
0x27: {  	s1 =	sld [smem:$0x3FAB]  }
0x28: {  	s2 =	sld [smem:$0x3FAC]  }
0x29: {  	s4 =	sld [smem:$0x3FAE]  }
0x2a: {  	p0 =	seq.s32 s5, $0x0;
	s5 =	sld [smem:$0x3FAF]  }
0x2b: {  	s6 =	sld [smem:$0x3FB0]  }
0x2c: {  	s7 =	sld [smem:$0x3FB1]  }
0x2d: {  	s3 =	simm.s32 $0x108;
	s8 =	sld [smem:$0x3FB2]  }
0x2e: {  	s3 =	simm.s32 @!p0 $0x1082;
	s9 =	sld [smem:$0x3FB3]  }
0x2f: {  	lr =	sadd.s32 s0, s3;
	s0 =	sld [smem:$0x3FAA]  }
0x30: {  	s3 =	sld [smem:$0x3FAD]  }
0x31: {  	[smem:$0x3FB6] =	sst s10  }
0x32: {  	s10 =	sld [smem:$0x3FB4];
	_ =	sdelay $0x3  }
0x33: {  	p0 =	seq.s32 s10, $0x1;
	s10 =	sld [smem:$0x3FB6];
	_ =	sdelay $0x3  }
0x34: {  	[smem:$0x3FB6] =	sst s10  }
0x35: {  	s10 =	sld [smem:$0x3FB5];
	_ =	sdelay $0x3  }
0x36: {  	p1 =	seq.s32 s10, $0x1;
	s10 =	sld [smem:$0x3FB6];
	_ =	sdelay $0x3  }
0x37: {  	[smem:$0x3FB6] =	sst s10  }
0x38: {  	s10 =	sld [smem:$0x3FB7]  }
0x39: {  	_ = 	snop;
	(pc) =	sbr.ind lr, $3  }
0x3a: {  	_ = 	snop  }
0x3b: {  	_ = 	snop  }
0x3c: {  	p2 =	seq.s32 s10, $0x1;
	s10 =	sld [smem:$0x3FB6]  }
0x3d: {  	_ =	shalt  }
0x3e: {  	_ =	shalt  }
0x3f: {  	_ =	shalt  }
0x40: {  	_ =	shalt  }
0x41: {  	_ =	shalt  }
0x42: {  	_ =	shalt  }
0x43: {  	_ =	shalt  }
0x44: {  	_ =	shalt  }
0x45: {  	_ =	shalt  }
0x46: {  	_ =	shalt  }
0x47: {  	_ =	shalt  }
0x48: {  	_ =	shalt  }
0x49: {  	_ =	shalt  }
0x4a: {  	_ =	shalt  }
0x4b: {  	_ =	shalt  }
0x4c: {  	_ =	shalt  }
0x4d: {  	_ =	shalt  }
0x4e: {  	_ =	shalt  }
0x4f: {  	_ =	shalt  }
0x50: {  	_ =	shalt  }
0x51: {  	_ =	shalt  }
0x52: {  	_ =	shalt  }
0x53: {  	_ =	shalt  }
0x54: {  	_ =	shalt  }
0x55: {  	_ =	shalt  }
0x56: {  	_ =	shalt  }
0x57: {  	_ =	shalt  }
0x58: {  	_ =	shalt  }
0x59: {  	_ =	shalt  }
0x5a: {  	_ =	shalt  }
0x5b: {  	_ =	shalt  }
0x5c: {  	_ =	shalt  }
0x5d: {  	_ =	shalt  }
0x5e: {  	_ =	shalt  }
0x5f: {  	_ =	shalt  }
0x60: {  	_ =	shalt  }
0x61: {  	_ =	shalt  }
0x62: {  	_ =	shalt  }
0x63: {  	_ =	shalt  }
0x64: {  	_ =	shalt  }
0x65: {  	_ =	shalt  }
0x66: {  	_ =	shalt  }
0x67: {  	_ =	shalt  }
0x68: {  	_ =	shalt  }
0x69: {  	_ =	shalt  }
0x6a: {  	_ =	shalt  }
0x6b: {  	_ =	shalt  }
0x6c: {  	_ =	shalt  }
0x6d: {  	_ =	shalt  }
0x6e: {  	_ =	shalt  }
0x6f: {  	_ =	shalt  }
0x70: {  	_ =	shalt  }
0x71: {  	_ =	shalt  }
0x72: {  	_ =	shalt  }
0x73: {  	_ =	shalt  }
0x74: {  	_ =	shalt  }
0x75: {  	_ =	shalt  }
0x76: {  	_ =	shalt  }
0x77: {  	_ =	shalt  }
0x78: {  	_ =	shalt  }
0x79: {  	_ =	shalt  }
0x7a: {  	_ =	shalt  }
0x7b: {  	_ =	shalt  }
0x7c: {  	_ =	shalt  }
0x7d: {  	_ =	shalt  }
0x7e: {  	_ =	shalt  }
0x7f: {  	_ =	shalt  }
0x80: {  	_ =	shalt  }
0x81: {  	_ =	shalt  }
0x82: {  	_ =	shalt  }
0x83: {  	_ =	shalt  }
0x84: {  	_ =	shalt  }
0x85: {  	_ =	shalt  }
0x86: {  	_ =	shalt  }
0x87: {  	_ =	shalt  }
.Lfunc_end0:
.L_simem_size_0:
called_computation.2_lowered:
.L_overlay_start_0:
0x88: {  	s2 =	sld [smem:$0x3FD9]  }
0x89: {  	s3 =	sld [smem:$0x3FFE];
	_ =	sdelay $0x1  }
0x8a: {  	s1 =	srdreg.scid  }
0x8b: {  	s0 =	sand.u32 $0x1, s1  }
0x8c: {  	s17 =	sshll.u32 s0, $0xA;
	s2 =	sadd.s32 s3, s2  }
0x8d: {  	s2 =	sadd.s32 s2, s17  }
0x8e: {  	[smem:$0x3FC2] =	sst s2  }
0x8f: {  	_ = 	snop  }
0x90: {  	s2 =	sld [smem:$0x3FD0];
	(tm) =	ssettm $0x1  }
0x91: {  	s18 =	sld [smem:$0x3FFB];
	_ =	sdelay $0x3  }
0x92: {  	_ =	strace s18  }
0x93: {  	s3 =	sld [smem:$0x3FFC];
	_ =	sdelay $0x3  }
0x94: {  	_ =	strace s3  }
0x95: {  	s3 =	sld [smem:$0x3FFD];
	_ =	sdelay $0x3  }
0x96: {  	_ =	strace s3  }
0x97: {  	_ =	strace $0x8FFFFFFF  }
0x98: {  	s19 =	sld [smem:$0x3FDB];
	_ =	sdelay $0x1  }
0x99: {  	s4 =	simm.s32 $_scs_section_size  }
0x9a: {  	s5 =	simm.s32 $_size__tile_overlayer_lowered;
	s6 =	simm.s32 $_tile_overlayer_lowered  }
0x9b: {  	s22 =	simm.s32 $0x1BFF;
	s21 =	sshll.u32 s6, $0x1;
	s3 =	sadd.s32 s4, s19  }
0x9c: {  	s7 =	simm.s32 $0x0;
	s20 =	sshll.u32 s5, $0x1;
	s5 =	sadd.s32 s21, s3  }
0x9d: {  	[timem:s7], [sflag:s22] =	dma.local [hbm:s5], s20  }
0x9e: {  	_ =	swait.ge [sflag:s22], s20  }
0x9f: {  	s4 =	ssub.s32 $0x0, s20;
	[sflag:s22] =	ssyncset.done $0x0  }
0xa0: {  	[sflag:s22] =	ssyncadd.s32 s4;
	_ =	sdelay $0x1  }
0xa1: {  	s23 =	simm.s32 $0x1B8B  }
0xa2: {  	_ =	swait.ge [sflag:s23], $0x1  }
0xa3: {  	[sflag:s23] =	ssyncset.done $0x0  }
0xa4: {  	s25 =	simm.s32 $0x1B8E;
	s24 =	sld [smem:$0x3FFE];
	[sflag:s23] =	ssyncadd.s32 $0xFFFFFFFF  }
0xa5: {  	s26 =	simm.s32 $execute0_lowered;
	[smem:$0x3FD2] =	sst s25  }
0xa6: {  	s5 =	sshll.u32 s26, $0x1;
	_ =	strace $0x8000004C;
	[dreg:$0x1] =	wrdreg $0xFFFFFFFF  }
0xa7: {  	s28 =	simm.s32 $_size_execute0_lowered;
	s3 =	sadd.s32 s3, s5;
	[dreg:$0x0] =	wrdreg $0x0  }
0xa8: {  	s5 =	sshll.u32 s28, $0x1;
	[dreg:$0x2] =	wrdreg s3  }
0xa9: {  	[dreg:$0x3] =	wrdreg s5  }
0xaa: {  	[dreg:$0x4] =	wrdreg $0xC0  }
0xab: {  	_ =	task [dreg:s7], $0x5FFFF  }
0xac: {  	[dreg:$0x1] =	wrdreg $0xFFFFFFFF  }
0xad: {  	[dreg:$0x0] =	wrdreg $0x60  }
0xae: {  	[dreg:$0x2] =	wrdreg s2  }
0xaf: {  	[dreg:$0x3] =	wrdreg s24  }
0xb0: {  	[dreg:$0x4] =	wrdreg $0x102D00  }
0xb1: {  	[dreg:$0x5] =	wrdreg $0x9  }
0xb2: {  	_ =	task.clear_ibuf [dreg:s7], $0x6FFFF;
	_ =	strace $0x9000004C  }
0xb3: {  	s29 =	simm.s32 $0x9;
	_ =	strace $0x8000004E  }
0xb4: {  	_ =	swait.ge [sflag:s29], $0x1  }
0xb5: {  	[sflag:s29] =	ssyncadd.s32 $0xFFFFFFFF  }
0xb6: {  	_ =	strace $0x9000004E  }
0xb7: {  	_ =	sfence  }
0xb8: {  	s30 =	sld [smem:$0x0];
	_ =	sdelay $0x2  }
0xb9: {  	s31 =	sshll.u32 s1, $0xD;
	s1 =	sshrl.u32 s1, $0x2  }
0xba: {  	s3 =	sand.u32 $0x4000, s31;
	s1 =	sadd.s32 s1, s30  }
0xbb: {  	s0 =	sor.u32 s3, s0;
	s1 =	sshll.u32 s1, $0x11  }
0xbc: {  	s0 =	sor.u32 s1, s0  }
0xbd: {  	s0 =	sadd.s32 $0x8F2B, s0  }
0xbe: {  	[sflag:s0] =	ssyncadd.remote.s32 $0x1  }
0xbf: {  	_ =	sfence.sel $0xFFFF  }
0xc0: {  	[dreg:$0x0] =	wrdreg $0xFFFFFFFF;
	(pc) =	sbr.abs _section_cstart, $3  }
0xc1: {  	[dreg:$0x1] =	wrdreg $0xFFFFFFFF  }
0xc2: {  	_ =	task.clear_ibuf [dreg:s7], $0x2FFFF;
	_ =	strace $0x9FFFFFFF  }
0xc3: {  	(tm) =	ssettm $0x7FFFFFFF  }
tec
execute0_lowered:
.L_overlay_start_1:
0x0: {  	(tag) =	ssettag $0x1  }
0x1: {  	s1 =	rddreg [dreg:$0x0]  }
0x2: {  	s0 =	rddreg [dreg:$0x1];
	s2 =	srdreg.scid  }
0x3: {  	s10 =	stileid.u32;
	s3 =	rddreg [dreg:$0x2];
	s14 =	simm.s32 $0x0  }
0x4: {  	s4 =	sand.u32 $0x1, s2;
	s5 =	smul.u32 $0x4E20, s10;
	[smem:$0x7FF] =	sst s14  }
0x5: {  	s6 =	sadd.s32 $0x1C00, s0;
	s8 =	smul.u32 $0x13880, s10;
	s10 =	sshll.u32 s10, $0x1  }
0x6: {  	s2 =	smul.u32 $0x4E200, s4;
	_ =	strace $0x8000004D;
	s7 =	ssub.s32 $0x2, s4  }
0x7: {  	s11 =	smul.u32 $0x2710, s4;
	s4 =	sor.u32 s4, s10;
	s9 =	sshrl.u32 s7, $0x1  }
0x8: {  	s17 =	sshrl.u32 s8, $0x2;
	s18 =	smul.u32 $0x2710, s4;
	s15 =	sadd.s32 s5, s3  }
0x9: {  	s2 =	sadd.s32 s5, s2;
	s4 =	sadd.s32 s17, s3;
	[dreg:$0x4] =	wrdreg s15  }
0xa: {  	s2 =	sshrl.u32 s2, $0x3;
	s20 =	sshrl.u32 s18, $0x3;
	s21 =	sadd.s32 $0x640, s4  }
0xb: {  	s0 =	sadd.s32 s2, s0;
	s2 =	ssub.s32 s7, s9;
	s9 =	sadd.s32 s11, s5  }
0xc: {  	s7 =	sadd.s32 $0x320, s4;
	[dreg:$0x6] =	wrdreg s21;
	s10 =	sadd.s32 s6, s20  }
0xd: {  	s19 =	sadd.s32 $0x4EE80, s9;
	[dreg:$0x5] =	wrdreg s7;
	s22 =	sadd.s32 $0x4EE00, s9  }
0xe: {  	s23 =	sadd.s32 $0x4ED80, s9;
	s24 =	sadd.s32 $0x4ED00, s9;
	s11 =	sadd.s32 $0x4EB80, s9  }
0xf: {  	s16 =	sadd.s32 $0x4EB00, s9;
	s17 =	sadd.s32 $0x4EA80, s9;
	s18 =	sadd.s32 $0x4EA00, s9  }
0x10: {  	s21 =	sadd.s32 $0x4E980, s9;
	s0 =	sadd.s32 $0x15600, s0;
	[dreg:$0x7] =	wrdreg s10  }
0x11: {  	s5 =	sshrl.u32 s19, $0x3;
	s7 =	sshrl.u32 s23, $0x3;
	s8 =	sshrl.u32 s24, $0x3  }
0x12: {  	s23 =	sadd.s32 $0x4E880, s9;
	[smem:$0x7ED] =	sst s0;
	s5 =	sadd.s32 s5, s6  }
0x13: {  	s25 =	sadd.s32 s7, s6;
	s26 =	sadd.s32 s8, s6;
	[dreg:$0x8] =	wrdreg s5  }
0x14: {  	s7 =	sadd.s32 $0x4EC80, s9;
	s8 =	sadd.s32 $0x4EC00, s9;
	[dreg:$0xa] =	wrdreg s25  }
0x15: {  	s5 =	sshrl.u32 s22, $0x3;
	[dreg:$0xb] =	wrdreg s26;
	s26 =	sadd.s32 $0x960, s4  }
0x16: {  	s22 =	sadd.s32 $0x4E900, s9;
	s9 =	sadd.s32 $0x15E0, s4;
	[dreg:$0x15] =	wrdreg s26  }
0x17: {  	s5 =	sadd.s32 s5, s6;
	[dreg:$0x19] =	wrdreg s9  }
0x18: {  	s26 =	sadd.s32 $0x41A0, s4;
	s9 =	sadd.s32 $0x9C40, s10;
	[dreg:$0x9] =	wrdreg s5  }
0x19: {  	s5 =	sshrl.u32 s7, $0x3;
	s7 =	sshrl.u32 s8, $0x3;
	[smem:$0x7E9] =	sst s26  }
0x1a: {  	s8 =	sshrl.u32 s11, $0x3;
	s11 =	sadd.s32 $0x1900, s4;
	[smem:$0x7EF] =	sst s9  }
0x1b: {  	s26 =	sadd.s32 $0xA120, s10;
	[dreg:$0x1a] =	wrdreg s11  }
0x1c: {  	s5 =	sadd.s32 s5, s6;
	[smem:$0x7FD] =	sst s26  }
0x1d: {  	s12 =	sadd.s32 s7, s6;
	[dreg:$0xc] =	wrdreg s5  }
0x1e: {  	s13 =	sadd.s32 s8, s6;
	[dreg:$0xd] =	wrdreg s12  }
0x1f: {  	s7 =	sshrl.u32 s17, $0x3;
	s17 =	sadd.s32 $0x2580, s4;
	[dreg:$0xe] =	wrdreg s13  }
0x20: {  	s8 =	sshrl.u32 s18, $0x3;
	s18 =	sadd.s32 $0x28A0, s4;
	[dreg:$0x1e] =	wrdreg s17  }
0x21: {  	s11 =	sadd.s32 $0x9C50, s10;
	[dreg:$0x1f] =	wrdreg s18  }
0x22: {  	s19 =	sadd.s32 s7, s6;
	[smem:$0x7F0] =	sst s11  }
0x23: {  	s20 =	sadd.s32 s8, s6;
	[dreg:$0x10] =	wrdreg s19  }
0x24: {  	s12 =	sadd.s32 $0x1C20, s4;
	[dreg:$0x11] =	wrdreg s20  }
0x25: {  	s13 =	sadd.s32 $0x1F40, s4;
	[dreg:$0x1b] =	wrdreg s12  }
0x26: {  	s5 =	sshrl.u32 s16, $0x3;
	s16 =	sadd.s32 $0x2260, s4;
	[dreg:$0x1c] =	wrdreg s13  }
0x27: {  	s7 =	sshrl.u32 s22, $0x3;
	s22 =	sadd.s32 $0x3520, s4;
	[dreg:$0x1d] =	wrdreg s16  }
0x28: {  	s8 =	sshrl.u32 s23, $0x3;
	s23 =	sadd.s32 $0x3840, s4;
	[smem:$0x7E5] =	sst s22  }
0x29: {  	s17 =	sadd.s32 $0x9C90, s10;
	[smem:$0x7E6] =	sst s23  }
0x2a: {  	s18 =	sadd.s32 $0x9CA0, s10;
	[smem:$0x7F4] =	sst s17  }
0x2b: {  	s5 =	sadd.s32 s5, s6;
	[smem:$0x7F5] =	sst s18  }
0x2c: {  	s24 =	sadd.s32 s7, s6;
	[dreg:$0xf] =	wrdreg s5  }
0x2d: {  	s25 =	sadd.s32 s8, s6;
	[dreg:$0x13] =	wrdreg s24  }
0x2e: {  	s7 =	sadd.s32 $0xFA0, s4;
	[dreg:$0x14] =	wrdreg s25  }
0x2f: {  	s8 =	sadd.s32 $0x12C0, s4;
	[dreg:$0x17] =	wrdreg s7  }
0x30: {  	s19 =	sadd.s32 $0x2BC0, s4;
	[dreg:$0x18] =	wrdreg s8  }
0x31: {  	s28 =	simm.s32 $0xED90;
	s20 =	sadd.s32 $0x2EE0, s4;
	[smem:$0x7E2] =	sst s19  }
0x32: {  	s29 =	simm.s32 $0x1;
	s12 =	sadd.s32 $0x9C60, s10;
	[smem:$0x7E3] =	sst s20  }
0x33: {  	s30 =	simm.s32 $0xE;
	s13 =	sadd.s32 $0x9C70, s10;
	[smem:$0x7F1] =	sst s12  }
0x34: {  	s31 =	simm.s32 $0x3;
	s16 =	sadd.s32 $0x9C80, s10;
	[smem:$0x7F2] =	sst s13  }
0x35: {  	s0 =	simm.s32 $0x5;
	s22 =	sadd.s32 $0x9CE0, s10;
	[smem:$0x7F3] =	sst s16  }
0x36: {  	s9 =	simm.s32 $0x18;
	s23 =	sadd.s32 $0x9CF0, s10;
	[smem:$0x7F9] =	sst s22  }
0x37: {  	s5 =	sshrl.u32 s21, $0x3;
	s21 =	sadd.s32 $0x3200, s4;
	[smem:$0x7FA] =	sst s23  }
0x38: {  	s26 =	simm.s32 $0x80;
	s24 =	sadd.s32 $0x3B60, s4;
	[smem:$0x7E4] =	sst s21  }
0x39: {  	s11 =	simm.s32 $0x1A;
	s25 =	sadd.s32 $0x3E80, s4;
	[smem:$0x7E7] =	sst s24  }
0x3a: {  	s7 =	sadd.s32 $0x47E0, s4;
	s8 =	smax.u32 s2, $0x1;
	[smem:$0x7E8] =	sst s25  }
0x3b: {  	s19 =	sadd.s32 $0x9CB0, s10;
	s20 =	sadd.s32 $0x9CC0, s10;
	[smem:$0x7EB] =	sst s7  }
0x3c: {  	s23 =	simm.s32 $0x1D;
	s2 =	simm.s32 $0x10;
	[smem:$0x7EE] =	sst s8  }
0x3d: {  	s22 =	simm.s32 $0x16;
	s13 =	simm.s32 $0x0;
	[smem:$0x7F6] =	sst s19  }
0x3e: {  	s5 =	sadd.s32 s5, s6;
	s6 =	sadd.s32 $0xC80, s4;
	[smem:$0x7F7] =	sst s20  }
0x3f: {  	s21 =	sadd.s32 $0x9CD0, s10;
	s24 =	sadd.s32 $0x9D00, s10;
	[dreg:$0x12] =	wrdreg s5  }
0x40: {  	s25 =	sadd.s32 $0x4E0, s10;
	s7 =	simm.s32 $0x7;
	[dreg:$0x16] =	wrdreg s6  }
.Ltmp0:
0x41: {  	s8 =	simm.s32 $0x14;
	[smem:$0x7F8] =	sst s21;
	(pc) =	sbr.rel .LBB2_1-.Ltmp0, $4  }
0x42: {  	s10 =	simm.s32 $0xD;
	s6 =	sadd.s32 $0x44C0, s4;
	[smem:$0x7FB] =	sst s24  }
0x43: {  	s4 =	sadd.s32 $0x4B00, s4;
	[smem:$0x7FC] =	sst s25;
	s24 =	simm.s32 $0x1C  }
0x44: {  	s25 =	simm.s32 $0x2D10;
	s5 =	simm.s32 $0x9;
	[smem:$0x7EA] =	sst s6  }
0x45: {  	v0 =	vimm.f32 $0.0e+00;
	[smem:$0x7EC] =	sst s4;
	s6 =	simm.s32 $0x12;
	s4 =	simm.s32 $0xB  }
.LBB2_4:
0x46: {  	s12 =	sld [smem:$0x7FC];
	_ =	sdelay $0x1  }
0x47: {  	s14 =	simm.s32 $0x0;
	s13 =	simm.s32 $0xFD90  }
0x48: {  	[tilespmem:s13], [sflag:$0x1D] =	stream.linear.gather [hbm4b:s12+s14], $0x10, $0x38;
	[tilespmem:$0x150F0] =	vst v63  }
0x49: {  	_ =	swait.ge [sflag:s23], $0x10  }
0x4a: {  	s21 =	sld [smem:$0x7FD]  }
0x4b: {  	[sflag:s23] =	ssyncset.done $0x0  }
0x4c: {  	s15 =	simm.s32 $0xFDA0;
	[sflag:s23] =	ssyncadd.s32 $0xFFFFFFF0  }
0x4d: {  	[tilespmem:s15], [sflag:$0x1D] =	stream.linear.gather [hbm4b:s21+s14], $0x10, $0x38;
	[tilespmem:$0x150F0] =	vst v63  }
0x4e: {  	_ =	swait.ge [sflag:s23], $0x10  }
0x4f: {  	[sflag:s23] =	ssyncset.done $0x0  }
0x50: {  	s16 =	simm.s32 $0xFDB0;
	s17 =	simm.s32 $0x1B;
	[sflag:s23] =	ssyncadd.s32 $0xFFFFFFF0  }
0x51: {  	[tilespmem:s16], [sflag:$0x1B] =	stream.indirect.gather [hbm4b:s1+s2], $0x20, s13, s2, $0xb8;
	[tilespmem:$0x150F0] =	vst v63  }
0x52: {  	_ =	swait.ge [sflag:s17], $0x200  }
0x53: {  	[sflag:s17] =	ssyncset.done $0x0  }
0x54: {  	[sflag:s17] =	ssyncadd.s32 $0xFFFFFE00  }
0x55: {  	[spmem:s3] =	stream.indirect.scatter.add.f32 [tilespmem:s16], [sflag:$0x1D], $0x20, s15, s2, $0xb8;
	[tilespmem:$0x150F0] =	vst v63  }
0x56: {  	_ =	swait.ge [sflag:s23], $0x200  }
0x57: {  	[sflag:s23] =	ssyncset.done $0x0  }
0x58: {  	[sflag:s23] =	ssyncadd.s32 $0xFFFFFE00  }
0x59: {  	[bflag:$0x0] =	sbarrier.arrive $0xFFFF  }
0x5a: {  	s18 =	stileid.u32;
	s16 =	sld [smem:$0x7ED]  }
0x5b: {  	s12 =	sshll.u32 s18, $0x6;
	s15 =	rddreg [dreg:$0x4]  }
0x5c: {  	s12 =	sor.u32 $0x1C1D, s12;
	s19 =	sshrl.u32 s15, $0x3  }
0x5d: {  	[hbm:s16], [sflag:s12] =	dma.local [spmem:s19], $0x9C4  }
0x5e: {  	_ =	swait.ge [sflag:s23], $0x9C4  }
0x5f: {  	s20 =	sld [smem:$0x7E1]  }
0x60: {  	s21 =	sld [smem:$0x7EE];
	_ =	sdelay $0x1  }
0x61: {  	s13 =	sadd.s32 $0x1, s20  }
0x62: {  	p0 =	sne.s32 s13, s21  }
.Ltmp1:
0x63: {  	_ = 	snop;
	(pc) =	sbr.rel @!p0 .LBB2_5-.Ltmp1, $3  }
0x64: {  	_ =	sdelay $0x1  }
0x65: {  	[sflag:s23] =	ssyncset.done $0x0  }
0x66: {  	[sflag:s23] =	ssyncadd.s32 $0xFFFFF63C  }
.LBB2_1:
0x67: {  	[tilespmem:$0xFFB0] =	vst v0  }
0x68: {  	[tilespmem:$0xFFC0] =	vst v0  }
0x69: {  	[tilespmem:$0xFFD0] =	vst v0  }
0x6a: {  	[tilespmem:$0xFFE0] =	vst v0  }
0x6b: {  	[tilespmem:$0xFFF0] =	vst v0  }
0x6c: {  	[tilespmem:$0x10000] =	vst v0  }
0x6d: {  	[tilespmem:$0x10010] =	vst v0  }
0x6e: {  	[tilespmem:$0x10020] =	vst v0  }
0x6f: {  	[tilespmem:$0x10030] =	vst v0  }
0x70: {  	[tilespmem:$0x10040] =	vst v0  }
0x71: {  	[tilespmem:$0x10050] =	vst v0  }
0x72: {  	[tilespmem:$0x10060] =	vst v0  }
0x73: {  	[tilespmem:$0x10070] =	vst v0  }
0x74: {  	[tilespmem:$0x10080] =	vst v0  }
0x75: {  	[tilespmem:$0x10090] =	vst v0  }
0x76: {  	[tilespmem:$0x100A0] =	vst v0  }
0x77: {  	[tilespmem:$0x100B0] =	vst v0  }
0x78: {  	[tilespmem:$0x100C0] =	vst v0  }
0x79: {  	[tilespmem:$0x100D0] =	vst v0  }
0x7a: {  	[tilespmem:$0x100E0] =	vst v0  }
0x7b: {  	[tilespmem:$0x100F0] =	vst v0  }
0x7c: {  	[tilespmem:$0x10100] =	vst v0  }
0x7d: {  	[tilespmem:$0x10110] =	vst v0  }
0x7e: {  	[tilespmem:$0x10120] =	vst v0  }
0x7f: {  	[tilespmem:$0x10130] =	vst v0  }
0x80: {  	[tilespmem:$0x10140] =	vst v0  }
0x81: {  	[tilespmem:$0x10150] =	vst v0  }
0x82: {  	[tilespmem:$0x10160] =	vst v0  }
0x83: {  	[tilespmem:$0x10170] =	vst v0  }
0x84: {  	[tilespmem:$0x10180] =	vst v0  }
0x85: {  	[tilespmem:$0x10190] =	vst v0  }
0x86: {  	[tilespmem:$0x101A0] =	vst v0  }
0x87: {  	[tilespmem:$0x101B0] =	vst v0  }
0x88: {  	[tilespmem:$0x101C0] =	vst v0  }
0x89: {  	[tilespmem:$0x101D0] =	vst v0  }
0x8a: {  	[tilespmem:$0x101E0] =	vst v0  }
0x8b: {  	[tilespmem:$0x101F0] =	vst v0  }
0x8c: {  	[tilespmem:$0x10200] =	vst v0  }
0x8d: {  	[tilespmem:$0x10210] =	vst v0  }
0x8e: {  	[tilespmem:$0x10220] =	vst v0  }
0x8f: {  	[tilespmem:$0x10230] =	vst v0  }
0x90: {  	[tilespmem:$0x10240] =	vst v0  }
0x91: {  	[tilespmem:$0x10250] =	vst v0  }
0x92: {  	[tilespmem:$0x10260] =	vst v0  }
0x93: {  	[tilespmem:$0x10270] =	vst v0  }
0x94: {  	[tilespmem:$0x10280] =	vst v0  }
0x95: {  	[tilespmem:$0x10290] =	vst v0  }
0x96: {  	[tilespmem:$0x102A0] =	vst v0  }
0x97: {  	[smem:$0x7E1] =	sst s13;
	[tilespmem:$0x102B0] =	vst v0  }
0x98: {  	[tilespmem:$0x102C0] =	vst v0;
	s13 =	simm.s32 $0xFFB0;
	s12 =	rddreg [dreg:$0x5]  }
0x99: {  	[spmem:s15] =	stream.linear.scatter [tilespmem:s13], [sflag:$0x1C], $0x320, $0x38;
	[tilespmem:$0x150F0] =	vst v63  }
0x9a: {  	s19 =	rddreg [dreg:$0x6]  }
0x9b: {  	[spmem:s12] =	stream.linear.scatter [tilespmem:s13], [sflag:$0x1C], $0x320, $0x38;
	[tilespmem:$0x150F0] =	vst v63  }
0x9c: {  	s20 =	rddreg [dreg:$0x15]  }
0x9d: {  	[spmem:s19] =	stream.linear.scatter [tilespmem:s13], [sflag:$0x1C], $0x320, $0x38;
	[tilespmem:$0x150F0] =	vst v63  }
0x9e: {  	s21 =	rddreg [dreg:$0x16]  }
0x9f: {  	[spmem:s20] =	stream.linear.scatter [tilespmem:s13], [sflag:$0x1C], $0x320, $0x38;
	[tilespmem:$0x150F0] =	vst v63  }
0xa0: {  	s16 =	rddreg [dreg:$0x18]  }
0xa1: {  	[spmem:s21] =	stream.linear.scatter [tilespmem:s13], [sflag:$0x1C], $0x320, $0x38;
	[tilespmem:$0x150F0] =	vst v63  }
0xa2: {  	s15 =	rddreg [dreg:$0x17]  }
0xa3: {  	[spmem:s15] =	stream.linear.scatter [tilespmem:s13], [sflag:$0x1C], $0x320, $0x38;
	[tilespmem:$0x150F0] =	vst v63  }
0xa4: {  	s17 =	rddreg [dreg:$0x19]  }
0xa5: {  	[spmem:s16] =	stream.linear.scatter [tilespmem:s13], [sflag:$0x1C], $0x320, $0x38;
	[tilespmem:$0x150F0] =	vst v63  }
0xa6: {  	s18 =	rddreg [dreg:$0x1a]  }
0xa7: {  	[spmem:s17] =	stream.linear.scatter [tilespmem:s13], [sflag:$0x1C], $0x320, $0x38;
	[tilespmem:$0x150F0] =	vst v63  }
0xa8: {  	s19 =	rddreg [dreg:$0x1b]  }
0xa9: {  	[spmem:s18] =	stream.linear.scatter [tilespmem:s13], [sflag:$0x1C], $0x320, $0x38;
	[tilespmem:$0x150F0] =	vst v63  }
0xaa: {  	s20 =	rddreg [dreg:$0x1c]  }
0xab: {  	[spmem:s19] =	stream.linear.scatter [tilespmem:s13], [sflag:$0x1C], $0x320, $0x38;
	[tilespmem:$0x150F0] =	vst v63  }
0xac: {  	s21 =	rddreg [dreg:$0x1d]  }
0xad: {  	[spmem:s20] =	stream.linear.scatter [tilespmem:s13], [sflag:$0x1C], $0x320, $0x38;
	[tilespmem:$0x150F0] =	vst v63  }
0xae: {  	s15 =	rddreg [dreg:$0x1e]  }
0xaf: {  	[spmem:s21] =	stream.linear.scatter [tilespmem:s13], [sflag:$0x1C], $0x320, $0x38;
	[tilespmem:$0x150F0] =	vst v63  }
0xb0: {  	s16 =	rddreg [dreg:$0x1f]  }
0xb1: {  	[spmem:s15] =	stream.linear.scatter [tilespmem:s13], [sflag:$0x1C], $0x320, $0x38;
	[tilespmem:$0x150F0] =	vst v63  }
0xb2: {  	s17 =	sld [smem:$0x7E2]  }
0xb3: {  	[spmem:s16] =	stream.linear.scatter [tilespmem:s13], [sflag:$0x1C], $0x320, $0x38;
	[tilespmem:$0x150F0] =	vst v63  }
0xb4: {  	s18 =	sld [smem:$0x7E3]  }
0xb5: {  	[spmem:s17] =	stream.linear.scatter [tilespmem:s13], [sflag:$0x1C], $0x320, $0x38;
	[tilespmem:$0x150F0] =	vst v63  }
0xb6: {  	s19 =	sld [smem:$0x7E4]  }
0xb7: {  	[spmem:s18] =	stream.linear.scatter [tilespmem:s13], [sflag:$0x1C], $0x320, $0x38;
	[tilespmem:$0x150F0] =	vst v63  }
0xb8: {  	s20 =	sld [smem:$0x7E5]  }
0xb9: {  	[spmem:s19] =	stream.linear.scatter [tilespmem:s13], [sflag:$0x1C], $0x320, $0x38;
	[tilespmem:$0x150F0] =	vst v63  }
0xba: {  	s21 =	sld [smem:$0x7E6]  }
0xbb: {  	[spmem:s20] =	stream.linear.scatter [tilespmem:s13], [sflag:$0x1C], $0x320, $0x38;
	[tilespmem:$0x150F0] =	vst v63  }
0xbc: {  	s15 =	sld [smem:$0x7E7]  }
0xbd: {  	[spmem:s21] =	stream.linear.scatter [tilespmem:s13], [sflag:$0x1C], $0x320, $0x38;
	[tilespmem:$0x150F0] =	vst v63  }
0xbe: {  	s16 =	sld [smem:$0x7E8]  }
0xbf: {  	[spmem:s15] =	stream.linear.scatter [tilespmem:s13], [sflag:$0x1C], $0x320, $0x38;
	[tilespmem:$0x150F0] =	vst v63  }
0xc0: {  	s17 =	sld [smem:$0x7E9]  }
0xc1: {  	[spmem:s16] =	stream.linear.scatter [tilespmem:s13], [sflag:$0x1C], $0x320, $0x38;
	[tilespmem:$0x150F0] =	vst v63  }
0xc2: {  	s18 =	sld [smem:$0x7EA]  }
0xc3: {  	[spmem:s17] =	stream.linear.scatter [tilespmem:s13], [sflag:$0x1C], $0x320, $0x38;
	[tilespmem:$0x150F0] =	vst v63  }
0xc4: {  	s19 =	sld [smem:$0x7EB]  }
0xc5: {  	[spmem:s18] =	stream.linear.scatter [tilespmem:s13], [sflag:$0x1C], $0x320, $0x38;
	[tilespmem:$0x150F0] =	vst v63  }
0xc6: {  	s20 =	sld [smem:$0x7EC]  }
0xc7: {  	[spmem:s19] =	stream.linear.scatter [tilespmem:s13], [sflag:$0x1C], $0x320, $0x38;
	[tilespmem:$0x150F0] =	vst v63  }
0xc8: {  	_ = 	snop  }
0xc9: {  	[spmem:s20] =	stream.linear.scatter [tilespmem:s13], [sflag:$0x1C], $0x320, $0x38;
	[tilespmem:$0x150F0] =	vst v63  }
0xca: {  	s21 =	rddreg [dreg:$0x7]  }
0xcb: {  	[tilespmem:s14], [sflag:$0x1D] =	stream.linear.gather [hbm4b:s21+s14], $0x2710, $0x38;
	[tilespmem:$0x150F0] =	vst v63  }
0xcc: {  	_ =	swait.ge [sflag:s23], $0x2710  }
0xcd: {  	[sflag:s23] =	ssyncset.done $0x0  }
0xce: {  	[sflag:s23] =	ssyncadd.s32 $0xFFFFD8F0  }
0xcf: {  	_ =	swait.ge [sflag:s24], $0x320  }
0xd0: {  	[sflag:s24] =	ssyncset.done $0x0  }
0xd1: {  	[sflag:s24] =	ssyncadd.s32 $0xFFFFFCE0  }
0xd2: {  	_ =	swait.ge [sflag:s24], $0x320  }
0xd3: {  	[sflag:s24] =	ssyncset.done $0x0  }
0xd4: {  	[sflag:s24] =	ssyncadd.s32 $0xFFFFFCE0  }
0xd5: {  	_ =	swait.ge [sflag:s24], $0x320  }
0xd6: {  	[sflag:s24] =	ssyncset.done $0x0  }
0xd7: {  	[sflag:s24] =	ssyncadd.s32 $0xFFFFFCE0  }
0xd8: {  	_ =	swait.ge [sflag:s24], $0x320  }
0xd9: {  	[sflag:s24] =	ssyncset.done $0x0  }
0xda: {  	[sflag:s24] =	ssyncadd.s32 $0xFFFFFCE0  }
0xdb: {  	_ =	swait.ge [sflag:s24], $0x320  }
0xdc: {  	[sflag:s24] =	ssyncset.done $0x0  }
0xdd: {  	[sflag:s24] =	ssyncadd.s32 $0xFFFFFCE0  }
0xde: {  	_ =	swait.ge [sflag:s24], $0x320  }
0xdf: {  	[sflag:s24] =	ssyncset.done $0x0  }
0xe0: {  	[sflag:s24] =	ssyncadd.s32 $0xFFFFFCE0  }
0xe1: {  	_ =	swait.ge [sflag:s24], $0x320  }
0xe2: {  	[sflag:s24] =	ssyncset.done $0x0  }
0xe3: {  	[sflag:s24] =	ssyncadd.s32 $0xFFFFFCE0  }
0xe4: {  	_ =	swait.ge [sflag:s24], $0x320  }
0xe5: {  	[sflag:s24] =	ssyncset.done $0x0  }
0xe6: {  	[sflag:s24] =	ssyncadd.s32 $0xFFFFFCE0  }
0xe7: {  	_ =	swait.ge [sflag:s24], $0x320  }
0xe8: {  	[sflag:s24] =	ssyncset.done $0x0  }
0xe9: {  	[sflag:s24] =	ssyncadd.s32 $0xFFFFFCE0  }
0xea: {  	_ =	swait.ge [sflag:s24], $0x320  }
0xeb: {  	[sflag:s24] =	ssyncset.done $0x0  }
0xec: {  	[sflag:s24] =	ssyncadd.s32 $0xFFFFFCE0  }
0xed: {  	_ =	swait.ge [sflag:s24], $0x320  }
0xee: {  	[sflag:s24] =	ssyncset.done $0x0  }
0xef: {  	[sflag:s24] =	ssyncadd.s32 $0xFFFFFCE0  }
0xf0: {  	_ =	swait.ge [sflag:s24], $0x320  }
0xf1: {  	[sflag:s24] =	ssyncset.done $0x0  }
0xf2: {  	[sflag:s24] =	ssyncadd.s32 $0xFFFFFCE0  }
0xf3: {  	_ =	swait.ge [sflag:s24], $0x320  }
0xf4: {  	[sflag:s24] =	ssyncset.done $0x0  }
0xf5: {  	[sflag:s24] =	ssyncadd.s32 $0xFFFFFCE0  }
0xf6: {  	_ =	swait.ge [sflag:s24], $0x320  }
0xf7: {  	[sflag:s24] =	ssyncset.done $0x0  }
0xf8: {  	[sflag:s24] =	ssyncadd.s32 $0xFFFFFCE0  }
0xf9: {  	_ =	swait.ge [sflag:s24], $0x320  }
0xfa: {  	[sflag:s24] =	ssyncset.done $0x0  }
0xfb: {  	[sflag:s24] =	ssyncadd.s32 $0xFFFFFCE0  }
0xfc: {  	_ =	swait.ge [sflag:s24], $0x320  }
0xfd: {  	[sflag:s24] =	ssyncset.done $0x0  }
0xfe: {  	[sflag:s24] =	ssyncadd.s32 $0xFFFFFCE0  }
0xff: {  	_ =	swait.ge [sflag:s24], $0x320  }
0x100: {  	[sflag:s24] =	ssyncset.done $0x0  }
0x101: {  	[sflag:s24] =	ssyncadd.s32 $0xFFFFFCE0  }
0x102: {  	_ =	swait.ge [sflag:s24], $0x320  }
0x103: {  	[sflag:s24] =	ssyncset.done $0x0  }
0x104: {  	[sflag:s24] =	ssyncadd.s32 $0xFFFFFCE0  }
0x105: {  	_ =	swait.ge [sflag:s24], $0x320  }
0x106: {  	[sflag:s24] =	ssyncset.done $0x0  }
0x107: {  	[sflag:s24] =	ssyncadd.s32 $0xFFFFFCE0  }
0x108: {  	_ =	swait.ge [sflag:s24], $0x320  }
0x109: {  	[sflag:s24] =	ssyncset.done $0x0  }
0x10a: {  	[sflag:s24] =	ssyncadd.s32 $0xFFFFFCE0  }
0x10b: {  	_ =	swait.ge [sflag:s24], $0x320  }
0x10c: {  	[sflag:s24] =	ssyncset.done $0x0  }
0x10d: {  	[sflag:s24] =	ssyncadd.s32 $0xFFFFFCE0  }
0x10e: {  	_ =	swait.ge [sflag:s24], $0x320  }
0x10f: {  	[sflag:s24] =	ssyncset.done $0x0  }
0x110: {  	[sflag:s24] =	ssyncadd.s32 $0xFFFFFCE0  }
0x111: {  	_ =	swait.ge [sflag:s24], $0x320  }
0x112: {  	[sflag:s24] =	ssyncset.done $0x0  }
0x113: {  	[sflag:s24] =	ssyncadd.s32 $0xFFFFFCE0  }
0x114: {  	_ =	swait.ge [sflag:s24], $0x320  }
0x115: {  	[sflag:s24] =	ssyncset.done $0x0  }
0x116: {  	[sflag:s24] =	ssyncadd.s32 $0xFFFFFCE0  }
0x117: {  	_ =	swait.ge [sflag:s24], $0x320  }
0x118: {  	s13 =	sld [smem:$0x7EF]  }
0x119: {  	[sflag:s24] =	ssyncset.done $0x0  }
0x11a: {  	s15 =	simm.s32 $0x2710;
	[sflag:s24] =	ssyncadd.s32 $0xFFFFFCE0  }
0x11b: {  	[tilespmem:s15], [sflag:$0x1] =	stream.linear.gather [hbm4b:s13+s14], $0x80, $0x38;
	[tilespmem:$0x150F0] =	vst v63  }
0x11c: {  	s16 =	simm.s32 $0x2D90;
	s17 =	sld [smem:$0x7F0]  }
0x11d: {  	[tilespmem:s16], [sflag:$0xE] =	stream.indirect.gather [hbm4b:s1+s26], $0x20, s14, s26, $0xb8;
	[tilespmem:$0x150F0] =	vst v63  }
0x11e: {  	s18 =	simm.s32 $0x2790  }
0x11f: {  	[tilespmem:s18], [sflag:$0x2] =	stream.linear.gather [hbm4b:s17+s14], $0x80, $0x38;
	[tilespmem:$0x150F0] =	vst v63  }
0x120: {  	s19 =	simm.s32 $0x3D90;
	s20 =	sld [smem:$0x7F1]  }
0x121: {  	[tilespmem:s19], [sflag:$0xF] =	stream.indirect.gather [hbm4b:s1+s26], $0x20, s26, s26, $0xb8;
	[tilespmem:$0x150F0] =	vst v63  }
0x122: {  	s21 =	simm.s32 $0x2810  }
0x123: {  	[tilespmem:s21], [sflag:$0x3] =	stream.linear.gather [hbm4b:s20+s14], $0x80, $0x38;
	[tilespmem:$0x150F0] =	vst v63  }
0x124: {  	s13 =	simm.s32 $0x100;
	s15 =	simm.s32 $0x4D90;
	s16 =	sld [smem:$0x7F2]  }
0x125: {  	[tilespmem:s15], [sflag:$0x10] =	stream.indirect.gather [hbm4b:s1+s26], $0x20, s13, s26, $0xb8;
	[tilespmem:$0x150F0] =	vst v63  }
0x126: {  	s17 =	simm.s32 $0x2890  }
0x127: {  	[tilespmem:s17], [sflag:$0x4] =	stream.linear.gather [hbm4b:s16+s14], $0x80, $0x38;
	[tilespmem:$0x150F0] =	vst v63  }
0x128: {  	s18 =	simm.s32 $0x180;
	s19 =	simm.s32 $0x5D90;
	s20 =	sld [smem:$0x7F3]  }
0x129: {  	[tilespmem:s19], [sflag:$0x11] =	stream.indirect.gather [hbm4b:s1+s26], $0x20, s18, s26, $0xb8;
	[tilespmem:$0x150F0] =	vst v63  }
0x12a: {  	s21 =	simm.s32 $0x2910  }
0x12b: {  	[tilespmem:s21], [sflag:$0x5] =	stream.linear.gather [hbm4b:s20+s14], $0x80, $0x38;
	[tilespmem:$0x150F0] =	vst v63  }
0x12c: {  	s13 =	simm.s32 $0x200;
	s15 =	simm.s32 $0x6D90;
	s16 =	sld [smem:$0x7F4]  }
0x12d: {  	[tilespmem:s15], [sflag:$0x12] =	stream.indirect.gather [hbm4b:s1+s26], $0x20, s13, s26, $0xb8;
	[tilespmem:$0x150F0] =	vst v63  }
0x12e: {  	s17 =	simm.s32 $0x2990  }
0x12f: {  	[tilespmem:s17], [sflag:$0x6] =	stream.linear.gather [hbm4b:s16+s14], $0x80, $0x38;
	[tilespmem:$0x150F0] =	vst v63  }
0x130: {  	s18 =	simm.s32 $0x280;
	s19 =	simm.s32 $0x7D90;
	s20 =	sld [smem:$0x7F5]  }
0x131: {  	[tilespmem:s19], [sflag:$0x13] =	stream.indirect.gather [hbm4b:s1+s26], $0x20, s18, s26, $0xb8;
	[tilespmem:$0x150F0] =	vst v63  }
0x132: {  	s21 =	simm.s32 $0x2A10  }
0x133: {  	[tilespmem:s21], [sflag:$0x7] =	stream.linear.gather [hbm4b:s20+s14], $0x80, $0x38;
	[tilespmem:$0x150F0] =	vst v63  }
0x134: {  	s13 =	simm.s32 $0x300;
	s15 =	simm.s32 $0x8D90;
	s16 =	sld [smem:$0x7F6]  }
0x135: {  	[tilespmem:s15], [sflag:$0x14] =	stream.indirect.gather [hbm4b:s1+s26], $0x20, s13, s26, $0xb8;
	[tilespmem:$0x150F0] =	vst v63  }
0x136: {  	s17 =	simm.s32 $0x2A90  }
0x137: {  	[tilespmem:s17], [sflag:$0x8] =	stream.linear.gather [hbm4b:s16+s14], $0x80, $0x38;
	[tilespmem:$0x150F0] =	vst v63  }
0x138: {  	s18 =	simm.s32 $0x380;
	s19 =	simm.s32 $0x9D90;
	s20 =	sld [smem:$0x7F7]  }
0x139: {  	[tilespmem:s19], [sflag:$0x15] =	stream.indirect.gather [hbm4b:s1+s26], $0x20, s18, s26, $0xb8;
	[tilespmem:$0x150F0] =	vst v63  }
0x13a: {  	s21 =	simm.s32 $0x2B10  }
0x13b: {  	[tilespmem:s21], [sflag:$0x9] =	stream.linear.gather [hbm4b:s20+s14], $0x80, $0x38;
	[tilespmem:$0x150F0] =	vst v63  }
0x13c: {  	s13 =	simm.s32 $0x400;
	s15 =	simm.s32 $0xAD90;
	s16 =	sld [smem:$0x7F8]  }
0x13d: {  	[tilespmem:s15], [sflag:$0x16] =	stream.indirect.gather [hbm4b:s1+s26], $0x20, s13, s26, $0xb8;
	[tilespmem:$0x150F0] =	vst v63  }
0x13e: {  	s17 =	simm.s32 $0x2B90  }
0x13f: {  	[tilespmem:s17], [sflag:$0xA] =	stream.linear.gather [hbm4b:s16+s14], $0x80, $0x38;
	[tilespmem:$0x150F0] =	vst v63  }
0x140: {  	s18 =	simm.s32 $0x480;
	s19 =	simm.s32 $0xBD90;
	s20 =	sld [smem:$0x7F9]  }
0x141: {  	[tilespmem:s19], [sflag:$0x17] =	stream.indirect.gather [hbm4b:s1+s26], $0x20, s18, s26, $0xb8;
	[tilespmem:$0x150F0] =	vst v63  }
0x142: {  	s21 =	simm.s32 $0x2C10  }
0x143: {  	[tilespmem:s21], [sflag:$0xB] =	stream.linear.gather [hbm4b:s20+s14], $0x80, $0x38;
	[tilespmem:$0x150F0] =	vst v63  }
0x144: {  	s13 =	simm.s32 $0x500;
	s15 =	simm.s32 $0xCD90;
	s16 =	sld [smem:$0x7FA]  }
0x145: {  	[tilespmem:s15], [sflag:$0x18] =	stream.indirect.gather [hbm4b:s1+s26], $0x20, s13, s26, $0xb8;
	[tilespmem:$0x150F0] =	vst v63  }
0x146: {  	s17 =	simm.s32 $0x2C90  }
0x147: {  	[tilespmem:s17], [sflag:$0xC] =	stream.linear.gather [hbm4b:s16+s14], $0x80, $0x38;
	[tilespmem:$0x150F0] =	vst v63  }
0x148: {  	s18 =	simm.s32 $0x580;
	s19 =	simm.s32 $0xDD90;
	s20 =	sld [smem:$0x7FB]  }
0x149: {  	[tilespmem:s19], [sflag:$0x19] =	stream.indirect.gather [hbm4b:s1+s26], $0x20, s18, s26, $0xb8;
	[tilespmem:$0x150F0] =	vst v63  }
0x14a: {  	_ = 	snop  }
0x14b: {  	[tilespmem:s25], [sflag:$0xD] =	stream.linear.gather [hbm4b:s20+s14], $0x80, $0x38;
	[tilespmem:$0x150F0] =	vst v63  }
0x14c: {  	s21 =	simm.s32 $0x600  }
0x14d: {  	[tilespmem:s28], [sflag:$0x1A] =	stream.indirect.gather [hbm4b:s1+s26], $0x20, s21, s26, $0xb8;
	[tilespmem:$0x150F0] =	vst v63  }
0x14e: {  	s12 =	simm.s32 $0xC80;
	s13 =	simm.s32 $0x0;
	[bflag:$0x0] =	sbarrier.arrive $0xFFFF  }
.LBB2_2:
0x14f: {  	_ =	swait.ge [sflag:s29], $0x80  }
0x150: {  	[sflag:s29] =	ssyncset.done $0x0  }
0x151: {  	[sflag:s29] =	ssyncadd.s32 $0xFFFFFF80  }
0x152: {  	_ =	swait.ge [sflag:s30], $0x1000  }
0x153: {  	[sflag:s30] =	ssyncset.done $0x0  }
0x154: {  	s14 =	simm.s32 $0x2710;
	s15 =	simm.s32 $0x2D90;
	[sflag:s30] =	ssyncadd.s32 $0xFFFFF000  }
0x155: {  	[spmem:s3] =	stream.indirect.scatter.add.f32 [tilespmem:s15], [sflag:$0x1D], $0x20, s14, s26, $0xb8;
	[tilespmem:$0x150F0] =	vst v63  }
0x156: {  	_ =	swait.ge [sflag:s23], $0x1000  }
0x157: {  	p0 =	seq.s32 s13, $0x410;
	[sflag:s23] =	ssyncset.done $0x0  }
0x158: {  	s14 =	simm.s32 @p0 $0x2;
	[sflag:s23] =	ssyncadd.s32 $0xFFFFF000  }
0x159: {  	_ =	swait.ge @p0 [sflag:s14], $0x80  }
0x15a: {  	[sflag:s14] =	ssyncset.done @p0 $0x0  }
0x15b: {  	[sflag:s14] =	ssyncadd.s32 @p0 $0xFFFFFF80;
	s14 =	simm.s32 @p0 $0xF  }
0x15c: {  	_ =	swait.ge @p0 [sflag:s14], $0x1000  }
0x15d: {  	s16 =	simm.s32 @p0 $0x80;
	s17 =	simm.s32 @p0 $0x1D;
	[sflag:s14] =	ssyncset.done @p0 $0x0  }
0x15e: {  	s15 =	simm.s32 @p0 $0x3D90;
	[sflag:s14] =	ssyncadd.s32 @p0 $0xFFFFF000;
	s14 =	simm.s32 @p0 $0x2790  }
0x15f: {  	[spmem:s3] =	stream.indirect.scatter.add.f32 @p0 [tilespmem:s15], [sflag:$0x1D], $0x20, s14, s16, $0xb8;
	[tilespmem:$0x150F0] =	vst v63  }
0x160: {  	_ =	swait.ge @p0 [sflag:s17], $0x1000  }
0x161: {  	s18 =	simm.s32 @!p0 $0x2710;
	[sflag:s17] =	ssyncset.done @p0 $0x0;
	s14 =	rddreg [dreg:$0x14]  }
0x162: {  	[sflag:s17] =	ssyncadd.s32 @p0 $0xFFFFF000;
	s15 =	sadd.s32 @!p0 s13, s14;
	s14 =	simm.s32 @!p0 $0x0  }
0x163: {  	[tilespmem:s18], [sflag:$0x1] =	stream.linear.gather @!p0 [hbm4b:s15+s14], $0x80, $0x38;
	[tilespmem:$0x150F0] =	vst v63  }
0x164: {  	s19 =	simm.s32 @!p0 $0x2D90;
	s18 =	sadd.s32 @!p0 $0xFFFFFA00, s12;
	s15 =	simm.s32 @!p0 $0x80  }
0x165: {  	[tilespmem:s19], [sflag:$0xE] =	stream.indirect.gather @!p0 [hbm4b:s1+s15], $0x20, s18, s15, $0xb8;
	[tilespmem:$0x150F0] =	vst v63  }
0x166: {  	s18 =	simm.s32 @!p0 $0x2  }
0x167: {  	_ =	swait.ge @!p0 [sflag:s18], $0x80  }
0x168: {  	[sflag:s18] =	ssyncset.done @!p0 $0x0  }
0x169: {  	[sflag:s18] =	ssyncadd.s32 @!p0 $0xFFFFFF80;
	s18 =	simm.s32 @!p0 $0xF  }
0x16a: {  	_ =	swait.ge @!p0 [sflag:s18], $0x1000  }
0x16b: {  	s20 =	simm.s32 @!p0 $0x3D90;
	[sflag:s18] =	ssyncset.done @!p0 $0x0  }
0x16c: {  	s19 =	simm.s32 @!p0 $0x2790;
	[sflag:s18] =	ssyncadd.s32 @!p0 $0xFFFFF000;
	s18 =	simm.s32 @!p0 $0x1D  }
0x16d: {  	[spmem:s3] =	stream.indirect.scatter.add.f32 @!p0 [tilespmem:s20], [sflag:$0x1D], $0x20, s19, s15, $0xb8;
	[tilespmem:$0x150F0] =	vst v63  }
0x16e: {  	_ =	swait.ge @!p0 [sflag:s18], $0x1000  }
0x16f: {  	[sflag:s18] =	ssyncset.done @!p0 $0x0;
	s21 =	rddreg [dreg:$0x13]  }
0x170: {  	[sflag:s18] =	ssyncadd.s32 @!p0 $0xFFFFF000;
	s21 =	sadd.s32 @!p0 s13, s21  }
0x171: {  	[tilespmem:s19], [sflag:$0x2] =	stream.linear.gather @!p0 [hbm4b:s21+s14], $0x80, $0x38;
	[tilespmem:$0x150F0] =	vst v63  }
0x172: {  	s19 =	sadd.s32 @!p0 $0xFFFFFA80, s12  }
0x173: {  	[tilespmem:s20], [sflag:$0xF] =	stream.indirect.gather @!p0 [hbm4b:s1+s15], $0x20, s19, s15, $0xb8;
	[tilespmem:$0x150F0] =	vst v63  }
0x174: {  	_ =	swait.ge [sflag:s31], $0x80  }
0x175: {  	[sflag:s31] =	ssyncset.done $0x0  }
0x176: {  	[sflag:s31] =	ssyncadd.s32 $0xFFFFFF80  }
0x177: {  	_ =	swait.ge [sflag:s2], $0x1000  }
0x178: {  	[sflag:s2] =	ssyncset.done $0x0  }
0x179: {  	s21 =	simm.s32 $0x4D90;
	s20 =	simm.s32 $0x2810;
	[sflag:s2] =	ssyncadd.s32 $0xFFFFF000  }
0x17a: {  	[spmem:s3] =	stream.indirect.scatter.add.f32 [tilespmem:s21], [sflag:$0x1D], $0x20, s20, s26, $0xb8;
	[tilespmem:$0x150F0] =	vst v63  }
0x17b: {  	_ =	swait.ge [sflag:s23], $0x1000  }
0x17c: {  	[sflag:s23] =	ssyncset.done $0x0  }
0x17d: {  	s19 =	simm.s32 @p0 $0x4;
	[sflag:s23] =	ssyncadd.s32 $0xFFFFF000  }
0x17e: {  	_ =	swait.ge @p0 [sflag:s19], $0x80  }
0x17f: {  	[sflag:s19] =	ssyncset.done @p0 $0x0  }
0x180: {  	[sflag:s19] =	ssyncadd.s32 @p0 $0xFFFFFF80;
	s19 =	simm.s32 @p0 $0x11  }
0x181: {  	_ =	swait.ge @p0 [sflag:s19], $0x1000  }
0x182: {  	[sflag:s19] =	ssyncset.done @p0 $0x0  }
0x183: {  	s20 =	simm.s32 @p0 $0x5D90;
	[sflag:s19] =	ssyncadd.s32 @p0 $0xFFFFF000;
	s19 =	simm.s32 @p0 $0x2890  }
0x184: {  	[spmem:s3] =	stream.indirect.scatter.add.f32 @p0 [tilespmem:s20], [sflag:$0x1D], $0x20, s19, s16, $0xb8;
	[tilespmem:$0x150F0] =	vst v63  }
0x185: {  	_ =	swait.ge @p0 [sflag:s17], $0x1000  }
0x186: {  	[sflag:s17] =	ssyncset.done @p0 $0x0;
	s19 =	rddreg [dreg:$0x12]  }
0x187: {  	s20 =	simm.s32 @!p0 $0x2810;
	[sflag:s17] =	ssyncadd.s32 @p0 $0xFFFFF000;
	s19 =	sadd.s32 @!p0 s13, s19  }
0x188: {  	[tilespmem:s20], [sflag:$0x3] =	stream.linear.gather @!p0 [hbm4b:s19+s14], $0x80, $0x38;
	[tilespmem:$0x150F0] =	vst v63  }
0x189: {  	s19 =	sadd.s32 @!p0 $0xFFFFFB00, s12;
	s20 =	simm.s32 @!p0 $0x4D90  }
0x18a: {  	[tilespmem:s20], [sflag:$0x10] =	stream.indirect.gather @!p0 [hbm4b:s1+s15], $0x20, s19, s15, $0xb8;
	[tilespmem:$0x150F0] =	vst v63  }
0x18b: {  	s19 =	simm.s32 @!p0 $0x4  }
0x18c: {  	_ =	swait.ge @!p0 [sflag:s19], $0x80  }
0x18d: {  	[sflag:s19] =	ssyncset.done @!p0 $0x0  }
0x18e: {  	[sflag:s19] =	ssyncadd.s32 @!p0 $0xFFFFFF80;
	s19 =	simm.s32 @!p0 $0x11  }
0x18f: {  	_ =	swait.ge @!p0 [sflag:s19], $0x1000  }
0x190: {  	[sflag:s19] =	ssyncset.done @!p0 $0x0  }
0x191: {  	s20 =	simm.s32 @!p0 $0x5D90;
	[sflag:s19] =	ssyncadd.s32 @!p0 $0xFFFFF000;
	s19 =	simm.s32 @!p0 $0x2890  }
0x192: {  	[spmem:s3] =	stream.indirect.scatter.add.f32 @!p0 [tilespmem:s20], [sflag:$0x1D], $0x20, s19, s15, $0xb8;
	[tilespmem:$0x150F0] =	vst v63  }
0x193: {  	_ =	swait.ge @!p0 [sflag:s18], $0x1000  }
0x194: {  	[sflag:s18] =	ssyncset.done @!p0 $0x0;
	s21 =	rddreg [dreg:$0x11]  }
0x195: {  	[sflag:s18] =	ssyncadd.s32 @!p0 $0xFFFFF000;
	s21 =	sadd.s32 @!p0 s13, s21  }
0x196: {  	[tilespmem:s19], [sflag:$0x4] =	stream.linear.gather @!p0 [hbm4b:s21+s14], $0x80, $0x38;
	[tilespmem:$0x150F0] =	vst v63  }
0x197: {  	s19 =	sadd.s32 @!p0 $0xFFFFFB80, s12  }
0x198: {  	[tilespmem:s20], [sflag:$0x11] =	stream.indirect.gather @!p0 [hbm4b:s1+s15], $0x20, s19, s15, $0xb8;
	[tilespmem:$0x150F0] =	vst v63  }
0x199: {  	_ =	swait.ge [sflag:s0], $0x80  }
0x19a: {  	[sflag:s0] =	ssyncset.done $0x0  }
0x19b: {  	[sflag:s0] =	ssyncadd.s32 $0xFFFFFF80  }
0x19c: {  	_ =	swait.ge [sflag:s6], $0x1000  }
0x19d: {  	[sflag:s6] =	ssyncset.done $0x0  }
0x19e: {  	s21 =	simm.s32 $0x6D90;
	s20 =	simm.s32 $0x2910;
	[sflag:s6] =	ssyncadd.s32 $0xFFFFF000  }
0x19f: {  	[spmem:s3] =	stream.indirect.scatter.add.f32 [tilespmem:s21], [sflag:$0x1D], $0x20, s20, s26, $0xb8;
	[tilespmem:$0x150F0] =	vst v63  }
0x1a0: {  	_ =	swait.ge [sflag:s23], $0x1000  }
0x1a1: {  	[sflag:s23] =	ssyncset.done $0x0  }
0x1a2: {  	s19 =	simm.s32 @p0 $0x6;
	[sflag:s23] =	ssyncadd.s32 $0xFFFFF000  }
0x1a3: {  	_ =	swait.ge @p0 [sflag:s19], $0x80  }
0x1a4: {  	[sflag:s19] =	ssyncset.done @p0 $0x0  }
0x1a5: {  	[sflag:s19] =	ssyncadd.s32 @p0 $0xFFFFFF80;
	s19 =	simm.s32 @p0 $0x13  }
0x1a6: {  	_ =	swait.ge @p0 [sflag:s19], $0x1000  }
0x1a7: {  	[sflag:s19] =	ssyncset.done @p0 $0x0  }
0x1a8: {  	s20 =	simm.s32 @p0 $0x7D90;
	[sflag:s19] =	ssyncadd.s32 @p0 $0xFFFFF000;
	s19 =	simm.s32 @p0 $0x2990  }
0x1a9: {  	[spmem:s3] =	stream.indirect.scatter.add.f32 @p0 [tilespmem:s20], [sflag:$0x1D], $0x20, s19, s16, $0xb8;
	[tilespmem:$0x150F0] =	vst v63  }
0x1aa: {  	_ =	swait.ge @p0 [sflag:s17], $0x1000  }
0x1ab: {  	[sflag:s17] =	ssyncset.done @p0 $0x0;
	s19 =	rddreg [dreg:$0x10]  }
0x1ac: {  	s20 =	simm.s32 @!p0 $0x2910;
	[sflag:s17] =	ssyncadd.s32 @p0 $0xFFFFF000;
	s19 =	sadd.s32 @!p0 s13, s19  }
0x1ad: {  	[tilespmem:s20], [sflag:$0x5] =	stream.linear.gather @!p0 [hbm4b:s19+s14], $0x80, $0x38;
	[tilespmem:$0x150F0] =	vst v63  }
0x1ae: {  	s19 =	sadd.s32 @!p0 $0xFFFFFC00, s12;
	s20 =	simm.s32 @!p0 $0x6D90  }
0x1af: {  	[tilespmem:s20], [sflag:$0x12] =	stream.indirect.gather @!p0 [hbm4b:s1+s15], $0x20, s19, s15, $0xb8;
	[tilespmem:$0x150F0] =	vst v63  }
0x1b0: {  	s19 =	simm.s32 @!p0 $0x6  }
0x1b1: {  	_ =	swait.ge @!p0 [sflag:s19], $0x80  }
0x1b2: {  	[sflag:s19] =	ssyncset.done @!p0 $0x0  }
0x1b3: {  	[sflag:s19] =	ssyncadd.s32 @!p0 $0xFFFFFF80;
	s19 =	simm.s32 @!p0 $0x13  }
0x1b4: {  	_ =	swait.ge @!p0 [sflag:s19], $0x1000  }
0x1b5: {  	[sflag:s19] =	ssyncset.done @!p0 $0x0  }
0x1b6: {  	s20 =	simm.s32 @!p0 $0x7D90;
	[sflag:s19] =	ssyncadd.s32 @!p0 $0xFFFFF000;
	s19 =	simm.s32 @!p0 $0x2990  }
0x1b7: {  	[spmem:s3] =	stream.indirect.scatter.add.f32 @!p0 [tilespmem:s20], [sflag:$0x1D], $0x20, s19, s15, $0xb8;
	[tilespmem:$0x150F0] =	vst v63  }
0x1b8: {  	_ =	swait.ge @!p0 [sflag:s18], $0x1000  }
0x1b9: {  	[sflag:s18] =	ssyncset.done @!p0 $0x0;
	s21 =	rddreg [dreg:$0xf]  }
0x1ba: {  	[sflag:s18] =	ssyncadd.s32 @!p0 $0xFFFFF000;
	s21 =	sadd.s32 @!p0 s13, s21  }
0x1bb: {  	[tilespmem:s19], [sflag:$0x6] =	stream.linear.gather @!p0 [hbm4b:s21+s14], $0x80, $0x38;
	[tilespmem:$0x150F0] =	vst v63  }
0x1bc: {  	s19 =	sadd.s32 @!p0 $0xFFFFFC80, s12  }
0x1bd: {  	[tilespmem:s20], [sflag:$0x13] =	stream.indirect.gather @!p0 [hbm4b:s1+s15], $0x20, s19, s15, $0xb8;
	[tilespmem:$0x150F0] =	vst v63  }
0x1be: {  	_ =	swait.ge [sflag:s7], $0x80  }
0x1bf: {  	[sflag:s7] =	ssyncset.done $0x0  }
0x1c0: {  	[sflag:s7] =	ssyncadd.s32 $0xFFFFFF80  }
0x1c1: {  	_ =	swait.ge [sflag:s8], $0x1000  }
0x1c2: {  	[sflag:s8] =	ssyncset.done $0x0  }
0x1c3: {  	s21 =	simm.s32 $0x8D90;
	s20 =	simm.s32 $0x2A10;
	[sflag:s8] =	ssyncadd.s32 $0xFFFFF000  }
0x1c4: {  	[spmem:s3] =	stream.indirect.scatter.add.f32 [tilespmem:s21], [sflag:$0x1D], $0x20, s20, s26, $0xb8;
	[tilespmem:$0x150F0] =	vst v63  }
0x1c5: {  	_ =	swait.ge [sflag:s23], $0x1000  }
0x1c6: {  	[sflag:s23] =	ssyncset.done $0x0  }
0x1c7: {  	s19 =	simm.s32 @p0 $0x8;
	[sflag:s23] =	ssyncadd.s32 $0xFFFFF000  }
0x1c8: {  	_ =	swait.ge @p0 [sflag:s19], $0x80  }
0x1c9: {  	[sflag:s19] =	ssyncset.done @p0 $0x0  }
0x1ca: {  	[sflag:s19] =	ssyncadd.s32 @p0 $0xFFFFFF80;
	s19 =	simm.s32 @p0 $0x15  }
0x1cb: {  	_ =	swait.ge @p0 [sflag:s19], $0x1000  }
0x1cc: {  	[sflag:s19] =	ssyncset.done @p0 $0x0  }
0x1cd: {  	s20 =	simm.s32 @p0 $0x9D90;
	[sflag:s19] =	ssyncadd.s32 @p0 $0xFFFFF000;
	s19 =	simm.s32 @p0 $0x2A90  }
0x1ce: {  	[spmem:s3] =	stream.indirect.scatter.add.f32 @p0 [tilespmem:s20], [sflag:$0x1D], $0x20, s19, s16, $0xb8;
	[tilespmem:$0x150F0] =	vst v63  }
0x1cf: {  	_ =	swait.ge @p0 [sflag:s17], $0x1000  }
0x1d0: {  	[sflag:s17] =	ssyncset.done @p0 $0x0;
	s19 =	rddreg [dreg:$0xe]  }
0x1d1: {  	s20 =	simm.s32 @!p0 $0x2A10;
	[sflag:s17] =	ssyncadd.s32 @p0 $0xFFFFF000;
	s19 =	sadd.s32 @!p0 s13, s19  }
0x1d2: {  	[tilespmem:s20], [sflag:$0x7] =	stream.linear.gather @!p0 [hbm4b:s19+s14], $0x80, $0x38;
	[tilespmem:$0x150F0] =	vst v63  }
0x1d3: {  	s19 =	sadd.s32 @!p0 $0xFFFFFD00, s12;
	s20 =	simm.s32 @!p0 $0x8D90  }
0x1d4: {  	[tilespmem:s20], [sflag:$0x14] =	stream.indirect.gather @!p0 [hbm4b:s1+s15], $0x20, s19, s15, $0xb8;
	[tilespmem:$0x150F0] =	vst v63  }
0x1d5: {  	s19 =	simm.s32 @!p0 $0x8  }
0x1d6: {  	_ =	swait.ge @!p0 [sflag:s19], $0x80  }
0x1d7: {  	[sflag:s19] =	ssyncset.done @!p0 $0x0  }
0x1d8: {  	[sflag:s19] =	ssyncadd.s32 @!p0 $0xFFFFFF80;
	s19 =	simm.s32 @!p0 $0x15  }
0x1d9: {  	_ =	swait.ge @!p0 [sflag:s19], $0x1000  }
0x1da: {  	[sflag:s19] =	ssyncset.done @!p0 $0x0  }
0x1db: {  	s20 =	simm.s32 @!p0 $0x9D90;
	[sflag:s19] =	ssyncadd.s32 @!p0 $0xFFFFF000;
	s19 =	simm.s32 @!p0 $0x2A90  }
0x1dc: {  	[spmem:s3] =	stream.indirect.scatter.add.f32 @!p0 [tilespmem:s20], [sflag:$0x1D], $0x20, s19, s15, $0xb8;
	[tilespmem:$0x150F0] =	vst v63  }
0x1dd: {  	_ =	swait.ge @!p0 [sflag:s18], $0x1000  }
0x1de: {  	[sflag:s18] =	ssyncset.done @!p0 $0x0;
	s21 =	rddreg [dreg:$0xd]  }
0x1df: {  	[sflag:s18] =	ssyncadd.s32 @!p0 $0xFFFFF000;
	s21 =	sadd.s32 @!p0 s13, s21  }
0x1e0: {  	[tilespmem:s19], [sflag:$0x8] =	stream.linear.gather @!p0 [hbm4b:s21+s14], $0x80, $0x38;
	[tilespmem:$0x150F0] =	vst v63  }
0x1e1: {  	s19 =	sadd.s32 @!p0 $0xFFFFFD80, s12  }
0x1e2: {  	[tilespmem:s20], [sflag:$0x15] =	stream.indirect.gather @!p0 [hbm4b:s1+s15], $0x20, s19, s15, $0xb8;
	[tilespmem:$0x150F0] =	vst v63  }
0x1e3: {  	_ =	swait.ge [sflag:s5], $0x80  }
0x1e4: {  	[sflag:s5] =	ssyncset.done $0x0  }
0x1e5: {  	[sflag:s5] =	ssyncadd.s32 $0xFFFFFF80  }
0x1e6: {  	_ =	swait.ge [sflag:s22], $0x1000  }
0x1e7: {  	[sflag:s22] =	ssyncset.done $0x0  }
0x1e8: {  	s21 =	simm.s32 $0xAD90;
	s20 =	simm.s32 $0x2B10;
	[sflag:s22] =	ssyncadd.s32 $0xFFFFF000  }
0x1e9: {  	[spmem:s3] =	stream.indirect.scatter.add.f32 [tilespmem:s21], [sflag:$0x1D], $0x20, s20, s26, $0xb8;
	[tilespmem:$0x150F0] =	vst v63  }
0x1ea: {  	_ =	swait.ge [sflag:s23], $0x1000  }
0x1eb: {  	[sflag:s23] =	ssyncset.done $0x0  }
0x1ec: {  	s19 =	simm.s32 @p0 $0xA;
	[sflag:s23] =	ssyncadd.s32 $0xFFFFF000  }
0x1ed: {  	_ =	swait.ge @p0 [sflag:s19], $0x80  }
0x1ee: {  	[sflag:s19] =	ssyncset.done @p0 $0x0  }
0x1ef: {  	[sflag:s19] =	ssyncadd.s32 @p0 $0xFFFFFF80;
	s19 =	simm.s32 @p0 $0x17  }
0x1f0: {  	_ =	swait.ge @p0 [sflag:s19], $0x1000  }
0x1f1: {  	[sflag:s19] =	ssyncset.done @p0 $0x0  }
0x1f2: {  	s20 =	simm.s32 @p0 $0xBD90;
	[sflag:s19] =	ssyncadd.s32 @p0 $0xFFFFF000;
	s19 =	simm.s32 @p0 $0x2B90  }
0x1f3: {  	[spmem:s3] =	stream.indirect.scatter.add.f32 @p0 [tilespmem:s20], [sflag:$0x1D], $0x20, s19, s16, $0xb8;
	[tilespmem:$0x150F0] =	vst v63  }
0x1f4: {  	_ =	swait.ge @p0 [sflag:s17], $0x1000  }
0x1f5: {  	[sflag:s17] =	ssyncset.done @p0 $0x0;
	s19 =	rddreg [dreg:$0xc]  }
0x1f6: {  	s20 =	simm.s32 @!p0 $0x2B10;
	[sflag:s17] =	ssyncadd.s32 @p0 $0xFFFFF000;
	s19 =	sadd.s32 @!p0 s13, s19  }
0x1f7: {  	[tilespmem:s20], [sflag:$0x9] =	stream.linear.gather @!p0 [hbm4b:s19+s14], $0x80, $0x38;
	[tilespmem:$0x150F0] =	vst v63  }
0x1f8: {  	s19 =	sadd.s32 @!p0 $0xFFFFFE00, s12;
	s20 =	simm.s32 @!p0 $0xAD90  }
0x1f9: {  	[tilespmem:s20], [sflag:$0x16] =	stream.indirect.gather @!p0 [hbm4b:s1+s15], $0x20, s19, s15, $0xb8;
	[tilespmem:$0x150F0] =	vst v63  }
0x1fa: {  	s19 =	simm.s32 @!p0 $0xA  }
0x1fb: {  	_ =	swait.ge @!p0 [sflag:s19], $0x80  }
0x1fc: {  	[sflag:s19] =	ssyncset.done @!p0 $0x0  }
0x1fd: {  	[sflag:s19] =	ssyncadd.s32 @!p0 $0xFFFFFF80;
	s19 =	simm.s32 @!p0 $0x17  }
0x1fe: {  	_ =	swait.ge @!p0 [sflag:s19], $0x1000  }
0x1ff: {  	[sflag:s19] =	ssyncset.done @!p0 $0x0  }
0x200: {  	s20 =	simm.s32 @!p0 $0xBD90;
	[sflag:s19] =	ssyncadd.s32 @!p0 $0xFFFFF000;
	s19 =	simm.s32 @!p0 $0x2B90  }
0x201: {  	[spmem:s3] =	stream.indirect.scatter.add.f32 @!p0 [tilespmem:s20], [sflag:$0x1D], $0x20, s19, s15, $0xb8;
	[tilespmem:$0x150F0] =	vst v63  }
0x202: {  	_ =	swait.ge @!p0 [sflag:s18], $0x1000  }
0x203: {  	[sflag:s18] =	ssyncset.done @!p0 $0x0;
	s21 =	rddreg [dreg:$0xb]  }
0x204: {  	[sflag:s18] =	ssyncadd.s32 @!p0 $0xFFFFF000;
	s21 =	sadd.s32 @!p0 s13, s21  }
0x205: {  	[tilespmem:s19], [sflag:$0xA] =	stream.linear.gather @!p0 [hbm4b:s21+s14], $0x80, $0x38;
	[tilespmem:$0x150F0] =	vst v63  }
0x206: {  	s19 =	sadd.s32 @!p0 $0xFFFFFE80, s12  }
0x207: {  	[tilespmem:s20], [sflag:$0x17] =	stream.indirect.gather @!p0 [hbm4b:s1+s15], $0x20, s19, s15, $0xb8;
	[tilespmem:$0x150F0] =	vst v63  }
0x208: {  	_ =	swait.ge [sflag:s4], $0x80  }
0x209: {  	[sflag:s4] =	ssyncset.done $0x0  }
0x20a: {  	[sflag:s4] =	ssyncadd.s32 $0xFFFFFF80  }
0x20b: {  	_ =	swait.ge [sflag:s9], $0x1000  }
0x20c: {  	[sflag:s9] =	ssyncset.done $0x0  }
0x20d: {  	s21 =	simm.s32 $0xCD90;
	s20 =	simm.s32 $0x2C10;
	[sflag:s9] =	ssyncadd.s32 $0xFFFFF000  }
0x20e: {  	[spmem:s3] =	stream.indirect.scatter.add.f32 [tilespmem:s21], [sflag:$0x1D], $0x20, s20, s26, $0xb8;
	[tilespmem:$0x150F0] =	vst v63  }
0x20f: {  	_ =	swait.ge [sflag:s23], $0x1000  }
0x210: {  	[sflag:s23] =	ssyncset.done $0x0  }
0x211: {  	s19 =	simm.s32 @p0 $0xC;
	[sflag:s23] =	ssyncadd.s32 $0xFFFFF000  }
0x212: {  	_ =	swait.ge @p0 [sflag:s19], $0x80  }
0x213: {  	[sflag:s19] =	ssyncset.done @p0 $0x0  }
0x214: {  	[sflag:s19] =	ssyncadd.s32 @p0 $0xFFFFFF80;
	s19 =	simm.s32 @p0 $0x19  }
0x215: {  	_ =	swait.ge @p0 [sflag:s19], $0x1000  }
0x216: {  	[sflag:s19] =	ssyncset.done @p0 $0x0  }
0x217: {  	s20 =	simm.s32 @p0 $0xDD90;
	[sflag:s19] =	ssyncadd.s32 @p0 $0xFFFFF000;
	s19 =	simm.s32 @p0 $0x2C90  }
0x218: {  	[spmem:s3] =	stream.indirect.scatter.add.f32 @p0 [tilespmem:s20], [sflag:$0x1D], $0x20, s19, s16, $0xb8;
	[tilespmem:$0x150F0] =	vst v63  }
0x219: {  	_ =	swait.ge @p0 [sflag:s17], $0x1000  }
0x21a: {  	[sflag:s17] =	ssyncset.done @p0 $0x0;
	s16 =	rddreg [dreg:$0xa]  }
0x21b: {  	[sflag:s17] =	ssyncadd.s32 @p0 $0xFFFFF000;
	s16 =	sadd.s32 @!p0 s13, s16;
	s17 =	simm.s32 @!p0 $0x2C10  }
0x21c: {  	[tilespmem:s17], [sflag:$0xB] =	stream.linear.gather @!p0 [hbm4b:s16+s14], $0x80, $0x38;
	[tilespmem:$0x150F0] =	vst v63  }
0x21d: {  	s16 =	sadd.s32 @!p0 $0xFFFFFF00, s12;
	s17 =	simm.s32 @!p0 $0xCD90  }
0x21e: {  	[tilespmem:s17], [sflag:$0x18] =	stream.indirect.gather @!p0 [hbm4b:s1+s15], $0x20, s16, s15, $0xb8;
	[tilespmem:$0x150F0] =	vst v63  }
0x21f: {  	s16 =	simm.s32 @!p0 $0xC  }
0x220: {  	_ =	swait.ge @!p0 [sflag:s16], $0x80  }
0x221: {  	[sflag:s16] =	ssyncset.done @!p0 $0x0  }
0x222: {  	[sflag:s16] =	ssyncadd.s32 @!p0 $0xFFFFFF80;
	s16 =	simm.s32 @!p0 $0x19  }
0x223: {  	_ =	swait.ge @!p0 [sflag:s16], $0x1000  }
0x224: {  	[sflag:s16] =	ssyncset.done @!p0 $0x0  }
0x225: {  	s17 =	simm.s32 @!p0 $0xDD90;
	[sflag:s16] =	ssyncadd.s32 @!p0 $0xFFFFF000;
	s16 =	simm.s32 @!p0 $0x2C90  }
0x226: {  	[spmem:s3] =	stream.indirect.scatter.add.f32 @!p0 [tilespmem:s17], [sflag:$0x1D], $0x20, s16, s15, $0xb8;
	[tilespmem:$0x150F0] =	vst v63  }
0x227: {  	_ =	swait.ge @!p0 [sflag:s18], $0x1000  }
0x228: {  	[sflag:s18] =	ssyncset.done @!p0 $0x0  }
0x229: {  	[sflag:s18] =	ssyncadd.s32 @!p0 $0xFFFFF000;
	s18 =	rddreg [dreg:$0x9]  }
0x22a: {  	s18 =	sadd.s32 @!p0 s13, s18  }
0x22b: {  	[tilespmem:s16], [sflag:$0xC] =	stream.linear.gather @!p0 [hbm4b:s18+s14], $0x80, $0x38;
	[tilespmem:$0x150F0] =	vst v63  }
0x22c: {  	s14 =	sadd.s32 @!p0 $0xFFFFFF80, s12  }
0x22d: {  	[tilespmem:s17], [sflag:$0x19] =	stream.indirect.gather @!p0 [hbm4b:s1+s15], $0x20, s14, s15, $0xb8;
	[tilespmem:$0x150F0] =	vst v63  }
0x22e: {  	_ =	swait.ge [sflag:s10], $0x80  }
0x22f: {  	[sflag:s10] =	ssyncset.done $0x0  }
0x230: {  	[sflag:s10] =	ssyncadd.s32 $0xFFFFFF80  }
0x231: {  	_ =	swait.ge [sflag:s11], $0x1000  }
0x232: {  	[sflag:s11] =	ssyncset.done $0x0  }
.Ltmp2:
0x233: {  	[sflag:s11] =	ssyncadd.s32 $0xFFFFF000;
	(pc) =	sbr.rel @p0 .LBB2_4-.Ltmp2, $4  }
0x234: {  	[spmem:s3] =	stream.indirect.scatter.add.f32 [tilespmem:s28], [sflag:$0x1D], $0x20, s25, s26, $0xb8;
	[tilespmem:$0x150F0] =	vst v63  }
0x235: {  	_ =	swait.ge [sflag:s23], $0x1000  }
0x236: {  	[sflag:s23] =	ssyncset.done $0x0  }
0x237: {  	[sflag:s23] =	ssyncadd.s32 $0xFFFFF000  }
0x238: {  	s14 =	rddreg [dreg:$0x8]  }
.Ltmp3:
0x239: {  	s15 =	simm.s32 $0x0;
	s14 =	sadd.s32 s13, s14;
	(pc) =	sbr.rel .LBB2_2-.Ltmp3, $4  }
0x23a: {  	[tilespmem:s25], [sflag:$0xD] =	stream.linear.gather [hbm4b:s14+s15], $0x80, $0x38;
	[tilespmem:$0x150F0] =	vst v63  }
0x23b: {  	_ = 	snop  }
0x23c: {  	[tilespmem:s28], [sflag:$0x1A] =	stream.indirect.gather [hbm4b:s1+s26], $0x20, s12, s26, $0xb8;
	[tilespmem:$0x150F0] =	vst v63  }
0x23d: {  	s13 =	sadd.s32 $0xD0, s13;
	s12 =	sadd.s32 $0x680, s12  }
.LBB2_5:
0x23e: {  	_ =	sfence.sel $0x180000  }
0x23f: {  	[bflag:$0x0] =	sbarrier.arrive $0xFFFF  }
0x240: {  	_ =	strace $0x9000004D  }
0x241: {  	s0 =	stileid.u32;
	[bflag:$0x2] =	sbarrier.arrive $0xFFFF  }
0x242: {  	p0 =	sne.s32 s0, $0x0;
	s0 =	rddreg [dreg:$0x3]  }
0x243: {  	s0 =	sadd.s32 @!p0 $0x100000, s0  }
0x244: {  	[sflag:s0] =	ssyncadd.tile.s32 @!p0 $0x1;
	_ =	shalt  }
.Lfunc_end2:
_tile_overlayer_lowered:
.L_overlay_start_2:
0x245: {  	(tag) =	ssettag $0x2  }
0x246: {  	s0 =	rddreg [dreg:$0x0];
	s2 =	stileid.u32  }
0x247: {  	s1 =	rddreg [dreg:$0x1];
	p0 =	sne.s32 s2, $0x0  }
0x248: {  	s3 =	rddreg [dreg:$0x2];
	[bflag:$0x3] =	sbarrier.arrive $0xFFFF;
	s2 =	simm.s32 @!p0 $0x1C1D  }
0x249: {  	[timem:s3], [sflag:s2] =	dma.local @!p0 [hbm:s0], s1  }
0x24a: {  	s0 =	simm.s32 @!p0 $0x1D  }
0x24b: {  	_ =	swait.ge @!p0 [sflag:s0], s1  }
0x24c: {  	s1 =	ssub.s32 @!p0 $0x0, s1;
	[sflag:s0] =	ssyncset.done @!p0 $0x0  }
0x24d: {  	[sflag:s0] =	ssyncadd.s32 @!p0 s1  }
0x24e: {  	[bflag:$0x3] =	sbarrier.arrive $0xFFFF  }
0x24f: {  	_ =	shalt  }

// kernel: kernel.8.cloned.1.call-start
scs
__scs_entry_jumppad:
0x0: {  	(pc) =	sbr.rel $0x88, $3  }
0x1: {  	(tag) =	ssettag $0x0;
	lr =	simm.s32 $0x1  }
0x2: {  	[smem:$0x3F9B] =	sst lr;
	_ =	strace $0xD0000000  }
0x3: {  	_ = 	snop  }
0x4: {  	_ = 	snop  }
0x5: {  	_ = 	snop  }
0x6: {  	_ = 	snop  }
0x7: {  	_ = 	snop  }
__scs_overlays_trampoline_lowered:
0x8: {  	[smem:$0x3FAA] =	sst s0  }
0x9: {  	[smem:$0x3FAB] =	sst s1  }
0xa: {  	[smem:$0x3FAC] =	sst s2  }
0xb: {  	[smem:$0x3FAD] =	sst s3  }
0xc: {  	[smem:$0x3FAE] =	sst s4  }
0xd: {  	[smem:$0x3FAF] =	sst s5  }
0xe: {  	[smem:$0x3FB0] =	sst s6  }
0xf: {  	[smem:$0x3FB1] =	sst s7  }
0x10: {  	[smem:$0x3FB2] =	sst s8  }
0x11: {  	[smem:$0x3FB3] =	sst s9;
	s0 =	simm.s32 @!p0 $0x0  }
0x12: {  	s1 =	sld [smem:$0x3F99];
	s0 =	simm.s32 @p0 $0x1  }
0x13: {  	[smem:$0x3FB4] =	sst s0;
	s0 =	simm.s32 @!p1 $0x0  }
0x14: {  	s2 =	sld [smem:$0x3F98];
	s0 =	simm.s32 @p1 $0x1  }
0x15: {  	[smem:$0x3FB5] =	sst s0;
	s0 =	simm.s32 @!p2 $0x0  }
0x16: {  	s3 =	sld [smem:$0x3FDB];
	s0 =	simm.s32 @p2 $0x1  }
0x17: {  	s4 =	simm.s32 $0x1BF5;
	[smem:$0x3FB7] =	sst s0  }
0x18: {  	s0 =	sld [smem:$0x3F9A];
	_ =	swait.ge [sflag:s4], $0x0  }
0x19: {  	s7 =	sld [smem:$0x3F9B]  }
0x1a: {  	s8 =	sadd.s32 $0xFFFFE003, lr  }
0x1b: {  	s9 =	sadd.s32 $0xFFFFFEF7, lr;
	s5 =	simm.s32 $0xFFFFFFFF;
	p2 =	slt.u32 s8, $0xFFFFF086  }
0x1c: {  	p1 =	slt.u32 s9, $0xF7A;
	s5 =	simm.s32 @!p2 $0x0  }
0x1d: {  	s5 =	simm.s32 @p1 $0x1;
	p0 =	seq.s32 s7, s2  }
0x1e: {  	s7 =	smul.u32 @!p0 $0xF7A, s2;
	p2 =	seq.s32 @!p0 s5, $0x0  }
0x1f: {  	s9 =	smul.u32 $0xF7A, s1;
	s8 =	simm.s32 @!p0 $0x1BF5;
	p2 =	por !p2, p0  }
0x20: {  	[sflag:s8] =	ssyncset.s32 @!p0 $0xFFFFF086;
	s6 =	sadd.s32 @!p0 s3, s7;
	s7 =	simm.s32 @!p0 $0x108  }
0x21: {  	s3 =	sadd.s32 s3, s9;
	s6 =	sadd.s32 @!p0 $0x88, s6;
	s7 =	simm.s32 @p2 $0x1082  }
0x22: {  	[simem:s7], [sflag:s8] =	dma.local @!p0 [hbm:s6], $0xF7A  }
0x23: {  	s9 =	sor.u32 $0xD0000000, s2;
	s6 =	simm.s32 $0x108;
	_ =	swait.ge @!p0 [sflag:s8], $0x0  }
0x24: {  	s3 =	sadd.s32 $0x88, s3;
	s6 =	simm.s32 @!p1 $0x1082;
	[sflag:s4] =	ssyncset.s32 $0xFFFFF086  }
0x25: {  	[simem:s6], [sflag:s4] =	dma.local [hbm:s3], $0xF7A  }
0x26: {  	[smem:$0x3F9B] =	sst s1;
	(tag) =	ssettag s2;
	_ =	strace s9  }
0x27: {  	s1 =	sld [smem:$0x3FAB]  }
0x28: {  	s2 =	sld [smem:$0x3FAC]  }
0x29: {  	s4 =	sld [smem:$0x3FAE]  }
0x2a: {  	p0 =	seq.s32 s5, $0x0;
	s5 =	sld [smem:$0x3FAF]  }
0x2b: {  	s6 =	sld [smem:$0x3FB0]  }
0x2c: {  	s7 =	sld [smem:$0x3FB1]  }
0x2d: {  	s3 =	simm.s32 $0x108;
	s8 =	sld [smem:$0x3FB2]  }
0x2e: {  	s3 =	simm.s32 @!p0 $0x1082;
	s9 =	sld [smem:$0x3FB3]  }
0x2f: {  	lr =	sadd.s32 s0, s3;
	s0 =	sld [smem:$0x3FAA]  }
0x30: {  	s3 =	sld [smem:$0x3FAD]  }
0x31: {  	[smem:$0x3FB6] =	sst s10  }
0x32: {  	s10 =	sld [smem:$0x3FB4];
	_ =	sdelay $0x3  }
0x33: {  	p0 =	seq.s32 s10, $0x1;
	s10 =	sld [smem:$0x3FB6];
	_ =	sdelay $0x3  }
0x34: {  	[smem:$0x3FB6] =	sst s10  }
0x35: {  	s10 =	sld [smem:$0x3FB5];
	_ =	sdelay $0x3  }
0x36: {  	p1 =	seq.s32 s10, $0x1;
	s10 =	sld [smem:$0x3FB6];
	_ =	sdelay $0x3  }
0x37: {  	[smem:$0x3FB6] =	sst s10  }
0x38: {  	s10 =	sld [smem:$0x3FB7]  }
0x39: {  	_ = 	snop;
	(pc) =	sbr.ind lr, $3  }
0x3a: {  	_ = 	snop  }
0x3b: {  	_ = 	snop  }
0x3c: {  	p2 =	seq.s32 s10, $0x1;
	s10 =	sld [smem:$0x3FB6]  }
0x3d: {  	_ =	shalt  }
0x3e: {  	_ =	shalt  }
0x3f: {  	_ =	shalt  }
0x40: {  	_ =	shalt  }
0x41: {  	_ =	shalt  }
0x42: {  	_ =	shalt  }
0x43: {  	_ =	shalt  }
0x44: {  	_ =	shalt  }
0x45: {  	_ =	shalt  }
0x46: {  	_ =	shalt  }
0x47: {  	_ =	shalt  }
0x48: {  	_ =	shalt  }
0x49: {  	_ =	shalt  }
0x4a: {  	_ =	shalt  }
0x4b: {  	_ =	shalt  }
0x4c: {  	_ =	shalt  }
0x4d: {  	_ =	shalt  }
0x4e: {  	_ =	shalt  }
0x4f: {  	_ =	shalt  }
0x50: {  	_ =	shalt  }
0x51: {  	_ =	shalt  }
0x52: {  	_ =	shalt  }
0x53: {  	_ =	shalt  }
0x54: {  	_ =	shalt  }
0x55: {  	_ =	shalt  }
0x56: {  	_ =	shalt  }
0x57: {  	_ =	shalt  }
0x58: {  	_ =	shalt  }
0x59: {  	_ =	shalt  }
0x5a: {  	_ =	shalt  }
0x5b: {  	_ =	shalt  }
0x5c: {  	_ =	shalt  }
0x5d: {  	_ =	shalt  }
0x5e: {  	_ =	shalt  }
0x5f: {  	_ =	shalt  }
0x60: {  	_ =	shalt  }
0x61: {  	_ =	shalt  }
0x62: {  	_ =	shalt  }
0x63: {  	_ =	shalt  }
0x64: {  	_ =	shalt  }
0x65: {  	_ =	shalt  }
0x66: {  	_ =	shalt  }
0x67: {  	_ =	shalt  }
0x68: {  	_ =	shalt  }
0x69: {  	_ =	shalt  }
0x6a: {  	_ =	shalt  }
0x6b: {  	_ =	shalt  }
0x6c: {  	_ =	shalt  }
0x6d: {  	_ =	shalt  }
0x6e: {  	_ =	shalt  }
0x6f: {  	_ =	shalt  }
0x70: {  	_ =	shalt  }
0x71: {  	_ =	shalt  }
0x72: {  	_ =	shalt  }
0x73: {  	_ =	shalt  }
0x74: {  	_ =	shalt  }
0x75: {  	_ =	shalt  }
0x76: {  	_ =	shalt  }
0x77: {  	_ =	shalt  }
0x78: {  	_ =	shalt  }
0x79: {  	_ =	shalt  }
0x7a: {  	_ =	shalt  }
0x7b: {  	_ =	shalt  }
0x7c: {  	_ =	shalt  }
0x7d: {  	_ =	shalt  }
0x7e: {  	_ =	shalt  }
0x7f: {  	_ =	shalt  }
0x80: {  	_ =	shalt  }
0x81: {  	_ =	shalt  }
0x82: {  	_ =	shalt  }
0x83: {  	_ =	shalt  }
0x84: {  	_ =	shalt  }
0x85: {  	_ =	shalt  }
0x86: {  	_ =	shalt  }
0x87: {  	_ =	shalt  }
.Lfunc_end0:
.L_simem_size_0:
called_computation_lowered:
.L_overlay_start_0:
0x88: {  	s2 =	sld [smem:$0x3FD9]  }
0x89: {  	s3 =	sld [smem:$0x3FFE];
	_ =	sdelay $0x1  }
0x8a: {  	s1 =	srdreg.scid  }
0x8b: {  	s0 =	sand.u32 $0x1, s1  }
0x8c: {  	s17 =	sshll.u32 s0, $0xA;
	s2 =	sadd.s32 s3, s2  }
0x8d: {  	s2 =	sadd.s32 s2, s17  }
0x8e: {  	[smem:$0x3FC2] =	sst s2  }
0x8f: {  	_ = 	snop  }
0x90: {  	s2 =	sld [smem:$0x3FD0];
	(tm) =	ssettm $0x1  }
0x91: {  	s18 =	sld [smem:$0x3FFB];
	_ =	sdelay $0x3  }
0x92: {  	_ =	strace s18  }
0x93: {  	s3 =	sld [smem:$0x3FFC];
	_ =	sdelay $0x3  }
0x94: {  	_ =	strace s3  }
0x95: {  	s3 =	sld [smem:$0x3FFD];
	_ =	sdelay $0x3  }
0x96: {  	_ =	strace s3  }
0x97: {  	_ =	strace $0x8FFFFFFF  }
0x98: {  	s19 =	sld [smem:$0x3FDB];
	_ =	sdelay $0x1  }
0x99: {  	s4 =	simm.s32 $_scs_section_size  }
0x9a: {  	s5 =	simm.s32 $_size__tile_overlayer_lowered;
	s6 =	simm.s32 $_tile_overlayer_lowered  }
0x9b: {  	s22 =	simm.s32 $0x1BFF;
	s21 =	sshll.u32 s6, $0x1;
	s3 =	sadd.s32 s4, s19  }
0x9c: {  	s7 =	simm.s32 $0x0;
	s20 =	sshll.u32 s5, $0x1;
	s5 =	sadd.s32 s21, s3  }
0x9d: {  	[timem:s7], [sflag:s22] =	dma.local [hbm:s5], s20  }
0x9e: {  	_ =	swait.ge [sflag:s22], s20  }
0x9f: {  	s4 =	ssub.s32 $0x0, s20;
	[sflag:s22] =	ssyncset.done $0x0  }
0xa0: {  	[sflag:s22] =	ssyncadd.s32 s4;
	_ =	sdelay $0x1  }
0xa1: {  	s23 =	simm.s32 $0x1B8B  }
0xa2: {  	_ =	swait.ge [sflag:s23], $0x1  }
0xa3: {  	[sflag:s23] =	ssyncset.done $0x0  }
0xa4: {  	s25 =	simm.s32 $0x1B8E;
	s24 =	sld [smem:$0x3FFE];
	[sflag:s23] =	ssyncadd.s32 $0xFFFFFFFF  }
0xa5: {  	s26 =	simm.s32 $execute0_lowered;
	[smem:$0x3FD2] =	sst s25  }
0xa6: {  	s5 =	sshll.u32 s26, $0x1;
	_ =	strace $0x80000046;
	[dreg:$0x1] =	wrdreg $0xFFFFFFFF  }
0xa7: {  	s28 =	simm.s32 $_size_execute0_lowered;
	s3 =	sadd.s32 s3, s5;
	[dreg:$0x0] =	wrdreg $0x0  }
0xa8: {  	s5 =	sshll.u32 s28, $0x1;
	[dreg:$0x2] =	wrdreg s3  }
0xa9: {  	[dreg:$0x3] =	wrdreg s5  }
0xaa: {  	[dreg:$0x4] =	wrdreg $0xC0  }
0xab: {  	_ =	task [dreg:s7], $0x5FFFF  }
0xac: {  	[dreg:$0x1] =	wrdreg $0xFFFFFFFF  }
0xad: {  	[dreg:$0x0] =	wrdreg $0x60  }
0xae: {  	[dreg:$0x2] =	wrdreg s24  }
0xaf: {  	[dreg:$0x3] =	wrdreg s2  }
0xb0: {  	[dreg:$0x4] =	wrdreg $0x54100  }
0xb1: {  	[dreg:$0x5] =	wrdreg $0x9  }
0xb2: {  	_ =	task.clear_ibuf [dreg:s7], $0x6FFFF;
	_ =	strace $0x90000046  }
0xb3: {  	s29 =	simm.s32 $0x9;
	_ =	strace $0x80000048  }
0xb4: {  	_ =	swait.ge [sflag:s29], $0x1  }
0xb5: {  	[sflag:s29] =	ssyncadd.s32 $0xFFFFFFFF  }
0xb6: {  	_ =	strace $0x90000048  }
0xb7: {  	_ =	sfence  }
0xb8: {  	s30 =	sld [smem:$0x0];
	_ =	sdelay $0x2  }
0xb9: {  	s31 =	sshll.u32 s1, $0xD;
	s1 =	sshrl.u32 s1, $0x2  }
0xba: {  	s3 =	sand.u32 $0x4000, s31;
	s1 =	sadd.s32 s1, s30  }
0xbb: {  	s0 =	sor.u32 s3, s0;
	s1 =	sshll.u32 s1, $0x11  }
0xbc: {  	s0 =	sor.u32 s1, s0  }
0xbd: {  	s0 =	sadd.s32 $0x8F2B, s0  }
0xbe: {  	[sflag:s0] =	ssyncadd.remote.s32 $0x1  }
0xbf: {  	_ =	sfence.sel $0xFFFF  }
0xc0: {  	[dreg:$0x0] =	wrdreg $0xFFFFFFFF;
	(pc) =	sbr.abs _section_cstart, $3  }
0xc1: {  	[dreg:$0x1] =	wrdreg $0xFFFFFFFF  }
0xc2: {  	_ =	task.clear_ibuf [dreg:s7], $0x2FFFF;
	_ =	strace $0x9FFFFFFF  }
0xc3: {  	(tm) =	ssettm $0x7FFFFFFF  }
tec
execute0_lowered:
.L_overlay_start_1:
0x0: {  	(tag) =	ssettag $0x1  }
0x1: {  	s3 =	rddreg [dreg:$0x0];
	s1 =	srdreg.scid  }
0x2: {  	s0 =	stileid.u32;
	s6 =	rddreg [dreg:$0x1]  }
0x3: {  	s5 =	rddreg [dreg:$0x2];
	s2 =	simm.s32 $0x0;
	s12 =	simm.s32 $0x0  }
0x4: {  	s4 =	sand.u32 $0x1, s1;
	s1 =	rddreg [dreg:$0x3];
	s8 =	smul.u32 $0x280, s0  }
0x5: {  	s29 =	sshll.u32 s0, $0x1;
	[smem:$0x7FF] =	sst s2;
	s11 =	smul.u32 $0xA000, s0  }
0x6: {  	s7 =	sor.u32 s4, s29;
	s9 =	ssub.s32 $0x2, s4;
	s4 =	smul.u32 $0x2800, s4  }
0x7: {  	_ =	strace $0x80000047;
	s7 =	smul.u32 $0x2710, s7;
	s10 =	sshrl.u32 s9, $0x1  }
0x8: {  	s30 =	sshrl.u32 s11, $0x2;
	s11 =	simm.s32 $0x5190;
	s9 =	ssub.s32 s9, s10  }
0x9: {  	s4 =	sadd.s32 s8, s4;
	s10 =	simm.s32 $0x4F10;
	s7 =	sshrl.u32 s7, $0x3  }
0xa: {  	s31 =	sshrl.u32 s4, $0x3;
	s4 =	sadd.s32 s30, s5;
	s5 =	sadd.s32 s8, s5  }
0xb: {  	s8 =	simm.s32 $0x2800;
	s3 =	sadd.s32 s3, s7;
	s6 =	sadd.s32 s6, s31  }
0xc: {  	v0 =	vimm.f32 $0.0e+00;
	v1 =	vimm.f32 $1.000000000e+00;
	s7 =	smax.u32 s9, $0x1;
	s9 =	simm.s32 $0x1;
	s3 =	sadd.s32 $0xB840, s3  }
.LBB2_1:
0xd: {  	[tilespmem:s8], [sflag:$0x1] =	stream.linear.gather [hbm4b:s3+s2], $0x2710, $0x38;
	[tilespmem:$0x7C10] =	vst v63  }
0xe: {  	_ =	swait.ge [sflag:s9], $0x2710  }
0xf: {  	[sflag:s9] =	ssyncset.done $0x0  }
0x10: {  	s13 =	simm.s32 $0x0;
	[sflag:s9] =	ssyncadd.s32 $0xFFFFD8F0  }
.LBB2_2:
0x11: {  	p0 =	sne.s32 s13, $0x9FC0  }
.Ltmp0:
0x12: {  	_ = 	snop;
	(pc) =	sbr.rel @p0 .LBB2_2-.Ltmp0, $3  }
0x13: {  	_ =	sdelay $0x1  }
0x14: {  	s14 =	sshra.s32 s13, $0x2  }
0x15: {  	s13 =	sadd.s32 $0x40, s13;
	[tilespmem:s14+$0x0] =	vst v0  }
0x16: {  	s13 =	simm.s32 $0x0  }
.LBB2_4:
0x17: {  	s14 =	sshra.s32 s13, $0x2  }
0x18: {  	v2 =	vld [tilespmem:s14+$0x2800];
	_ =	sdelay $0x7  }
0x19: {  	[tilespmem:v2+s2+$0x0] =	vst.idx.add.f32.msk $0xffff, v1  }
0x1a: {  	v2 =	vld [tilespmem:s14+$0x2810];
	_ =	sdelay $0x7  }
0x1b: {  	[tilespmem:v2+s2+$0x0] =	vst.idx.add.f32.msk $0xffff, v1  }
0x1c: {  	v2 =	vld [tilespmem:s14+$0x2820];
	_ =	sdelay $0x7  }
0x1d: {  	[tilespmem:v2+s2+$0x0] =	vst.idx.add.f32.msk $0xffff, v1  }
0x1e: {  	v2 =	vld [tilespmem:s14+$0x2830];
	_ =	sdelay $0x7  }
0x1f: {  	[tilespmem:v2+s2+$0x0] =	vst.idx.add.f32.msk $0xffff, v1  }
0x20: {  	v2 =	vld [tilespmem:s14+$0x2840];
	_ =	sdelay $0x7  }
0x21: {  	[tilespmem:v2+s2+$0x0] =	vst.idx.add.f32.msk $0xffff, v1  }
0x22: {  	v2 =	vld [tilespmem:s14+$0x2850];
	_ =	sdelay $0x7  }
0x23: {  	[tilespmem:v2+s2+$0x0] =	vst.idx.add.f32.msk $0xffff, v1  }
0x24: {  	v2 =	vld [tilespmem:s14+$0x2860];
	_ =	sdelay $0x7  }
0x25: {  	[tilespmem:v2+s2+$0x0] =	vst.idx.add.f32.msk $0xffff, v1  }
0x26: {  	v2 =	vld [tilespmem:s14+$0x2870];
	_ =	sdelay $0x2  }
0x27: {  	p0 =	sne.s32 s13, $0x9A00  }
.Ltmp1:
0x28: {  	_ = 	snop;
	(pc) =	sbr.rel @p0 .LBB2_4-.Ltmp1, $2  }
0x29: {  	_ =	sdelay $0x2  }
0x2a: {  	s13 =	sadd.s32 $0x200, s13;
	[tilespmem:v2+s2+$0x0] =	vst.idx.add.f32.msk $0xffff, v1  }
0x2b: {  	v2 =	vld [tilespmem:$0x4F00];
	_ =	sdelay $0x6  }
0x2c: {  	s13 =	simm.s32 $0x0  }
0x2d: {  	[tilespmem:v2+s13+$0x0] =	vst.idx.add.f32.msk $0xffff, v1  }
0x2e: {  	[spmem:s4] =	stream.linear.scatter [tilespmem:s13], [sflag:$0x1], $0x2800, $0x38;
	[tilespmem:$0x7C10] =	vst v63  }
0x2f: {  	_ =	swait.ge [sflag:s9], $0x2800  }
0x30: {  	[sflag:s9] =	ssyncset.done $0x0  }
0x31: {  	[sflag:s9] =	ssyncadd.s32 $0xFFFFD800  }
0x32: {  	[tilespmem:$0x5190] =	vst v0  }
0x33: {  	[tilespmem:$0x51A0] =	vst v0  }
0x34: {  	[tilespmem:$0x51B0] =	vst v0  }
0x35: {  	[tilespmem:$0x51C0] =	vst v0  }
0x36: {  	[tilespmem:$0x51D0] =	vst v0  }
0x37: {  	[tilespmem:$0x51E0] =	vst v0  }
0x38: {  	[tilespmem:$0x51F0] =	vst v0  }
0x39: {  	[tilespmem:$0x5200] =	vst v0  }
0x3a: {  	[tilespmem:$0x5210] =	vst v0  }
0x3b: {  	[tilespmem:$0x5220] =	vst v0  }
0x3c: {  	[tilespmem:$0x5230] =	vst v0  }
0x3d: {  	[tilespmem:$0x5240] =	vst v0  }
0x3e: {  	[tilespmem:$0x5250] =	vst v0  }
0x3f: {  	[tilespmem:$0x5260] =	vst v0  }
0x40: {  	[tilespmem:$0x5270] =	vst v0  }
0x41: {  	[tilespmem:$0x5280] =	vst v0  }
0x42: {  	[tilespmem:$0x5290] =	vst v0  }
0x43: {  	[tilespmem:$0x52A0] =	vst v0  }
0x44: {  	[tilespmem:$0x52B0] =	vst v0  }
0x45: {  	[tilespmem:$0x52C0] =	vst v0  }
0x46: {  	[tilespmem:$0x52D0] =	vst v0  }
0x47: {  	[tilespmem:$0x52E0] =	vst v0  }
0x48: {  	[tilespmem:$0x52F0] =	vst v0  }
0x49: {  	[tilespmem:$0x5300] =	vst v0  }
0x4a: {  	[tilespmem:$0x5310] =	vst v0  }
0x4b: {  	[tilespmem:$0x5320] =	vst v0  }
0x4c: {  	[tilespmem:$0x5330] =	vst v0  }
0x4d: {  	[tilespmem:$0x5340] =	vst v0  }
0x4e: {  	[tilespmem:$0x5350] =	vst v0  }
0x4f: {  	[tilespmem:$0x5360] =	vst v0  }
0x50: {  	[tilespmem:$0x5370] =	vst v0  }
0x51: {  	[tilespmem:$0x5380] =	vst v0  }
0x52: {  	[tilespmem:$0x5390] =	vst v0  }
0x53: {  	[tilespmem:$0x53A0] =	vst v0  }
0x54: {  	[tilespmem:$0x53B0] =	vst v0  }
0x55: {  	[tilespmem:$0x53C0] =	vst v0  }
0x56: {  	[tilespmem:$0x53D0] =	vst v0  }
0x57: {  	[tilespmem:$0x53E0] =	vst v0  }
0x58: {  	[tilespmem:$0x53F0] =	vst v0  }
0x59: {  	[tilespmem:$0x5400] =	vst v0  }
0x5a: {  	[bflag:$0x0] =	sbarrier.arrive $0xFFFF  }
.LBB2_6:
0x5b: {  	s14 =	sshra.s32 s13, $0x2  }
0x5c: {  	s14 =	sadd.s32 s14, s5  }
0x5d: {  	[tilespmem:s10], [sflag:$0x1] =	stream.linear.gather [spmem:s14], $0x280, $0x38;
	[tilespmem:$0x7C10] =	vst v63  }
0x5e: {  	_ =	swait.ge [sflag:s9], $0x280  }
0x5f: {  	[sflag:s9] =	ssyncset.done $0x0  }
0x60: {  	[sflag:s9] =	ssyncadd.s32 $0xFFFFFD80  }
0x61: {  	v2 =	vld [tilespmem:$0x5190]  }
0x62: {  	v3 =	vld [tilespmem:$0x4F10]  }
0x63: {  	v4 =	vld [tilespmem:$0x51A0]  }
0x64: {  	v5 =	vld [tilespmem:$0x4F20]  }
0x65: {  	v6 =	vld [tilespmem:$0x51B0]  }
0x66: {  	v7 =	vld [tilespmem:$0x4F30]  }
0x67: {  	v8 =	vld [tilespmem:$0x51C0]  }
0x68: {  	v9 =	vld [tilespmem:$0x4F40]  }
0x69: {  	v10 =	vld [tilespmem:$0x51D0]  }
0x6a: {  	v11 =	vld [tilespmem:$0x4F50]  }
0x6b: {  	v12 =	vld [tilespmem:$0x51E0]  }
0x6c: {  	v13 =	vld [tilespmem:$0x4F60]  }
0x6d: {  	v14 =	vld [tilespmem:$0x51F0]  }
0x6e: {  	v15 =	vld [tilespmem:$0x4F70]  }
0x6f: {  	v16 =	vld [tilespmem:$0x5200]  }
0x70: {  	v17 =	vld [tilespmem:$0x4F80]  }
0x71: {  	v18 =	vld [tilespmem:$0x5210]  }
0x72: {  	v19 =	vld [tilespmem:$0x4F90]  }
0x73: {  	v20 =	vld [tilespmem:$0x5220]  }
0x74: {  	v21 =	vld [tilespmem:$0x4FA0]  }
0x75: {  	v22 =	vld [tilespmem:$0x5230]  }
0x76: {  	v23 =	vld [tilespmem:$0x4FB0]  }
0x77: {  	v24 =	vld [tilespmem:$0x5240]  }
0x78: {  	v25 =	vld [tilespmem:$0x4FC0]  }
0x79: {  	v26 =	vld [tilespmem:$0x5250]  }
0x7a: {  	v27 =	vld [tilespmem:$0x4FD0]  }
0x7b: {  	v28 =	vld [tilespmem:$0x5260]  }
0x7c: {  	v29 =	vld [tilespmem:$0x4FE0]  }
0x7d: {  	v30 =	vld [tilespmem:$0x5270]  }
0x7e: {  	v31 =	vld [tilespmem:$0x4FF0]  }
0x7f: {  	v32 =	vld [tilespmem:$0x5280]  }
0x80: {  	v33 =	vld [tilespmem:$0x5000]  }
0x81: {  	v34 =	vld [tilespmem:$0x5290]  }
0x82: {  	v35 =	vld [tilespmem:$0x5010]  }
0x83: {  	v36 =	vld [tilespmem:$0x52A0]  }
0x84: {  	v37 =	vld [tilespmem:$0x5020]  }
0x85: {  	v38 =	vld [tilespmem:$0x52B0]  }
0x86: {  	v39 =	vld [tilespmem:$0x5030]  }
0x87: {  	v40 =	vld [tilespmem:$0x52C0]  }
0x88: {  	v41 =	vld [tilespmem:$0x5040]  }
0x89: {  	v42 =	vld [tilespmem:$0x52D0]  }
0x8a: {  	v43 =	vld [tilespmem:$0x5050]  }
0x8b: {  	v44 =	vld [tilespmem:$0x52E0]  }
0x8c: {  	v45 =	vld [tilespmem:$0x5060]  }
0x8d: {  	v46 =	vld [tilespmem:$0x52F0]  }
0x8e: {  	v47 =	vld [tilespmem:$0x5300];
	v2 =	vadd.f32 v3, v2  }
0x8f: {  	v48 =	vld [tilespmem:$0x5080];
	v4 =	vadd.f32 v5, v4  }
0x90: {  	v50 =	vld [tilespmem:$0x5310];
	[tilespmem:$0x5190] =	vst v2;
	v2 =	vadd.f32 v7, v6  }
0x91: {  	v51 =	vld [tilespmem:$0x5090];
	v49 =	vadd.f32 v9, v8;
	[tilespmem:$0x51A0] =	vst v4  }
0x92: {  	v53 =	vld [tilespmem:$0x5320];
	[tilespmem:$0x51B0] =	vst v2;
	v2 =	vadd.f32 v11, v10  }
0x93: {  	v54 =	vld [tilespmem:$0x50A0];
	v52 =	vadd.f32 v13, v12;
	[tilespmem:$0x51C0] =	vst v49  }
0x94: {  	v56 =	vld [tilespmem:$0x5330];
	[tilespmem:$0x51D0] =	vst v2;
	v2 =	vadd.f32 v15, v14  }
0x95: {  	v57 =	vld [tilespmem:$0x50B0];
	v55 =	vadd.f32 v17, v16;
	[tilespmem:$0x51E0] =	vst v52  }
0x96: {  	v59 =	vld [tilespmem:$0x5340];
	[tilespmem:$0x51F0] =	vst v2;
	v2 =	vadd.f32 v19, v18  }
0x97: {  	v60 =	vld [tilespmem:$0x50C0];
	v58 =	vadd.f32 v21, v20;
	[tilespmem:$0x5200] =	vst v55  }
0x98: {  	v62 =	vld [tilespmem:$0x5350];
	[tilespmem:$0x5210] =	vst v2;
	v2 =	vadd.f32 v23, v22  }
0x99: {  	v63 =	vld [tilespmem:$0x50D0];
	v61 =	vadd.f32 v25, v24;
	[tilespmem:$0x5220] =	vst v58  }
0x9a: {  	v3 =	vld [tilespmem:$0x5070];
	[tilespmem:$0x5230] =	vst v2;
	v2 =	vadd.f32 v27, v26  }
0x9b: {  	v28 =	vadd.f32 v29, v28;
	v29 =	vld [tilespmem:$0x5360];
	[tilespmem:$0x5240] =	vst v61  }
0x9c: {  	v32 =	vadd.f32 v33, v32;
	v33 =	vld [tilespmem:$0x5370];
	[tilespmem:$0x5250] =	vst v2;
	v2 =	vadd.f32 v31, v30  }
0x9d: {  	v36 =	vadd.f32 v37, v36;
	v37 =	vld [tilespmem:$0x5380];
	[tilespmem:$0x5260] =	vst v28  }
0x9e: {  	v40 =	vadd.f32 v41, v40;
	v41 =	vld [tilespmem:$0x5390];
	[tilespmem:$0x5270] =	vst v2;
	v2 =	vadd.f32 v35, v34  }
0x9f: {  	v44 =	vadd.f32 v45, v44;
	v45 =	vld [tilespmem:$0x53A0];
	[tilespmem:$0x5280] =	vst v32  }
0xa0: {  	v47 =	vadd.f32 v48, v47;
	v48 =	vld [tilespmem:$0x53B0];
	[tilespmem:$0x5290] =	vst v2;
	v2 =	vadd.f32 v39, v38  }
0xa1: {  	[tilespmem:$0x52A0] =	vst v36;
	v49 =	vld [tilespmem:$0x5130]  }
0xa2: {  	v52 =	vld [tilespmem:$0x5140];
	[tilespmem:$0x52B0] =	vst v2;
	v2 =	vadd.f32 v43, v42  }
0xa3: {  	[tilespmem:$0x52C0] =	vst v40;
	v55 =	vld [tilespmem:$0x5150]  }
0xa4: {  	v58 =	vld [tilespmem:$0x5160];
	[tilespmem:$0x52D0] =	vst v2;
	v2 =	vadd.f32 v3, v46  }
0xa5: {  	[tilespmem:$0x52E0] =	vst v44;
	v39 =	vld [tilespmem:$0x5100]  }
0xa6: {  	v61 =	vld [tilespmem:$0x5170];
	[tilespmem:$0x52F0] =	vst v2;
	v2 =	vadd.f32 v51, v50  }
0xa7: {  	[tilespmem:$0x5300] =	vst v47;
	v31 =	vld [tilespmem:$0x50E0];
	v50 =	vadd.f32 v54, v53  }
0xa8: {  	v35 =	vld [tilespmem:$0x50F0];
	v53 =	vadd.f32 v60, v59;
	[tilespmem:$0x5310] =	vst v2  }
0xa9: {  	v3 =	vld [tilespmem:$0x5120];
	v2 =	vadd.f32 v57, v56;
	[tilespmem:$0x5320] =	vst v50  }
0xaa: {  	v43 =	vld [tilespmem:$0x5110];
	v59 =	vadd.f32 v39, v37;
	[tilespmem:$0x5340] =	vst v53  }
0xab: {  	v51 =	vld [tilespmem:$0x53C0];
	[tilespmem:$0x5330] =	vst v2;
	v2 =	vadd.f32 v63, v62  }
0xac: {  	v54 =	vld [tilespmem:$0x53D0];
	v56 =	vadd.f32 v31, v29;
	[tilespmem:$0x5380] =	vst v59  }
0xad: {  	v57 =	vld [tilespmem:$0x53E0];
	[tilespmem:$0x5350] =	vst v2;
	v2 =	vadd.f32 v35, v33  }
0xae: {  	v3 =	vadd.f32 v3, v45;
	[tilespmem:$0x5360] =	vst v56;
	v62 =	vld [tilespmem:$0x5400]  }
0xaf: {  	v63 =	vld [tilespmem:$0x5180];
	[tilespmem:$0x5370] =	vst v2;
	v2 =	vadd.f32 v43, v41  }
0xb0: {  	v60 =	vld [tilespmem:$0x53F0];
	[tilespmem:$0x53A0] =	vst v3;
	v3 =	vadd.f32 v52, v51  }
0xb1: {  	[tilespmem:$0x5390] =	vst v2;
	v2 =	vadd.f32 v49, v48  }
0xb2: {  	p0 =	sne.s32 s13, $0x96000;
	[tilespmem:$0x53C0] =	vst v3;
	v3 =	vadd.f32 v58, v57  }
.Ltmp2:
0xb3: {  	[tilespmem:$0x53B0] =	vst v2;
	v2 =	vadd.f32 v55, v54;
	(pc) =	sbr.rel @p0 .LBB2_6-.Ltmp2, $4  }
0xb4: {  	[tilespmem:$0x53E0] =	vst v3;
	v3 =	vadd.f32 v63, v62  }
0xb5: {  	[tilespmem:$0x53D0] =	vst v2;
	v2 =	vadd.f32 v61, v60  }
0xb6: {  	[tilespmem:$0x5400] =	vst v3  }
0xb7: {  	s13 =	sadd.s32 $0xA000, s13;
	[tilespmem:$0x53F0] =	vst v2  }
0xb8: {  	s12 =	sadd.s32 $0x1, s12  }
0xb9: {  	p0 =	sne.s32 s12, s7  }
.Ltmp3:
0xba: {  	_ = 	snop;
	(pc) =	sbr.rel @p0 .LBB2_1-.Ltmp3, $4  }
0xbb: {  	[hbm4b:s6+s2] =	stream.linear.scatter [tilespmem:s11], [sflag:$0x1], $0x280, $0x38;
	[tilespmem:$0x7C10] =	vst v63  }
0xbc: {  	_ =	swait.ge [sflag:s9], $0x280  }
0xbd: {  	[sflag:s9] =	ssyncset.done $0x0  }
0xbe: {  	[sflag:s9] =	ssyncadd.s32 $0xFFFFFD80  }
0xbf: {  	_ =	sfence.sel $0x180000  }
0xc0: {  	[bflag:$0x0] =	sbarrier.arrive $0xFFFF  }
0xc1: {  	p0 =	sne.s32 s0, $0x0;
	_ =	strace $0x90000047  }
0xc2: {  	s0 =	sadd.s32 @!p0 $0x100000, s1;
	[bflag:$0x2] =	sbarrier.arrive $0xFFFF  }
0xc3: {  	[sflag:s0] =	ssyncadd.tile.s32 @!p0 $0x1;
	_ =	shalt  }
.Lfunc_end2:
_tile_overlayer_lowered:
.L_overlay_start_2:
0xc4: {  	(tag) =	ssettag $0x2  }
0xc5: {  	s0 =	rddreg [dreg:$0x0];
	s2 =	stileid.u32  }
0xc6: {  	s1 =	rddreg [dreg:$0x1];
	p0 =	sne.s32 s2, $0x0  }
0xc7: {  	s3 =	rddreg [dreg:$0x2];
	[bflag:$0x3] =	sbarrier.arrive $0xFFFF;
	s2 =	simm.s32 @!p0 $0x1C01  }
0xc8: {  	[timem:s3], [sflag:s2] =	dma.local @!p0 [hbm:s0], s1  }
0xc9: {  	s0 =	simm.s32 @!p0 $0x1  }
0xca: {  	_ =	swait.ge @!p0 [sflag:s0], s1  }
0xcb: {  	s1 =	ssub.s32 @!p0 $0x0, s1;
	[sflag:s0] =	ssyncset.done @!p0 $0x0  }
0xcc: {  	[sflag:s0] =	ssyncadd.s32 @!p0 s1  }
0xcd: {  	[bflag:$0x3] =	sbarrier.arrive $0xFFFF  }
0xce: {  	_ =	shalt  }

</sc_bundles>
